<compile_context>
chip_gen: v7x
topology: tpu7x:2x2x1
jax: 0.10.2.dev20260603
libtpu: 0.0.44.dev20260713+nightly
codegen_flags: <defaults>
</compile_context>

<pallas_src>
import functools

import jax
import jax.numpy as jnp
import numpy as np
from jax import lax
from jax.experimental import pallas as pl
from jax.experimental.pallas import tpu as pltpu
from jax.experimental.pallas import tpu_sc as plsc

_NUM_INTERVENTIONS = 256
_CONCEPT_DIM = 1024
_ROWS = 16384

_IDX = np.array([
    2, 4, 5, 7, 16, 19, 29, 31, 34, 35, 37, 44, 45, 58, 61, 63, 65, 72, 78,
    82, 83, 85, 90, 99, 101, 102, 108, 110, 111, 112, 114, 117, 121, 123,
    129, 130, 139, 142, 144, 148, 152, 155, 156, 157, 163, 167, 174, 175,
    176, 177, 178, 179, 183, 188, 189, 197, 211, 212, 240, 251, 254, 257,
    259, 263, 268, 269, 272, 277, 278, 284, 291, 300, 302, 304, 305, 309,
    312, 315, 318, 323, 325, 336, 339, 350, 356, 363, 366, 367, 369, 379,
    388, 398, 409, 410, 415, 417, 429, 436, 441, 444, 446, 447, 448, 452,
    461, 462, 463, 480, 481, 487, 493, 495, 499, 501, 504, 507, 509, 514,
    516, 517, 518, 520, 524, 525, 532, 538, 540, 541, 542, 543, 544, 551,
    552, 553, 557, 562, 564, 565, 567, 569, 575, 577, 578, 580, 582, 584,
    585, 589, 590, 591, 598, 600, 602, 603, 605, 607, 617, 619, 638, 649,
    650, 654, 659, 670, 673, 675, 681, 690, 693, 694, 698, 703, 704, 706,
    707, 708, 709, 712, 714, 715, 730, 736, 739, 748, 750, 752, 753, 755,
    762, 765, 768, 769, 771, 774, 776, 777, 780, 787, 790, 792, 793, 799,
    803, 804, 808, 810, 816, 829, 836, 842, 846, 848, 854, 857, 859, 864,
    872, 874, 879, 883, 885, 893, 895, 901, 904, 910, 911, 914, 918, 921,
    928, 932, 934, 940, 942, 955, 957, 962, 966, 970, 973, 976, 981, 984,
    995, 996, 999, 1001, 1005, 1009, 1010, 1012, 1016, 1017, 1020, 1021,
], dtype=np.int32)
_LANES = 16
_NW = 32
_ROWS_PER_W = _ROWS // _NW
_CHUNK = 8
_NB = 8
_NCB = 4
_NCHUNK = _ROWS_PER_W // _CHUNK
_NGROUP = _CONCEPT_DIM // _LANES

_MASK1D = np.zeros((_CONCEPT_DIM,), dtype=np.float32)
_MASK1D[_IDX] = 1.0


def _sc_body(m_hbm, x_hbm, c_hbm, o_hbm, mask_v, cbuf, obuf,
             xsem, csem, osem):
    nc = 2
    wid = lax.axis_index("s") * nc + lax.axis_index("c")
    base = wid * _ROWS_PER_W
    pltpu.sync_copy(m_hbm, mask_v)

    def start_in(ch, oslot, cslot):
        row0 = base + ch * _CHUNK
        pltpu.make_async_copy(
            x_hbm.at[pl.ds(row0, _CHUNK)], obuf.at[oslot], xsem.at[oslot]
        ).start()
        pltpu.make_async_copy(
            c_hbm.at[pl.ds(row0, _CHUNK)], cbuf.at[cslot], csem.at[cslot]
        ).start()

    def wait_in(oslot, cslot):
        pltpu.make_async_copy(
            x_hbm.at[pl.ds(base, _CHUNK)], obuf.at[oslot], xsem.at[oslot]
        ).wait()
        pltpu.make_async_copy(
            c_hbm.at[pl.ds(base, _CHUNK)], cbuf.at[cslot], csem.at[cslot]
        ).wait()

    def start_out(ch, oslot):
        row0 = base + ch * _CHUNK
        pltpu.make_async_copy(
            obuf.at[oslot], o_hbm.at[pl.ds(row0, _CHUNK)], osem.at[oslot]
        ).start()

    def wait_out(oslot):
        pltpu.make_async_copy(
            obuf.at[oslot], o_hbm.at[pl.ds(base, _CHUNK)], osem.at[oslot]
        ).wait()

    def compute(oslot, cslot):
        def g_body(g, c2):
            col = pl.multiple_of(g * _LANES, _LANES)
            mg = mask_v[pl.ds(col, _LANES)] != 0.0
            for r in range(_CHUNK):
                xv = obuf[oslot, r, pl.ds(col, _LANES)]
                cv = cbuf[cslot, r, pl.ds(col, _LANES)]
                obuf[oslot, r, pl.ds(col, _LANES)] = jnp.where(mg, cv, xv)
            return c2

        lax.fori_loop(0, _NGROUP, g_body, 0)

    start_in(0, 0, 0)
    start_in(1, 1, 1)

    def ring_body(j, carry):
        for b in range(_NB):
            ch = j * _NB + b
            nxt = ch + 2
            ons = (b + 2) % _NB
            cns = (b + 2) % _NCB

            @pl.when(nxt < _NCHUNK)
            def _():
                @pl.when(nxt >= _NB)
                def _():
                    wait_out(ons)

                start_in(nxt, ons, cns)

            wait_in(b, b % _NCB)
            compute(b, b % _NCB)
            start_out(ch, b)
        return carry

    lax.fori_loop(0, _NCHUNK // _NB, ring_body, 0)
    for b in range(_NB):
        wait_out(b)


def _sc_kernel(x, concepts):
    mesh = plsc.VectorSubcoreMesh(core_axis_name="c", subcore_axis_name="s")
    k = functools.partial(
        pl.kernel,
        mesh=mesh,
        out_type=jax.ShapeDtypeStruct((_ROWS, _CONCEPT_DIM), jnp.float32),
        scratch_types=[
            pltpu.VMEM((_CONCEPT_DIM,), jnp.float32),
            pltpu.VMEM((_NCB, _CHUNK, _CONCEPT_DIM), jnp.float32),
            pltpu.VMEM((_NB, _CHUNK, _CONCEPT_DIM), jnp.float32),
            pltpu.SemaphoreType.DMA((_NB,)),
            pltpu.SemaphoreType.DMA((_NCB,)),
            pltpu.SemaphoreType.DMA((_NB,)),
        ],
    )(_sc_body)
    return k(jnp.asarray(_MASK1D), x, concepts)


def kernel(x, concepts):
    return _sc_kernel(x, concepts)

# --- scband reference (transcript-rebuilt; emitter-appended) ---
"""Pipeline reference for scband-intervention-38087769981446 (READ-ONLY COPY).

The authoritative reference and input builder live on the scoring server;
editing this copy changes nothing except your own understanding.
"""

import jax, jax.numpy as jnp
import numpy as np

NUM_INTERVENTIONS = 256
NEGATIVE = False


def setup_inputs(seed: int = 0) -> dict:
    key = jax.random.key(seed)
    k1, k2 = jax.random.split(key)
    x = jax.random.normal(k1, (16384, 1024), dtype=jnp.float32)
    concepts = jax.random.uniform(k2, (16384, 1024), dtype=jnp.float32)
    return {"x": x, "concepts": concepts}


def reference(x, concepts):
    # Faithful translation of Intervention.forward with which=None.
    if NEGATIVE:
        concepts = 1 - concepts
    concept_dim = concepts.shape[-1]
    # torch.randperm(concept_dim)[:num_interventions] -> deterministic jax permutation
    idx = jax.random.permutation(jax.random.key(42), concept_dim)[:NUM_INTERVENTIONS]
    # x[..., idx] = concepts[..., idx]  (scatter-overwrite along last dim)
    out = x.at[..., idx].set(concepts[..., idx])
    return out

if __name__ == "__main__":
    import jax
    _d = setup_inputs()
    print(jax.jit(kernel)(*tuple(_d.values())))

</pallas_src>

<mosaic_0001>
#map = affine_map<(d0, d1) -> (0)>
#map1 = affine_map<(d0, d1) -> (0, 0)>
module attributes {stable_mosaic.version = 14 : i64} {
  func.func @_sc_body(%arg0: i32, %arg1: i32, %arg2: memref<1024xf32, #tpu.memory_space<hbm>>, %arg3: memref<16384x1024xf32, #tpu.memory_space<hbm>>, %arg4: memref<16384x1024xf32, #tpu.memory_space<hbm>>, %arg5: memref<16384x1024xf32, #tpu.memory_space<hbm>>, %arg6: memref<1024xf32, #tpu.memory_space<vmem>>, %arg7: memref<4x8x1024xf32, #tpu.memory_space<vmem>>, %arg8: memref<8x8x1024xf32, #tpu.memory_space<vmem>>, %arg9: memref<8x!tpu.dma_semaphore, #tpu.memory_space<semaphore_mem>>, %arg10: memref<4x!tpu.dma_semaphore, #tpu.memory_space<semaphore_mem>>, %arg11: memref<8x!tpu.dma_semaphore, #tpu.memory_space<semaphore_mem>>) attributes {dimension_semantics = [#tpu.dimension_semantics<core_parallel>, #tpu.dimension_semantics<subcore_parallel>], iteration_bounds = array<i64: 2, 16>, scalar_prefetch = 0 : i64, scratch_operands = 6 : i64, tpu.core_type = #tpu.core_type<sc_vector_subcore>, window_params = [{transform_indices = #map}, {transform_indices = #map1}, {transform_indices = #map1}, {transform_indices = #map1}]} {
    %mul3A = arith.constant 2 : i32
    %mul3A_0 = arith.muli %arg1, %mul3A : i32
    %add3A = arith.addi %mul3A_0, %arg0 : i32
    %mul3A_1 = arith.constant 512 : i32
    %mul3A_2 = arith.muli %add3A, %mul3A_1 : i32
    "tpu.region"() ({
      %run_scoped3A = tpu.sem_alloc : memref<!tpu.dma_semaphore, #tpu.memory_space<semaphore_mem>>
      tpu.enqueue_dma source(%arg2 : memref<1024xf32, #tpu.memory_space<hbm>>) target(%arg6 : memref<1024xf32, #tpu.memory_space<vmem>>) target_semaphore(%run_scoped3A : memref<!tpu.dma_semaphore, #tpu.memory_space<semaphore_mem>>)
      tpu.wait_dma2 semaphore(%run_scoped3A : memref<!tpu.dma_semaphore, #tpu.memory_space<semaphore_mem>>) src(%arg2 : memref<1024xf32, #tpu.memory_space<hbm>>) dst(%arg6 : memref<1024xf32, #tpu.memory_space<vmem>>)
      tpu.yield
    }) : () -> ()
    %add3A_3 = arith.constant 0 : i32
    %add3A_4 = arith.addi %mul3A_2, %add3A_3 : i32
    %dma_start3A = arith.constant 0 : i32
    %dma_start3A_5 = arith.constant 0 : i32
    %dma_start3A_6 = arith.constant 0 : i32
    %dma_start3A_7 = arith.constant 0 : i32
    %dma_start3A_8 = tpu.memref_slice %arg8[%dma_start3A, %dma_start3A_6, %dma_start3A_7] : memref<8x8x1024xf32, #tpu.memory_space<vmem>> -> memref<1x8x1024xf32, #tpu.memory_space<vmem>>
    %dma_start3A_9 = tpu.memref_squeeze %dma_start3A_8 : memref<1x8x1024xf32, #tpu.memory_space<vmem>> -> memref<8x1024xf32, #tpu.memory_space<vmem>>
    %dma_start3A_10 = arith.constant 0 : i32
    %dma_start3A_11 = tpu.memref_slice %arg3[%add3A_4, %dma_start3A_10] : memref<16384x1024xf32, #tpu.memory_space<hbm>> -> memref<8x1024xf32, #tpu.memory_space<hbm>>
    %dma_start3A_12 = tpu.memref_slice %arg9[%dma_start3A_5] : memref<8x!tpu.dma_semaphore, #tpu.memory_space<semaphore_mem>> -> memref<1x!tpu.dma_semaphore, #tpu.memory_space<semaphore_mem>>
    %dma_start3A_13 = tpu.memref_squeeze %dma_start3A_12 : memref<1x!tpu.dma_semaphore, #tpu.memory_space<semaphore_mem>> -> memref<!tpu.dma_semaphore, #tpu.memory_space<semaphore_mem>>
    %dma_start3A_14 = arith.constant 0 : i32
    %dma_start3A_15 = arith.constant 0 : i32
    %dma_start3A_16 = tpu.memref_slice %arg8[%dma_start3A, %dma_start3A_14, %dma_start3A_15] : memref<8x8x1024xf32, #tpu.memory_space<vmem>> -> memref<1x8x1024xf32, #tpu.memory_space<vmem>>
    %dma_start3A_17 = tpu.memref_squeeze %dma_start3A_16 : memref<1x8x1024xf32, #tpu.memory_space<vmem>> -> memref<8x1024xf32, #tpu.memory_space<vmem>>
    %dma_start3A_18 = arith.constant 0 : i32
    %dma_start3A_19 = tpu.memref_slice %arg3[%add3A_4, %dma_start3A_18] : memref<16384x1024xf32, #tpu.memory_space<hbm>> -> memref<8x1024xf32, #tpu.memory_space<hbm>>
    tpu.enqueue_dma source(%dma_start3A_19 : memref<8x1024xf32, #tpu.memory_space<hbm>>) target(%dma_start3A_17 : memref<8x1024xf32, #tpu.memory_space<vmem>>) target_semaphore(%dma_start3A_13 : memref<!tpu.dma_semaphore, #tpu.memory_space<semaphore_mem>>)
    %dma_start3A_20 = arith.constant 0 : i32
    %dma_start3A_21 = arith.constant 0 : i32
    %dma_start3A_22 = arith.constant 0 : i32
    %dma_start3A_23 = arith.constant 0 : i32
    %dma_start3A_24 = tpu.memref_slice %arg7[%dma_start3A_20, %dma_start3A_22, %dma_start3A_23] : memref<4x8x1024xf32, #tpu.memory_space<vmem>> -> memref<1x8x1024xf32, #tpu.memory_space<vmem>>
    %dma_start3A_25 = tpu.memref_squeeze %dma_start3A_24 : memref<1x8x1024xf32, #tpu.memory_space<vmem>> -> memref<8x1024xf32, #tpu.memory_space<vmem>>
    %dma_start3A_26 = arith.constant 0 : i32
    %dma_start3A_27 = tpu.memref_slice %arg4[%add3A_4, %dma_start3A_26] : memref<16384x1024xf32, #tpu.memory_space<hbm>> -> memref<8x1024xf32, #tpu.memory_space<hbm>>
    %dma_start3A_28 = tpu.memref_slice %arg10[%dma_start3A_21] : memref<4x!tpu.dma_semaphore, #tpu.memory_space<semaphore_mem>> -> memref<1x!tpu.dma_semaphore, #tpu.memory_space<semaphore_mem>>
    %dma_start3A_29 = tpu.memref_squeeze %dma_start3A_28 : memref<1x!tpu.dma_semaphore, #tpu.memory_space<semaphore_mem>> -> memref<!tpu.dma_semaphore, #tpu.memory_space<semaphore_mem>>
    %dma_start3A_30 = arith.constant 0 : i32
    %dma_start3A_31 = arith.constant 0 : i32
    %dma_start3A_32 = tpu.memref_slice %arg7[%dma_start3A_20, %dma_start3A_30, %dma_start3A_31] : memref<4x8x1024xf32, #tpu.memory_space<vmem>> -> memref<1x8x1024xf32, #tpu.memory_space<vmem>>
    %dma_start3A_33 = tpu.memref_squeeze %dma_start3A_32 : memref<1x8x1024xf32, #tpu.memory_space<vmem>> -> memref<8x1024xf32, #tpu.memory_space<vmem>>
    %dma_start3A_34 = arith.constant 0 : i32
    %dma_start3A_35 = tpu.memref_slice %arg4[%add3A_4, %dma_start3A_34] : memref<16384x1024xf32, #tpu.memory_space<hbm>> -> memref<8x1024xf32, #tpu.memory_space<hbm>>
    tpu.enqueue_dma source(%dma_start3A_35 : memref<8x1024xf32, #tpu.memory_space<hbm>>) target(%dma_start3A_33 : memref<8x1024xf32, #tpu.memory_space<vmem>>) target_semaphore(%dma_start3A_29 : memref<!tpu.dma_semaphore, #tpu.memory_space<semaphore_mem>>)
    %add3A_36 = arith.constant 8 : i32
    %add3A_37 = arith.addi %mul3A_2, %add3A_36 : i32
    %dma_start3A_38 = arith.constant 1 : i32
    %dma_start3A_39 = arith.constant 1 : i32
    %dma_start3A_40 = arith.constant 0 : i32
    %dma_start3A_41 = arith.constant 0 : i32
    %dma_start3A_42 = tpu.memref_slice %arg8[%dma_start3A_38, %dma_start3A_40, %dma_start3A_41] : memref<8x8x1024xf32, #tpu.memory_space<vmem>> -> memref<1x8x1024xf32, #tpu.memory_space<vmem>>
    %dma_start3A_43 = tpu.memref_squeeze %dma_start3A_42 : memref<1x8x1024xf32, #tpu.memory_space<vmem>> -> memref<8x1024xf32, #tpu.memory_space<vmem>>
    %dma_start3A_44 = arith.constant 0 : i32
    %dma_start3A_45 = tpu.memref_slice %arg3[%add3A_37, %dma_start3A_44] : memref<16384x1024xf32, #tpu.memory_space<hbm>> -> memref<8x1024xf32, #tpu.memory_space<hbm>>
    %dma_start3A_46 = tpu.memref_slice %arg9[%dma_start3A_39] : memref<8x!tpu.dma_semaphore, #tpu.memory_space<semaphore_mem>> -> memref<1x!tpu.dma_semaphore, #tpu.memory_space<semaphore_mem>>
    %dma_start3A_47 = tpu.memref_squeeze %dma_start3A_46 : memref<1x!tpu.dma_semaphore, #tpu.memory_space<semaphore_mem>> -> memref<!tpu.dma_semaphore, #tpu.memory_space<semaphore_mem>>
    %dma_start3A_48 = arith.constant 0 : i32
    %dma_start3A_49 = arith.constant 0 : i32
    %dma_start3A_50 = tpu.memref_slice %arg8[%dma_start3A_38, %dma_start3A_48, %dma_start3A_49] : memref<8x8x1024xf32, #tpu.memory_space<vmem>> -> memref<1x8x1024xf32, #tpu.memory_space<vmem>>
    %dma_start3A_51 = tpu.memref_squeeze %dma_start3A_50 : memref<1x8x1024xf32, #tpu.memory_space<vmem>> -> memref<8x1024xf32, #tpu.memory_space<vmem>>
    %dma_start3A_52 = arith.constant 0 : i32
    %dma_start3A_53 = tpu.memref_slice %arg3[%add3A_37, %dma_start3A_52] : memref<16384x1024xf32, #tpu.memory_space<hbm>> -> memref<8x1024xf32, #tpu.memory_space<hbm>>
    tpu.enqueue_dma source(%dma_start3A_53 : memref<8x1024xf32, #tpu.memory_space<hbm>>) target(%dma_start3A_51 : memref<8x1024xf32, #tpu.memory_space<vmem>>) target_semaphore(%dma_start3A_47 : memref<!tpu.dma_semaphore, #tpu.memory_space<semaphore_mem>>)
    %dma_start3A_54 = arith.constant 1 : i32
    %dma_start3A_55 = arith.constant 1 : i32
    %dma_start3A_56 = arith.constant 0 : i32
    %dma_start3A_57 = arith.constant 0 : i32
    %dma_start3A_58 = tpu.memref_slice %arg7[%dma_start3A_54, %dma_start3A_56, %dma_start3A_57] : memref<4x8x1024xf32, #tpu.memory_space<vmem>> -> memref<1x8x1024xf32, #tpu.memory_space<vmem>>
    %dma_start3A_59 = tpu.memref_squeeze %dma_start3A_58 : memref<1x8x1024xf32, #tpu.memory_space<vmem>> -> memref<8x1024xf32, #tpu.memory_space<vmem>>
    %dma_start3A_60 = arith.constant 0 : i32
    %dma_start3A_61 = tpu.memref_slice %arg4[%add3A_37, %dma_start3A_60] : memref<16384x1024xf32, #tpu.memory_space<hbm>> -> memref<8x1024xf32, #tpu.memory_space<hbm>>
    %dma_start3A_62 = tpu.memref_slice %arg10[%dma_start3A_55] : memref<4x!tpu.dma_semaphore, #tpu.memory_space<semaphore_mem>> -> memref<1x!tpu.dma_semaphore, #tpu.memory_space<semaphore_mem>>
    %dma_start3A_63 = tpu.memref_squeeze %dma_start3A_62 : memref<1x!tpu.dma_semaphore, #tpu.memory_space<semaphore_mem>> -> memref<!tpu.dma_semaphore, #tpu.memory_space<semaphore_mem>>
    %dma_start3A_64 = arith.constant 0 : i32
    %dma_start3A_65 = arith.constant 0 : i32
    %dma_start3A_66 = tpu.memref_slice %arg7[%dma_start3A_54, %dma_start3A_64, %dma_start3A_65] : memref<4x8x1024xf32, #tpu.memory_space<vmem>> -> memref<1x8x1024xf32, #tpu.memory_space<vmem>>
    %dma_start3A_67 = tpu.memref_squeeze %dma_start3A_66 : memref<1x8x1024xf32, #tpu.memory_space<vmem>> -> memref<8x1024xf32, #tpu.memory_space<vmem>>
    %dma_start3A_68 = arith.constant 0 : i32
    %dma_start3A_69 = tpu.memref_slice %arg4[%add3A_37, %dma_start3A_68] : memref<16384x1024xf32, #tpu.memory_space<hbm>> -> memref<8x1024xf32, #tpu.memory_space<hbm>>
    tpu.enqueue_dma source(%dma_start3A_69 : memref<8x1024xf32, #tpu.memory_space<hbm>>) target(%dma_start3A_67 : memref<8x1024xf32, #tpu.memory_space<vmem>>) target_semaphore(%dma_start3A_63 : memref<!tpu.dma_semaphore, #tpu.memory_space<semaphore_mem>>)
    %scan3A = arith.constant 0 : i32
    %scan3A_70 = arith.constant 0 : i32
    %scan3A_71 = arith.constant 8 : i32
    %scan3A_72 = arith.addi %scan3A_70, %scan3A_71 : i32
    %scan3A_73 = arith.constant 1 : i32
    scf.for %scan3A_202 = %scan3A_70 to %scan3A_72 step %scan3A_73  : i32 {
      %mul3A_203 = arith.constant 8 : i32
      %mul3A_204 = arith.muli %scan3A_202, %mul3A_203 : i32
      %add3A_205 = arith.constant 0 : i32
      %add3A_206 = arith.addi %mul3A_204, %add3A_205 : i32
      %add3A_207 = arith.constant 2 : i32
      %add3A_208 = arith.addi %add3A_206, %add3A_207 : i32
      %lt3A = arith.constant 64 : i32
      %lt3A_209 = arith.cmpi slt, %add3A_208, %lt3A : i32
      %convert_element_type3A = arith.extui %lt3A_209 : i1 to i32
      %cond3A = arith.constant 0 : i32
      %cond3A_210 = arith.cmpi ne, %convert_element_type3A, %cond3A : i32
      scf.if %cond3A_210 {
        %ge3A = arith.constant 8 : i32
        %ge3A_744 = arith.cmpi sge, %add3A_208, %ge3A : i32
        %convert_element_type3A_745 = arith.extui %ge3A_744 : i1 to i32
        %cond3A_746 = arith.constant 0 : i32
        %cond3A_747 = arith.cmpi ne, %convert_element_type3A_745, %cond3A_746 : i32
        scf.if %cond3A_747 {
          %dma_wait3A_783 = arith.constant 2 : i32
          %dma_wait3A_784 = arith.constant 2 : i32
          %dma_wait3A_785 = arith.constant 0 : i32
          %dma_wait3A_786 = arith.constant 0 : i32
          %dma_wait3A_787 = tpu.memref_slice %arg8[%dma_wait3A_783, %dma_wait3A_785, %dma_wait3A_786] : memref<8x8x1024xf32, #tpu.memory_space<vmem>> -> memref<1x8x1024xf32, #tpu.memory_space<vmem>>
          %dma_wait3A_788 = tpu.memref_squeeze %dma_wait3A_787 : memref<1x8x1024xf32, #tpu.memory_space<vmem>> -> memref<8x1024xf32, #tpu.memory_space<vmem>>
          %dma_wait3A_789 = arith.constant 0 : i32
          %dma_wait3A_790 = tpu.memref_slice %arg5[%mul3A_2, %dma_wait3A_789] : memref<16384x1024xf32, #tpu.memory_space<hbm>> -> memref<8x1024xf32, #tpu.memory_space<hbm>>
          %dma_wait3A_791 = tpu.memref_slice %arg11[%dma_wait3A_784] : memref<8x!tpu.dma_semaphore, #tpu.memory_space<semaphore_mem>> -> memref<1x!tpu.dma_semaphore, #tpu.memory_space<semaphore_mem>>
          %dma_wait3A_792 = tpu.memref_squeeze %dma_wait3A_791 : memref<1x!tpu.dma_semaphore, #tpu.memory_space<semaphore_mem>> -> memref<!tpu.dma_semaphore, #tpu.memory_space<semaphore_mem>>
          %dma_wait3A_793 = arith.constant 0 : i32
          %dma_wait3A_794 = tpu.memref_slice %arg5[%mul3A_2, %dma_wait3A_793] : memref<16384x1024xf32, #tpu.memory_space<hbm>> -> memref<8x1024xf32, #tpu.memory_space<hbm>>
          %dma_wait3A_795 = arith.constant 0 : i32
          %dma_wait3A_796 = arith.constant 0 : i32
          %dma_wait3A_797 = tpu.memref_slice %arg8[%dma_wait3A_783, %dma_wait3A_795, %dma_wait3A_796] : memref<8x8x1024xf32, #tpu.memory_space<vmem>> -> memref<1x8x1024xf32, #tpu.memory_space<vmem>>
          %dma_wait3A_798 = tpu.memref_squeeze %dma_wait3A_797 : memref<1x8x1024xf32, #tpu.memory_space<vmem>> -> memref<8x1024xf32, #tpu.memory_space<vmem>>
          tpu.wait_dma2 semaphore(%dma_wait3A_792 : memref<!tpu.dma_semaphore, #tpu.memory_space<semaphore_mem>>) src(%dma_wait3A_798 : memref<8x1024xf32, #tpu.memory_space<vmem>>) dst(%dma_wait3A_794 : memref<8x1024xf32, #tpu.memory_space<hbm>>)
        } else {
        }
        %mul3A_748 = arith.constant 8 : i32
        %mul3A_749 = arith.muli %add3A_208, %mul3A_748 : i32
        %add3A_750 = arith.addi %mul3A_2, %mul3A_749 : i32
        %dma_start3A_751 = arith.constant 2 : i32
        %dma_start3A_752 = arith.constant 2 : i32
        %dma_start3A_753 = arith.constant 0 : i32
        %dma_start3A_754 = arith.constant 0 : i32
        %dma_start3A_755 = tpu.memref_slice %arg8[%dma_start3A_751, %dma_start3A_753, %dma_start3A_754] : memref<8x8x1024xf32, #tpu.memory_space<vmem>> -> memref<1x8x1024xf32, #tpu.memory_space<vmem>>
        %dma_start3A_756 = tpu.memref_squeeze %dma_start3A_755 : memref<1x8x1024xf32, #tpu.memory_space<vmem>> -> memref<8x1024xf32, #tpu.memory_space<vmem>>
        %dma_start3A_757 = arith.constant 0 : i32
        %dma_start3A_758 = tpu.memref_slice %arg3[%add3A_750, %dma_start3A_757] : memref<16384x1024xf32, #tpu.memory_space<hbm>> -> memref<8x1024xf32, #tpu.memory_space<hbm>>
        %dma_start3A_759 = tpu.memref_slice %arg9[%dma_start3A_752] : memref<8x!tpu.dma_semaphore, #tpu.memory_space<semaphore_mem>> -> memref<1x!tpu.dma_semaphore, #tpu.memory_space<semaphore_mem>>
        %dma_start3A_760 = tpu.memref_squeeze %dma_start3A_759 : memref<1x!tpu.dma_semaphore, #tpu.memory_space<semaphore_mem>> -> memref<!tpu.dma_semaphore, #tpu.memory_space<semaphore_mem>>
        %dma_start3A_761 = arith.constant 0 : i32
        %dma_start3A_762 = arith.constant 0 : i32
        %dma_start3A_763 = tpu.memref_slice %arg8[%dma_start3A_751, %dma_start3A_761, %dma_start3A_762] : memref<8x8x1024xf32, #tpu.memory_space<vmem>> -> memref<1x8x1024xf32, #tpu.memory_space<vmem>>
        %dma_start3A_764 = tpu.memref_squeeze %dma_start3A_763 : memref<1x8x1024xf32, #tpu.memory_space<vmem>> -> memref<8x1024xf32, #tpu.memory_space<vmem>>
        %dma_start3A_765 = arith.constant 0 : i32
        %dma_start3A_766 = tpu.memref_slice %arg3[%add3A_750, %dma_start3A_765] : memref<16384x1024xf32, #tpu.memory_space<hbm>> -> memref<8x1024xf32, #tpu.memory_space<hbm>>
        tpu.enqueue_dma source(%dma_start3A_766 : memref<8x1024xf32, #tpu.memory_space<hbm>>) target(%dma_start3A_764 : memref<8x1024xf32, #tpu.memory_space<vmem>>) target_semaphore(%dma_start3A_760 : memref<!tpu.dma_semaphore, #tpu.memory_space<semaphore_mem>>)
        %dma_start3A_767 = arith.constant 2 : i32
        %dma_start3A_768 = arith.constant 2 : i32
        %dma_start3A_769 = arith.constant 0 : i32
        %dma_start3A_770 = arith.constant 0 : i32
        %dma_start3A_771 = tpu.memref_slice %arg7[%dma_start3A_767, %dma_start3A_769, %dma_start3A_770] : memref<4x8x1024xf32, #tpu.memory_space<vmem>> -> memref<1x8x1024xf32, #tpu.memory_space<vmem>>
        %dma_start3A_772 = tpu.memref_squeeze %dma_start3A_771 : memref<1x8x1024xf32, #tpu.memory_space<vmem>> -> memref<8x1024xf32, #tpu.memory_space<vmem>>
        %dma_start3A_773 = arith.constant 0 : i32
        %dma_start3A_774 = tpu.memref_slice %arg4[%add3A_750, %dma_start3A_773] : memref<16384x1024xf32, #tpu.memory_space<hbm>> -> memref<8x1024xf32, #tpu.memory_space<hbm>>
        %dma_start3A_775 = tpu.memref_slice %arg10[%dma_start3A_768] : memref<4x!tpu.dma_semaphore, #tpu.memory_space<semaphore_mem>> -> memref<1x!tpu.dma_semaphore, #tpu.memory_space<semaphore_mem>>
        %dma_start3A_776 = tpu.memref_squeeze %dma_start3A_775 : memref<1x!tpu.dma_semaphore, #tpu.memory_space<semaphore_mem>> -> memref<!tpu.dma_semaphore, #tpu.memory_space<semaphore_mem>>
        %dma_start3A_777 = arith.constant 0 : i32
        %dma_start3A_778 = arith.constant 0 : i32
        %dma_start3A_779 = tpu.memref_slice %arg7[%dma_start3A_767, %dma_start3A_777, %dma_start3A_778] : memref<4x8x1024xf32, #tpu.memory_space<vmem>> -> memref<1x8x1024xf32, #tpu.memory_space<vmem>>
        %dma_start3A_780 = tpu.memref_squeeze %dma_start3A_779 : memref<1x8x1024xf32, #tpu.memory_space<vmem>> -> memref<8x1024xf32, #tpu.memory_space<vmem>>
        %dma_start3A_781 = arith.constant 0 : i32
        %dma_start3A_782 = tpu.memref_slice %arg4[%add3A_750, %dma_start3A_781] : memref<16384x1024xf32, #tpu.memory_space<hbm>> -> memref<8x1024xf32, #tpu.memory_space<hbm>>
        tpu.enqueue_dma source(%dma_start3A_782 : memref<8x1024xf32, #tpu.memory_space<hbm>>) target(%dma_start3A_780 : memref<8x1024xf32, #tpu.memory_space<vmem>>) target_semaphore(%dma_start3A_776 : memref<!tpu.dma_semaphore, #tpu.memory_space<semaphore_mem>>)
      } else {
      }
      %dma_wait3A_211 = arith.constant 0 : i32
      %dma_wait3A_212 = arith.constant 0 : i32
      %dma_wait3A_213 = arith.constant 0 : i32
      %dma_wait3A_214 = arith.constant 0 : i32
      %dma_wait3A_215 = tpu.memref_slice %arg8[%dma_wait3A_211, %dma_wait3A_213, %dma_wait3A_214] : memref<8x8x1024xf32, #tpu.memory_space<vmem>> -> memref<1x8x1024xf32, #tpu.memory_space<vmem>>
      %dma_wait3A_216 = tpu.memref_squeeze %dma_wait3A_215 : memref<1x8x1024xf32, #tpu.memory_space<vmem>> -> memref<8x1024xf32, #tpu.memory_space<vmem>>
      %dma_wait3A_217 = arith.constant 0 : i32
      %dma_wait3A_218 = tpu.memref_slice %arg3[%mul3A_2, %dma_wait3A_217] : memref<16384x1024xf32, #tpu.memory_space<hbm>> -> memref<8x1024xf32, #tpu.memory_space<hbm>>
      %dma_wait3A_219 = tpu.memref_slice %arg9[%dma_wait3A_212] : memref<8x!tpu.dma_semaphore, #tpu.memory_space<semaphore_mem>> -> memref<1x!tpu.dma_semaphore, #tpu.memory_space<semaphore_mem>>
      %dma_wait3A_220 = tpu.memref_squeeze %dma_wait3A_219 : memref<1x!tpu.dma_semaphore, #tpu.memory_space<semaphore_mem>> -> memref<!tpu.dma_semaphore, #tpu.memory_space<semaphore_mem>>
      %dma_wait3A_221 = arith.constant 0 : i32
      %dma_wait3A_222 = arith.constant 0 : i32
      %dma_wait3A_223 = tpu.memref_slice %arg8[%dma_wait3A_211, %dma_wait3A_221, %dma_wait3A_222] : memref<8x8x1024xf32, #tpu.memory_space<vmem>> -> memref<1x8x1024xf32, #tpu.memory_space<vmem>>
      %dma_wait3A_224 = tpu.memref_squeeze %dma_wait3A_223 : memref<1x8x1024xf32, #tpu.memory_space<vmem>> -> memref<8x1024xf32, #tpu.memory_space<vmem>>
      %dma_wait3A_225 = arith.constant 0 : i32
      %dma_wait3A_226 = tpu.memref_slice %arg3[%mul3A_2, %dma_wait3A_225] : memref<16384x1024xf32, #tpu.memory_space<hbm>> -> memref<8x1024xf32, #tpu.memory_space<hbm>>
      tpu.wait_dma2 semaphore(%dma_wait3A_220 : memref<!tpu.dma_semaphore, #tpu.memory_space<semaphore_mem>>) src(%dma_wait3A_226 : memref<8x1024xf32, #tpu.memory_space<hbm>>) dst(%dma_wait3A_224 : memref<8x1024xf32, #tpu.memory_space<vmem>>)
      %dma_wait3A_227 = arith.constant 0 : i32
      %dma_wait3A_228 = arith.constant 0 : i32
      %dma_wait3A_229 = arith.constant 0 : i32
      %dma_wait3A_230 = arith.constant 0 : i32
      %dma_wait3A_231 = tpu.memref_slice %arg7[%dma_wait3A_227, %dma_wait3A_229, %dma_wait3A_230] : memref<4x8x1024xf32, #tpu.memory_space<vmem>> -> memref<1x8x1024xf32, #tpu.memory_space<vmem>>
      %dma_wait3A_232 = tpu.memref_squeeze %dma_wait3A_231 : memref<1x8x1024xf32, #tpu.memory_space<vmem>> -> memref<8x1024xf32, #tpu.memory_space<vmem>>
      %dma_wait3A_233 = arith.constant 0 : i32
      %dma_wait3A_234 = tpu.memref_slice %arg4[%mul3A_2, %dma_wait3A_233] : memref<16384x1024xf32, #tpu.memory_space<hbm>> -> memref<8x1024xf32, #tpu.memory_space<hbm>>
      %dma_wait3A_235 = tpu.memref_slice %arg10[%dma_wait3A_228] : memref<4x!tpu.dma_semaphore, #tpu.memory_space<semaphore_mem>> -> memref<1x!tpu.dma_semaphore, #tpu.memory_space<semaphore_mem>>
      %dma_wait3A_236 = tpu.memref_squeeze %dma_wait3A_235 : memref<1x!tpu.dma_semaphore, #tpu.memory_space<semaphore_mem>> -> memref<!tpu.dma_semaphore, #tpu.memory_space<semaphore_mem>>
      %dma_wait3A_237 = arith.constant 0 : i32
      %dma_wait3A_238 = arith.constant 0 : i32
      %dma_wait3A_239 = tpu.memref_slice %arg7[%dma_wait3A_227, %dma_wait3A_237, %dma_wait3A_238] : memref<4x8x1024xf32, #tpu.memory_space<vmem>> -> memref<1x8x1024xf32, #tpu.memory_space<vmem>>
      %dma_wait3A_240 = tpu.memref_squeeze %dma_wait3A_239 : memref<1x8x1024xf32, #tpu.memory_space<vmem>> -> memref<8x1024xf32, #tpu.memory_space<vmem>>
      %dma_wait3A_241 = arith.constant 0 : i32
      %dma_wait3A_242 = tpu.memref_slice %arg4[%mul3A_2, %dma_wait3A_241] : memref<16384x1024xf32, #tpu.memory_space<hbm>> -> memref<8x1024xf32, #tpu.memory_space<hbm>>
      tpu.wait_dma2 semaphore(%dma_wait3A_236 : memref<!tpu.dma_semaphore, #tpu.memory_space<semaphore_mem>>) src(%dma_wait3A_242 : memref<8x1024xf32, #tpu.memory_space<hbm>>) dst(%dma_wait3A_240 : memref<8x1024xf32, #tpu.memory_space<vmem>>)
      %scan3A_243 = arith.constant 0 : i32
      %scan3A_244 = arith.constant 0 : i32
      %scan3A_245 = arith.constant 64 : i32
      %scan3A_246 = arith.addi %scan3A_244, %scan3A_245 : i32
      %scan3A_247 = arith.constant 1 : i32
      scf.for %scan3A_744 = %scan3A_244 to %scan3A_246 step %scan3A_247  : i32 {
        %mul3A_745 = arith.constant 16 : i32
        %mul3A_746 = arith.muli %scan3A_744, %mul3A_745 : i32
        %multiple_of3A = tpu.assume_multiple %mul3A_746, 16 : i32
        %get3A = arith.index_cast %multiple_of3A : i32 to index
        %get3A_747 = tpu.vector_load %arg6[%get3A] {strides = array<i32>} : memref<1024xf32, #tpu.memory_space<vmem>>, vector<16xf32>,
        %get3A_748 = vector.shape_cast %get3A_747 : vector<16xf32> to vector<16xf32>
        %ne3A = arith.constant 0.000000e+00 : f32
        %ne3A_749 = vector.broadcast %ne3A : f32 to vector<16xf32>
        %ne3A_750 = arith.cmpf one, %get3A_748, %ne3A_749 : vector<16xf32>
        %get3A_751 = arith.constant 0 : i32
        %get3A_752 = arith.constant 0 : i32
        %get3A_753 = arith.index_cast %get3A_751 : i32 to index
        %get3A_754 = arith.index_cast %get3A_752 : i32 to index
        %get3A_755 = arith.index_cast %multiple_of3A : i32 to index
        %get3A_756 = tpu.vector_load %arg8[%get3A_753, %get3A_754, %get3A_755] {strides = array<i32>} : memref<8x8x1024xf32, #tpu.memory_space<vmem>>, vector<1x1x16xf32>,
        %get3A_757 = vector.shape_cast %get3A_756 : vector<1x1x16xf32> to vector<16xf32>
        %get3A_758 = arith.constant 0 : i32
        %get3A_759 = arith.constant 0 : i32
        %get3A_760 = arith.index_cast %get3A_758 : i32 to index
        %get3A_761 = arith.index_cast %get3A_759 : i32 to index
        %get3A_762 = arith.index_cast %multiple_of3A : i32 to index
        %get3A_763 = tpu.vector_load %arg7[%get3A_760, %get3A_761, %get3A_762] {strides = array<i32>} : memref<4x8x1024xf32, #tpu.memory_space<vmem>>, vector<1x1x16xf32>,
        %get3A_764 = vector.shape_cast %get3A_763 : vector<1x1x16xf32> to vector<16xf32>
        %select_n3A = arith.select %ne3A_750, %get3A_764, %get3A_757 : vector<16xi1>, vector<16xf32>
        %swap3A = arith.constant 0 : i32
        %swap3A_765 = arith.constant 0 : i32
        %swap3A_766 = arith.index_cast %swap3A : i32 to index
        %swap3A_767 = arith.index_cast %swap3A_765 : i32 to index
        %swap3A_768 = arith.index_cast %multiple_of3A : i32 to index
        %swap3A_769 = tpu.vector_load %arg8[%swap3A_766, %swap3A_767, %swap3A_768] {strides = array<i32>} : memref<8x8x1024xf32, #tpu.memory_space<vmem>>, vector<1x1x16xf32>,
        %swap3A_770 = vector.shape_cast %swap3A_769 : vector<1x1x16xf32> to vector<16xf32>
        %swap3A_771 = vector.shape_cast %select_n3A : vector<16xf32> to vector<1x1x16xf32>
        tpu.vector_store %arg8[%swap3A_766, %swap3A_767, %swap3A_768], %swap3A_771 {strides = array<i32>} : memref<8x8x1024xf32, #tpu.memory_space<vmem>>, vector<1x1x16xf32>,
        %get3A_772 = arith.constant 0 : i32
        %get3A_773 = arith.constant 1 : i32
        %get3A_774 = arith.index_cast %get3A_772 : i32 to index
        %get3A_775 = arith.index_cast %get3A_773 : i32 to index
        %get3A_776 = arith.index_cast %multiple_of3A : i32 to index
        %get3A_777 = tpu.vector_load %arg8[%get3A_774, %get3A_775, %get3A_776] {strides = array<i32>} : memref<8x8x1024xf32, #tpu.memory_space<vmem>>, vector<1x1x16xf32>,
        %get3A_778 = vector.shape_cast %get3A_777 : vector<1x1x16xf32> to vector<16xf32>
        %get3A_779 = arith.constant 0 : i32
        %get3A_780 = arith.constant 1 : i32
        %get3A_781 = arith.index_cast %get3A_779 : i32 to index
        %get3A_782 = arith.index_cast %get3A_780 : i32 to index
        %get3A_783 = arith.index_cast %multiple_of3A : i32 to index
        %get3A_784 = tpu.vector_load %arg7[%get3A_781, %get3A_782, %get3A_783] {strides = array<i32>} : memref<4x8x1024xf32, #tpu.memory_space<vmem>>, vector<1x1x16xf32>,
        %get3A_785 = vector.shape_cast %get3A_784 : vector<1x1x16xf32> to vector<16xf32>
        %select_n3A_786 = arith.select %ne3A_750, %get3A_785, %get3A_778 : vector<16xi1>, vector<16xf32>
        %swap3A_787 = arith.constant 0 : i32
        %swap3A_788 = arith.constant 1 : i32
        %swap3A_789 = arith.index_cast %swap3A_787 : i32 to index
        %swap3A_790 = arith.index_cast %swap3A_788 : i32 to index
        %swap3A_791 = arith.index_cast %multiple_of3A : i32 to index
        %swap3A_792 = tpu.vector_load %arg8[%swap3A_789, %swap3A_790, %swap3A_791] {strides = array<i32>} : memref<8x8x1024xf32, #tpu.memory_space<vmem>>, vector<1x1x16xf32>,
        %swap3A_793 = vector.shape_cast %swap3A_792 : vector<1x1x16xf32> to vector<16xf32>
        %swap3A_794 = vector.shape_cast %select_n3A_786 : vector<16xf32> to vector<1x1x16xf32>
        tpu.vector_store %arg8[%swap3A_789, %swap3A_790, %swap3A_791], %swap3A_794 {strides = array<i32>} : memref<8x8x1024xf32, #tpu.memory_space<vmem>>, vector<1x1x16xf32>,
        %get3A_795 = arith.constant 0 : i32
        %get3A_796 = arith.constant 2 : i32
        %get3A_797 = arith.index_cast %get3A_795 : i32 to index
        %get3A_798 = arith.index_cast %get3A_796 : i32 to index
        %get3A_799 = arith.index_cast %multiple_of3A : i32 to index
        %get3A_800 = tpu.vector_load %arg8[%get3A_797, %get3A_798, %get3A_799] {strides = array<i32>} : memref<8x8x1024xf32, #tpu.memory_space<vmem>>, vector<1x1x16xf32>,
        %get3A_801 = vector.shape_cast %get3A_800 : vector<1x1x16xf32> to vector<16xf32>
        %get3A_802 = arith.constant 0 : i32
        %get3A_803 = arith.constant 2 : i32
        %get3A_804 = arith.index_cast %get3A_802 : i32 to index
        %get3A_805 = arith.index_cast %get3A_803 : i32 to index
        %get3A_806 = arith.index_cast %multiple_of3A : i32 to index
        %get3A_807 = tpu.vector_load %arg7[%get3A_804, %get3A_805, %get3A_806] {strides = array<i32>} : memref<4x8x1024xf32, #tpu.memory_space<vmem>>, vector<1x1x16xf32>,
        %get3A_808 = vector.shape_cast %get3A_807 : vector<1x1x16xf32> to vector<16xf32>
        %select_n3A_809 = arith.select %ne3A_750, %get3A_808, %get3A_801 : vector<16xi1>, vector<16xf32>
        %swap3A_810 = arith.constant 0 : i32
        %swap3A_811 = arith.constant 2 : i32
        %swap3A_812 = arith.index_cast %swap3A_810 : i32 to index
        %swap3A_813 = arith.index_cast %swap3A_811 : i32 to index
        %swap3A_814 = arith.index_cast %multiple_of3A : i32 to index
        %swap3A_815 = tpu.vector_load %arg8[%swap3A_812, %swap3A_813, %swap3A_814] {strides = array<i32>} : memref<8x8x1024xf32, #tpu.memory_space<vmem>>, vector<1x1x16xf32>,
        %swap3A_816 = vector.shape_cast %swap3A_815 : vector<1x1x16xf32> to vector<16xf32>
        %swap3A_817 = vector.shape_cast %select_n3A_809 : vector<16xf32> to vector<1x1x16xf32>
        tpu.vector_store %arg8[%swap3A_812, %swap3A_813, %swap3A_814], %swap3A_817 {strides = array<i32>} : memref<8x8x1024xf32, #tpu.memory_space<vmem>>, vector<1x1x16xf32>,
        %get3A_818 = arith.constant 0 : i32
        %get3A_819 = arith.constant 3 : i32
        %get3A_820 = arith.index_cast %get3A_818 : i32 to index
        %get3A_821 = arith.index_cast %get3A_819 : i32 to index
        %get3A_822 = arith.index_cast %multiple_of3A : i32 to index
        %get3A_823 = tpu.vector_load %arg8[%get3A_820, %get3A_821, %get3A_822] {strides = array<i32>} : memref<8x8x1024xf32, #tpu.memory_space<vmem>>, vector<1x1x16xf32>,
        %get3A_824 = vector.shape_cast %get3A_823 : vector<1x1x16xf32> to vector<16xf32>
        %get3A_825 = arith.constant 0 : i32
        %get3A_826 = arith.constant 3 : i32
        %get3A_827 = arith.index_cast %get3A_825 : i32 to index
        %get3A_828 = arith.index_cast %get3A_826 : i32 to index
        %get3A_829 = arith.index_cast %multiple_of3A : i32 to index
        %get3A_830 = tpu.vector_load %arg7[%get3A_827, %get3A_828, %get3A_829] {strides = array<i32>} : memref<4x8x1024xf32, #tpu.memory_space<vmem>>, vector<1x1x16xf32>,
        %get3A_831 = vector.shape_cast %get3A_830 : vector<1x1x16xf32> to vector<16xf32>
        %select_n3A_832 = arith.select %ne3A_750, %get3A_831, %get3A_824 : vector<16xi1>, vector<16xf32>
        %swap3A_833 = arith.constant 0 : i32
        %swap3A_834 = arith.constant 3 : i32
        %swap3A_835 = arith.index_cast %swap3A_833 : i32 to index
        %swap3A_836 = arith.index_cast %swap3A_834 : i32 to index
        %swap3A_837 = arith.index_cast %multiple_of3A : i32 to index
        %swap3A_838 = tpu.vector_load %arg8[%swap3A_835, %swap3A_836, %swap3A_837] {strides = array<i32>} : memref<8x8x1024xf32, #tpu.memory_space<vmem>>, vector<1x1x16xf32>,
        %swap3A_839 = vector.shape_cast %swap3A_838 : vector<1x1x16xf32> to vector<16xf32>
        %swap3A_840 = vector.shape_cast %select_n3A_832 : vector<16xf32> to vector<1x1x16xf32>
        tpu.vector_store %arg8[%swap3A_835, %swap3A_836, %swap3A_837], %swap3A_840 {strides = array<i32>} : memref<8x8x1024xf32, #tpu.memory_space<vmem>>, vector<1x1x16xf32>,
        %get3A_841 = arith.constant 0 : i32
        %get3A_842 = arith.constant 4 : i32
        %get3A_843 = arith.index_cast %get3A_841 : i32 to index
        %get3A_844 = arith.index_cast %get3A_842 : i32 to index
        %get3A_845 = arith.index_cast %multiple_of3A : i32 to index
        %get3A_846 = tpu.vector_load %arg8[%get3A_843, %get3A_844, %get3A_845] {strides = array<i32>} : memref<8x8x1024xf32, #tpu.memory_space<vmem>>, vector<1x1x16xf32>,
        %get3A_847 = vector.shape_cast %get3A_846 : vector<1x1x16xf32> to vector<16xf32>
        %get3A_848 = arith.constant 0 : i32
        %get3A_849 = arith.constant 4 : i32
        %get3A_850 = arith.index_cast %get3A_848 : i32 to index
        %get3A_851 = arith.index_cast %get3A_849 : i32 to index
        %get3A_852 = arith.index_cast %multiple_of3A : i32 to index
        %get3A_853 = tpu.vector_load %arg7[%get3A_850, %get3A_851, %get3A_852] {strides = array<i32>} : memref<4x8x1024xf32, #tpu.memory_space<vmem>>, vector<1x1x16xf32>,
        %get3A_854 = vector.shape_cast %get3A_853 : vector<1x1x16xf32> to vector<16xf32>
        %select_n3A_855 = arith.select %ne3A_750, %get3A_854, %get3A_847 : vector<16xi1>, vector<16xf32>
        %swap3A_856 = arith.constant 0 : i32
        %swap3A_857 = arith.constant 4 : i32
        %swap3A_858 = arith.index_cast %swap3A_856 : i32 to index
        %swap3A_859 = arith.index_cast %swap3A_857 : i32 to index
        %swap3A_860 = arith.index_cast %multiple_of3A : i32 to index
        %swap3A_861 = tpu.vector_load %arg8[%swap3A_858, %swap3A_859, %swap3A_860] {strides = array<i32>} : memref<8x8x1024xf32, #tpu.memory_space<vmem>>, vector<1x1x16xf32>,
        %swap3A_862 = vector.shape_cast %swap3A_861 : vector<1x1x16xf32> to vector<16xf32>
        %swap3A_863 = vector.shape_cast %select_n3A_855 : vector<16xf32> to vector<1x1x16xf32>
        tpu.vector_store %arg8[%swap3A_858, %swap3A_859, %swap3A_860], %swap3A_863 {strides = array<i32>} : memref<8x8x1024xf32, #tpu.memory_space<vmem>>, vector<1x1x16xf32>,
        %get3A_864 = arith.constant 0 : i32
        %get3A_865 = arith.constant 5 : i32
        %get3A_866 = arith.index_cast %get3A_864 : i32 to index
        %get3A_867 = arith.index_cast %get3A_865 : i32 to index
        %get3A_868 = arith.index_cast %multiple_of3A : i32 to index
        %get3A_869 = tpu.vector_load %arg8[%get3A_866, %get3A_867, %get3A_868] {strides = array<i32>} : memref<8x8x1024xf32, #tpu.memory_space<vmem>>, vector<1x1x16xf32>,
        %get3A_870 = vector.shape_cast %get3A_869 : vector<1x1x16xf32> to vector<16xf32>
        %get3A_871 = arith.constant 0 : i32
        %get3A_872 = arith.constant 5 : i32
        %get3A_873 = arith.index_cast %get3A_871 : i32 to index
        %get3A_874 = arith.index_cast %get3A_872 : i32 to index
        %get3A_875 = arith.index_cast %multiple_of3A : i32 to index
        %get3A_876 = tpu.vector_load %arg7[%get3A_873, %get3A_874, %get3A_875] {strides = array<i32>} : memref<4x8x1024xf32, #tpu.memory_space<vmem>>, vector<1x1x16xf32>,
        %get3A_877 = vector.shape_cast %get3A_876 : vector<1x1x16xf32> to vector<16xf32>
        %select_n3A_878 = arith.select %ne3A_750, %get3A_877, %get3A_870 : vector<16xi1>, vector<16xf32>
        %swap3A_879 = arith.constant 0 : i32
        %swap3A_880 = arith.constant 5 : i32
        %swap3A_881 = arith.index_cast %swap3A_879 : i32 to index
        %swap3A_882 = arith.index_cast %swap3A_880 : i32 to index
        %swap3A_883 = arith.index_cast %multiple_of3A : i32 to index
        %swap3A_884 = tpu.vector_load %arg8[%swap3A_881, %swap3A_882, %swap3A_883] {strides = array<i32>} : memref<8x8x1024xf32, #tpu.memory_space<vmem>>, vector<1x1x16xf32>,
        %swap3A_885 = vector.shape_cast %swap3A_884 : vector<1x1x16xf32> to vector<16xf32>
        %swap3A_886 = vector.shape_cast %select_n3A_878 : vector<16xf32> to vector<1x1x16xf32>
        tpu.vector_store %arg8[%swap3A_881, %swap3A_882, %swap3A_883], %swap3A_886 {strides = array<i32>} : memref<8x8x1024xf32, #tpu.memory_space<vmem>>, vector<1x1x16xf32>,
        %get3A_887 = arith.constant 0 : i32
        %get3A_888 = arith.constant 6 : i32
        %get3A_889 = arith.index_cast %get3A_887 : i32 to index
        %get3A_890 = arith.index_cast %get3A_888 : i32 to index
        %get3A_891 = arith.index_cast %multiple_of3A : i32 to index
        %get3A_892 = tpu.vector_load %arg8[%get3A_889, %get3A_890, %get3A_891] {strides = array<i32>} : memref<8x8x1024xf32, #tpu.memory_space<vmem>>, vector<1x1x16xf32>,
        %get3A_893 = vector.shape_cast %get3A_892 : vector<1x1x16xf32> to vector<16xf32>
        %get3A_894 = arith.constant 0 : i32
        %get3A_895 = arith.constant 6 : i32
        %get3A_896 = arith.index_cast %get3A_894 : i32 to index
        %get3A_897 = arith.index_cast %get3A_895 : i32 to index
        %get3A_898 = arith.index_cast %multiple_of3A : i32 to index
        %get3A_899 = tpu.vector_load %arg7[%get3A_896, %get3A_897, %get3A_898] {strides = array<i32>} : memref<4x8x1024xf32, #tpu.memory_space<vmem>>, vector<1x1x16xf32>,
        %get3A_900 = vector.shape_cast %get3A_899 : vector<1x1x16xf32> to vector<16xf32>
        %select_n3A_901 = arith.select %ne3A_750, %get3A_900, %get3A_893 : vector<16xi1>, vector<16xf32>
        %swap3A_902 = arith.constant 0 : i32
        %swap3A_903 = arith.constant 6 : i32
        %swap3A_904 = arith.index_cast %swap3A_902 : i32 to index
        %swap3A_905 = arith.index_cast %swap3A_903 : i32 to index
        %swap3A_906 = arith.index_cast %multiple_of3A : i32 to index
        %swap3A_907 = tpu.vector_load %arg8[%swap3A_904, %swap3A_905, %swap3A_906] {strides = array<i32>} : memref<8x8x1024xf32, #tpu.memory_space<vmem>>, vector<1x1x16xf32>,
        %swap3A_908 = vector.shape_cast %swap3A_907 : vector<1x1x16xf32> to vector<16xf32>
        %swap3A_909 = vector.shape_cast %select_n3A_901 : vector<16xf32> to vector<1x1x16xf32>
        tpu.vector_store %arg8[%swap3A_904, %swap3A_905, %swap3A_906], %swap3A_909 {strides = array<i32>} : memref<8x8x1024xf32, #tpu.memory_space<vmem>>, vector<1x1x16xf32>,
        %get3A_910 = arith.constant 0 : i32
        %get3A_911 = arith.constant 7 : i32
        %get3A_912 = arith.index_cast %get3A_910 : i32 to index
        %get3A_913 = arith.index_cast %get3A_911 : i32 to index
        %get3A_914 = arith.index_cast %multiple_of3A : i32 to index
        %get3A_915 = tpu.vector_load %arg8[%get3A_912, %get3A_913, %get3A_914] {strides = array<i32>} : memref<8x8x1024xf32, #tpu.memory_space<vmem>>, vector<1x1x16xf32>,
        %get3A_916 = vector.shape_cast %get3A_915 : vector<1x1x16xf32> to vector<16xf32>
        %get3A_917 = arith.constant 0 : i32
        %get3A_918 = arith.constant 7 : i32
        %get3A_919 = arith.index_cast %get3A_917 : i32 to index
        %get3A_920 = arith.index_cast %get3A_918 : i32 to index
        %get3A_921 = arith.index_cast %multiple_of3A : i32 to index
        %get3A_922 = tpu.vector_load %arg7[%get3A_919, %get3A_920, %get3A_921] {strides = array<i32>} : memref<4x8x1024xf32, #tpu.memory_space<vmem>>, vector<1x1x16xf32>,
        %get3A_923 = vector.shape_cast %get3A_922 : vector<1x1x16xf32> to vector<16xf32>
        %select_n3A_924 = arith.select %ne3A_750, %get3A_923, %get3A_916 : vector<16xi1>, vector<16xf32>
        %swap3A_925 = arith.constant 0 : i32
        %swap3A_926 = arith.constant 7 : i32
        %swap3A_927 = arith.index_cast %swap3A_925 : i32 to index
        %swap3A_928 = arith.index_cast %swap3A_926 : i32 to index
        %swap3A_929 = arith.index_cast %multiple_of3A : i32 to index
        %swap3A_930 = tpu.vector_load %arg8[%swap3A_927, %swap3A_928, %swap3A_929] {strides = array<i32>} : memref<8x8x1024xf32, #tpu.memory_space<vmem>>, vector<1x1x16xf32>,
        %swap3A_931 = vector.shape_cast %swap3A_930 : vector<1x1x16xf32> to vector<16xf32>
        %swap3A_932 = vector.shape_cast %select_n3A_924 : vector<16xf32> to vector<1x1x16xf32>
        tpu.vector_store %arg8[%swap3A_927, %swap3A_928, %swap3A_929], %swap3A_932 {strides = array<i32>} : memref<8x8x1024xf32, #tpu.memory_space<vmem>>, vector<1x1x16xf32>,
      }
      %scan3A_248 = arith.constant 64 : i32
      %mul3A_249 = arith.constant 8 : i32
      %mul3A_250 = arith.muli %add3A_206, %mul3A_249 : i32
      %add3A_251 = arith.addi %mul3A_2, %mul3A_250 : i32
      %dma_start3A_252 = arith.constant 0 : i32
      %dma_start3A_253 = arith.constant 0 : i32
      %dma_start3A_254 = arith.constant 0 : i32
      %dma_start3A_255 = arith.constant 0 : i32
      %dma_start3A_256 = tpu.memref_slice %arg8[%dma_start3A_252, %dma_start3A_254, %dma_start3A_255] : memref<8x8x1024xf32, #tpu.memory_space<vmem>> -> memref<1x8x1024xf32, #tpu.memory_space<vmem>>
      %dma_start3A_257 = tpu.memref_squeeze %dma_start3A_256 : memref<1x8x1024xf32, #tpu.memory_space<vmem>> -> memref<8x1024xf32, #tpu.memory_space<vmem>>
      %dma_start3A_258 = arith.constant 0 : i32
      %dma_start3A_259 = tpu.memref_slice %arg5[%add3A_251, %dma_start3A_258] : memref<16384x1024xf32, #tpu.memory_space<hbm>> -> memref<8x1024xf32, #tpu.memory_space<hbm>>
      %dma_start3A_260 = tpu.memref_slice %arg11[%dma_start3A_253] : memref<8x!tpu.dma_semaphore, #tpu.memory_space<semaphore_mem>> -> memref<1x!tpu.dma_semaphore, #tpu.memory_space<semaphore_mem>>
      %dma_start3A_261 = tpu.memref_squeeze %dma_start3A_260 : memref<1x!tpu.dma_semaphore, #tpu.memory_space<semaphore_mem>> -> memref<!tpu.dma_semaphore, #tpu.memory_space<semaphore_mem>>
      %dma_start3A_262 = arith.constant 0 : i32
      %dma_start3A_263 = tpu.memref_slice %arg5[%add3A_251, %dma_start3A_262] : memref<16384x1024xf32, #tpu.memory_space<hbm>> -> memref<8x1024xf32, #tpu.memory_space<hbm>>
      %dma_start3A_264 = arith.constant 0 : i32
      %dma_start3A_265 = arith.constant 0 : i32
      %dma_start3A_266 = tpu.memref_slice %arg8[%dma_start3A_252, %dma_start3A_264, %dma_start3A_265] : memref<8x8x1024xf32, #tpu.memory_space<vmem>> -> memref<1x8x1024xf32, #tpu.memory_space<vmem>>
      %dma_start3A_267 = tpu.memref_squeeze %dma_start3A_266 : memref<1x8x1024xf32, #tpu.memory_space<vmem>> -> memref<8x1024xf32, #tpu.memory_space<vmem>>
      tpu.enqueue_dma source(%dma_start3A_267 : memref<8x1024xf32, #tpu.memory_space<vmem>>) target(%dma_start3A_263 : memref<8x1024xf32, #tpu.memory_space<hbm>>) target_semaphore(%dma_start3A_261 : memref<!tpu.dma_semaphore, #tpu.memory_space<semaphore_mem>>)
      %mul3A_268 = arith.constant 8 : i32
      %mul3A_269 = arith.muli %scan3A_202, %mul3A_268 : i32
      %add3A_270 = arith.constant 1 : i32
      %add3A_271 = arith.addi %mul3A_269, %add3A_270 : i32
      %add3A_272 = arith.constant 2 : i32
      %add3A_273 = arith.addi %add3A_271, %add3A_272 : i32
      %lt3A_274 = arith.constant 64 : i32
      %lt3A_275 = arith.cmpi slt, %add3A_273, %lt3A_274 : i32
      %convert_element_type3A_276 = arith.extui %lt3A_275 : i1 to i32
      %cond3A_277 = arith.constant 0 : i32
      %cond3A_278 = arith.cmpi ne, %convert_element_type3A_276, %cond3A_277 : i32
      scf.if %cond3A_278 {
        %ge3A = arith.constant 8 : i32
        %ge3A_744 = arith.cmpi sge, %add3A_273, %ge3A : i32
        %convert_element_type3A_745 = arith.extui %ge3A_744 : i1 to i32
        %cond3A_746 = arith.constant 0 : i32
        %cond3A_747 = arith.cmpi ne, %convert_element_type3A_745, %cond3A_746 : i32
        scf.if %cond3A_747 {
          %dma_wait3A_783 = arith.constant 3 : i32
          %dma_wait3A_784 = arith.constant 3 : i32
          %dma_wait3A_785 = arith.constant 0 : i32
          %dma_wait3A_786 = arith.constant 0 : i32
          %dma_wait3A_787 = tpu.memref_slice %arg8[%dma_wait3A_783, %dma_wait3A_785, %dma_wait3A_786] : memref<8x8x1024xf32, #tpu.memory_space<vmem>> -> memref<1x8x1024xf32, #tpu.memory_space<vmem>>
          %dma_wait3A_788 = tpu.memref_squeeze %dma_wait3A_787 : memref<1x8x1024xf32, #tpu.memory_space<vmem>> -> memref<8x1024xf32, #tpu.memory_space<vmem>>
          %dma_wait3A_789 = arith.constant 0 : i32
          %dma_wait3A_790 = tpu.memref_slice %arg5[%mul3A_2, %dma_wait3A_789] : memref<16384x1024xf32, #tpu.memory_space<hbm>> -> memref<8x1024xf32, #tpu.memory_space<hbm>>
          %dma_wait3A_791 = tpu.memref_slice %arg11[%dma_wait3A_784] : memref<8x!tpu.dma_semaphore, #tpu.memory_space<semaphore_mem>> -> memref<1x!tpu.dma_semaphore, #tpu.memory_space<semaphore_mem>>
          %dma_wait3A_792 = tpu.memref_squeeze %dma_wait3A_791 : memref<1x!tpu.dma_semaphore, #tpu.memory_space<semaphore_mem>> -> memref<!tpu.dma_semaphore, #tpu.memory_space<semaphore_mem>>
          %dma_wait3A_793 = arith.constant 0 : i32
          %dma_wait3A_794 = tpu.memref_slice %arg5[%mul3A_2, %dma_wait3A_793] : memref<16384x1024xf32, #tpu.memory_space<hbm>> -> memref<8x1024xf32, #tpu.memory_space<hbm>>
          %dma_wait3A_795 = arith.constant 0 : i32
          %dma_wait3A_796 = arith.constant 0 : i32
          %dma_wait3A_797 = tpu.memref_slice %arg8[%dma_wait3A_783, %dma_wait3A_795, %dma_wait3A_796] : memref<8x8x1024xf32, #tpu.memory_space<vmem>> -> memref<1x8x1024xf32, #tpu.memory_space<vmem>>
          %dma_wait3A_798 = tpu.memref_squeeze %dma_wait3A_797 : memref<1x8x1024xf32, #tpu.memory_space<vmem>> -> memref<8x1024xf32, #tpu.memory_space<vmem>>
          tpu.wait_dma2 semaphore(%dma_wait3A_792 : memref<!tpu.dma_semaphore, #tpu.memory_space<semaphore_mem>>) src(%dma_wait3A_798 : memref<8x1024xf32, #tpu.memory_space<vmem>>) dst(%dma_wait3A_794 : memref<8x1024xf32, #tpu.memory_space<hbm>>)
        } else {
        }
        %mul3A_748 = arith.constant 8 : i32
        %mul3A_749 = arith.muli %add3A_273, %mul3A_748 : i32
        %add3A_750 = arith.addi %mul3A_2, %mul3A_749 : i32
        %dma_start3A_751 = arith.constant 3 : i32
        %dma_start3A_752 = arith.constant 3 : i32
        %dma_start3A_753 = arith.constant 0 : i32
        %dma_start3A_754 = arith.constant 0 : i32
        %dma_start3A_755 = tpu.memref_slice %arg8[%dma_start3A_751, %dma_start3A_753, %dma_start3A_754] : memref<8x8x1024xf32, #tpu.memory_space<vmem>> -> memref<1x8x1024xf32, #tpu.memory_space<vmem>>
        %dma_start3A_756 = tpu.memref_squeeze %dma_start3A_755 : memref<1x8x1024xf32, #tpu.memory_space<vmem>> -> memref<8x1024xf32, #tpu.memory_space<vmem>>
        %dma_start3A_757 = arith.constant 0 : i32
        %dma_start3A_758 = tpu.memref_slice %arg3[%add3A_750, %dma_start3A_757] : memref<16384x1024xf32, #tpu.memory_space<hbm>> -> memref<8x1024xf32, #tpu.memory_space<hbm>>
        %dma_start3A_759 = tpu.memref_slice %arg9[%dma_start3A_752] : memref<8x!tpu.dma_semaphore, #tpu.memory_space<semaphore_mem>> -> memref<1x!tpu.dma_semaphore, #tpu.memory_space<semaphore_mem>>
        %dma_start3A_760 = tpu.memref_squeeze %dma_start3A_759 : memref<1x!tpu.dma_semaphore, #tpu.memory_space<semaphore_mem>> -> memref<!tpu.dma_semaphore, #tpu.memory_space<semaphore_mem>>
        %dma_start3A_761 = arith.constant 0 : i32
        %dma_start3A_762 = arith.constant 0 : i32
        %dma_start3A_763 = tpu.memref_slice %arg8[%dma_start3A_751, %dma_start3A_761, %dma_start3A_762] : memref<8x8x1024xf32, #tpu.memory_space<vmem>> -> memref<1x8x1024xf32, #tpu.memory_space<vmem>>
        %dma_start3A_764 = tpu.memref_squeeze %dma_start3A_763 : memref<1x8x1024xf32, #tpu.memory_space<vmem>> -> memref<8x1024xf32, #tpu.memory_space<vmem>>
        %dma_start3A_765 = arith.constant 0 : i32
        %dma_start3A_766 = tpu.memref_slice %arg3[%add3A_750, %dma_start3A_765] : memref<16384x1024xf32, #tpu.memory_space<hbm>> -> memref<8x1024xf32, #tpu.memory_space<hbm>>
        tpu.enqueue_dma source(%dma_start3A_766 : memref<8x1024xf32, #tpu.memory_space<hbm>>) target(%dma_start3A_764 : memref<8x1024xf32, #tpu.memory_space<vmem>>) target_semaphore(%dma_start3A_760 : memref<!tpu.dma_semaphore, #tpu.memory_space<semaphore_mem>>)
        %dma_start3A_767 = arith.constant 3 : i32
        %dma_start3A_768 = arith.constant 3 : i32
        %dma_start3A_769 = arith.constant 0 : i32
        %dma_start3A_770 = arith.constant 0 : i32
        %dma_start3A_771 = tpu.memref_slice %arg7[%dma_start3A_767, %dma_start3A_769, %dma_start3A_770] : memref<4x8x1024xf32, #tpu.memory_space<vmem>> -> memref<1x8x1024xf32, #tpu.memory_space<vmem>>
        %dma_start3A_772 = tpu.memref_squeeze %dma_start3A_771 : memref<1x8x1024xf32, #tpu.memory_space<vmem>> -> memref<8x1024xf32, #tpu.memory_space<vmem>>
        %dma_start3A_773 = arith.constant 0 : i32
        %dma_start3A_774 = tpu.memref_slice %arg4[%add3A_750, %dma_start3A_773] : memref<16384x1024xf32, #tpu.memory_space<hbm>> -> memref<8x1024xf32, #tpu.memory_space<hbm>>
        %dma_start3A_775 = tpu.memref_slice %arg10[%dma_start3A_768] : memref<4x!tpu.dma_semaphore, #tpu.memory_space<semaphore_mem>> -> memref<1x!tpu.dma_semaphore, #tpu.memory_space<semaphore_mem>>
        %dma_start3A_776 = tpu.memref_squeeze %dma_start3A_775 : memref<1x!tpu.dma_semaphore, #tpu.memory_space<semaphore_mem>> -> memref<!tpu.dma_semaphore, #tpu.memory_space<semaphore_mem>>
        %dma_start3A_777 = arith.constant 0 : i32
        %dma_start3A_778 = arith.constant 0 : i32
        %dma_start3A_779 = tpu.memref_slice %arg7[%dma_start3A_767, %dma_start3A_777, %dma_start3A_778] : memref<4x8x1024xf32, #tpu.memory_space<vmem>> -> memref<1x8x1024xf32, #tpu.memory_space<vmem>>
        %dma_start3A_780 = tpu.memref_squeeze %dma_start3A_779 : memref<1x8x1024xf32, #tpu.memory_space<vmem>> -> memref<8x1024xf32, #tpu.memory_space<vmem>>
        %dma_start3A_781 = arith.constant 0 : i32
        %dma_start3A_782 = tpu.memref_slice %arg4[%add3A_750, %dma_start3A_781] : memref<16384x1024xf32, #tpu.memory_space<hbm>> -> memref<8x1024xf32, #tpu.memory_space<hbm>>
        tpu.enqueue_dma source(%dma_start3A_782 : memref<8x1024xf32, #tpu.memory_space<hbm>>) target(%dma_start3A_780 : memref<8x1024xf32, #tpu.memory_space<vmem>>) target_semaphore(%dma_start3A_776 : memref<!tpu.dma_semaphore, #tpu.memory_space<semaphore_mem>>)
      } else {
      }
      %dma_wait3A_279 = arith.constant 1 : i32
      %dma_wait3A_280 = arith.constant 1 : i32
      %dma_wait3A_281 = arith.constant 0 : i32
      %dma_wait3A_282 = arith.constant 0 : i32
      %dma_wait3A_283 = tpu.memref_slice %arg8[%dma_wait3A_279, %dma_wait3A_281, %dma_wait3A_282] : memref<8x8x1024xf32, #tpu.memory_space<vmem>> -> memref<1x8x1024xf32, #tpu.memory_space<vmem>>
      %dma_wait3A_284 = tpu.memref_squeeze %dma_wait3A_283 : memref<1x8x1024xf32, #tpu.memory_space<vmem>> -> memref<8x1024xf32, #tpu.memory_space<vmem>>
      %dma_wait3A_285 = arith.constant 0 : i32
      %dma_wait3A_286 = tpu.memref_slice %arg3[%mul3A_2, %dma_wait3A_285] : memref<16384x1024xf32, #tpu.memory_space<hbm>> -> memref<8x1024xf32, #tpu.memory_space<hbm>>
      %dma_wait3A_287 = tpu.memref_slice %arg9[%dma_wait3A_280] : memref<8x!tpu.dma_semaphore, #tpu.memory_space<semaphore_mem>> -> memref<1x!tpu.dma_semaphore, #tpu.memory_space<semaphore_mem>>
      %dma_wait3A_288 = tpu.memref_squeeze %dma_wait3A_287 : memref<1x!tpu.dma_semaphore, #tpu.memory_space<semaphore_mem>> -> memref<!tpu.dma_semaphore, #tpu.memory_space<semaphore_mem>>
      %dma_wait3A_289 = arith.constant 0 : i32
      %dma_wait3A_290 = arith.constant 0 : i32
      %dma_wait3A_291 = tpu.memref_slice %arg8[%dma_wait3A_279, %dma_wait3A_289, %dma_wait3A_290] : memref<8x8x1024xf32, #tpu.memory_space<vmem>> -> memref<1x8x1024xf32, #tpu.memory_space<vmem>>
      %dma_wait3A_292 = tpu.memref_squeeze %dma_wait3A_291 : memref<1x8x1024xf32, #tpu.memory_space<vmem>> -> memref<8x1024xf32, #tpu.memory_space<vmem>>
      %dma_wait3A_293 = arith.constant 0 : i32
      %dma_wait3A_294 = tpu.memref_slice %arg3[%mul3A_2, %dma_wait3A_293] : memref<16384x1024xf32, #tpu.memory_space<hbm>> -> memref<8x1024xf32, #tpu.memory_space<hbm>>
      tpu.wait_dma2 semaphore(%dma_wait3A_288 : memref<!tpu.dma_semaphore, #tpu.memory_space<semaphore_mem>>) src(%dma_wait3A_294 : memref<8x1024xf32, #tpu.memory_space<hbm>>) dst(%dma_wait3A_292 : memref<8x1024xf32, #tpu.memory_space<vmem>>)
      %dma_wait3A_295 = arith.constant 1 : i32
      %dma_wait3A_296 = arith.constant 1 : i32
      %dma_wait3A_297 = arith.constant 0 : i32
      %dma_wait3A_298 = arith.constant 0 : i32
      %dma_wait3A_299 = tpu.memref_slice %arg7[%dma_wait3A_295, %dma_wait3A_297, %dma_wait3A_298] : memref<4x8x1024xf32, #tpu.memory_space<vmem>> -> memref<1x8x1024xf32, #tpu.memory_space<vmem>>
      %dma_wait3A_300 = tpu.memref_squeeze %dma_wait3A_299 : memref<1x8x1024xf32, #tpu.memory_space<vmem>> -> memref<8x1024xf32, #tpu.memory_space<vmem>>
      %dma_wait3A_301 = arith.constant 0 : i32
      %dma_wait3A_302 = tpu.memref_slice %arg4[%mul3A_2, %dma_wait3A_301] : memref<16384x1024xf32, #tpu.memory_space<hbm>> -> memref<8x1024xf32, #tpu.memory_space<hbm>>
      %dma_wait3A_303 = tpu.memref_slice %arg10[%dma_wait3A_296] : memref<4x!tpu.dma_semaphore, #tpu.memory_space<semaphore_mem>> -> memref<1x!tpu.dma_semaphore, #tpu.memory_space<semaphore_mem>>
      %dma_wait3A_304 = tpu.memref_squeeze %dma_wait3A_303 : memref<1x!tpu.dma_semaphore, #tpu.memory_space<semaphore_mem>> -> memref<!tpu.dma_semaphore, #tpu.memory_space<semaphore_mem>>
      %dma_wait3A_305 = arith.constant 0 : i32
      %dma_wait3A_306 = arith.constant 0 : i32
      %dma_wait3A_307 = tpu.memref_slice %arg7[%dma_wait3A_295, %dma_wait3A_305, %dma_wait3A_306] : memref<4x8x1024xf32, #tpu.memory_space<vmem>> -> memref<1x8x1024xf32, #tpu.memory_space<vmem>>
      %dma_wait3A_308 = tpu.memref_squeeze %dma_wait3A_307 : memref<1x8x1024xf32, #tpu.memory_space<vmem>> -> memref<8x1024xf32, #tpu.memory_space<vmem>>
      %dma_wait3A_309 = arith.constant 0 : i32
      %dma_wait3A_310 = tpu.memref_slice %arg4[%mul3A_2, %dma_wait3A_309] : memref<16384x1024xf32, #tpu.memory_space<hbm>> -> memref<8x1024xf32, #tpu.memory_space<hbm>>
      tpu.wait_dma2 semaphore(%dma_wait3A_304 : memref<!tpu.dma_semaphore, #tpu.memory_space<semaphore_mem>>) src(%dma_wait3A_310 : memref<8x1024xf32, #tpu.memory_space<hbm>>) dst(%dma_wait3A_308 : memref<8x1024xf32, #tpu.memory_space<vmem>>)
      %scan3A_311 = arith.constant 0 : i32
      %scan3A_312 = arith.constant 0 : i32
      %scan3A_313 = arith.constant 64 : i32
      %scan3A_314 = arith.addi %scan3A_312, %scan3A_313 : i32
      %scan3A_315 = arith.constant 1 : i32
      scf.for %scan3A_744 = %scan3A_312 to %scan3A_314 step %scan3A_315  : i32 {
        %mul3A_745 = arith.constant 16 : i32
        %mul3A_746 = arith.muli %scan3A_744, %mul3A_745 : i32
        %multiple_of3A = tpu.assume_multiple %mul3A_746, 16 : i32
        %get3A = arith.index_cast %multiple_of3A : i32 to index
        %get3A_747 = tpu.vector_load %arg6[%get3A] {strides = array<i32>} : memref<1024xf32, #tpu.memory_space<vmem>>, vector<16xf32>,
        %get3A_748 = vector.shape_cast %get3A_747 : vector<16xf32> to vector<16xf32>
        %ne3A = arith.constant 0.000000e+00 : f32
        %ne3A_749 = vector.broadcast %ne3A : f32 to vector<16xf32>
        %ne3A_750 = arith.cmpf one, %get3A_748, %ne3A_749 : vector<16xf32>
        %get3A_751 = arith.constant 1 : i32
        %get3A_752 = arith.constant 0 : i32
        %get3A_753 = arith.index_cast %get3A_751 : i32 to index
        %get3A_754 = arith.index_cast %get3A_752 : i32 to index
        %get3A_755 = arith.index_cast %multiple_of3A : i32 to index
        %get3A_756 = tpu.vector_load %arg8[%get3A_753, %get3A_754, %get3A_755] {strides = array<i32>} : memref<8x8x1024xf32, #tpu.memory_space<vmem>>, vector<1x1x16xf32>,
        %get3A_757 = vector.shape_cast %get3A_756 : vector<1x1x16xf32> to vector<16xf32>
        %get3A_758 = arith.constant 1 : i32
        %get3A_759 = arith.constant 0 : i32
        %get3A_760 = arith.index_cast %get3A_758 : i32 to index
        %get3A_761 = arith.index_cast %get3A_759 : i32 to index
        %get3A_762 = arith.index_cast %multiple_of3A : i32 to index
        %get3A_763 = tpu.vector_load %arg7[%get3A_760, %get3A_761, %get3A_762] {strides = array<i32>} : memref<4x8x1024xf32, #tpu.memory_space<vmem>>, vector<1x1x16xf32>,
        %get3A_764 = vector.shape_cast %get3A_763 : vector<1x1x16xf32> to vector<16xf32>
        %select_n3A = arith.select %ne3A_750, %get3A_764, %get3A_757 : vector<16xi1>, vector<16xf32>
        %swap3A = arith.constant 1 : i32
        %swap3A_765 = arith.constant 0 : i32
        %swap3A_766 = arith.index_cast %swap3A : i32 to index
        %swap3A_767 = arith.index_cast %swap3A_765 : i32 to index
        %swap3A_768 = arith.index_cast %multiple_of3A : i32 to index
        %swap3A_769 = tpu.vector_load %arg8[%swap3A_766, %swap3A_767, %swap3A_768] {strides = array<i32>} : memref<8x8x1024xf32, #tpu.memory_space<vmem>>, vector<1x1x16xf32>,
        %swap3A_770 = vector.shape_cast %swap3A_769 : vector<1x1x16xf32> to vector<16xf32>
        %swap3A_771 = vector.shape_cast %select_n3A : vector<16xf32> to vector<1x1x16xf32>
        tpu.vector_store %arg8[%swap3A_766, %swap3A_767, %swap3A_768], %swap3A_771 {strides = array<i32>} : memref<8x8x1024xf32, #tpu.memory_space<vmem>>, vector<1x1x16xf32>,
        %get3A_772 = arith.constant 1 : i32
        %get3A_773 = arith.constant 1 : i32
        %get3A_774 = arith.index_cast %get3A_772 : i32 to index
        %get3A_775 = arith.index_cast %get3A_773 : i32 to index
        %get3A_776 = arith.index_cast %multiple_of3A : i32 to index
        %get3A_777 = tpu.vector_load %arg8[%get3A_774, %get3A_775, %get3A_776] {strides = array<i32>} : memref<8x8x1024xf32, #tpu.memory_space<vmem>>, vector<1x1x16xf32>,
        %get3A_778 = vector.shape_cast %get3A_777 : vector<1x1x16xf32> to vector<16xf32>
        %get3A_779 = arith.constant 1 : i32
        %get3A_780 = arith.constant 1 : i32
        %get3A_781 = arith.index_cast %get3A_779 : i32 to index
        %get3A_782 = arith.index_cast %get3A_780 : i32 to index
        %get3A_783 = arith.index_cast %multiple_of3A : i32 to index
        %get3A_784 = tpu.vector_load %arg7[%get3A_781, %get3A_782, %get3A_783] {strides = array<i32>} : memref<4x8x1024xf32, #tpu.memory_space<vmem>>, vector<1x1x16xf32>,
        %get3A_785 = vector.shape_cast %get3A_784 : vector<1x1x16xf32> to vector<16xf32>
        %select_n3A_786 = arith.select %ne3A_750, %get3A_785, %get3A_778 : vector<16xi1>, vector<16xf32>
        %swap3A_787 = arith.constant 1 : i32
        %swap3A_788 = arith.constant 1 : i32
        %swap3A_789 = arith.index_cast %swap3A_787 : i32 to index
        %swap3A_790 = arith.index_cast %swap3A_788 : i32 to index
        %swap3A_791 = arith.index_cast %multiple_of3A : i32 to index
        %swap3A_792 = tpu.vector_load %arg8[%swap3A_789, %swap3A_790, %swap3A_791] {strides = array<i32>} : memref<8x8x1024xf32, #tpu.memory_space<vmem>>, vector<1x1x16xf32>,
        %swap3A_793 = vector.shape_cast %swap3A_792 : vector<1x1x16xf32> to vector<16xf32>
        %swap3A_794 = vector.shape_cast %select_n3A_786 : vector<16xf32> to vector<1x1x16xf32>
        tpu.vector_store %arg8[%swap3A_789, %swap3A_790, %swap3A_791], %swap3A_794 {strides = array<i32>} : memref<8x8x1024xf32, #tpu.memory_space<vmem>>, vector<1x1x16xf32>,
        %get3A_795 = arith.constant 1 : i32
        %get3A_796 = arith.constant 2 : i32
        %get3A_797 = arith.index_cast %get3A_795 : i32 to index
        %get3A_798 = arith.index_cast %get3A_796 : i32 to index
        %get3A_799 = arith.index_cast %multiple_of3A : i32 to index
        %get3A_800 = tpu.vector_load %arg8[%get3A_797, %get3A_798, %get3A_799] {strides = array<i32>} : memref<8x8x1024xf32, #tpu.memory_space<vmem>>, vector<1x1x16xf32>,
        %get3A_801 = vector.shape_cast %get3A_800 : vector<1x1x16xf32> to vector<16xf32>
        %get3A_802 = arith.constant 1 : i32
        %get3A_803 = arith.constant 2 : i32
        %get3A_804 = arith.index_cast %get3A_802 : i32 to index
        %get3A_805 = arith.index_cast %get3A_803 : i32 to index
        %get3A_806 = arith.index_cast %multiple_of3A : i32 to index
        %get3A_807 = tpu.vector_load %arg7[%get3A_804, %get3A_805, %get3A_806] {strides = array<i32>} : memref<4x8x1024xf32, #tpu.memory_space<vmem>>, vector<1x1x16xf32>,
        %get3A_808 = vector.shape_cast %get3A_807 : vector<1x1x16xf32> to vector<16xf32>
        %select_n3A_809 = arith.select %ne3A_750, %get3A_808, %get3A_801 : vector<16xi1>, vector<16xf32>
        %swap3A_810 = arith.constant 1 : i32
        %swap3A_811 = arith.constant 2 : i32
        %swap3A_812 = arith.index_cast %swap3A_810 : i32 to index
        %swap3A_813 = arith.index_cast %swap3A_811 : i32 to index
        %swap3A_814 = arith.index_cast %multiple_of3A : i32 to index
        %swap3A_815 = tpu.vector_load %arg8[%swap3A_812, %swap3A_813, %swap3A_814] {strides = array<i32>} : memref<8x8x1024xf32, #tpu.memory_space<vmem>>, vector<1x1x16xf32>,
        %swap3A_816 = vector.shape_cast %swap3A_815 : vector<1x1x16xf32> to vector<16xf32>
        %swap3A_817 = vector.shape_cast %select_n3A_809 : vector<16xf32> to vector<1x1x16xf32>
        tpu.vector_store %arg8[%swap3A_812, %swap3A_813, %swap3A_814], %swap3A_817 {strides = array<i32>} : memref<8x8x1024xf32, #tpu.memory_space<vmem>>, vector<1x1x16xf32>,
        %get3A_818 = arith.constant 1 : i32
        %get3A_819 = arith.constant 3 : i32
        %get3A_820 = arith.index_cast %get3A_818 : i32 to index
        %get3A_821 = arith.index_cast %get3A_819 : i32 to index
        %get3A_822 = arith.index_cast %multiple_of3A : i32 to index
        %get3A_823 = tpu.vector_load %arg8[%get3A_820, %get3A_821, %get3A_822] {strides = array<i32>} : memref<8x8x1024xf32, #tpu.memory_space<vmem>>, vector<1x1x16xf32>,
        %get3A_824 = vector.shape_cast %get3A_823 : vector<1x1x16xf32> to vector<16xf32>
        %get3A_825 = arith.constant 1 : i32
        %get3A_826 = arith.constant 3 : i32
        %get3A_827 = arith.index_cast %get3A_825 : i32 to index
        %get3A_828 = arith.index_cast %get3A_826 : i32 to index
        %get3A_829 = arith.index_cast %multiple_of3A : i32 to index
        %get3A_830 = tpu.vector_load %arg7[%get3A_827, %get3A_828, %get3A_829] {strides = array<i32>} : memref<4x8x1024xf32, #tpu.memory_space<vmem>>, vector<1x1x16xf32>,
        %get3A_831 = vector.shape_cast %get3A_830 : vector<1x1x16xf32> to vector<16xf32>
        %select_n3A_832 = arith.select %ne3A_750, %get3A_831, %get3A_824 : vector<16xi1>, vector<16xf32>
        %swap3A_833 = arith.constant 1 : i32
        %swap3A_834 = arith.constant 3 : i32
        %swap3A_835 = arith.index_cast %swap3A_833 : i32 to index
        %swap3A_836 = arith.index_cast %swap3A_834 : i32 to index
        %swap3A_837 = arith.index_cast %multiple_of3A : i32 to index
        %swap3A_838 = tpu.vector_load %arg8[%swap3A_835, %swap3A_836, %swap3A_837] {strides = array<i32>} : memref<8x8x1024xf32, #tpu.memory_space<vmem>>, vector<1x1x16xf32>,
        %swap3A_839 = vector.shape_cast %swap3A_838 : vector<1x1x16xf32> to vector<16xf32>
        %swap3A_840 = vector.shape_cast %select_n3A_832 : vector<16xf32> to vector<1x1x16xf32>
        tpu.vector_store %arg8[%swap3A_835, %swap3A_836, %swap3A_837], %swap3A_840 {strides = array<i32>} : memref<8x8x1024xf32, #tpu.memory_space<vmem>>, vector<1x1x16xf32>,
        %get3A_841 = arith.constant 1 : i32
        %get3A_842 = arith.constant 4 : i32
        %get3A_843 = arith.index_cast %get3A_841 : i32 to index
        %get3A_844 = arith.index_cast %get3A_842 : i32 to index
        %get3A_845 = arith.index_cast %multiple_of3A : i32 to index
        %get3A_846 = tpu.vector_load %arg8[%get3A_843, %get3A_844, %get3A_845] {strides = array<i32>} : memref<8x8x1024xf32, #tpu.memory_space<vmem>>, vector<1x1x16xf32>,
        %get3A_847 = vector.shape_cast %get3A_846 : vector<1x1x16xf32> to vector<16xf32>
        %get3A_848 = arith.constant 1 : i32
        %get3A_849 = arith.constant 4 : i32
        %get3A_850 = arith.index_cast %get3A_848 : i32 to index
        %get3A_851 = arith.index_cast %get3A_849 : i32 to index
        %get3A_852 = arith.index_cast %multiple_of3A : i32 to index
        %get3A_853 = tpu.vector_load %arg7[%get3A_850, %get3A_851, %get3A_852] {strides = array<i32>} : memref<4x8x1024xf32, #tpu.memory_space<vmem>>, vector<1x1x16xf32>,
        %get3A_854 = vector.shape_cast %get3A_853 : vector<1x1x16xf32> to vector<16xf32>
        %select_n3A_855 = arith.select %ne3A_750, %get3A_854, %get3A_847 : vector<16xi1>, vector<16xf32>
        %swap3A_856 = arith.constant 1 : i32
        %swap3A_857 = arith.constant 4 : i32
        %swap3A_858 = arith.index_cast %swap3A_856 : i32 to index
        %swap3A_859 = arith.index_cast %swap3A_857 : i32 to index
        %swap3A_860 = arith.index_cast %multiple_of3A : i32 to index
        %swap3A_861 = tpu.vector_load %arg8[%swap3A_858, %swap3A_859, %swap3A_860] {strides = array<i32>} : memref<8x8x1024xf32, #tpu.memory_space<vmem>>, vector<1x1x16xf32>,
        %swap3A_862 = vector.shape_cast %swap3A_861 : vector<1x1x16xf32> to vector<16xf32>
        %swap3A_863 = vector.shape_cast %select_n3A_855 : vector<16xf32> to vector<1x1x16xf32>
        tpu.vector_store %arg8[%swap3A_858, %swap3A_859, %swap3A_860], %swap3A_863 {strides = array<i32>} : memref<8x8x1024xf32, #tpu.memory_space<vmem>>, vector<1x1x16xf32>,
        %get3A_864 = arith.constant 1 : i32
        %get3A_865 = arith.constant 5 : i32
        %get3A_866 = arith.index_cast %get3A_864 : i32 to index
        %get3A_867 = arith.index_cast %get3A_865 : i32 to index
        %get3A_868 = arith.index_cast %multiple_of3A : i32 to index
        %get3A_869 = tpu.vector_load %arg8[%get3A_866, %get3A_867, %get3A_868] {strides = array<i32>} : memref<8x8x1024xf32, #tpu.memory_space<vmem>>, vector<1x1x16xf32>,
        %get3A_870 = vector.shape_cast %get3A_869 : vector<1x1x16xf32> to vector<16xf32>
        %get3A_871 = arith.constant 1 : i32
        %get3A_872 = arith.constant 5 : i32
        %get3A_873 = arith.index_cast %get3A_871 : i32 to index
        %get3A_874 = arith.index_cast %get3A_872 : i32 to index
        %get3A_875 = arith.index_cast %multiple_of3A : i32 to index
        %get3A_876 = tpu.vector_load %arg7[%get3A_873, %get3A_874, %get3A_875] {strides = array<i32>} : memref<4x8x1024xf32, #tpu.memory_space<vmem>>, vector<1x1x16xf32>,
        %get3A_877 = vector.shape_cast %get3A_876 : vector<1x1x16xf32> to vector<16xf32>
        %select_n3A_878 = arith.select %ne3A_750, %get3A_877, %get3A_870 : vector<16xi1>, vector<16xf32>
        %swap3A_879 = arith.constant 1 : i32
        %swap3A_880 = arith.constant 5 : i32
        %swap3A_881 = arith.index_cast %swap3A_879 : i32 to index
        %swap3A_882 = arith.index_cast %swap3A_880 : i32 to index
        %swap3A_883 = arith.index_cast %multiple_of3A : i32 to index
        %swap3A_884 = tpu.vector_load %arg8[%swap3A_881, %swap3A_882, %swap3A_883] {strides = array<i32>} : memref<8x8x1024xf32, #tpu.memory_space<vmem>>, vector<1x1x16xf32>,
        %swap3A_885 = vector.shape_cast %swap3A_884 : vector<1x1x16xf32> to vector<16xf32>
        %swap3A_886 = vector.shape_cast %select_n3A_878 : vector<16xf32> to vector<1x1x16xf32>
        tpu.vector_store %arg8[%swap3A_881, %swap3A_882, %swap3A_883], %swap3A_886 {strides = array<i32>} : memref<8x8x1024xf32, #tpu.memory_space<vmem>>, vector<1x1x16xf32>,
        %get3A_887 = arith.constant 1 : i32
        %get3A_888 = arith.constant 6 : i32
        %get3A_889 = arith.index_cast %get3A_887 : i32 to index
        %get3A_890 = arith.index_cast %get3A_888 : i32 to index
        %get3A_891 = arith.index_cast %multiple_of3A : i32 to index
        %get3A_892 = tpu.vector_load %arg8[%get3A_889, %get3A_890, %get3A_891] {strides = array<i32>} : memref<8x8x1024xf32, #tpu.memory_space<vmem>>, vector<1x1x16xf32>,
        %get3A_893 = vector.shape_cast %get3A_892 : vector<1x1x16xf32> to vector<16xf32>
        %get3A_894 = arith.constant 1 : i32
        %get3A_895 = arith.constant 6 : i32
        %get3A_896 = arith.index_cast %get3A_894 : i32 to index
        %get3A_897 = arith.index_cast %get3A_895 : i32 to index
        %get3A_898 = arith.index_cast %multiple_of3A : i32 to index
        %get3A_899 = tpu.vector_load %arg7[%get3A_896, %get3A_897, %get3A_898] {strides = array<i32>} : memref<4x8x1024xf32, #tpu.memory_space<vmem>>, vector<1x1x16xf32>,
        %get3A_900 = vector.shape_cast %get3A_899 : vector<1x1x16xf32> to vector<16xf32>
        %select_n3A_901 = arith.select %ne3A_750, %get3A_900, %get3A_893 : vector<16xi1>, vector<16xf32>
        %swap3A_902 = arith.constant 1 : i32
        %swap3A_903 = arith.constant 6 : i32
        %swap3A_904 = arith.index_cast %swap3A_902 : i32 to index
        %swap3A_905 = arith.index_cast %swap3A_903 : i32 to index
        %swap3A_906 = arith.index_cast %multiple_of3A : i32 to index
        %swap3A_907 = tpu.vector_load %arg8[%swap3A_904, %swap3A_905, %swap3A_906] {strides = array<i32>} : memref<8x8x1024xf32, #tpu.memory_space<vmem>>, vector<1x1x16xf32>,
        %swap3A_908 = vector.shape_cast %swap3A_907 : vector<1x1x16xf32> to vector<16xf32>
        %swap3A_909 = vector.shape_cast %select_n3A_901 : vector<16xf32> to vector<1x1x16xf32>
        tpu.vector_store %arg8[%swap3A_904, %swap3A_905, %swap3A_906], %swap3A_909 {strides = array<i32>} : memref<8x8x1024xf32, #tpu.memory_space<vmem>>, vector<1x1x16xf32>,
        %get3A_910 = arith.constant 1 : i32
        %get3A_911 = arith.constant 7 : i32
        %get3A_912 = arith.index_cast %get3A_910 : i32 to index
        %get3A_913 = arith.index_cast %get3A_911 : i32 to index
        %get3A_914 = arith.index_cast %multiple_of3A : i32 to index
        %get3A_915 = tpu.vector_load %arg8[%get3A_912, %get3A_913, %get3A_914] {strides = array<i32>} : memref<8x8x1024xf32, #tpu.memory_space<vmem>>, vector<1x1x16xf32>,
        %get3A_916 = vector.shape_cast %get3A_915 : vector<1x1x16xf32> to vector<16xf32>
        %get3A_917 = arith.constant 1 : i32
        %get3A_918 = arith.constant 7 : i32
        %get3A_919 = arith.index_cast %get3A_917 : i32 to index
        %get3A_920 = arith.index_cast %get3A_918 : i32 to index
        %get3A_921 = arith.index_cast %multiple_of3A : i32 to index
        %get3A_922 = tpu.vector_load %arg7[%get3A_919, %get3A_920, %get3A_921] {strides = array<i32>} : memref<4x8x1024xf32, #tpu.memory_space<vmem>>, vector<1x1x16xf32>,
        %get3A_923 = vector.shape_cast %get3A_922 : vector<1x1x16xf32> to vector<16xf32>
        %select_n3A_924 = arith.select %ne3A_750, %get3A_923, %get3A_916 : vector<16xi1>, vector<16xf32>
        %swap3A_925 = arith.constant 1 : i32
        %swap3A_926 = arith.constant 7 : i32
        %swap3A_927 = arith.index_cast %swap3A_925 : i32 to index
        %swap3A_928 = arith.index_cast %swap3A_926 : i32 to index
        %swap3A_929 = arith.index_cast %multiple_of3A : i32 to index
        %swap3A_930 = tpu.vector_load %arg8[%swap3A_927, %swap3A_928, %swap3A_929] {strides = array<i32>} : memref<8x8x1024xf32, #tpu.memory_space<vmem>>, vector<1x1x16xf32>,
        %swap3A_931 = vector.shape_cast %swap3A_930 : vector<1x1x16xf32> to vector<16xf32>
        %swap3A_932 = vector.shape_cast %select_n3A_924 : vector<16xf32> to vector<1x1x16xf32>
        tpu.vector_store %arg8[%swap3A_927, %swap3A_928, %swap3A_929], %swap3A_932 {strides = array<i32>} : memref<8x8x1024xf32, #tpu.memory_space<vmem>>, vector<1x1x16xf32>,
      }
      %scan3A_316 = arith.constant 64 : i32
      %mul3A_317 = arith.constant 8 : i32
      %mul3A_318 = arith.muli %add3A_271, %mul3A_317 : i32
      %add3A_319 = arith.addi %mul3A_2, %mul3A_318 : i32
      %dma_start3A_320 = arith.constant 1 : i32
      %dma_start3A_321 = arith.constant 1 : i32
      %dma_start3A_322 = arith.constant 0 : i32
      %dma_start3A_323 = arith.constant 0 : i32
      %dma_start3A_324 = tpu.memref_slice %arg8[%dma_start3A_320, %dma_start3A_322, %dma_start3A_323] : memref<8x8x1024xf32, #tpu.memory_space<vmem>> -> memref<1x8x1024xf32, #tpu.memory_space<vmem>>
      %dma_start3A_325 = tpu.memref_squeeze %dma_start3A_324 : memref<1x8x1024xf32, #tpu.memory_space<vmem>> -> memref<8x1024xf32, #tpu.memory_space<vmem>>
      %dma_start3A_326 = arith.constant 0 : i32
      %dma_start3A_327 = tpu.memref_slice %arg5[%add3A_319, %dma_start3A_326] : memref<16384x1024xf32, #tpu.memory_space<hbm>> -> memref<8x1024xf32, #tpu.memory_space<hbm>>
      %dma_start3A_328 = tpu.memref_slice %arg11[%dma_start3A_321] : memref<8x!tpu.dma_semaphore, #tpu.memory_space<semaphore_mem>> -> memref<1x!tpu.dma_semaphore, #tpu.memory_space<semaphore_mem>>
      %dma_start3A_329 = tpu.memref_squeeze %dma_start3A_328 : memref<1x!tpu.dma_semaphore, #tpu.memory_space<semaphore_mem>> -> memref<!tpu.dma_semaphore, #tpu.memory_space<semaphore_mem>>
      %dma_start3A_330 = arith.constant 0 : i32
      %dma_start3A_331 = tpu.memref_slice %arg5[%add3A_319, %dma_start3A_330] : memref<16384x1024xf32, #tpu.memory_space<hbm>> -> memref<8x1024xf32, #tpu.memory_space<hbm>>
      %dma_start3A_332 = arith.constant 0 : i32
      %dma_start3A_333 = arith.constant 0 : i32
      %dma_start3A_334 = tpu.memref_slice %arg8[%dma_start3A_320, %dma_start3A_332, %dma_start3A_333] : memref<8x8x1024xf32, #tpu.memory_space<vmem>> -> memref<1x8x1024xf32, #tpu.memory_space<vmem>>
      %dma_start3A_335 = tpu.memref_squeeze %dma_start3A_334 : memref<1x8x1024xf32, #tpu.memory_space<vmem>> -> memref<8x1024xf32, #tpu.memory_space<vmem>>
      tpu.enqueue_dma source(%dma_start3A_335 : memref<8x1024xf32, #tpu.memory_space<vmem>>) target(%dma_start3A_331 : memref<8x1024xf32, #tpu.memory_space<hbm>>) target_semaphore(%dma_start3A_329 : memref<!tpu.dma_semaphore, #tpu.memory_space<semaphore_mem>>)
      %mul3A_336 = arith.constant 8 : i32
      %mul3A_337 = arith.muli %scan3A_202, %mul3A_336 : i32
      %add3A_338 = arith.constant 2 : i32
      %add3A_339 = arith.addi %mul3A_337, %add3A_338 : i32
      %add3A_340 = arith.constant 2 : i32
      %add3A_341 = arith.addi %add3A_339, %add3A_340 : i32
      %lt3A_342 = arith.constant 64 : i32
      %lt3A_343 = arith.cmpi slt, %add3A_341, %lt3A_342 : i32
      %convert_element_type3A_344 = arith.extui %lt3A_343 : i1 to i32
      %cond3A_345 = arith.constant 0 : i32
      %cond3A_346 = arith.cmpi ne, %convert_element_type3A_344, %cond3A_345 : i32
      scf.if %cond3A_346 {
        %ge3A = arith.constant 8 : i32
        %ge3A_744 = arith.cmpi sge, %add3A_341, %ge3A : i32
        %convert_element_type3A_745 = arith.extui %ge3A_744 : i1 to i32
        %cond3A_746 = arith.constant 0 : i32
        %cond3A_747 = arith.cmpi ne, %convert_element_type3A_745, %cond3A_746 : i32
        scf.if %cond3A_747 {
          %dma_wait3A_783 = arith.constant 4 : i32
          %dma_wait3A_784 = arith.constant 4 : i32
          %dma_wait3A_785 = arith.constant 0 : i32
          %dma_wait3A_786 = arith.constant 0 : i32
          %dma_wait3A_787 = tpu.memref_slice %arg8[%dma_wait3A_783, %dma_wait3A_785, %dma_wait3A_786] : memref<8x8x1024xf32, #tpu.memory_space<vmem>> -> memref<1x8x1024xf32, #tpu.memory_space<vmem>>
          %dma_wait3A_788 = tpu.memref_squeeze %dma_wait3A_787 : memref<1x8x1024xf32, #tpu.memory_space<vmem>> -> memref<8x1024xf32, #tpu.memory_space<vmem>>
          %dma_wait3A_789 = arith.constant 0 : i32
          %dma_wait3A_790 = tpu.memref_slice %arg5[%mul3A_2, %dma_wait3A_789] : memref<16384x1024xf32, #tpu.memory_space<hbm>> -> memref<8x1024xf32, #tpu.memory_space<hbm>>
          %dma_wait3A_791 = tpu.memref_slice %arg11[%dma_wait3A_784] : memref<8x!tpu.dma_semaphore, #tpu.memory_space<semaphore_mem>> -> memref<1x!tpu.dma_semaphore, #tpu.memory_space<semaphore_mem>>
          %dma_wait3A_792 = tpu.memref_squeeze %dma_wait3A_791 : memref<1x!tpu.dma_semaphore, #tpu.memory_space<semaphore_mem>> -> memref<!tpu.dma_semaphore, #tpu.memory_space<semaphore_mem>>
          %dma_wait3A_793 = arith.constant 0 : i32
          %dma_wait3A_794 = tpu.memref_slice %arg5[%mul3A_2, %dma_wait3A_793] : memref<16384x1024xf32, #tpu.memory_space<hbm>> -> memref<8x1024xf32, #tpu.memory_space<hbm>>
          %dma_wait3A_795 = arith.constant 0 : i32
          %dma_wait3A_796 = arith.constant 0 : i32
          %dma_wait3A_797 = tpu.memref_slice %arg8[%dma_wait3A_783, %dma_wait3A_795, %dma_wait3A_796] : memref<8x8x1024xf32, #tpu.memory_space<vmem>> -> memref<1x8x1024xf32, #tpu.memory_space<vmem>>
          %dma_wait3A_798 = tpu.memref_squeeze %dma_wait3A_797 : memref<1x8x1024xf32, #tpu.memory_space<vmem>> -> memref<8x1024xf32, #tpu.memory_space<vmem>>
          tpu.wait_dma2 semaphore(%dma_wait3A_792 : memref<!tpu.dma_semaphore, #tpu.memory_space<semaphore_mem>>) src(%dma_wait3A_798 : memref<8x1024xf32, #tpu.memory_space<vmem>>) dst(%dma_wait3A_794 : memref<8x1024xf32, #tpu.memory_space<hbm>>)
        } else {
        }
        %mul3A_748 = arith.constant 8 : i32
        %mul3A_749 = arith.muli %add3A_341, %mul3A_748 : i32
        %add3A_750 = arith.addi %mul3A_2, %mul3A_749 : i32
        %dma_start3A_751 = arith.constant 4 : i32
        %dma_start3A_752 = arith.constant 4 : i32
        %dma_start3A_753 = arith.constant 0 : i32
        %dma_start3A_754 = arith.constant 0 : i32
        %dma_start3A_755 = tpu.memref_slice %arg8[%dma_start3A_751, %dma_start3A_753, %dma_start3A_754] : memref<8x8x1024xf32, #tpu.memory_space<vmem>> -> memref<1x8x1024xf32, #tpu.memory_space<vmem>>
        %dma_start3A_756 = tpu.memref_squeeze %dma_start3A_755 : memref<1x8x1024xf32, #tpu.memory_space<vmem>> -> memref<8x1024xf32, #tpu.memory_space<vmem>>
        %dma_start3A_757 = arith.constant 0 : i32
        %dma_start3A_758 = tpu.memref_slice %arg3[%add3A_750, %dma_start3A_757] : memref<16384x1024xf32, #tpu.memory_space<hbm>> -> memref<8x1024xf32, #tpu.memory_space<hbm>>
        %dma_start3A_759 = tpu.memref_slice %arg9[%dma_start3A_752] : memref<8x!tpu.dma_semaphore, #tpu.memory_space<semaphore_mem>> -> memref<1x!tpu.dma_semaphore, #tpu.memory_space<semaphore_mem>>
        %dma_start3A_760 = tpu.memref_squeeze %dma_start3A_759 : memref<1x!tpu.dma_semaphore, #tpu.memory_space<semaphore_mem>> -> memref<!tpu.dma_semaphore, #tpu.memory_space<semaphore_mem>>
        %dma_start3A_761 = arith.constant 0 : i32
        %dma_start3A_762 = arith.constant 0 : i32
        %dma_start3A_763 = tpu.memref_slice %arg8[%dma_start3A_751, %dma_start3A_761, %dma_start3A_762] : memref<8x8x1024xf32, #tpu.memory_space<vmem>> -> memref<1x8x1024xf32, #tpu.memory_space<vmem>>
        %dma_start3A_764 = tpu.memref_squeeze %dma_start3A_763 : memref<1x8x1024xf32, #tpu.memory_space<vmem>> -> memref<8x1024xf32, #tpu.memory_space<vmem>>
        %dma_start3A_765 = arith.constant 0 : i32
        %dma_start3A_766 = tpu.memref_slice %arg3[%add3A_750, %dma_start3A_765] : memref<16384x1024xf32, #tpu.memory_space<hbm>> -> memref<8x1024xf32, #tpu.memory_space<hbm>>
        tpu.enqueue_dma source(%dma_start3A_766 : memref<8x1024xf32, #tpu.memory_space<hbm>>) target(%dma_start3A_764 : memref<8x1024xf32, #tpu.memory_space<vmem>>) target_semaphore(%dma_start3A_760 : memref<!tpu.dma_semaphore, #tpu.memory_space<semaphore_mem>>)
        %dma_start3A_767 = arith.constant 0 : i32
        %dma_start3A_768 = arith.constant 0 : i32
        %dma_start3A_769 = arith.constant 0 : i32
        %dma_start3A_770 = arith.constant 0 : i32
        %dma_start3A_771 = tpu.memref_slice %arg7[%dma_start3A_767, %dma_start3A_769, %dma_start3A_770] : memref<4x8x1024xf32, #tpu.memory_space<vmem>> -> memref<1x8x1024xf32, #tpu.memory_space<vmem>>
        %dma_start3A_772 = tpu.memref_squeeze %dma_start3A_771 : memref<1x8x1024xf32, #tpu.memory_space<vmem>> -> memref<8x1024xf32, #tpu.memory_space<vmem>>
        %dma_start3A_773 = arith.constant 0 : i32
        %dma_start3A_774 = tpu.memref_slice %arg4[%add3A_750, %dma_start3A_773] : memref<16384x1024xf32, #tpu.memory_space<hbm>> -> memref<8x1024xf32, #tpu.memory_space<hbm>>
        %dma_start3A_775 = tpu.memref_slice %arg10[%dma_start3A_768] : memref<4x!tpu.dma_semaphore, #tpu.memory_space<semaphore_mem>> -> memref<1x!tpu.dma_semaphore, #tpu.memory_space<semaphore_mem>>
        %dma_start3A_776 = tpu.memref_squeeze %dma_start3A_775 : memref<1x!tpu.dma_semaphore, #tpu.memory_space<semaphore_mem>> -> memref<!tpu.dma_semaphore, #tpu.memory_space<semaphore_mem>>
        %dma_start3A_777 = arith.constant 0 : i32
        %dma_start3A_778 = arith.constant 0 : i32
        %dma_start3A_779 = tpu.memref_slice %arg7[%dma_start3A_767, %dma_start3A_777, %dma_start3A_778] : memref<4x8x1024xf32, #tpu.memory_space<vmem>> -> memref<1x8x1024xf32, #tpu.memory_space<vmem>>
        %dma_start3A_780 = tpu.memref_squeeze %dma_start3A_779 : memref<1x8x1024xf32, #tpu.memory_space<vmem>> -> memref<8x1024xf32, #tpu.memory_space<vmem>>
        %dma_start3A_781 = arith.constant 0 : i32
        %dma_start3A_782 = tpu.memref_slice %arg4[%add3A_750, %dma_start3A_781] : memref<16384x1024xf32, #tpu.memory_space<hbm>> -> memref<8x1024xf32, #tpu.memory_space<hbm>>
        tpu.enqueue_dma source(%dma_start3A_782 : memref<8x1024xf32, #tpu.memory_space<hbm>>) target(%dma_start3A_780 : memref<8x1024xf32, #tpu.memory_space<vmem>>) target_semaphore(%dma_start3A_776 : memref<!tpu.dma_semaphore, #tpu.memory_space<semaphore_mem>>)
      } else {
      }
      %dma_wait3A_347 = arith.constant 2 : i32
      %dma_wait3A_348 = arith.constant 2 : i32
      %dma_wait3A_349 = arith.constant 0 : i32
      %dma_wait3A_350 = arith.constant 0 : i32
      %dma_wait3A_351 = tpu.memref_slice %arg8[%dma_wait3A_347, %dma_wait3A_349, %dma_wait3A_350] : memref<8x8x1024xf32, #tpu.memory_space<vmem>> -> memref<1x8x1024xf32, #tpu.memory_space<vmem>>
      %dma_wait3A_352 = tpu.memref_squeeze %dma_wait3A_351 : memref<1x8x1024xf32, #tpu.memory_space<vmem>> -> memref<8x1024xf32, #tpu.memory_space<vmem>>
      %dma_wait3A_353 = arith.constant 0 : i32
      %dma_wait3A_354 = tpu.memref_slice %arg3[%mul3A_2, %dma_wait3A_353] : memref<16384x1024xf32, #tpu.memory_space<hbm>> -> memref<8x1024xf32, #tpu.memory_space<hbm>>
      %dma_wait3A_355 = tpu.memref_slice %arg9[%dma_wait3A_348] : memref<8x!tpu.dma_semaphore, #tpu.memory_space<semaphore_mem>> -> memref<1x!tpu.dma_semaphore, #tpu.memory_space<semaphore_mem>>
      %dma_wait3A_356 = tpu.memref_squeeze %dma_wait3A_355 : memref<1x!tpu.dma_semaphore, #tpu.memory_space<semaphore_mem>> -> memref<!tpu.dma_semaphore, #tpu.memory_space<semaphore_mem>>
      %dma_wait3A_357 = arith.constant 0 : i32
      %dma_wait3A_358 = arith.constant 0 : i32
      %dma_wait3A_359 = tpu.memref_slice %arg8[%dma_wait3A_347, %dma_wait3A_357, %dma_wait3A_358] : memref<8x8x1024xf32, #tpu.memory_space<vmem>> -> memref<1x8x1024xf32, #tpu.memory_space<vmem>>
      %dma_wait3A_360 = tpu.memref_squeeze %dma_wait3A_359 : memref<1x8x1024xf32, #tpu.memory_space<vmem>> -> memref<8x1024xf32, #tpu.memory_space<vmem>>
      %dma_wait3A_361 = arith.constant 0 : i32
      %dma_wait3A_362 = tpu.memref_slice %arg3[%mul3A_2, %dma_wait3A_361] : memref<16384x1024xf32, #tpu.memory_space<hbm>> -> memref<8x1024xf32, #tpu.memory_space<hbm>>
      tpu.wait_dma2 semaphore(%dma_wait3A_356 : memref<!tpu.dma_semaphore, #tpu.memory_space<semaphore_mem>>) src(%dma_wait3A_362 : memref<8x1024xf32, #tpu.memory_space<hbm>>) dst(%dma_wait3A_360 : memref<8x1024xf32, #tpu.memory_space<vmem>>)
      %dma_wait3A_363 = arith.constant 2 : i32
      %dma_wait3A_364 = arith.constant 2 : i32
      %dma_wait3A_365 = arith.constant 0 : i32
      %dma_wait3A_366 = arith.constant 0 : i32
      %dma_wait3A_367 = tpu.memref_slice %arg7[%dma_wait3A_363, %dma_wait3A_365, %dma_wait3A_366] : memref<4x8x1024xf32, #tpu.memory_space<vmem>> -> memref<1x8x1024xf32, #tpu.memory_space<vmem>>
      %dma_wait3A_368 = tpu.memref_squeeze %dma_wait3A_367 : memref<1x8x1024xf32, #tpu.memory_space<vmem>> -> memref<8x1024xf32, #tpu.memory_space<vmem>>
      %dma_wait3A_369 = arith.constant 0 : i32
      %dma_wait3A_370 = tpu.memref_slice %arg4[%mul3A_2, %dma_wait3A_369] : memref<16384x1024xf32, #tpu.memory_space<hbm>> -> memref<8x1024xf32, #tpu.memory_space<hbm>>
      %dma_wait3A_371 = tpu.memref_slice %arg10[%dma_wait3A_364] : memref<4x!tpu.dma_semaphore, #tpu.memory_space<semaphore_mem>> -> memref<1x!tpu.dma_semaphore, #tpu.memory_space<semaphore_mem>>
      %dma_wait3A_372 = tpu.memref_squeeze %dma_wait3A_371 : memref<1x!tpu.dma_semaphore, #tpu.memory_space<semaphore_mem>> -> memref<!tpu.dma_semaphore, #tpu.memory_space<semaphore_mem>>
      %dma_wait3A_373 = arith.constant 0 : i32
      %dma_wait3A_374 = arith.constant 0 : i32
      %dma_wait3A_375 = tpu.memref_slice %arg7[%dma_wait3A_363, %dma_wait3A_373, %dma_wait3A_374] : memref<4x8x1024xf32, #tpu.memory_space<vmem>> -> memref<1x8x1024xf32, #tpu.memory_space<vmem>>
      %dma_wait3A_376 = tpu.memref_squeeze %dma_wait3A_375 : memref<1x8x1024xf32, #tpu.memory_space<vmem>> -> memref<8x1024xf32, #tpu.memory_space<vmem>>
      %dma_wait3A_377 = arith.constant 0 : i32
      %dma_wait3A_378 = tpu.memref_slice %arg4[%mul3A_2, %dma_wait3A_377] : memref<16384x1024xf32, #tpu.memory_space<hbm>> -> memref<8x1024xf32, #tpu.memory_space<hbm>>
      tpu.wait_dma2 semaphore(%dma_wait3A_372 : memref<!tpu.dma_semaphore, #tpu.memory_space<semaphore_mem>>) src(%dma_wait3A_378 : memref<8x1024xf32, #tpu.memory_space<hbm>>) dst(%dma_wait3A_376 : memref<8x1024xf32, #tpu.memory_space<vmem>>)
      %scan3A_379 = arith.constant 0 : i32
      %scan3A_380 = arith.constant 0 : i32
      %scan3A_381 = arith.constant 64 : i32
      %scan3A_382 = arith.addi %scan3A_380, %scan3A_381 : i32
      %scan3A_383 = arith.constant 1 : i32
      scf.for %scan3A_744 = %scan3A_380 to %scan3A_382 step %scan3A_383  : i32 {
        %mul3A_745 = arith.constant 16 : i32
        %mul3A_746 = arith.muli %scan3A_744, %mul3A_745 : i32
        %multiple_of3A = tpu.assume_multiple %mul3A_746, 16 : i32
        %get3A = arith.index_cast %multiple_of3A : i32 to index
        %get3A_747 = tpu.vector_load %arg6[%get3A] {strides = array<i32>} : memref<1024xf32, #tpu.memory_space<vmem>>, vector<16xf32>,
        %get3A_748 = vector.shape_cast %get3A_747 : vector<16xf32> to vector<16xf32>
        %ne3A = arith.constant 0.000000e+00 : f32
        %ne3A_749 = vector.broadcast %ne3A : f32 to vector<16xf32>
        %ne3A_750 = arith.cmpf one, %get3A_748, %ne3A_749 : vector<16xf32>
        %get3A_751 = arith.constant 2 : i32
        %get3A_752 = arith.constant 0 : i32
        %get3A_753 = arith.index_cast %get3A_751 : i32 to index
        %get3A_754 = arith.index_cast %get3A_752 : i32 to index
        %get3A_755 = arith.index_cast %multiple_of3A : i32 to index
        %get3A_756 = tpu.vector_load %arg8[%get3A_753, %get3A_754, %get3A_755] {strides = array<i32>} : memref<8x8x1024xf32, #tpu.memory_space<vmem>>, vector<1x1x16xf32>,
        %get3A_757 = vector.shape_cast %get3A_756 : vector<1x1x16xf32> to vector<16xf32>
        %get3A_758 = arith.constant 2 : i32
        %get3A_759 = arith.constant 0 : i32
        %get3A_760 = arith.index_cast %get3A_758 : i32 to index
        %get3A_761 = arith.index_cast %get3A_759 : i32 to index
        %get3A_762 = arith.index_cast %multiple_of3A : i32 to index
        %get3A_763 = tpu.vector_load %arg7[%get3A_760, %get3A_761, %get3A_762] {strides = array<i32>} : memref<4x8x1024xf32, #tpu.memory_space<vmem>>, vector<1x1x16xf32>,
        %get3A_764 = vector.shape_cast %get3A_763 : vector<1x1x16xf32> to vector<16xf32>
        %select_n3A = arith.select %ne3A_750, %get3A_764, %get3A_757 : vector<16xi1>, vector<16xf32>
        %swap3A = arith.constant 2 : i32
        %swap3A_765 = arith.constant 0 : i32
        %swap3A_766 = arith.index_cast %swap3A : i32 to index
        %swap3A_767 = arith.index_cast %swap3A_765 : i32 to index
        %swap3A_768 = arith.index_cast %multiple_of3A : i32 to index
        %swap3A_769 = tpu.vector_load %arg8[%swap3A_766, %swap3A_767, %swap3A_768] {strides = array<i32>} : memref<8x8x1024xf32, #tpu.memory_space<vmem>>, vector<1x1x16xf32>,
        %swap3A_770 = vector.shape_cast %swap3A_769 : vector<1x1x16xf32> to vector<16xf32>
        %swap3A_771 = vector.shape_cast %select_n3A : vector<16xf32> to vector<1x1x16xf32>
        tpu.vector_store %arg8[%swap3A_766, %swap3A_767, %swap3A_768], %swap3A_771 {strides = array<i32>} : memref<8x8x1024xf32, #tpu.memory_space<vmem>>, vector<1x1x16xf32>,
        %get3A_772 = arith.constant 2 : i32
        %get3A_773 = arith.constant 1 : i32
        %get3A_774 = arith.index_cast %get3A_772 : i32 to index
        %get3A_775 = arith.index_cast %get3A_773 : i32 to index
        %get3A_776 = arith.index_cast %multiple_of3A : i32 to index
        %get3A_777 = tpu.vector_load %arg8[%get3A_774, %get3A_775, %get3A_776] {strides = array<i32>} : memref<8x8x1024xf32, #tpu.memory_space<vmem>>, vector<1x1x16xf32>,
        %get3A_778 = vector.shape_cast %get3A_777 : vector<1x1x16xf32> to vector<16xf32>
        %get3A_779 = arith.constant 2 : i32
        %get3A_780 = arith.constant 1 : i32
        %get3A_781 = arith.index_cast %get3A_779 : i32 to index
        %get3A_782 = arith.index_cast %get3A_780 : i32 to index
        %get3A_783 = arith.index_cast %multiple_of3A : i32 to index
        %get3A_784 = tpu.vector_load %arg7[%get3A_781, %get3A_782, %get3A_783] {strides = array<i32>} : memref<4x8x1024xf32, #tpu.memory_space<vmem>>, vector<1x1x16xf32>,
        %get3A_785 = vector.shape_cast %get3A_784 : vector<1x1x16xf32> to vector<16xf32>
        %select_n3A_786 = arith.select %ne3A_750, %get3A_785, %get3A_778 : vector<16xi1>, vector<16xf32>
        %swap3A_787 = arith.constant 2 : i32
        %swap3A_788 = arith.constant 1 : i32
        %swap3A_789 = arith.index_cast %swap3A_787 : i32 to index
        %swap3A_790 = arith.index_cast %swap3A_788 : i32 to index
        %swap3A_791 = arith.index_cast %multiple_of3A : i32 to index
        %swap3A_792 = tpu.vector_load %arg8[%swap3A_789, %swap3A_790, %swap3A_791] {strides = array<i32>} : memref<8x8x1024xf32, #tpu.memory_space<vmem>>, vector<1x1x16xf32>,
        %swap3A_793 = vector.shape_cast %swap3A_792 : vector<1x1x16xf32> to vector<16xf32>
        %swap3A_794 = vector.shape_cast %select_n3A_786 : vector<16xf32> to vector<1x1x16xf32>
        tpu.vector_store %arg8[%swap3A_789, %swap3A_790, %swap3A_791], %swap3A_794 {strides = array<i32>} : memref<8x8x1024xf32, #tpu.memory_space<vmem>>, vector<1x1x16xf32>,
        %get3A_795 = arith.constant 2 : i32
        %get3A_796 = arith.constant 2 : i32
        %get3A_797 = arith.index_cast %get3A_795 : i32 to index
        %get3A_798 = arith.index_cast %get3A_796 : i32 to index
        %get3A_799 = arith.index_cast %multiple_of3A : i32 to index
        %get3A_800 = tpu.vector_load %arg8[%get3A_797, %get3A_798, %get3A_799] {strides = array<i32>} : memref<8x8x1024xf32, #tpu.memory_space<vmem>>, vector<1x1x16xf32>,
        %get3A_801 = vector.shape_cast %get3A_800 : vector<1x1x16xf32> to vector<16xf32>
        %get3A_802 = arith.constant 2 : i32
        %get3A_803 = arith.constant 2 : i32
        %get3A_804 = arith.index_cast %get3A_802 : i32 to index
        %get3A_805 = arith.index_cast %get3A_803 : i32 to index
        %get3A_806 = arith.index_cast %multiple_of3A : i32 to index
        %get3A_807 = tpu.vector_load %arg7[%get3A_804, %get3A_805, %get3A_806] {strides = array<i32>} : memref<4x8x1024xf32, #tpu.memory_space<vmem>>, vector<1x1x16xf32>,
        %get3A_808 = vector.shape_cast %get3A_807 : vector<1x1x16xf32> to vector<16xf32>
        %select_n3A_809 = arith.select %ne3A_750, %get3A_808, %get3A_801 : vector<16xi1>, vector<16xf32>
        %swap3A_810 = arith.constant 2 : i32
        %swap3A_811 = arith.constant 2 : i32
        %swap3A_812 = arith.index_cast %swap3A_810 : i32 to index
        %swap3A_813 = arith.index_cast %swap3A_811 : i32 to index
        %swap3A_814 = arith.index_cast %multiple_of3A : i32 to index
        %swap3A_815 = tpu.vector_load %arg8[%swap3A_812, %swap3A_813, %swap3A_814] {strides = array<i32>} : memref<8x8x1024xf32, #tpu.memory_space<vmem>>, vector<1x1x16xf32>,
        %swap3A_816 = vector.shape_cast %swap3A_815 : vector<1x1x16xf32> to vector<16xf32>
        %swap3A_817 = vector.shape_cast %select_n3A_809 : vector<16xf32> to vector<1x1x16xf32>
        tpu.vector_store %arg8[%swap3A_812, %swap3A_813, %swap3A_814], %swap3A_817 {strides = array<i32>} : memref<8x8x1024xf32, #tpu.memory_space<vmem>>, vector<1x1x16xf32>,
        %get3A_818 = arith.constant 2 : i32
        %get3A_819 = arith.constant 3 : i32
        %get3A_820 = arith.index_cast %get3A_818 : i32 to index
        %get3A_821 = arith.index_cast %get3A_819 : i32 to index
        %get3A_822 = arith.index_cast %multiple_of3A : i32 to index
        %get3A_823 = tpu.vector_load %arg8[%get3A_820, %get3A_821, %get3A_822] {strides = array<i32>} : memref<8x8x1024xf32, #tpu.memory_space<vmem>>, vector<1x1x16xf32>,
        %get3A_824 = vector.shape_cast %get3A_823 : vector<1x1x16xf32> to vector<16xf32>
        %get3A_825 = arith.constant 2 : i32
        %get3A_826 = arith.constant 3 : i32
        %get3A_827 = arith.index_cast %get3A_825 : i32 to index
        %get3A_828 = arith.index_cast %get3A_826 : i32 to index
        %get3A_829 = arith.index_cast %multiple_of3A : i32 to index
        %get3A_830 = tpu.vector_load %arg7[%get3A_827, %get3A_828, %get3A_829] {strides = array<i32>} : memref<4x8x1024xf32, #tpu.memory_space<vmem>>, vector<1x1x16xf32>,
        %get3A_831 = vector.shape_cast %get3A_830 : vector<1x1x16xf32> to vector<16xf32>
        %select_n3A_832 = arith.select %ne3A_750, %get3A_831, %get3A_824 : vector<16xi1>, vector<16xf32>
        %swap3A_833 = arith.constant 2 : i32
        %swap3A_834 = arith.constant 3 : i32
        %swap3A_835 = arith.index_cast %swap3A_833 : i32 to index
        %swap3A_836 = arith.index_cast %swap3A_834 : i32 to index
        %swap3A_837 = arith.index_cast %multiple_of3A : i32 to index
        %swap3A_838 = tpu.vector_load %arg8[%swap3A_835, %swap3A_836, %swap3A_837] {strides = array<i32>} : memref<8x8x1024xf32, #tpu.memory_space<vmem>>, vector<1x1x16xf32>,
        %swap3A_839 = vector.shape_cast %swap3A_838 : vector<1x1x16xf32> to vector<16xf32>
        %swap3A_840 = vector.shape_cast %select_n3A_832 : vector<16xf32> to vector<1x1x16xf32>
        tpu.vector_store %arg8[%swap3A_835, %swap3A_836, %swap3A_837], %swap3A_840 {strides = array<i32>} : memref<8x8x1024xf32, #tpu.memory_space<vmem>>, vector<1x1x16xf32>,
        %get3A_841 = arith.constant 2 : i32
        %get3A_842 = arith.constant 4 : i32
        %get3A_843 = arith.index_cast %get3A_841 : i32 to index
        %get3A_844 = arith.index_cast %get3A_842 : i32 to index
        %get3A_845 = arith.index_cast %multiple_of3A : i32 to index
        %get3A_846 = tpu.vector_load %arg8[%get3A_843, %get3A_844, %get3A_845] {strides = array<i32>} : memref<8x8x1024xf32, #tpu.memory_space<vmem>>, vector<1x1x16xf32>,
        %get3A_847 = vector.shape_cast %get3A_846 : vector<1x1x16xf32> to vector<16xf32>
        %get3A_848 = arith.constant 2 : i32
        %get3A_849 = arith.constant 4 : i32
        %get3A_850 = arith.index_cast %get3A_848 : i32 to index
        %get3A_851 = arith.index_cast %get3A_849 : i32 to index
        %get3A_852 = arith.index_cast %multiple_of3A : i32 to index
        %get3A_853 = tpu.vector_load %arg7[%get3A_850, %get3A_851, %get3A_852] {strides = array<i32>} : memref<4x8x1024xf32, #tpu.memory_space<vmem>>, vector<1x1x16xf32>,
        %get3A_854 = vector.shape_cast %get3A_853 : vector<1x1x16xf32> to vector<16xf32>
        %select_n3A_855 = arith.select %ne3A_750, %get3A_854, %get3A_847 : vector<16xi1>, vector<16xf32>
        %swap3A_856 = arith.constant 2 : i32
        %swap3A_857 = arith.constant 4 : i32
        %swap3A_858 = arith.index_cast %swap3A_856 : i32 to index
        %swap3A_859 = arith.index_cast %swap3A_857 : i32 to index
        %swap3A_860 = arith.index_cast %multiple_of3A : i32 to index
        %swap3A_861 = tpu.vector_load %arg8[%swap3A_858, %swap3A_859, %swap3A_860] {strides = array<i32>} : memref<8x8x1024xf32, #tpu.memory_space<vmem>>, vector<1x1x16xf32>,
        %swap3A_862 = vector.shape_cast %swap3A_861 : vector<1x1x16xf32> to vector<16xf32>
        %swap3A_863 = vector.shape_cast %select_n3A_855 : vector<16xf32> to vector<1x1x16xf32>
        tpu.vector_store %arg8[%swap3A_858, %swap3A_859, %swap3A_860], %swap3A_863 {strides = array<i32>} : memref<8x8x1024xf32, #tpu.memory_space<vmem>>, vector<1x1x16xf32>,
        %get3A_864 = arith.constant 2 : i32
        %get3A_865 = arith.constant 5 : i32
        %get3A_866 = arith.index_cast %get3A_864 : i32 to index
        %get3A_867 = arith.index_cast %get3A_865 : i32 to index
        %get3A_868 = arith.index_cast %multiple_of3A : i32 to index
        %get3A_869 = tpu.vector_load %arg8[%get3A_866, %get3A_867, %get3A_868] {strides = array<i32>} : memref<8x8x1024xf32, #tpu.memory_space<vmem>>, vector<1x1x16xf32>,
        %get3A_870 = vector.shape_cast %get3A_869 : vector<1x1x16xf32> to vector<16xf32>
        %get3A_871 = arith.constant 2 : i32
        %get3A_872 = arith.constant 5 : i32
        %get3A_873 = arith.index_cast %get3A_871 : i32 to index
        %get3A_874 = arith.index_cast %get3A_872 : i32 to index
        %get3A_875 = arith.index_cast %multiple_of3A : i32 to index
        %get3A_876 = tpu.vector_load %arg7[%get3A_873, %get3A_874, %get3A_875] {strides = array<i32>} : memref<4x8x1024xf32, #tpu.memory_space<vmem>>, vector<1x1x16xf32>,
        %get3A_877 = vector.shape_cast %get3A_876 : vector<1x1x16xf32> to vector<16xf32>
        %select_n3A_878 = arith.select %ne3A_750, %get3A_877, %get3A_870 : vector<16xi1>, vector<16xf32>
        %swap3A_879 = arith.constant 2 : i32
        %swap3A_880 = arith.constant 5 : i32
        %swap3A_881 = arith.index_cast %swap3A_879 : i32 to index
        %swap3A_882 = arith.index_cast %swap3A_880 : i32 to index
        %swap3A_883 = arith.index_cast %multiple_of3A : i32 to index
        %swap3A_884 = tpu.vector_load %arg8[%swap3A_881, %swap3A_882, %swap3A_883] {strides = array<i32>} : memref<8x8x1024xf32, #tpu.memory_space<vmem>>, vector<1x1x16xf32>,
        %swap3A_885 = vector.shape_cast %swap3A_884 : vector<1x1x16xf32> to vector<16xf32>
        %swap3A_886 = vector.shape_cast %select_n3A_878 : vector<16xf32> to vector<1x1x16xf32>
        tpu.vector_store %arg8[%swap3A_881, %swap3A_882, %swap3A_883], %swap3A_886 {strides = array<i32>} : memref<8x8x1024xf32, #tpu.memory_space<vmem>>, vector<1x1x16xf32>,
        %get3A_887 = arith.constant 2 : i32
        %get3A_888 = arith.constant 6 : i32
        %get3A_889 = arith.index_cast %get3A_887 : i32 to index
        %get3A_890 = arith.index_cast %get3A_888 : i32 to index
        %get3A_891 = arith.index_cast %multiple_of3A : i32 to index
        %get3A_892 = tpu.vector_load %arg8[%get3A_889, %get3A_890, %get3A_891] {strides = array<i32>} : memref<8x8x1024xf32, #tpu.memory_space<vmem>>, vector<1x1x16xf32>,
        %get3A_893 = vector.shape_cast %get3A_892 : vector<1x1x16xf32> to vector<16xf32>
        %get3A_894 = arith.constant 2 : i32
        %get3A_895 = arith.constant 6 : i32
        %get3A_896 = arith.index_cast %get3A_894 : i32 to index
        %get3A_897 = arith.index_cast %get3A_895 : i32 to index
        %get3A_898 = arith.index_cast %multiple_of3A : i32 to index
        %get3A_899 = tpu.vector_load %arg7[%get3A_896, %get3A_897, %get3A_898] {strides = array<i32>} : memref<4x8x1024xf32, #tpu.memory_space<vmem>>, vector<1x1x16xf32>,
        %get3A_900 = vector.shape_cast %get3A_899 : vector<1x1x16xf32> to vector<16xf32>
        %select_n3A_901 = arith.select %ne3A_750, %get3A_900, %get3A_893 : vector<16xi1>, vector<16xf32>
        %swap3A_902 = arith.constant 2 : i32
        %swap3A_903 = arith.constant 6 : i32
        %swap3A_904 = arith.index_cast %swap3A_902 : i32 to index
        %swap3A_905 = arith.index_cast %swap3A_903 : i32 to index
        %swap3A_906 = arith.index_cast %multiple_of3A : i32 to index
        %swap3A_907 = tpu.vector_load %arg8[%swap3A_904, %swap3A_905, %swap3A_906] {strides = array<i32>} : memref<8x8x1024xf32, #tpu.memory_space<vmem>>, vector<1x1x16xf32>,
        %swap3A_908 = vector.shape_cast %swap3A_907 : vector<1x1x16xf32> to vector<16xf32>
        %swap3A_909 = vector.shape_cast %select_n3A_901 : vector<16xf32> to vector<1x1x16xf32>
        tpu.vector_store %arg8[%swap3A_904, %swap3A_905, %swap3A_906], %swap3A_909 {strides = array<i32>} : memref<8x8x1024xf32, #tpu.memory_space<vmem>>, vector<1x1x16xf32>,
        %get3A_910 = arith.constant 2 : i32
        %get3A_911 = arith.constant 7 : i32
        %get3A_912 = arith.index_cast %get3A_910 : i32 to index
        %get3A_913 = arith.index_cast %get3A_911 : i32 to index
        %get3A_914 = arith.index_cast %multiple_of3A : i32 to index
        %get3A_915 = tpu.vector_load %arg8[%get3A_912, %get3A_913, %get3A_914] {strides = array<i32>} : memref<8x8x1024xf32, #tpu.memory_space<vmem>>, vector<1x1x16xf32>,
        %get3A_916 = vector.shape_cast %get3A_915 : vector<1x1x16xf32> to vector<16xf32>
        %get3A_917 = arith.constant 2 : i32
        %get3A_918 = arith.constant 7 : i32
        %get3A_919 = arith.index_cast %get3A_917 : i32 to index
        %get3A_920 = arith.index_cast %get3A_918 : i32 to index
        %get3A_921 = arith.index_cast %multiple_of3A : i32 to index
        %get3A_922 = tpu.vector_load %arg7[%get3A_919, %get3A_920, %get3A_921] {strides = array<i32>} : memref<4x8x1024xf32, #tpu.memory_space<vmem>>, vector<1x1x16xf32>,
        %get3A_923 = vector.shape_cast %get3A_922 : vector<1x1x16xf32> to vector<16xf32>
        %select_n3A_924 = arith.select %ne3A_750, %get3A_923, %get3A_916 : vector<16xi1>, vector<16xf32>
        %swap3A_925 = arith.constant 2 : i32
        %swap3A_926 = arith.constant 7 : i32
        %swap3A_927 = arith.index_cast %swap3A_925 : i32 to index
        %swap3A_928 = arith.index_cast %swap3A_926 : i32 to index
        %swap3A_929 = arith.index_cast %multiple_of3A : i32 to index
        %swap3A_930 = tpu.vector_load %arg8[%swap3A_927, %swap3A_928, %swap3A_929] {strides = array<i32>} : memref<8x8x1024xf32, #tpu.memory_space<vmem>>, vector<1x1x16xf32>,
        %swap3A_931 = vector.shape_cast %swap3A_930 : vector<1x1x16xf32> to vector<16xf32>
        %swap3A_932 = vector.shape_cast %select_n3A_924 : vector<16xf32> to vector<1x1x16xf32>
        tpu.vector_store %arg8[%swap3A_927, %swap3A_928, %swap3A_929], %swap3A_932 {strides = array<i32>} : memref<8x8x1024xf32, #tpu.memory_space<vmem>>, vector<1x1x16xf32>,
      }
      %scan3A_384 = arith.constant 64 : i32
      %mul3A_385 = arith.constant 8 : i32
      %mul3A_386 = arith.muli %add3A_339, %mul3A_385 : i32
      %add3A_387 = arith.addi %mul3A_2, %mul3A_386 : i32
      %dma_start3A_388 = arith.constant 2 : i32
      %dma_start3A_389 = arith.constant 2 : i32
      %dma_start3A_390 = arith.constant 0 : i32
      %dma_start3A_391 = arith.constant 0 : i32
      %dma_start3A_392 = tpu.memref_slice %arg8[%dma_start3A_388, %dma_start3A_390, %dma_start3A_391] : memref<8x8x1024xf32, #tpu.memory_space<vmem>> -> memref<1x8x1024xf32, #tpu.memory_space<vmem>>
      %dma_start3A_393 = tpu.memref_squeeze %dma_start3A_392 : memref<1x8x1024xf32, #tpu.memory_space<vmem>> -> memref<8x1024xf32, #tpu.memory_space<vmem>>
      %dma_start3A_394 = arith.constant 0 : i32
      %dma_start3A_395 = tpu.memref_slice %arg5[%add3A_387, %dma_start3A_394] : memref<16384x1024xf32, #tpu.memory_space<hbm>> -> memref<8x1024xf32, #tpu.memory_space<hbm>>
      %dma_start3A_396 = tpu.memref_slice %arg11[%dma_start3A_389] : memref<8x!tpu.dma_semaphore, #tpu.memory_space<semaphore_mem>> -> memref<1x!tpu.dma_semaphore, #tpu.memory_space<semaphore_mem>>
      %dma_start3A_397 = tpu.memref_squeeze %dma_start3A_396 : memref<1x!tpu.dma_semaphore, #tpu.memory_space<semaphore_mem>> -> memref<!tpu.dma_semaphore, #tpu.memory_space<semaphore_mem>>
      %dma_start3A_398 = arith.constant 0 : i32
      %dma_start3A_399 = tpu.memref_slice %arg5[%add3A_387, %dma_start3A_398] : memref<16384x1024xf32, #tpu.memory_space<hbm>> -> memref<8x1024xf32, #tpu.memory_space<hbm>>
      %dma_start3A_400 = arith.constant 0 : i32
      %dma_start3A_401 = arith.constant 0 : i32
      %dma_start3A_402 = tpu.memref_slice %arg8[%dma_start3A_388, %dma_start3A_400, %dma_start3A_401] : memref<8x8x1024xf32, #tpu.memory_space<vmem>> -> memref<1x8x1024xf32, #tpu.memory_space<vmem>>
      %dma_start3A_403 = tpu.memref_squeeze %dma_start3A_402 : memref<1x8x1024xf32, #tpu.memory_space<vmem>> -> memref<8x1024xf32, #tpu.memory_space<vmem>>
      tpu.enqueue_dma source(%dma_start3A_403 : memref<8x1024xf32, #tpu.memory_space<vmem>>) target(%dma_start3A_399 : memref<8x1024xf32, #tpu.memory_space<hbm>>) target_semaphore(%dma_start3A_397 : memref<!tpu.dma_semaphore, #tpu.memory_space<semaphore_mem>>)
      %mul3A_404 = arith.constant 8 : i32
      %mul3A_405 = arith.muli %scan3A_202, %mul3A_404 : i32
      %add3A_406 = arith.constant 3 : i32
      %add3A_407 = arith.addi %mul3A_405, %add3A_406 : i32
      %add3A_408 = arith.constant 2 : i32
      %add3A_409 = arith.addi %add3A_407, %add3A_408 : i32
      %lt3A_410 = arith.constant 64 : i32
      %lt3A_411 = arith.cmpi slt, %add3A_409, %lt3A_410 : i32
      %convert_element_type3A_412 = arith.extui %lt3A_411 : i1 to i32
      %cond3A_413 = arith.constant 0 : i32
      %cond3A_414 = arith.cmpi ne, %convert_element_type3A_412, %cond3A_413 : i32
      scf.if %cond3A_414 {
        %ge3A = arith.constant 8 : i32
        %ge3A_744 = arith.cmpi sge, %add3A_409, %ge3A : i32
        %convert_element_type3A_745 = arith.extui %ge3A_744 : i1 to i32
        %cond3A_746 = arith.constant 0 : i32
        %cond3A_747 = arith.cmpi ne, %convert_element_type3A_745, %cond3A_746 : i32
        scf.if %cond3A_747 {
          %dma_wait3A_783 = arith.constant 5 : i32
          %dma_wait3A_784 = arith.constant 5 : i32
          %dma_wait3A_785 = arith.constant 0 : i32
          %dma_wait3A_786 = arith.constant 0 : i32
          %dma_wait3A_787 = tpu.memref_slice %arg8[%dma_wait3A_783, %dma_wait3A_785, %dma_wait3A_786] : memref<8x8x1024xf32, #tpu.memory_space<vmem>> -> memref<1x8x1024xf32, #tpu.memory_space<vmem>>
          %dma_wait3A_788 = tpu.memref_squeeze %dma_wait3A_787 : memref<1x8x1024xf32, #tpu.memory_space<vmem>> -> memref<8x1024xf32, #tpu.memory_space<vmem>>
          %dma_wait3A_789 = arith.constant 0 : i32
          %dma_wait3A_790 = tpu.memref_slice %arg5[%mul3A_2, %dma_wait3A_789] : memref<16384x1024xf32, #tpu.memory_space<hbm>> -> memref<8x1024xf32, #tpu.memory_space<hbm>>
          %dma_wait3A_791 = tpu.memref_slice %arg11[%dma_wait3A_784] : memref<8x!tpu.dma_semaphore, #tpu.memory_space<semaphore_mem>> -> memref<1x!tpu.dma_semaphore, #tpu.memory_space<semaphore_mem>>
          %dma_wait3A_792 = tpu.memref_squeeze %dma_wait3A_791 : memref<1x!tpu.dma_semaphore, #tpu.memory_space<semaphore_mem>> -> memref<!tpu.dma_semaphore, #tpu.memory_space<semaphore_mem>>
          %dma_wait3A_793 = arith.constant 0 : i32
          %dma_wait3A_794 = tpu.memref_slice %arg5[%mul3A_2, %dma_wait3A_793] : memref<16384x1024xf32, #tpu.memory_space<hbm>> -> memref<8x1024xf32, #tpu.memory_space<hbm>>
          %dma_wait3A_795 = arith.constant 0 : i32
          %dma_wait3A_796 = arith.constant 0 : i32
          %dma_wait3A_797 = tpu.memref_slice %arg8[%dma_wait3A_783, %dma_wait3A_795, %dma_wait3A_796] : memref<8x8x1024xf32, #tpu.memory_space<vmem>> -> memref<1x8x1024xf32, #tpu.memory_space<vmem>>
          %dma_wait3A_798 = tpu.memref_squeeze %dma_wait3A_797 : memref<1x8x1024xf32, #tpu.memory_space<vmem>> -> memref<8x1024xf32, #tpu.memory_space<vmem>>
          tpu.wait_dma2 semaphore(%dma_wait3A_792 : memref<!tpu.dma_semaphore, #tpu.memory_space<semaphore_mem>>) src(%dma_wait3A_798 : memref<8x1024xf32, #tpu.memory_space<vmem>>) dst(%dma_wait3A_794 : memref<8x1024xf32, #tpu.memory_space<hbm>>)
        } else {
        }
        %mul3A_748 = arith.constant 8 : i32
        %mul3A_749 = arith.muli %add3A_409, %mul3A_748 : i32
        %add3A_750 = arith.addi %mul3A_2, %mul3A_749 : i32
        %dma_start3A_751 = arith.constant 5 : i32
        %dma_start3A_752 = arith.constant 5 : i32
        %dma_start3A_753 = arith.constant 0 : i32
        %dma_start3A_754 = arith.constant 0 : i32
        %dma_start3A_755 = tpu.memref_slice %arg8[%dma_start3A_751, %dma_start3A_753, %dma_start3A_754] : memref<8x8x1024xf32, #tpu.memory_space<vmem>> -> memref<1x8x1024xf32, #tpu.memory_space<vmem>>
        %dma_start3A_756 = tpu.memref_squeeze %dma_start3A_755 : memref<1x8x1024xf32, #tpu.memory_space<vmem>> -> memref<8x1024xf32, #tpu.memory_space<vmem>>
        %dma_start3A_757 = arith.constant 0 : i32
        %dma_start3A_758 = tpu.memref_slice %arg3[%add3A_750, %dma_start3A_757] : memref<16384x1024xf32, #tpu.memory_space<hbm>> -> memref<8x1024xf32, #tpu.memory_space<hbm>>
        %dma_start3A_759 = tpu.memref_slice %arg9[%dma_start3A_752] : memref<8x!tpu.dma_semaphore, #tpu.memory_space<semaphore_mem>> -> memref<1x!tpu.dma_semaphore, #tpu.memory_space<semaphore_mem>>
        %dma_start3A_760 = tpu.memref_squeeze %dma_start3A_759 : memref<1x!tpu.dma_semaphore, #tpu.memory_space<semaphore_mem>> -> memref<!tpu.dma_semaphore, #tpu.memory_space<semaphore_mem>>
        %dma_start3A_761 = arith.constant 0 : i32
        %dma_start3A_762 = arith.constant 0 : i32
        %dma_start3A_763 = tpu.memref_slice %arg8[%dma_start3A_751, %dma_start3A_761, %dma_start3A_762] : memref<8x8x1024xf32, #tpu.memory_space<vmem>> -> memref<1x8x1024xf32, #tpu.memory_space<vmem>>
        %dma_start3A_764 = tpu.memref_squeeze %dma_start3A_763 : memref<1x8x1024xf32, #tpu.memory_space<vmem>> -> memref<8x1024xf32, #tpu.memory_space<vmem>>
        %dma_start3A_765 = arith.constant 0 : i32
        %dma_start3A_766 = tpu.memref_slice %arg3[%add3A_750, %dma_start3A_765] : memref<16384x1024xf32, #tpu.memory_space<hbm>> -> memref<8x1024xf32, #tpu.memory_space<hbm>>
        tpu.enqueue_dma source(%dma_start3A_766 : memref<8x1024xf32, #tpu.memory_space<hbm>>) target(%dma_start3A_764 : memref<8x1024xf32, #tpu.memory_space<vmem>>) target_semaphore(%dma_start3A_760 : memref<!tpu.dma_semaphore, #tpu.memory_space<semaphore_mem>>)
        %dma_start3A_767 = arith.constant 1 : i32
        %dma_start3A_768 = arith.constant 1 : i32
        %dma_start3A_769 = arith.constant 0 : i32
        %dma_start3A_770 = arith.constant 0 : i32
        %dma_start3A_771 = tpu.memref_slice %arg7[%dma_start3A_767, %dma_start3A_769, %dma_start3A_770] : memref<4x8x1024xf32, #tpu.memory_space<vmem>> -> memref<1x8x1024xf32, #tpu.memory_space<vmem>>
        %dma_start3A_772 = tpu.memref_squeeze %dma_start3A_771 : memref<1x8x1024xf32, #tpu.memory_space<vmem>> -> memref<8x1024xf32, #tpu.memory_space<vmem>>
        %dma_start3A_773 = arith.constant 0 : i32
        %dma_start3A_774 = tpu.memref_slice %arg4[%add3A_750, %dma_start3A_773] : memref<16384x1024xf32, #tpu.memory_space<hbm>> -> memref<8x1024xf32, #tpu.memory_space<hbm>>
        %dma_start3A_775 = tpu.memref_slice %arg10[%dma_start3A_768] : memref<4x!tpu.dma_semaphore, #tpu.memory_space<semaphore_mem>> -> memref<1x!tpu.dma_semaphore, #tpu.memory_space<semaphore_mem>>
        %dma_start3A_776 = tpu.memref_squeeze %dma_start3A_775 : memref<1x!tpu.dma_semaphore, #tpu.memory_space<semaphore_mem>> -> memref<!tpu.dma_semaphore, #tpu.memory_space<semaphore_mem>>
        %dma_start3A_777 = arith.constant 0 : i32
        %dma_start3A_778 = arith.constant 0 : i32
        %dma_start3A_779 = tpu.memref_slice %arg7[%dma_start3A_767, %dma_start3A_777, %dma_start3A_778] : memref<4x8x1024xf32, #tpu.memory_space<vmem>> -> memref<1x8x1024xf32, #tpu.memory_space<vmem>>
        %dma_start3A_780 = tpu.memref_squeeze %dma_start3A_779 : memref<1x8x1024xf32, #tpu.memory_space<vmem>> -> memref<8x1024xf32, #tpu.memory_space<vmem>>
        %dma_start3A_781 = arith.constant 0 : i32
        %dma_start3A_782 = tpu.memref_slice %arg4[%add3A_750, %dma_start3A_781] : memref<16384x1024xf32, #tpu.memory_space<hbm>> -> memref<8x1024xf32, #tpu.memory_space<hbm>>
        tpu.enqueue_dma source(%dma_start3A_782 : memref<8x1024xf32, #tpu.memory_space<hbm>>) target(%dma_start3A_780 : memref<8x1024xf32, #tpu.memory_space<vmem>>) target_semaphore(%dma_start3A_776 : memref<!tpu.dma_semaphore, #tpu.memory_space<semaphore_mem>>)
      } else {
      }
      %dma_wait3A_415 = arith.constant 3 : i32
      %dma_wait3A_416 = arith.constant 3 : i32
      %dma_wait3A_417 = arith.constant 0 : i32
      %dma_wait3A_418 = arith.constant 0 : i32
      %dma_wait3A_419 = tpu.memref_slice %arg8[%dma_wait3A_415, %dma_wait3A_417, %dma_wait3A_418] : memref<8x8x1024xf32, #tpu.memory_space<vmem>> -> memref<1x8x1024xf32, #tpu.memory_space<vmem>>
      %dma_wait3A_420 = tpu.memref_squeeze %dma_wait3A_419 : memref<1x8x1024xf32, #tpu.memory_space<vmem>> -> memref<8x1024xf32, #tpu.memory_space<vmem>>
      %dma_wait3A_421 = arith.constant 0 : i32
      %dma_wait3A_422 = tpu.memref_slice %arg3[%mul3A_2, %dma_wait3A_421] : memref<16384x1024xf32, #tpu.memory_space<hbm>> -> memref<8x1024xf32, #tpu.memory_space<hbm>>
      %dma_wait3A_423 = tpu.memref_slice %arg9[%dma_wait3A_416] : memref<8x!tpu.dma_semaphore, #tpu.memory_space<semaphore_mem>> -> memref<1x!tpu.dma_semaphore, #tpu.memory_space<semaphore_mem>>
      %dma_wait3A_424 = tpu.memref_squeeze %dma_wait3A_423 : memref<1x!tpu.dma_semaphore, #tpu.memory_space<semaphore_mem>> -> memref<!tpu.dma_semaphore, #tpu.memory_space<semaphore_mem>>
      %dma_wait3A_425 = arith.constant 0 : i32
      %dma_wait3A_426 = arith.constant 0 : i32
      %dma_wait3A_427 = tpu.memref_slice %arg8[%dma_wait3A_415, %dma_wait3A_425, %dma_wait3A_426] : memref<8x8x1024xf32, #tpu.memory_space<vmem>> -> memref<1x8x1024xf32, #tpu.memory_space<vmem>>
      %dma_wait3A_428 = tpu.memref_squeeze %dma_wait3A_427 : memref<1x8x1024xf32, #tpu.memory_space<vmem>> -> memref<8x1024xf32, #tpu.memory_space<vmem>>
      %dma_wait3A_429 = arith.constant 0 : i32
      %dma_wait3A_430 = tpu.memref_slice %arg3[%mul3A_2, %dma_wait3A_429] : memref<16384x1024xf32, #tpu.memory_space<hbm>> -> memref<8x1024xf32, #tpu.memory_space<hbm>>
      tpu.wait_dma2 semaphore(%dma_wait3A_424 : memref<!tpu.dma_semaphore, #tpu.memory_space<semaphore_mem>>) src(%dma_wait3A_430 : memref<8x1024xf32, #tpu.memory_space<hbm>>) dst(%dma_wait3A_428 : memref<8x1024xf32, #tpu.memory_space<vmem>>)
      %dma_wait3A_431 = arith.constant 3 : i32
      %dma_wait3A_432 = arith.constant 3 : i32
      %dma_wait3A_433 = arith.constant 0 : i32
      %dma_wait3A_434 = arith.constant 0 : i32
      %dma_wait3A_435 = tpu.memref_slice %arg7[%dma_wait3A_431, %dma_wait3A_433, %dma_wait3A_434] : memref<4x8x1024xf32, #tpu.memory_space<vmem>> -> memref<1x8x1024xf32, #tpu.memory_space<vmem>>
      %dma_wait3A_436 = tpu.memref_squeeze %dma_wait3A_435 : memref<1x8x1024xf32, #tpu.memory_space<vmem>> -> memref<8x1024xf32, #tpu.memory_space<vmem>>
      %dma_wait3A_437 = arith.constant 0 : i32
      %dma_wait3A_438 = tpu.memref_slice %arg4[%mul3A_2, %dma_wait3A_437] : memref<16384x1024xf32, #tpu.memory_space<hbm>> -> memref<8x1024xf32, #tpu.memory_space<hbm>>
      %dma_wait3A_439 = tpu.memref_slice %arg10[%dma_wait3A_432] : memref<4x!tpu.dma_semaphore, #tpu.memory_space<semaphore_mem>> -> memref<1x!tpu.dma_semaphore, #tpu.memory_space<semaphore_mem>>
      %dma_wait3A_440 = tpu.memref_squeeze %dma_wait3A_439 : memref<1x!tpu.dma_semaphore, #tpu.memory_space<semaphore_mem>> -> memref<!tpu.dma_semaphore, #tpu.memory_space<semaphore_mem>>
      %dma_wait3A_441 = arith.constant 0 : i32
      %dma_wait3A_442 = arith.constant 0 : i32
      %dma_wait3A_443 = tpu.memref_slice %arg7[%dma_wait3A_431, %dma_wait3A_441, %dma_wait3A_442] : memref<4x8x1024xf32, #tpu.memory_space<vmem>> -> memref<1x8x1024xf32, #tpu.memory_space<vmem>>
      %dma_wait3A_444 = tpu.memref_squeeze %dma_wait3A_443 : memref<1x8x1024xf32, #tpu.memory_space<vmem>> -> memref<8x1024xf32, #tpu.memory_space<vmem>>
      %dma_wait3A_445 = arith.constant 0 : i32
      %dma_wait3A_446 = tpu.memref_slice %arg4[%mul3A_2, %dma_wait3A_445] : memref<16384x1024xf32, #tpu.memory_space<hbm>> -> memref<8x1024xf32, #tpu.memory_space<hbm>>
      tpu.wait_dma2 semaphore(%dma_wait3A_440 : memref<!tpu.dma_semaphore, #tpu.memory_space<semaphore_mem>>) src(%dma_wait3A_446 : memref<8x1024xf32, #tpu.memory_space<hbm>>) dst(%dma_wait3A_444 : memref<8x1024xf32, #tpu.memory_space<vmem>>)
      %scan3A_447 = arith.constant 0 : i32
      %scan3A_448 = arith.constant 0 : i32
      %scan3A_449 = arith.constant 64 : i32
      %scan3A_450 = arith.addi %scan3A_448, %scan3A_449 : i32
      %scan3A_451 = arith.constant 1 : i32
      scf.for %scan3A_744 = %scan3A_448 to %scan3A_450 step %scan3A_451  : i32 {
        %mul3A_745 = arith.constant 16 : i32
        %mul3A_746 = arith.muli %scan3A_744, %mul3A_745 : i32
        %multiple_of3A = tpu.assume_multiple %mul3A_746, 16 : i32
        %get3A = arith.index_cast %multiple_of3A : i32 to index
        %get3A_747 = tpu.vector_load %arg6[%get3A] {strides = array<i32>} : memref<1024xf32, #tpu.memory_space<vmem>>, vector<16xf32>,
        %get3A_748 = vector.shape_cast %get3A_747 : vector<16xf32> to vector<16xf32>
        %ne3A = arith.constant 0.000000e+00 : f32
        %ne3A_749 = vector.broadcast %ne3A : f32 to vector<16xf32>
        %ne3A_750 = arith.cmpf one, %get3A_748, %ne3A_749 : vector<16xf32>
        %get3A_751 = arith.constant 3 : i32
        %get3A_752 = arith.constant 0 : i32
        %get3A_753 = arith.index_cast %get3A_751 : i32 to index
        %get3A_754 = arith.index_cast %get3A_752 : i32 to index
        %get3A_755 = arith.index_cast %multiple_of3A : i32 to index
        %get3A_756 = tpu.vector_load %arg8[%get3A_753, %get3A_754, %get3A_755] {strides = array<i32>} : memref<8x8x1024xf32, #tpu.memory_space<vmem>>, vector<1x1x16xf32>,
        %get3A_757 = vector.shape_cast %get3A_756 : vector<1x1x16xf32> to vector<16xf32>
        %get3A_758 = arith.constant 3 : i32
        %get3A_759 = arith.constant 0 : i32
        %get3A_760 = arith.index_cast %get3A_758 : i32 to index
        %get3A_761 = arith.index_cast %get3A_759 : i32 to index
        %get3A_762 = arith.index_cast %multiple_of3A : i32 to index
        %get3A_763 = tpu.vector_load %arg7[%get3A_760, %get3A_761, %get3A_762] {strides = array<i32>} : memref<4x8x1024xf32, #tpu.memory_space<vmem>>, vector<1x1x16xf32>,
        %get3A_764 = vector.shape_cast %get3A_763 : vector<1x1x16xf32> to vector<16xf32>
        %select_n3A = arith.select %ne3A_750, %get3A_764, %get3A_757 : vector<16xi1>, vector<16xf32>
        %swap3A = arith.constant 3 : i32
        %swap3A_765 = arith.constant 0 : i32
        %swap3A_766 = arith.index_cast %swap3A : i32 to index
        %swap3A_767 = arith.index_cast %swap3A_765 : i32 to index
        %swap3A_768 = arith.index_cast %multiple_of3A : i32 to index
        %swap3A_769 = tpu.vector_load %arg8[%swap3A_766, %swap3A_767, %swap3A_768] {strides = array<i32>} : memref<8x8x1024xf32, #tpu.memory_space<vmem>>, vector<1x1x16xf32>,
        %swap3A_770 = vector.shape_cast %swap3A_769 : vector<1x1x16xf32> to vector<16xf32>
        %swap3A_771 = vector.shape_cast %select_n3A : vector<16xf32> to vector<1x1x16xf32>
        tpu.vector_store %arg8[%swap3A_766, %swap3A_767, %swap3A_768], %swap3A_771 {strides = array<i32>} : memref<8x8x1024xf32, #tpu.memory_space<vmem>>, vector<1x1x16xf32>,
        %get3A_772 = arith.constant 3 : i32
        %get3A_773 = arith.constant 1 : i32
        %get3A_774 = arith.index_cast %get3A_772 : i32 to index
        %get3A_775 = arith.index_cast %get3A_773 : i32 to index
        %get3A_776 = arith.index_cast %multiple_of3A : i32 to index
        %get3A_777 = tpu.vector_load %arg8[%get3A_774, %get3A_775, %get3A_776] {strides = array<i32>} : memref<8x8x1024xf32, #tpu.memory_space<vmem>>, vector<1x1x16xf32>,
        %get3A_778 = vector.shape_cast %get3A_777 : vector<1x1x16xf32> to vector<16xf32>
        %get3A_779 = arith.constant 3 : i32
        %get3A_780 = arith.constant 1 : i32
        %get3A_781 = arith.index_cast %get3A_779 : i32 to index
        %get3A_782 = arith.index_cast %get3A_780 : i32 to index
        %get3A_783 = arith.index_cast %multiple_of3A : i32 to index
        %get3A_784 = tpu.vector_load %arg7[%get3A_781, %get3A_782, %get3A_783] {strides = array<i32>} : memref<4x8x1024xf32, #tpu.memory_space<vmem>>, vector<1x1x16xf32>,
        %get3A_785 = vector.shape_cast %get3A_784 : vector<1x1x16xf32> to vector<16xf32>
        %select_n3A_786 = arith.select %ne3A_750, %get3A_785, %get3A_778 : vector<16xi1>, vector<16xf32>
        %swap3A_787 = arith.constant 3 : i32
        %swap3A_788 = arith.constant 1 : i32
        %swap3A_789 = arith.index_cast %swap3A_787 : i32 to index
        %swap3A_790 = arith.index_cast %swap3A_788 : i32 to index
        %swap3A_791 = arith.index_cast %multiple_of3A : i32 to index
        %swap3A_792 = tpu.vector_load %arg8[%swap3A_789, %swap3A_790, %swap3A_791] {strides = array<i32>} : memref<8x8x1024xf32, #tpu.memory_space<vmem>>, vector<1x1x16xf32>,
        %swap3A_793 = vector.shape_cast %swap3A_792 : vector<1x1x16xf32> to vector<16xf32>
        %swap3A_794 = vector.shape_cast %select_n3A_786 : vector<16xf32> to vector<1x1x16xf32>
        tpu.vector_store %arg8[%swap3A_789, %swap3A_790, %swap3A_791], %swap3A_794 {strides = array<i32>} : memref<8x8x1024xf32, #tpu.memory_space<vmem>>, vector<1x1x16xf32>,
        %get3A_795 = arith.constant 3 : i32
        %get3A_796 = arith.constant 2 : i32
        %get3A_797 = arith.index_cast %get3A_795 : i32 to index
        %get3A_798 = arith.index_cast %get3A_796 : i32 to index
        %get3A_799 = arith.index_cast %multiple_of3A : i32 to index
        %get3A_800 = tpu.vector_load %arg8[%get3A_797, %get3A_798, %get3A_799] {strides = array<i32>} : memref<8x8x1024xf32, #tpu.memory_space<vmem>>, vector<1x1x16xf32>,
        %get3A_801 = vector.shape_cast %get3A_800 : vector<1x1x16xf32> to vector<16xf32>
        %get3A_802 = arith.constant 3 : i32
        %get3A_803 = arith.constant 2 : i32
        %get3A_804 = arith.index_cast %get3A_802 : i32 to index
        %get3A_805 = arith.index_cast %get3A_803 : i32 to index
        %get3A_806 = arith.index_cast %multiple_of3A : i32 to index
        %get3A_807 = tpu.vector_load %arg7[%get3A_804, %get3A_805, %get3A_806] {strides = array<i32>} : memref<4x8x1024xf32, #tpu.memory_space<vmem>>, vector<1x1x16xf32>,
        %get3A_808 = vector.shape_cast %get3A_807 : vector<1x1x16xf32> to vector<16xf32>
        %select_n3A_809 = arith.select %ne3A_750, %get3A_808, %get3A_801 : vector<16xi1>, vector<16xf32>
        %swap3A_810 = arith.constant 3 : i32
        %swap3A_811 = arith.constant 2 : i32
        %swap3A_812 = arith.index_cast %swap3A_810 : i32 to index
        %swap3A_813 = arith.index_cast %swap3A_811 : i32 to index
        %swap3A_814 = arith.index_cast %multiple_of3A : i32 to index
        %swap3A_815 = tpu.vector_load %arg8[%swap3A_812, %swap3A_813, %swap3A_814] {strides = array<i32>} : memref<8x8x1024xf32, #tpu.memory_space<vmem>>, vector<1x1x16xf32>,
        %swap3A_816 = vector.shape_cast %swap3A_815 : vector<1x1x16xf32> to vector<16xf32>
        %swap3A_817 = vector.shape_cast %select_n3A_809 : vector<16xf32> to vector<1x1x16xf32>
        tpu.vector_store %arg8[%swap3A_812, %swap3A_813, %swap3A_814], %swap3A_817 {strides = array<i32>} : memref<8x8x1024xf32, #tpu.memory_space<vmem>>, vector<1x1x16xf32>,
        %get3A_818 = arith.constant 3 : i32
        %get3A_819 = arith.constant 3 : i32
        %get3A_820 = arith.index_cast %get3A_818 : i32 to index
        %get3A_821 = arith.index_cast %get3A_819 : i32 to index
        %get3A_822 = arith.index_cast %multiple_of3A : i32 to index
        %get3A_823 = tpu.vector_load %arg8[%get3A_820, %get3A_821, %get3A_822] {strides = array<i32>} : memref<8x8x1024xf32, #tpu.memory_space<vmem>>, vector<1x1x16xf32>,
        %get3A_824 = vector.shape_cast %get3A_823 : vector<1x1x16xf32> to vector<16xf32>
        %get3A_825 = arith.constant 3 : i32
        %get3A_826 = arith.constant 3 : i32
        %get3A_827 = arith.index_cast %get3A_825 : i32 to index
        %get3A_828 = arith.index_cast %get3A_826 : i32 to index
        %get3A_829 = arith.index_cast %multiple_of3A : i32 to index
        %get3A_830 = tpu.vector_load %arg7[%get3A_827, %get3A_828, %get3A_829] {strides = array<i32>} : memref<4x8x1024xf32, #tpu.memory_space<vmem>>, vector<1x1x16xf32>,
        %get3A_831 = vector.shape_cast %get3A_830 : vector<1x1x16xf32> to vector<16xf32>
        %select_n3A_832 = arith.select %ne3A_750, %get3A_831, %get3A_824 : vector<16xi1>, vector<16xf32>
        %swap3A_833 = arith.constant 3 : i32
        %swap3A_834 = arith.constant 3 : i32
        %swap3A_835 = arith.index_cast %swap3A_833 : i32 to index
        %swap3A_836 = arith.index_cast %swap3A_834 : i32 to index
        %swap3A_837 = arith.index_cast %multiple_of3A : i32 to index
        %swap3A_838 = tpu.vector_load %arg8[%swap3A_835, %swap3A_836, %swap3A_837] {strides = array<i32>} : memref<8x8x1024xf32, #tpu.memory_space<vmem>>, vector<1x1x16xf32>,
        %swap3A_839 = vector.shape_cast %swap3A_838 : vector<1x1x16xf32> to vector<16xf32>
        %swap3A_840 = vector.shape_cast %select_n3A_832 : vector<16xf32> to vector<1x1x16xf32>
        tpu.vector_store %arg8[%swap3A_835, %swap3A_836, %swap3A_837], %swap3A_840 {strides = array<i32>} : memref<8x8x1024xf32, #tpu.memory_space<vmem>>, vector<1x1x16xf32>,
        %get3A_841 = arith.constant 3 : i32
        %get3A_842 = arith.constant 4 : i32
        %get3A_843 = arith.index_cast %get3A_841 : i32 to index
        %get3A_844 = arith.index_cast %get3A_842 : i32 to index
        %get3A_845 = arith.index_cast %multiple_of3A : i32 to index
        %get3A_846 = tpu.vector_load %arg8[%get3A_843, %get3A_844, %get3A_845] {strides = array<i32>} : memref<8x8x1024xf32, #tpu.memory_space<vmem>>, vector<1x1x16xf32>,
        %get3A_847 = vector.shape_cast %get3A_846 : vector<1x1x16xf32> to vector<16xf32>
        %get3A_848 = arith.constant 3 : i32
        %get3A_849 = arith.constant 4 : i32
        %get3A_850 = arith.index_cast %get3A_848 : i32 to index
        %get3A_851 = arith.index_cast %get3A_849 : i32 to index
        %get3A_852 = arith.index_cast %multiple_of3A : i32 to index
        %get3A_853 = tpu.vector_load %arg7[%get3A_850, %get3A_851, %get3A_852] {strides = array<i32>} : memref<4x8x1024xf32, #tpu.memory_space<vmem>>, vector<1x1x16xf32>,
        %get3A_854 = vector.shape_cast %get3A_853 : vector<1x1x16xf32> to vector<16xf32>
        %select_n3A_855 = arith.select %ne3A_750, %get3A_854, %get3A_847 : vector<16xi1>, vector<16xf32>
        %swap3A_856 = arith.constant 3 : i32
        %swap3A_857 = arith.constant 4 : i32
        %swap3A_858 = arith.index_cast %swap3A_856 : i32 to index
        %swap3A_859 = arith.index_cast %swap3A_857 : i32 to index
        %swap3A_860 = arith.index_cast %multiple_of3A : i32 to index
        %swap3A_861 = tpu.vector_load %arg8[%swap3A_858, %swap3A_859, %swap3A_860] {strides = array<i32>} : memref<8x8x1024xf32, #tpu.memory_space<vmem>>, vector<1x1x16xf32>,
        %swap3A_862 = vector.shape_cast %swap3A_861 : vector<1x1x16xf32> to vector<16xf32>
        %swap3A_863 = vector.shape_cast %select_n3A_855 : vector<16xf32> to vector<1x1x16xf32>
        tpu.vector_store %arg8[%swap3A_858, %swap3A_859, %swap3A_860], %swap3A_863 {strides = array<i32>} : memref<8x8x1024xf32, #tpu.memory_space<vmem>>, vector<1x1x16xf32>,
        %get3A_864 = arith.constant 3 : i32
        %get3A_865 = arith.constant 5 : i32
        %get3A_866 = arith.index_cast %get3A_864 : i32 to index
        %get3A_867 = arith.index_cast %get3A_865 : i32 to index
        %get3A_868 = arith.index_cast %multiple_of3A : i32 to index
        %get3A_869 = tpu.vector_load %arg8[%get3A_866, %get3A_867, %get3A_868] {strides = array<i32>} : memref<8x8x1024xf32, #tpu.memory_space<vmem>>, vector<1x1x16xf32>,
        %get3A_870 = vector.shape_cast %get3A_869 : vector<1x1x16xf32> to vector<16xf32>
        %get3A_871 = arith.constant 3 : i32
        %get3A_872 = arith.constant 5 : i32
        %get3A_873 = arith.index_cast %get3A_871 : i32 to index
        %get3A_874 = arith.index_cast %get3A_872 : i32 to index
        %get3A_875 = arith.index_cast %multiple_of3A : i32 to index
        %get3A_876 = tpu.vector_load %arg7[%get3A_873, %get3A_874, %get3A_875] {strides = array<i32>} : memref<4x8x1024xf32, #tpu.memory_space<vmem>>, vector<1x1x16xf32>,
        %get3A_877 = vector.shape_cast %get3A_876 : vector<1x1x16xf32> to vector<16xf32>
        %select_n3A_878 = arith.select %ne3A_750, %get3A_877, %get3A_870 : vector<16xi1>, vector<16xf32>
        %swap3A_879 = arith.constant 3 : i32
        %swap3A_880 = arith.constant 5 : i32
        %swap3A_881 = arith.index_cast %swap3A_879 : i32 to index
        %swap3A_882 = arith.index_cast %swap3A_880 : i32 to index
        %swap3A_883 = arith.index_cast %multiple_of3A : i32 to index
        %swap3A_884 = tpu.vector_load %arg8[%swap3A_881, %swap3A_882, %swap3A_883] {strides = array<i32>} : memref<8x8x1024xf32, #tpu.memory_space<vmem>>, vector<1x1x16xf32>,
        %swap3A_885 = vector.shape_cast %swap3A_884 : vector<1x1x16xf32> to vector<16xf32>
        %swap3A_886 = vector.shape_cast %select_n3A_878 : vector<16xf32> to vector<1x1x16xf32>
        tpu.vector_store %arg8[%swap3A_881, %swap3A_882, %swap3A_883], %swap3A_886 {strides = array<i32>} : memref<8x8x1024xf32, #tpu.memory_space<vmem>>, vector<1x1x16xf32>,
        %get3A_887 = arith.constant 3 : i32
        %get3A_888 = arith.constant 6 : i32
        %get3A_889 = arith.index_cast %get3A_887 : i32 to index
        %get3A_890 = arith.index_cast %get3A_888 : i32 to index
        %get3A_891 = arith.index_cast %multiple_of3A : i32 to index
        %get3A_892 = tpu.vector_load %arg8[%get3A_889, %get3A_890, %get3A_891] {strides = array<i32>} : memref<8x8x1024xf32, #tpu.memory_space<vmem>>, vector<1x1x16xf32>,
        %get3A_893 = vector.shape_cast %get3A_892 : vector<1x1x16xf32> to vector<16xf32>
        %get3A_894 = arith.constant 3 : i32
        %get3A_895 = arith.constant 6 : i32
        %get3A_896 = arith.index_cast %get3A_894 : i32 to index
        %get3A_897 = arith.index_cast %get3A_895 : i32 to index
        %get3A_898 = arith.index_cast %multiple_of3A : i32 to index
        %get3A_899 = tpu.vector_load %arg7[%get3A_896, %get3A_897, %get3A_898] {strides = array<i32>} : memref<4x8x1024xf32, #tpu.memory_space<vmem>>, vector<1x1x16xf32>,
        %get3A_900 = vector.shape_cast %get3A_899 : vector<1x1x16xf32> to vector<16xf32>
        %select_n3A_901 = arith.select %ne3A_750, %get3A_900, %get3A_893 : vector<16xi1>, vector<16xf32>
        %swap3A_902 = arith.constant 3 : i32
        %swap3A_903 = arith.constant 6 : i32
        %swap3A_904 = arith.index_cast %swap3A_902 : i32 to index
        %swap3A_905 = arith.index_cast %swap3A_903 : i32 to index
        %swap3A_906 = arith.index_cast %multiple_of3A : i32 to index
        %swap3A_907 = tpu.vector_load %arg8[%swap3A_904, %swap3A_905, %swap3A_906] {strides = array<i32>} : memref<8x8x1024xf32, #tpu.memory_space<vmem>>, vector<1x1x16xf32>,
        %swap3A_908 = vector.shape_cast %swap3A_907 : vector<1x1x16xf32> to vector<16xf32>
        %swap3A_909 = vector.shape_cast %select_n3A_901 : vector<16xf32> to vector<1x1x16xf32>
        tpu.vector_store %arg8[%swap3A_904, %swap3A_905, %swap3A_906], %swap3A_909 {strides = array<i32>} : memref<8x8x1024xf32, #tpu.memory_space<vmem>>, vector<1x1x16xf32>,
        %get3A_910 = arith.constant 3 : i32
        %get3A_911 = arith.constant 7 : i32
        %get3A_912 = arith.index_cast %get3A_910 : i32 to index
        %get3A_913 = arith.index_cast %get3A_911 : i32 to index
        %get3A_914 = arith.index_cast %multiple_of3A : i32 to index
        %get3A_915 = tpu.vector_load %arg8[%get3A_912, %get3A_913, %get3A_914] {strides = array<i32>} : memref<8x8x1024xf32, #tpu.memory_space<vmem>>, vector<1x1x16xf32>,
        %get3A_916 = vector.shape_cast %get3A_915 : vector<1x1x16xf32> to vector<16xf32>
        %get3A_917 = arith.constant 3 : i32
        %get3A_918 = arith.constant 7 : i32
        %get3A_919 = arith.index_cast %get3A_917 : i32 to index
        %get3A_920 = arith.index_cast %get3A_918 : i32 to index
        %get3A_921 = arith.index_cast %multiple_of3A : i32 to index
        %get3A_922 = tpu.vector_load %arg7[%get3A_919, %get3A_920, %get3A_921] {strides = array<i32>} : memref<4x8x1024xf32, #tpu.memory_space<vmem>>, vector<1x1x16xf32>,
        %get3A_923 = vector.shape_cast %get3A_922 : vector<1x1x16xf32> to vector<16xf32>
        %select_n3A_924 = arith.select %ne3A_750, %get3A_923, %get3A_916 : vector<16xi1>, vector<16xf32>
        %swap3A_925 = arith.constant 3 : i32
        %swap3A_926 = arith.constant 7 : i32
        %swap3A_927 = arith.index_cast %swap3A_925 : i32 to index
        %swap3A_928 = arith.index_cast %swap3A_926 : i32 to index
        %swap3A_929 = arith.index_cast %multiple_of3A : i32 to index
        %swap3A_930 = tpu.vector_load %arg8[%swap3A_927, %swap3A_928, %swap3A_929] {strides = array<i32>} : memref<8x8x1024xf32, #tpu.memory_space<vmem>>, vector<1x1x16xf32>,
        %swap3A_931 = vector.shape_cast %swap3A_930 : vector<1x1x16xf32> to vector<16xf32>
        %swap3A_932 = vector.shape_cast %select_n3A_924 : vector<16xf32> to vector<1x1x16xf32>
        tpu.vector_store %arg8[%swap3A_927, %swap3A_928, %swap3A_929], %swap3A_932 {strides = array<i32>} : memref<8x8x1024xf32, #tpu.memory_space<vmem>>, vector<1x1x16xf32>,
      }
      %scan3A_452 = arith.constant 64 : i32
      %mul3A_453 = arith.constant 8 : i32
      %mul3A_454 = arith.muli %add3A_407, %mul3A_453 : i32
      %add3A_455 = arith.addi %mul3A_2, %mul3A_454 : i32
      %dma_start3A_456 = arith.constant 3 : i32
      %dma_start3A_457 = arith.constant 3 : i32
      %dma_start3A_458 = arith.constant 0 : i32
      %dma_start3A_459 = arith.constant 0 : i32
      %dma_start3A_460 = tpu.memref_slice %arg8[%dma_start3A_456, %dma_start3A_458, %dma_start3A_459] : memref<8x8x1024xf32, #tpu.memory_space<vmem>> -> memref<1x8x1024xf32, #tpu.memory_space<vmem>>
      %dma_start3A_461 = tpu.memref_squeeze %dma_start3A_460 : memref<1x8x1024xf32, #tpu.memory_space<vmem>> -> memref<8x1024xf32, #tpu.memory_space<vmem>>
      %dma_start3A_462 = arith.constant 0 : i32
      %dma_start3A_463 = tpu.memref_slice %arg5[%add3A_455, %dma_start3A_462] : memref<16384x1024xf32, #tpu.memory_space<hbm>> -> memref<8x1024xf32, #tpu.memory_space<hbm>>
      %dma_start3A_464 = tpu.memref_slice %arg11[%dma_start3A_457] : memref<8x!tpu.dma_semaphore, #tpu.memory_space<semaphore_mem>> -> memref<1x!tpu.dma_semaphore, #tpu.memory_space<semaphore_mem>>
      %dma_start3A_465 = tpu.memref_squeeze %dma_start3A_464 : memref<1x!tpu.dma_semaphore, #tpu.memory_space<semaphore_mem>> -> memref<!tpu.dma_semaphore, #tpu.memory_space<semaphore_mem>>
      %dma_start3A_466 = arith.constant 0 : i32
      %dma_start3A_467 = tpu.memref_slice %arg5[%add3A_455, %dma_start3A_466] : memref<16384x1024xf32, #tpu.memory_space<hbm>> -> memref<8x1024xf32, #tpu.memory_space<hbm>>
      %dma_start3A_468 = arith.constant 0 : i32
      %dma_start3A_469 = arith.constant 0 : i32
      %dma_start3A_470 = tpu.memref_slice %arg8[%dma_start3A_456, %dma_start3A_468, %dma_start3A_469] : memref<8x8x1024xf32, #tpu.memory_space<vmem>> -> memref<1x8x1024xf32, #tpu.memory_space<vmem>>
      %dma_start3A_471 = tpu.memref_squeeze %dma_start3A_470 : memref<1x8x1024xf32, #tpu.memory_space<vmem>> -> memref<8x1024xf32, #tpu.memory_space<vmem>>
      tpu.enqueue_dma source(%dma_start3A_471 : memref<8x1024xf32, #tpu.memory_space<vmem>>) target(%dma_start3A_467 : memref<8x1024xf32, #tpu.memory_space<hbm>>) target_semaphore(%dma_start3A_465 : memref<!tpu.dma_semaphore, #tpu.memory_space<semaphore_mem>>)
      %mul3A_472 = arith.constant 8 : i32
      %mul3A_473 = arith.muli %scan3A_202, %mul3A_472 : i32
      %add3A_474 = arith.constant 4 : i32
      %add3A_475 = arith.addi %mul3A_473, %add3A_474 : i32
      %add3A_476 = arith.constant 2 : i32
      %add3A_477 = arith.addi %add3A_475, %add3A_476 : i32
      %lt3A_478 = arith.constant 64 : i32
      %lt3A_479 = arith.cmpi slt, %add3A_477, %lt3A_478 : i32
      %convert_element_type3A_480 = arith.extui %lt3A_479 : i1 to i32
      %cond3A_481 = arith.constant 0 : i32
      %cond3A_482 = arith.cmpi ne, %convert_element_type3A_480, %cond3A_481 : i32
      scf.if %cond3A_482 {
        %ge3A = arith.constant 8 : i32
        %ge3A_744 = arith.cmpi sge, %add3A_477, %ge3A : i32
        %convert_element_type3A_745 = arith.extui %ge3A_744 : i1 to i32
        %cond3A_746 = arith.constant 0 : i32
        %cond3A_747 = arith.cmpi ne, %convert_element_type3A_745, %cond3A_746 : i32
        scf.if %cond3A_747 {
          %dma_wait3A_783 = arith.constant 6 : i32
          %dma_wait3A_784 = arith.constant 6 : i32
          %dma_wait3A_785 = arith.constant 0 : i32
          %dma_wait3A_786 = arith.constant 0 : i32
          %dma_wait3A_787 = tpu.memref_slice %arg8[%dma_wait3A_783, %dma_wait3A_785, %dma_wait3A_786] : memref<8x8x1024xf32, #tpu.memory_space<vmem>> -> memref<1x8x1024xf32, #tpu.memory_space<vmem>>
          %dma_wait3A_788 = tpu.memref_squeeze %dma_wait3A_787 : memref<1x8x1024xf32, #tpu.memory_space<vmem>> -> memref<8x1024xf32, #tpu.memory_space<vmem>>
          %dma_wait3A_789 = arith.constant 0 : i32
          %dma_wait3A_790 = tpu.memref_slice %arg5[%mul3A_2, %dma_wait3A_789] : memref<16384x1024xf32, #tpu.memory_space<hbm>> -> memref<8x1024xf32, #tpu.memory_space<hbm>>
          %dma_wait3A_791 = tpu.memref_slice %arg11[%dma_wait3A_784] : memref<8x!tpu.dma_semaphore, #tpu.memory_space<semaphore_mem>> -> memref<1x!tpu.dma_semaphore, #tpu.memory_space<semaphore_mem>>
          %dma_wait3A_792 = tpu.memref_squeeze %dma_wait3A_791 : memref<1x!tpu.dma_semaphore, #tpu.memory_space<semaphore_mem>> -> memref<!tpu.dma_semaphore, #tpu.memory_space<semaphore_mem>>
          %dma_wait3A_793 = arith.constant 0 : i32
          %dma_wait3A_794 = tpu.memref_slice %arg5[%mul3A_2, %dma_wait3A_793] : memref<16384x1024xf32, #tpu.memory_space<hbm>> -> memref<8x1024xf32, #tpu.memory_space<hbm>>
          %dma_wait3A_795 = arith.constant 0 : i32
          %dma_wait3A_796 = arith.constant 0 : i32
          %dma_wait3A_797 = tpu.memref_slice %arg8[%dma_wait3A_783, %dma_wait3A_795, %dma_wait3A_796] : memref<8x8x1024xf32, #tpu.memory_space<vmem>> -> memref<1x8x1024xf32, #tpu.memory_space<vmem>>
          %dma_wait3A_798 = tpu.memref_squeeze %dma_wait3A_797 : memref<1x8x1024xf32, #tpu.memory_space<vmem>> -> memref<8x1024xf32, #tpu.memory_space<vmem>>
          tpu.wait_dma2 semaphore(%dma_wait3A_792 : memref<!tpu.dma_semaphore, #tpu.memory_space<semaphore_mem>>) src(%dma_wait3A_798 : memref<8x1024xf32, #tpu.memory_space<vmem>>) dst(%dma_wait3A_794 : memref<8x1024xf32, #tpu.memory_space<hbm>>)
        } else {
        }
        %mul3A_748 = arith.constant 8 : i32
        %mul3A_749 = arith.muli %add3A_477, %mul3A_748 : i32
        %add3A_750 = arith.addi %mul3A_2, %mul3A_749 : i32
        %dma_start3A_751 = arith.constant 6 : i32
        %dma_start3A_752 = arith.constant 6 : i32
        %dma_start3A_753 = arith.constant 0 : i32
        %dma_start3A_754 = arith.constant 0 : i32
        %dma_start3A_755 = tpu.memref_slice %arg8[%dma_start3A_751, %dma_start3A_753, %dma_start3A_754] : memref<8x8x1024xf32, #tpu.memory_space<vmem>> -> memref<1x8x1024xf32, #tpu.memory_space<vmem>>
        %dma_start3A_756 = tpu.memref_squeeze %dma_start3A_755 : memref<1x8x1024xf32, #tpu.memory_space<vmem>> -> memref<8x1024xf32, #tpu.memory_space<vmem>>
        %dma_start3A_757 = arith.constant 0 : i32
        %dma_start3A_758 = tpu.memref_slice %arg3[%add3A_750, %dma_start3A_757] : memref<16384x1024xf32, #tpu.memory_space<hbm>> -> memref<8x1024xf32, #tpu.memory_space<hbm>>
        %dma_start3A_759 = tpu.memref_slice %arg9[%dma_start3A_752] : memref<8x!tpu.dma_semaphore, #tpu.memory_space<semaphore_mem>> -> memref<1x!tpu.dma_semaphore, #tpu.memory_space<semaphore_mem>>
        %dma_start3A_760 = tpu.memref_squeeze %dma_start3A_759 : memref<1x!tpu.dma_semaphore, #tpu.memory_space<semaphore_mem>> -> memref<!tpu.dma_semaphore, #tpu.memory_space<semaphore_mem>>
        %dma_start3A_761 = arith.constant 0 : i32
        %dma_start3A_762 = arith.constant 0 : i32
        %dma_start3A_763 = tpu.memref_slice %arg8[%dma_start3A_751, %dma_start3A_761, %dma_start3A_762] : memref<8x8x1024xf32, #tpu.memory_space<vmem>> -> memref<1x8x1024xf32, #tpu.memory_space<vmem>>
        %dma_start3A_764 = tpu.memref_squeeze %dma_start3A_763 : memref<1x8x1024xf32, #tpu.memory_space<vmem>> -> memref<8x1024xf32, #tpu.memory_space<vmem>>
        %dma_start3A_765 = arith.constant 0 : i32
        %dma_start3A_766 = tpu.memref_slice %arg3[%add3A_750, %dma_start3A_765] : memref<16384x1024xf32, #tpu.memory_space<hbm>> -> memref<8x1024xf32, #tpu.memory_space<hbm>>
        tpu.enqueue_dma source(%dma_start3A_766 : memref<8x1024xf32, #tpu.memory_space<hbm>>) target(%dma_start3A_764 : memref<8x1024xf32, #tpu.memory_space<vmem>>) target_semaphore(%dma_start3A_760 : memref<!tpu.dma_semaphore, #tpu.memory_space<semaphore_mem>>)
        %dma_start3A_767 = arith.constant 2 : i32
        %dma_start3A_768 = arith.constant 2 : i32
        %dma_start3A_769 = arith.constant 0 : i32
        %dma_start3A_770 = arith.constant 0 : i32
        %dma_start3A_771 = tpu.memref_slice %arg7[%dma_start3A_767, %dma_start3A_769, %dma_start3A_770] : memref<4x8x1024xf32, #tpu.memory_space<vmem>> -> memref<1x8x1024xf32, #tpu.memory_space<vmem>>
        %dma_start3A_772 = tpu.memref_squeeze %dma_start3A_771 : memref<1x8x1024xf32, #tpu.memory_space<vmem>> -> memref<8x1024xf32, #tpu.memory_space<vmem>>
        %dma_start3A_773 = arith.constant 0 : i32
        %dma_start3A_774 = tpu.memref_slice %arg4[%add3A_750, %dma_start3A_773] : memref<16384x1024xf32, #tpu.memory_space<hbm>> -> memref<8x1024xf32, #tpu.memory_space<hbm>>
        %dma_start3A_775 = tpu.memref_slice %arg10[%dma_start3A_768] : memref<4x!tpu.dma_semaphore, #tpu.memory_space<semaphore_mem>> -> memref<1x!tpu.dma_semaphore, #tpu.memory_space<semaphore_mem>>
        %dma_start3A_776 = tpu.memref_squeeze %dma_start3A_775 : memref<1x!tpu.dma_semaphore, #tpu.memory_space<semaphore_mem>> -> memref<!tpu.dma_semaphore, #tpu.memory_space<semaphore_mem>>
        %dma_start3A_777 = arith.constant 0 : i32
        %dma_start3A_778 = arith.constant 0 : i32
        %dma_start3A_779 = tpu.memref_slice %arg7[%dma_start3A_767, %dma_start3A_777, %dma_start3A_778] : memref<4x8x1024xf32, #tpu.memory_space<vmem>> -> memref<1x8x1024xf32, #tpu.memory_space<vmem>>
        %dma_start3A_780 = tpu.memref_squeeze %dma_start3A_779 : memref<1x8x1024xf32, #tpu.memory_space<vmem>> -> memref<8x1024xf32, #tpu.memory_space<vmem>>
        %dma_start3A_781 = arith.constant 0 : i32
        %dma_start3A_782 = tpu.memref_slice %arg4[%add3A_750, %dma_start3A_781] : memref<16384x1024xf32, #tpu.memory_space<hbm>> -> memref<8x1024xf32, #tpu.memory_space<hbm>>
        tpu.enqueue_dma source(%dma_start3A_782 : memref<8x1024xf32, #tpu.memory_space<hbm>>) target(%dma_start3A_780 : memref<8x1024xf32, #tpu.memory_space<vmem>>) target_semaphore(%dma_start3A_776 : memref<!tpu.dma_semaphore, #tpu.memory_space<semaphore_mem>>)
      } else {
      }
      %dma_wait3A_483 = arith.constant 4 : i32
      %dma_wait3A_484 = arith.constant 4 : i32
      %dma_wait3A_485 = arith.constant 0 : i32
      %dma_wait3A_486 = arith.constant 0 : i32
      %dma_wait3A_487 = tpu.memref_slice %arg8[%dma_wait3A_483, %dma_wait3A_485, %dma_wait3A_486] : memref<8x8x1024xf32, #tpu.memory_space<vmem>> -> memref<1x8x1024xf32, #tpu.memory_space<vmem>>
      %dma_wait3A_488 = tpu.memref_squeeze %dma_wait3A_487 : memref<1x8x1024xf32, #tpu.memory_space<vmem>> -> memref<8x1024xf32, #tpu.memory_space<vmem>>
      %dma_wait3A_489 = arith.constant 0 : i32
      %dma_wait3A_490 = tpu.memref_slice %arg3[%mul3A_2, %dma_wait3A_489] : memref<16384x1024xf32, #tpu.memory_space<hbm>> -> memref<8x1024xf32, #tpu.memory_space<hbm>>
      %dma_wait3A_491 = tpu.memref_slice %arg9[%dma_wait3A_484] : memref<8x!tpu.dma_semaphore, #tpu.memory_space<semaphore_mem>> -> memref<1x!tpu.dma_semaphore, #tpu.memory_space<semaphore_mem>>
      %dma_wait3A_492 = tpu.memref_squeeze %dma_wait3A_491 : memref<1x!tpu.dma_semaphore, #tpu.memory_space<semaphore_mem>> -> memref<!tpu.dma_semaphore, #tpu.memory_space<semaphore_mem>>
      %dma_wait3A_493 = arith.constant 0 : i32
      %dma_wait3A_494 = arith.constant 0 : i32
      %dma_wait3A_495 = tpu.memref_slice %arg8[%dma_wait3A_483, %dma_wait3A_493, %dma_wait3A_494] : memref<8x8x1024xf32, #tpu.memory_space<vmem>> -> memref<1x8x1024xf32, #tpu.memory_space<vmem>>
      %dma_wait3A_496 = tpu.memref_squeeze %dma_wait3A_495 : memref<1x8x1024xf32, #tpu.memory_space<vmem>> -> memref<8x1024xf32, #tpu.memory_space<vmem>>
      %dma_wait3A_497 = arith.constant 0 : i32
      %dma_wait3A_498 = tpu.memref_slice %arg3[%mul3A_2, %dma_wait3A_497] : memref<16384x1024xf32, #tpu.memory_space<hbm>> -> memref<8x1024xf32, #tpu.memory_space<hbm>>
      tpu.wait_dma2 semaphore(%dma_wait3A_492 : memref<!tpu.dma_semaphore, #tpu.memory_space<semaphore_mem>>) src(%dma_wait3A_498 : memref<8x1024xf32, #tpu.memory_space<hbm>>) dst(%dma_wait3A_496 : memref<8x1024xf32, #tpu.memory_space<vmem>>)
      %dma_wait3A_499 = arith.constant 0 : i32
      %dma_wait3A_500 = arith.constant 0 : i32
      %dma_wait3A_501 = arith.constant 0 : i32
      %dma_wait3A_502 = arith.constant 0 : i32
      %dma_wait3A_503 = tpu.memref_slice %arg7[%dma_wait3A_499, %dma_wait3A_501, %dma_wait3A_502] : memref<4x8x1024xf32, #tpu.memory_space<vmem>> -> memref<1x8x1024xf32, #tpu.memory_space<vmem>>
      %dma_wait3A_504 = tpu.memref_squeeze %dma_wait3A_503 : memref<1x8x1024xf32, #tpu.memory_space<vmem>> -> memref<8x1024xf32, #tpu.memory_space<vmem>>
      %dma_wait3A_505 = arith.constant 0 : i32
      %dma_wait3A_506 = tpu.memref_slice %arg4[%mul3A_2, %dma_wait3A_505] : memref<16384x1024xf32, #tpu.memory_space<hbm>> -> memref<8x1024xf32, #tpu.memory_space<hbm>>
      %dma_wait3A_507 = tpu.memref_slice %arg10[%dma_wait3A_500] : memref<4x!tpu.dma_semaphore, #tpu.memory_space<semaphore_mem>> -> memref<1x!tpu.dma_semaphore, #tpu.memory_space<semaphore_mem>>
      %dma_wait3A_508 = tpu.memref_squeeze %dma_wait3A_507 : memref<1x!tpu.dma_semaphore, #tpu.memory_space<semaphore_mem>> -> memref<!tpu.dma_semaphore, #tpu.memory_space<semaphore_mem>>
      %dma_wait3A_509 = arith.constant 0 : i32
      %dma_wait3A_510 = arith.constant 0 : i32
      %dma_wait3A_511 = tpu.memref_slice %arg7[%dma_wait3A_499, %dma_wait3A_509, %dma_wait3A_510] : memref<4x8x1024xf32, #tpu.memory_space<vmem>> -> memref<1x8x1024xf32, #tpu.memory_space<vmem>>
      %dma_wait3A_512 = tpu.memref_squeeze %dma_wait3A_511 : memref<1x8x1024xf32, #tpu.memory_space<vmem>> -> memref<8x1024xf32, #tpu.memory_space<vmem>>
      %dma_wait3A_513 = arith.constant 0 : i32
      %dma_wait3A_514 = tpu.memref_slice %arg4[%mul3A_2, %dma_wait3A_513] : memref<16384x1024xf32, #tpu.memory_space<hbm>> -> memref<8x1024xf32, #tpu.memory_space<hbm>>
      tpu.wait_dma2 semaphore(%dma_wait3A_508 : memref<!tpu.dma_semaphore, #tpu.memory_space<semaphore_mem>>) src(%dma_wait3A_514 : memref<8x1024xf32, #tpu.memory_space<hbm>>) dst(%dma_wait3A_512 : memref<8x1024xf32, #tpu.memory_space<vmem>>)
      %scan3A_515 = arith.constant 0 : i32
      %scan3A_516 = arith.constant 0 : i32
      %scan3A_517 = arith.constant 64 : i32
      %scan3A_518 = arith.addi %scan3A_516, %scan3A_517 : i32
      %scan3A_519 = arith.constant 1 : i32
      scf.for %scan3A_744 = %scan3A_516 to %scan3A_518 step %scan3A_519  : i32 {
        %mul3A_745 = arith.constant 16 : i32
        %mul3A_746 = arith.muli %scan3A_744, %mul3A_745 : i32
        %multiple_of3A = tpu.assume_multiple %mul3A_746, 16 : i32
        %get3A = arith.index_cast %multiple_of3A : i32 to index
        %get3A_747 = tpu.vector_load %arg6[%get3A] {strides = array<i32>} : memref<1024xf32, #tpu.memory_space<vmem>>, vector<16xf32>,
        %get3A_748 = vector.shape_cast %get3A_747 : vector<16xf32> to vector<16xf32>
        %ne3A = arith.constant 0.000000e+00 : f32
        %ne3A_749 = vector.broadcast %ne3A : f32 to vector<16xf32>
        %ne3A_750 = arith.cmpf one, %get3A_748, %ne3A_749 : vector<16xf32>
        %get3A_751 = arith.constant 4 : i32
        %get3A_752 = arith.constant 0 : i32
        %get3A_753 = arith.index_cast %get3A_751 : i32 to index
        %get3A_754 = arith.index_cast %get3A_752 : i32 to index
        %get3A_755 = arith.index_cast %multiple_of3A : i32 to index
        %get3A_756 = tpu.vector_load %arg8[%get3A_753, %get3A_754, %get3A_755] {strides = array<i32>} : memref<8x8x1024xf32, #tpu.memory_space<vmem>>, vector<1x1x16xf32>,
        %get3A_757 = vector.shape_cast %get3A_756 : vector<1x1x16xf32> to vector<16xf32>
        %get3A_758 = arith.constant 0 : i32
        %get3A_759 = arith.constant 0 : i32
        %get3A_760 = arith.index_cast %get3A_758 : i32 to index
        %get3A_761 = arith.index_cast %get3A_759 : i32 to index
        %get3A_762 = arith.index_cast %multiple_of3A : i32 to index
        %get3A_763 = tpu.vector_load %arg7[%get3A_760, %get3A_761, %get3A_762] {strides = array<i32>} : memref<4x8x1024xf32, #tpu.memory_space<vmem>>, vector<1x1x16xf32>,
        %get3A_764 = vector.shape_cast %get3A_763 : vector<1x1x16xf32> to vector<16xf32>
        %select_n3A = arith.select %ne3A_750, %get3A_764, %get3A_757 : vector<16xi1>, vector<16xf32>
        %swap3A = arith.constant 4 : i32
        %swap3A_765 = arith.constant 0 : i32
        %swap3A_766 = arith.index_cast %swap3A : i32 to index
        %swap3A_767 = arith.index_cast %swap3A_765 : i32 to index
        %swap3A_768 = arith.index_cast %multiple_of3A : i32 to index
        %swap3A_769 = tpu.vector_load %arg8[%swap3A_766, %swap3A_767, %swap3A_768] {strides = array<i32>} : memref<8x8x1024xf32, #tpu.memory_space<vmem>>, vector<1x1x16xf32>,
        %swap3A_770 = vector.shape_cast %swap3A_769 : vector<1x1x16xf32> to vector<16xf32>
        %swap3A_771 = vector.shape_cast %select_n3A : vector<16xf32> to vector<1x1x16xf32>
        tpu.vector_store %arg8[%swap3A_766, %swap3A_767, %swap3A_768], %swap3A_771 {strides = array<i32>} : memref<8x8x1024xf32, #tpu.memory_space<vmem>>, vector<1x1x16xf32>,
        %get3A_772 = arith.constant 4 : i32
        %get3A_773 = arith.constant 1 : i32
        %get3A_774 = arith.index_cast %get3A_772 : i32 to index
        %get3A_775 = arith.index_cast %get3A_773 : i32 to index
        %get3A_776 = arith.index_cast %multiple_of3A : i32 to index
        %get3A_777 = tpu.vector_load %arg8[%get3A_774, %get3A_775, %get3A_776] {strides = array<i32>} : memref<8x8x1024xf32, #tpu.memory_space<vmem>>, vector<1x1x16xf32>,
        %get3A_778 = vector.shape_cast %get3A_777 : vector<1x1x16xf32> to vector<16xf32>
        %get3A_779 = arith.constant 0 : i32
        %get3A_780 = arith.constant 1 : i32
        %get3A_781 = arith.index_cast %get3A_779 : i32 to index
        %get3A_782 = arith.index_cast %get3A_780 : i32 to index
        %get3A_783 = arith.index_cast %multiple_of3A : i32 to index
        %get3A_784 = tpu.vector_load %arg7[%get3A_781, %get3A_782, %get3A_783] {strides = array<i32>} : memref<4x8x1024xf32, #tpu.memory_space<vmem>>, vector<1x1x16xf32>,
        %get3A_785 = vector.shape_cast %get3A_784 : vector<1x1x16xf32> to vector<16xf32>
        %select_n3A_786 = arith.select %ne3A_750, %get3A_785, %get3A_778 : vector<16xi1>, vector<16xf32>
        %swap3A_787 = arith.constant 4 : i32
        %swap3A_788 = arith.constant 1 : i32
        %swap3A_789 = arith.index_cast %swap3A_787 : i32 to index
        %swap3A_790 = arith.index_cast %swap3A_788 : i32 to index
        %swap3A_791 = arith.index_cast %multiple_of3A : i32 to index
        %swap3A_792 = tpu.vector_load %arg8[%swap3A_789, %swap3A_790, %swap3A_791] {strides = array<i32>} : memref<8x8x1024xf32, #tpu.memory_space<vmem>>, vector<1x1x16xf32>,
        %swap3A_793 = vector.shape_cast %swap3A_792 : vector<1x1x16xf32> to vector<16xf32>
        %swap3A_794 = vector.shape_cast %select_n3A_786 : vector<16xf32> to vector<1x1x16xf32>
        tpu.vector_store %arg8[%swap3A_789, %swap3A_790, %swap3A_791], %swap3A_794 {strides = array<i32>} : memref<8x8x1024xf32, #tpu.memory_space<vmem>>, vector<1x1x16xf32>,
        %get3A_795 = arith.constant 4 : i32
        %get3A_796 = arith.constant 2 : i32
        %get3A_797 = arith.index_cast %get3A_795 : i32 to index
        %get3A_798 = arith.index_cast %get3A_796 : i32 to index
        %get3A_799 = arith.index_cast %multiple_of3A : i32 to index
        %get3A_800 = tpu.vector_load %arg8[%get3A_797, %get3A_798, %get3A_799] {strides = array<i32>} : memref<8x8x1024xf32, #tpu.memory_space<vmem>>, vector<1x1x16xf32>,
        %get3A_801 = vector.shape_cast %get3A_800 : vector<1x1x16xf32> to vector<16xf32>
        %get3A_802 = arith.constant 0 : i32
        %get3A_803 = arith.constant 2 : i32
        %get3A_804 = arith.index_cast %get3A_802 : i32 to index
        %get3A_805 = arith.index_cast %get3A_803 : i32 to index
        %get3A_806 = arith.index_cast %multiple_of3A : i32 to index
        %get3A_807 = tpu.vector_load %arg7[%get3A_804, %get3A_805, %get3A_806] {strides = array<i32>} : memref<4x8x1024xf32, #tpu.memory_space<vmem>>, vector<1x1x16xf32>,
        %get3A_808 = vector.shape_cast %get3A_807 : vector<1x1x16xf32> to vector<16xf32>
        %select_n3A_809 = arith.select %ne3A_750, %get3A_808, %get3A_801 : vector<16xi1>, vector<16xf32>
        %swap3A_810 = arith.constant 4 : i32
        %swap3A_811 = arith.constant 2 : i32
        %swap3A_812 = arith.index_cast %swap3A_810 : i32 to index
        %swap3A_813 = arith.index_cast %swap3A_811 : i32 to index
        %swap3A_814 = arith.index_cast %multiple_of3A : i32 to index
        %swap3A_815 = tpu.vector_load %arg8[%swap3A_812, %swap3A_813, %swap3A_814] {strides = array<i32>} : memref<8x8x1024xf32, #tpu.memory_space<vmem>>, vector<1x1x16xf32>,
        %swap3A_816 = vector.shape_cast %swap3A_815 : vector<1x1x16xf32> to vector<16xf32>
        %swap3A_817 = vector.shape_cast %select_n3A_809 : vector<16xf32> to vector<1x1x16xf32>
        tpu.vector_store %arg8[%swap3A_812, %swap3A_813, %swap3A_814], %swap3A_817 {strides = array<i32>} : memref<8x8x1024xf32, #tpu.memory_space<vmem>>, vector<1x1x16xf32>,
        %get3A_818 = arith.constant 4 : i32
        %get3A_819 = arith.constant 3 : i32
        %get3A_820 = arith.index_cast %get3A_818 : i32 to index
        %get3A_821 = arith.index_cast %get3A_819 : i32 to index
        %get3A_822 = arith.index_cast %multiple_of3A : i32 to index
        %get3A_823 = tpu.vector_load %arg8[%get3A_820, %get3A_821, %get3A_822] {strides = array<i32>} : memref<8x8x1024xf32, #tpu.memory_space<vmem>>, vector<1x1x16xf32>,
        %get3A_824 = vector.shape_cast %get3A_823 : vector<1x1x16xf32> to vector<16xf32>
        %get3A_825 = arith.constant 0 : i32
        %get3A_826 = arith.constant 3 : i32
        %get3A_827 = arith.index_cast %get3A_825 : i32 to index
        %get3A_828 = arith.index_cast %get3A_826 : i32 to index
        %get3A_829 = arith.index_cast %multiple_of3A : i32 to index
        %get3A_830 = tpu.vector_load %arg7[%get3A_827, %get3A_828, %get3A_829] {strides = array<i32>} : memref<4x8x1024xf32, #tpu.memory_space<vmem>>, vector<1x1x16xf32>,
        %get3A_831 = vector.shape_cast %get3A_830 : vector<1x1x16xf32> to vector<16xf32>
        %select_n3A_832 = arith.select %ne3A_750, %get3A_831, %get3A_824 : vector<16xi1>, vector<16xf32>
        %swap3A_833 = arith.constant 4 : i32
        %swap3A_834 = arith.constant 3 : i32
        %swap3A_835 = arith.index_cast %swap3A_833 : i32 to index
        %swap3A_836 = arith.index_cast %swap3A_834 : i32 to index
        %swap3A_837 = arith.index_cast %multiple_of3A : i32 to index
        %swap3A_838 = tpu.vector_load %arg8[%swap3A_835, %swap3A_836, %swap3A_837] {strides = array<i32>} : memref<8x8x1024xf32, #tpu.memory_space<vmem>>, vector<1x1x16xf32>,
        %swap3A_839 = vector.shape_cast %swap3A_838 : vector<1x1x16xf32> to vector<16xf32>
        %swap3A_840 = vector.shape_cast %select_n3A_832 : vector<16xf32> to vector<1x1x16xf32>
        tpu.vector_store %arg8[%swap3A_835, %swap3A_836, %swap3A_837], %swap3A_840 {strides = array<i32>} : memref<8x8x1024xf32, #tpu.memory_space<vmem>>, vector<1x1x16xf32>,
        %get3A_841 = arith.constant 4 : i32
        %get3A_842 = arith.constant 4 : i32
        %get3A_843 = arith.index_cast %get3A_841 : i32 to index
        %get3A_844 = arith.index_cast %get3A_842 : i32 to index
        %get3A_845 = arith.index_cast %multiple_of3A : i32 to index
        %get3A_846 = tpu.vector_load %arg8[%get3A_843, %get3A_844, %get3A_845] {strides = array<i32>} : memref<8x8x1024xf32, #tpu.memory_space<vmem>>, vector<1x1x16xf32>,
        %get3A_847 = vector.shape_cast %get3A_846 : vector<1x1x16xf32> to vector<16xf32>
        %get3A_848 = arith.constant 0 : i32
        %get3A_849 = arith.constant 4 : i32
        %get3A_850 = arith.index_cast %get3A_848 : i32 to index
        %get3A_851 = arith.index_cast %get3A_849 : i32 to index
        %get3A_852 = arith.index_cast %multiple_of3A : i32 to index
        %get3A_853 = tpu.vector_load %arg7[%get3A_850, %get3A_851, %get3A_852] {strides = array<i32>} : memref<4x8x1024xf32, #tpu.memory_space<vmem>>, vector<1x1x16xf32>,
        %get3A_854 = vector.shape_cast %get3A_853 : vector<1x1x16xf32> to vector<16xf32>
        %select_n3A_855 = arith.select %ne3A_750, %get3A_854, %get3A_847 : vector<16xi1>, vector<16xf32>
        %swap3A_856 = arith.constant 4 : i32
        %swap3A_857 = arith.constant 4 : i32
        %swap3A_858 = arith.index_cast %swap3A_856 : i32 to index
        %swap3A_859 = arith.index_cast %swap3A_857 : i32 to index
        %swap3A_860 = arith.index_cast %multiple_of3A : i32 to index
        %swap3A_861 = tpu.vector_load %arg8[%swap3A_858, %swap3A_859, %swap3A_860] {strides = array<i32>} : memref<8x8x1024xf32, #tpu.memory_space<vmem>>, vector<1x1x16xf32>,
        %swap3A_862 = vector.shape_cast %swap3A_861 : vector<1x1x16xf32> to vector<16xf32>
        %swap3A_863 = vector.shape_cast %select_n3A_855 : vector<16xf32> to vector<1x1x16xf32>
        tpu.vector_store %arg8[%swap3A_858, %swap3A_859, %swap3A_860], %swap3A_863 {strides = array<i32>} : memref<8x8x1024xf32, #tpu.memory_space<vmem>>, vector<1x1x16xf32>,
        %get3A_864 = arith.constant 4 : i32
        %get3A_865 = arith.constant 5 : i32
        %get3A_866 = arith.index_cast %get3A_864 : i32 to index
        %get3A_867 = arith.index_cast %get3A_865 : i32 to index
        %get3A_868 = arith.index_cast %multiple_of3A : i32 to index
        %get3A_869 = tpu.vector_load %arg8[%get3A_866, %get3A_867, %get3A_868] {strides = array<i32>} : memref<8x8x1024xf32, #tpu.memory_space<vmem>>, vector<1x1x16xf32>,
        %get3A_870 = vector.shape_cast %get3A_869 : vector<1x1x16xf32> to vector<16xf32>
        %get3A_871 = arith.constant 0 : i32
        %get3A_872 = arith.constant 5 : i32
        %get3A_873 = arith.index_cast %get3A_871 : i32 to index
        %get3A_874 = arith.index_cast %get3A_872 : i32 to index
        %get3A_875 = arith.index_cast %multiple_of3A : i32 to index
        %get3A_876 = tpu.vector_load %arg7[%get3A_873, %get3A_874, %get3A_875] {strides = array<i32>} : memref<4x8x1024xf32, #tpu.memory_space<vmem>>, vector<1x1x16xf32>,
        %get3A_877 = vector.shape_cast %get3A_876 : vector<1x1x16xf32> to vector<16xf32>
        %select_n3A_878 = arith.select %ne3A_750, %get3A_877, %get3A_870 : vector<16xi1>, vector<16xf32>
        %swap3A_879 = arith.constant 4 : i32
        %swap3A_880 = arith.constant 5 : i32
        %swap3A_881 = arith.index_cast %swap3A_879 : i32 to index
        %swap3A_882 = arith.index_cast %swap3A_880 : i32 to index
        %swap3A_883 = arith.index_cast %multiple_of3A : i32 to index
        %swap3A_884 = tpu.vector_load %arg8[%swap3A_881, %swap3A_882, %swap3A_883] {strides = array<i32>} : memref<8x8x1024xf32, #tpu.memory_space<vmem>>, vector<1x1x16xf32>,
        %swap3A_885 = vector.shape_cast %swap3A_884 : vector<1x1x16xf32> to vector<16xf32>
        %swap3A_886 = vector.shape_cast %select_n3A_878 : vector<16xf32> to vector<1x1x16xf32>
        tpu.vector_store %arg8[%swap3A_881, %swap3A_882, %swap3A_883], %swap3A_886 {strides = array<i32>} : memref<8x8x1024xf32, #tpu.memory_space<vmem>>, vector<1x1x16xf32>,
        %get3A_887 = arith.constant 4 : i32
        %get3A_888 = arith.constant 6 : i32
        %get3A_889 = arith.index_cast %get3A_887 : i32 to index
        %get3A_890 = arith.index_cast %get3A_888 : i32 to index
        %get3A_891 = arith.index_cast %multiple_of3A : i32 to index
        %get3A_892 = tpu.vector_load %arg8[%get3A_889, %get3A_890, %get3A_891] {strides = array<i32>} : memref<8x8x1024xf32, #tpu.memory_space<vmem>>, vector<1x1x16xf32>,
        %get3A_893 = vector.shape_cast %get3A_892 : vector<1x1x16xf32> to vector<16xf32>
        %get3A_894 = arith.constant 0 : i32
        %get3A_895 = arith.constant 6 : i32
        %get3A_896 = arith.index_cast %get3A_894 : i32 to index
        %get3A_897 = arith.index_cast %get3A_895 : i32 to index
        %get3A_898 = arith.index_cast %multiple_of3A : i32 to index
        %get3A_899 = tpu.vector_load %arg7[%get3A_896, %get3A_897, %get3A_898] {strides = array<i32>} : memref<4x8x1024xf32, #tpu.memory_space<vmem>>, vector<1x1x16xf32>,
        %get3A_900 = vector.shape_cast %get3A_899 : vector<1x1x16xf32> to vector<16xf32>
        %select_n3A_901 = arith.select %ne3A_750, %get3A_900, %get3A_893 : vector<16xi1>, vector<16xf32>
        %swap3A_902 = arith.constant 4 : i32
        %swap3A_903 = arith.constant 6 : i32
        %swap3A_904 = arith.index_cast %swap3A_902 : i32 to index
        %swap3A_905 = arith.index_cast %swap3A_903 : i32 to index
        %swap3A_906 = arith.index_cast %multiple_of3A : i32 to index
        %swap3A_907 = tpu.vector_load %arg8[%swap3A_904, %swap3A_905, %swap3A_906] {strides = array<i32>} : memref<8x8x1024xf32, #tpu.memory_space<vmem>>, vector<1x1x16xf32>,
        %swap3A_908 = vector.shape_cast %swap3A_907 : vector<1x1x16xf32> to vector<16xf32>
        %swap3A_909 = vector.shape_cast %select_n3A_901 : vector<16xf32> to vector<1x1x16xf32>
        tpu.vector_store %arg8[%swap3A_904, %swap3A_905, %swap3A_906], %swap3A_909 {strides = array<i32>} : memref<8x8x1024xf32, #tpu.memory_space<vmem>>, vector<1x1x16xf32>,
        %get3A_910 = arith.constant 4 : i32
        %get3A_911 = arith.constant 7 : i32
        %get3A_912 = arith.index_cast %get3A_910 : i32 to index
        %get3A_913 = arith.index_cast %get3A_911 : i32 to index
        %get3A_914 = arith.index_cast %multiple_of3A : i32 to index
        %get3A_915 = tpu.vector_load %arg8[%get3A_912, %get3A_913, %get3A_914] {strides = array<i32>} : memref<8x8x1024xf32, #tpu.memory_space<vmem>>, vector<1x1x16xf32>,
        %get3A_916 = vector.shape_cast %get3A_915 : vector<1x1x16xf32> to vector<16xf32>
        %get3A_917 = arith.constant 0 : i32
        %get3A_918 = arith.constant 7 : i32
        %get3A_919 = arith.index_cast %get3A_917 : i32 to index
        %get3A_920 = arith.index_cast %get3A_918 : i32 to index
        %get3A_921 = arith.index_cast %multiple_of3A : i32 to index
        %get3A_922 = tpu.vector_load %arg7[%get3A_919, %get3A_920, %get3A_921] {strides = array<i32>} : memref<4x8x1024xf32, #tpu.memory_space<vmem>>, vector<1x1x16xf32>,
        %get3A_923 = vector.shape_cast %get3A_922 : vector<1x1x16xf32> to vector<16xf32>
        %select_n3A_924 = arith.select %ne3A_750, %get3A_923, %get3A_916 : vector<16xi1>, vector<16xf32>
        %swap3A_925 = arith.constant 4 : i32
        %swap3A_926 = arith.constant 7 : i32
        %swap3A_927 = arith.index_cast %swap3A_925 : i32 to index
        %swap3A_928 = arith.index_cast %swap3A_926 : i32 to index
        %swap3A_929 = arith.index_cast %multiple_of3A : i32 to index
        %swap3A_930 = tpu.vector_load %arg8[%swap3A_927, %swap3A_928, %swap3A_929] {strides = array<i32>} : memref<8x8x1024xf32, #tpu.memory_space<vmem>>, vector<1x1x16xf32>,
        %swap3A_931 = vector.shape_cast %swap3A_930 : vector<1x1x16xf32> to vector<16xf32>
        %swap3A_932 = vector.shape_cast %select_n3A_924 : vector<16xf32> to vector<1x1x16xf32>
        tpu.vector_store %arg8[%swap3A_927, %swap3A_928, %swap3A_929], %swap3A_932 {strides = array<i32>} : memref<8x8x1024xf32, #tpu.memory_space<vmem>>, vector<1x1x16xf32>,
      }
      %scan3A_520 = arith.constant 64 : i32
      %mul3A_521 = arith.constant 8 : i32
      %mul3A_522 = arith.muli %add3A_475, %mul3A_521 : i32
      %add3A_523 = arith.addi %mul3A_2, %mul3A_522 : i32
      %dma_start3A_524 = arith.constant 4 : i32
      %dma_start3A_525 = arith.constant 4 : i32
      %dma_start3A_526 = arith.constant 0 : i32
      %dma_start3A_527 = arith.constant 0 : i32
      %dma_start3A_528 = tpu.memref_slice %arg8[%dma_start3A_524, %dma_start3A_526, %dma_start3A_527] : memref<8x8x1024xf32, #tpu.memory_space<vmem>> -> memref<1x8x1024xf32, #tpu.memory_space<vmem>>
      %dma_start3A_529 = tpu.memref_squeeze %dma_start3A_528 : memref<1x8x1024xf32, #tpu.memory_space<vmem>> -> memref<8x1024xf32, #tpu.memory_space<vmem>>
      %dma_start3A_530 = arith.constant 0 : i32
      %dma_start3A_531 = tpu.memref_slice %arg5[%add3A_523, %dma_start3A_530] : memref<16384x1024xf32, #tpu.memory_space<hbm>> -> memref<8x1024xf32, #tpu.memory_space<hbm>>
      %dma_start3A_532 = tpu.memref_slice %arg11[%dma_start3A_525] : memref<8x!tpu.dma_semaphore, #tpu.memory_space<semaphore_mem>> -> memref<1x!tpu.dma_semaphore, #tpu.memory_space<semaphore_mem>>
      %dma_start3A_533 = tpu.memref_squeeze %dma_start3A_532 : memref<1x!tpu.dma_semaphore, #tpu.memory_space<semaphore_mem>> -> memref<!tpu.dma_semaphore, #tpu.memory_space<semaphore_mem>>
      %dma_start3A_534 = arith.constant 0 : i32
      %dma_start3A_535 = tpu.memref_slice %arg5[%add3A_523, %dma_start3A_534] : memref<16384x1024xf32, #tpu.memory_space<hbm>> -> memref<8x1024xf32, #tpu.memory_space<hbm>>
      %dma_start3A_536 = arith.constant 0 : i32
      %dma_start3A_537 = arith.constant 0 : i32
      %dma_start3A_538 = tpu.memref_slice %arg8[%dma_start3A_524, %dma_start3A_536, %dma_start3A_537] : memref<8x8x1024xf32, #tpu.memory_space<vmem>> -> memref<1x8x1024xf32, #tpu.memory_space<vmem>>
      %dma_start3A_539 = tpu.memref_squeeze %dma_start3A_538 : memref<1x8x1024xf32, #tpu.memory_space<vmem>> -> memref<8x1024xf32, #tpu.memory_space<vmem>>
      tpu.enqueue_dma source(%dma_start3A_539 : memref<8x1024xf32, #tpu.memory_space<vmem>>) target(%dma_start3A_535 : memref<8x1024xf32, #tpu.memory_space<hbm>>) target_semaphore(%dma_start3A_533 : memref<!tpu.dma_semaphore, #tpu.memory_space<semaphore_mem>>)
      %mul3A_540 = arith.constant 8 : i32
      %mul3A_541 = arith.muli %scan3A_202, %mul3A_540 : i32
      %add3A_542 = arith.constant 5 : i32
      %add3A_543 = arith.addi %mul3A_541, %add3A_542 : i32
      %add3A_544 = arith.constant 2 : i32
      %add3A_545 = arith.addi %add3A_543, %add3A_544 : i32
      %lt3A_546 = arith.constant 64 : i32
      %lt3A_547 = arith.cmpi slt, %add3A_545, %lt3A_546 : i32
      %convert_element_type3A_548 = arith.extui %lt3A_547 : i1 to i32
      %cond3A_549 = arith.constant 0 : i32
      %cond3A_550 = arith.cmpi ne, %convert_element_type3A_548, %cond3A_549 : i32
      scf.if %cond3A_550 {
        %ge3A = arith.constant 8 : i32
        %ge3A_744 = arith.cmpi sge, %add3A_545, %ge3A : i32
        %convert_element_type3A_745 = arith.extui %ge3A_744 : i1 to i32
        %cond3A_746 = arith.constant 0 : i32
        %cond3A_747 = arith.cmpi ne, %convert_element_type3A_745, %cond3A_746 : i32
        scf.if %cond3A_747 {
          %dma_wait3A_783 = arith.constant 7 : i32
          %dma_wait3A_784 = arith.constant 7 : i32
          %dma_wait3A_785 = arith.constant 0 : i32
          %dma_wait3A_786 = arith.constant 0 : i32
          %dma_wait3A_787 = tpu.memref_slice %arg8[%dma_wait3A_783, %dma_wait3A_785, %dma_wait3A_786] : memref<8x8x1024xf32, #tpu.memory_space<vmem>> -> memref<1x8x1024xf32, #tpu.memory_space<vmem>>
          %dma_wait3A_788 = tpu.memref_squeeze %dma_wait3A_787 : memref<1x8x1024xf32, #tpu.memory_space<vmem>> -> memref<8x1024xf32, #tpu.memory_space<vmem>>
          %dma_wait3A_789 = arith.constant 0 : i32
          %dma_wait3A_790 = tpu.memref_slice %arg5[%mul3A_2, %dma_wait3A_789] : memref<16384x1024xf32, #tpu.memory_space<hbm>> -> memref<8x1024xf32, #tpu.memory_space<hbm>>
          %dma_wait3A_791 = tpu.memref_slice %arg11[%dma_wait3A_784] : memref<8x!tpu.dma_semaphore, #tpu.memory_space<semaphore_mem>> -> memref<1x!tpu.dma_semaphore, #tpu.memory_space<semaphore_mem>>
          %dma_wait3A_792 = tpu.memref_squeeze %dma_wait3A_791 : memref<1x!tpu.dma_semaphore, #tpu.memory_space<semaphore_mem>> -> memref<!tpu.dma_semaphore, #tpu.memory_space<semaphore_mem>>
          %dma_wait3A_793 = arith.constant 0 : i32
          %dma_wait3A_794 = tpu.memref_slice %arg5[%mul3A_2, %dma_wait3A_793] : memref<16384x1024xf32, #tpu.memory_space<hbm>> -> memref<8x1024xf32, #tpu.memory_space<hbm>>
          %dma_wait3A_795 = arith.constant 0 : i32
          %dma_wait3A_796 = arith.constant 0 : i32
          %dma_wait3A_797 = tpu.memref_slice %arg8[%dma_wait3A_783, %dma_wait3A_795, %dma_wait3A_796] : memref<8x8x1024xf32, #tpu.memory_space<vmem>> -> memref<1x8x1024xf32, #tpu.memory_space<vmem>>
          %dma_wait3A_798 = tpu.memref_squeeze %dma_wait3A_797 : memref<1x8x1024xf32, #tpu.memory_space<vmem>> -> memref<8x1024xf32, #tpu.memory_space<vmem>>
          tpu.wait_dma2 semaphore(%dma_wait3A_792 : memref<!tpu.dma_semaphore, #tpu.memory_space<semaphore_mem>>) src(%dma_wait3A_798 : memref<8x1024xf32, #tpu.memory_space<vmem>>) dst(%dma_wait3A_794 : memref<8x1024xf32, #tpu.memory_space<hbm>>)
        } else {
        }
        %mul3A_748 = arith.constant 8 : i32
        %mul3A_749 = arith.muli %add3A_545, %mul3A_748 : i32
        %add3A_750 = arith.addi %mul3A_2, %mul3A_749 : i32
        %dma_start3A_751 = arith.constant 7 : i32
        %dma_start3A_752 = arith.constant 7 : i32
        %dma_start3A_753 = arith.constant 0 : i32
        %dma_start3A_754 = arith.constant 0 : i32
        %dma_start3A_755 = tpu.memref_slice %arg8[%dma_start3A_751, %dma_start3A_753, %dma_start3A_754] : memref<8x8x1024xf32, #tpu.memory_space<vmem>> -> memref<1x8x1024xf32, #tpu.memory_space<vmem>>
        %dma_start3A_756 = tpu.memref_squeeze %dma_start3A_755 : memref<1x8x1024xf32, #tpu.memory_space<vmem>> -> memref<8x1024xf32, #tpu.memory_space<vmem>>
        %dma_start3A_757 = arith.constant 0 : i32
        %dma_start3A_758 = tpu.memref_slice %arg3[%add3A_750, %dma_start3A_757] : memref<16384x1024xf32, #tpu.memory_space<hbm>> -> memref<8x1024xf32, #tpu.memory_space<hbm>>
        %dma_start3A_759 = tpu.memref_slice %arg9[%dma_start3A_752] : memref<8x!tpu.dma_semaphore, #tpu.memory_space<semaphore_mem>> -> memref<1x!tpu.dma_semaphore, #tpu.memory_space<semaphore_mem>>
        %dma_start3A_760 = tpu.memref_squeeze %dma_start3A_759 : memref<1x!tpu.dma_semaphore, #tpu.memory_space<semaphore_mem>> -> memref<!tpu.dma_semaphore, #tpu.memory_space<semaphore_mem>>
        %dma_start3A_761 = arith.constant 0 : i32
        %dma_start3A_762 = arith.constant 0 : i32
        %dma_start3A_763 = tpu.memref_slice %arg8[%dma_start3A_751, %dma_start3A_761, %dma_start3A_762] : memref<8x8x1024xf32, #tpu.memory_space<vmem>> -> memref<1x8x1024xf32, #tpu.memory_space<vmem>>
        %dma_start3A_764 = tpu.memref_squeeze %dma_start3A_763 : memref<1x8x1024xf32, #tpu.memory_space<vmem>> -> memref<8x1024xf32, #tpu.memory_space<vmem>>
        %dma_start3A_765 = arith.constant 0 : i32
        %dma_start3A_766 = tpu.memref_slice %arg3[%add3A_750, %dma_start3A_765] : memref<16384x1024xf32, #tpu.memory_space<hbm>> -> memref<8x1024xf32, #tpu.memory_space<hbm>>
        tpu.enqueue_dma source(%dma_start3A_766 : memref<8x1024xf32, #tpu.memory_space<hbm>>) target(%dma_start3A_764 : memref<8x1024xf32, #tpu.memory_space<vmem>>) target_semaphore(%dma_start3A_760 : memref<!tpu.dma_semaphore, #tpu.memory_space<semaphore_mem>>)
        %dma_start3A_767 = arith.constant 3 : i32
        %dma_start3A_768 = arith.constant 3 : i32
        %dma_start3A_769 = arith.constant 0 : i32
        %dma_start3A_770 = arith.constant 0 : i32
        %dma_start3A_771 = tpu.memref_slice %arg7[%dma_start3A_767, %dma_start3A_769, %dma_start3A_770] : memref<4x8x1024xf32, #tpu.memory_space<vmem>> -> memref<1x8x1024xf32, #tpu.memory_space<vmem>>
        %dma_start3A_772 = tpu.memref_squeeze %dma_start3A_771 : memref<1x8x1024xf32, #tpu.memory_space<vmem>> -> memref<8x1024xf32, #tpu.memory_space<vmem>>
        %dma_start3A_773 = arith.constant 0 : i32
        %dma_start3A_774 = tpu.memref_slice %arg4[%add3A_750, %dma_start3A_773] : memref<16384x1024xf32, #tpu.memory_space<hbm>> -> memref<8x1024xf32, #tpu.memory_space<hbm>>
        %dma_start3A_775 = tpu.memref_slice %arg10[%dma_start3A_768] : memref<4x!tpu.dma_semaphore, #tpu.memory_space<semaphore_mem>> -> memref<1x!tpu.dma_semaphore, #tpu.memory_space<semaphore_mem>>
        %dma_start3A_776 = tpu.memref_squeeze %dma_start3A_775 : memref<1x!tpu.dma_semaphore, #tpu.memory_space<semaphore_mem>> -> memref<!tpu.dma_semaphore, #tpu.memory_space<semaphore_mem>>
        %dma_start3A_777 = arith.constant 0 : i32
        %dma_start3A_778 = arith.constant 0 : i32
        %dma_start3A_779 = tpu.memref_slice %arg7[%dma_start3A_767, %dma_start3A_777, %dma_start3A_778] : memref<4x8x1024xf32, #tpu.memory_space<vmem>> -> memref<1x8x1024xf32, #tpu.memory_space<vmem>>
        %dma_start3A_780 = tpu.memref_squeeze %dma_start3A_779 : memref<1x8x1024xf32, #tpu.memory_space<vmem>> -> memref<8x1024xf32, #tpu.memory_space<vmem>>
        %dma_start3A_781 = arith.constant 0 : i32
        %dma_start3A_782 = tpu.memref_slice %arg4[%add3A_750, %dma_start3A_781] : memref<16384x1024xf32, #tpu.memory_space<hbm>> -> memref<8x1024xf32, #tpu.memory_space<hbm>>
        tpu.enqueue_dma source(%dma_start3A_782 : memref<8x1024xf32, #tpu.memory_space<hbm>>) target(%dma_start3A_780 : memref<8x1024xf32, #tpu.memory_space<vmem>>) target_semaphore(%dma_start3A_776 : memref<!tpu.dma_semaphore, #tpu.memory_space<semaphore_mem>>)
      } else {
      }
      %dma_wait3A_551 = arith.constant 5 : i32
      %dma_wait3A_552 = arith.constant 5 : i32
      %dma_wait3A_553 = arith.constant 0 : i32
      %dma_wait3A_554 = arith.constant 0 : i32
      %dma_wait3A_555 = tpu.memref_slice %arg8[%dma_wait3A_551, %dma_wait3A_553, %dma_wait3A_554] : memref<8x8x1024xf32, #tpu.memory_space<vmem>> -> memref<1x8x1024xf32, #tpu.memory_space<vmem>>
      %dma_wait3A_556 = tpu.memref_squeeze %dma_wait3A_555 : memref<1x8x1024xf32, #tpu.memory_space<vmem>> -> memref<8x1024xf32, #tpu.memory_space<vmem>>
      %dma_wait3A_557 = arith.constant 0 : i32
      %dma_wait3A_558 = tpu.memref_slice %arg3[%mul3A_2, %dma_wait3A_557] : memref<16384x1024xf32, #tpu.memory_space<hbm>> -> memref<8x1024xf32, #tpu.memory_space<hbm>>
      %dma_wait3A_559 = tpu.memref_slice %arg9[%dma_wait3A_552] : memref<8x!tpu.dma_semaphore, #tpu.memory_space<semaphore_mem>> -> memref<1x!tpu.dma_semaphore, #tpu.memory_space<semaphore_mem>>
      %dma_wait3A_560 = tpu.memref_squeeze %dma_wait3A_559 : memref<1x!tpu.dma_semaphore, #tpu.memory_space<semaphore_mem>> -> memref<!tpu.dma_semaphore, #tpu.memory_space<semaphore_mem>>
      %dma_wait3A_561 = arith.constant 0 : i32
      %dma_wait3A_562 = arith.constant 0 : i32
      %dma_wait3A_563 = tpu.memref_slice %arg8[%dma_wait3A_551, %dma_wait3A_561, %dma_wait3A_562] : memref<8x8x1024xf32, #tpu.memory_space<vmem>> -> memref<1x8x1024xf32, #tpu.memory_space<vmem>>
      %dma_wait3A_564 = tpu.memref_squeeze %dma_wait3A_563 : memref<1x8x1024xf32, #tpu.memory_space<vmem>> -> memref<8x1024xf32, #tpu.memory_space<vmem>>
      %dma_wait3A_565 = arith.constant 0 : i32
      %dma_wait3A_566 = tpu.memref_slice %arg3[%mul3A_2, %dma_wait3A_565] : memref<16384x1024xf32, #tpu.memory_space<hbm>> -> memref<8x1024xf32, #tpu.memory_space<hbm>>
      tpu.wait_dma2 semaphore(%dma_wait3A_560 : memref<!tpu.dma_semaphore, #tpu.memory_space<semaphore_mem>>) src(%dma_wait3A_566 : memref<8x1024xf32, #tpu.memory_space<hbm>>) dst(%dma_wait3A_564 : memref<8x1024xf32, #tpu.memory_space<vmem>>)
      %dma_wait3A_567 = arith.constant 1 : i32
      %dma_wait3A_568 = arith.constant 1 : i32
      %dma_wait3A_569 = arith.constant 0 : i32
      %dma_wait3A_570 = arith.constant 0 : i32
      %dma_wait3A_571 = tpu.memref_slice %arg7[%dma_wait3A_567, %dma_wait3A_569, %dma_wait3A_570] : memref<4x8x1024xf32, #tpu.memory_space<vmem>> -> memref<1x8x1024xf32, #tpu.memory_space<vmem>>
      %dma_wait3A_572 = tpu.memref_squeeze %dma_wait3A_571 : memref<1x8x1024xf32, #tpu.memory_space<vmem>> -> memref<8x1024xf32, #tpu.memory_space<vmem>>
      %dma_wait3A_573 = arith.constant 0 : i32
      %dma_wait3A_574 = tpu.memref_slice %arg4[%mul3A_2, %dma_wait3A_573] : memref<16384x1024xf32, #tpu.memory_space<hbm>> -> memref<8x1024xf32, #tpu.memory_space<hbm>>
      %dma_wait3A_575 = tpu.memref_slice %arg10[%dma_wait3A_568] : memref<4x!tpu.dma_semaphore, #tpu.memory_space<semaphore_mem>> -> memref<1x!tpu.dma_semaphore, #tpu.memory_space<semaphore_mem>>
      %dma_wait3A_576 = tpu.memref_squeeze %dma_wait3A_575 : memref<1x!tpu.dma_semaphore, #tpu.memory_space<semaphore_mem>> -> memref<!tpu.dma_semaphore, #tpu.memory_space<semaphore_mem>>
      %dma_wait3A_577 = arith.constant 0 : i32
      %dma_wait3A_578 = arith.constant 0 : i32
      %dma_wait3A_579 = tpu.memref_slice %arg7[%dma_wait3A_567, %dma_wait3A_577, %dma_wait3A_578] : memref<4x8x1024xf32, #tpu.memory_space<vmem>> -> memref<1x8x1024xf32, #tpu.memory_space<vmem>>
      %dma_wait3A_580 = tpu.memref_squeeze %dma_wait3A_579 : memref<1x8x1024xf32, #tpu.memory_space<vmem>> -> memref<8x1024xf32, #tpu.memory_space<vmem>>
      %dma_wait3A_581 = arith.constant 0 : i32
      %dma_wait3A_582 = tpu.memref_slice %arg4[%mul3A_2, %dma_wait3A_581] : memref<16384x1024xf32, #tpu.memory_space<hbm>> -> memref<8x1024xf32, #tpu.memory_space<hbm>>
      tpu.wait_dma2 semaphore(%dma_wait3A_576 : memref<!tpu.dma_semaphore, #tpu.memory_space<semaphore_mem>>) src(%dma_wait3A_582 : memref<8x1024xf32, #tpu.memory_space<hbm>>) dst(%dma_wait3A_580 : memref<8x1024xf32, #tpu.memory_space<vmem>>)
      %scan3A_583 = arith.constant 0 : i32
      %scan3A_584 = arith.constant 0 : i32
      %scan3A_585 = arith.constant 64 : i32
      %scan3A_586 = arith.addi %scan3A_584, %scan3A_585 : i32
      %scan3A_587 = arith.constant 1 : i32
      scf.for %scan3A_744 = %scan3A_584 to %scan3A_586 step %scan3A_587  : i32 {
        %mul3A_745 = arith.constant 16 : i32
        %mul3A_746 = arith.muli %scan3A_744, %mul3A_745 : i32
        %multiple_of3A = tpu.assume_multiple %mul3A_746, 16 : i32
        %get3A = arith.index_cast %multiple_of3A : i32 to index
        %get3A_747 = tpu.vector_load %arg6[%get3A] {strides = array<i32>} : memref<1024xf32, #tpu.memory_space<vmem>>, vector<16xf32>,
        %get3A_748 = vector.shape_cast %get3A_747 : vector<16xf32> to vector<16xf32>
        %ne3A = arith.constant 0.000000e+00 : f32
        %ne3A_749 = vector.broadcast %ne3A : f32 to vector<16xf32>
        %ne3A_750 = arith.cmpf one, %get3A_748, %ne3A_749 : vector<16xf32>
        %get3A_751 = arith.constant 5 : i32
        %get3A_752 = arith.constant 0 : i32
        %get3A_753 = arith.index_cast %get3A_751 : i32 to index
        %get3A_754 = arith.index_cast %get3A_752 : i32 to index
        %get3A_755 = arith.index_cast %multiple_of3A : i32 to index
        %get3A_756 = tpu.vector_load %arg8[%get3A_753, %get3A_754, %get3A_755] {strides = array<i32>} : memref<8x8x1024xf32, #tpu.memory_space<vmem>>, vector<1x1x16xf32>,
        %get3A_757 = vector.shape_cast %get3A_756 : vector<1x1x16xf32> to vector<16xf32>
        %get3A_758 = arith.constant 1 : i32
        %get3A_759 = arith.constant 0 : i32
        %get3A_760 = arith.index_cast %get3A_758 : i32 to index
        %get3A_761 = arith.index_cast %get3A_759 : i32 to index
        %get3A_762 = arith.index_cast %multiple_of3A : i32 to index
        %get3A_763 = tpu.vector_load %arg7[%get3A_760, %get3A_761, %get3A_762] {strides = array<i32>} : memref<4x8x1024xf32, #tpu.memory_space<vmem>>, vector<1x1x16xf32>,
        %get3A_764 = vector.shape_cast %get3A_763 : vector<1x1x16xf32> to vector<16xf32>
        %select_n3A = arith.select %ne3A_750, %get3A_764, %get3A_757 : vector<16xi1>, vector<16xf32>
        %swap3A = arith.constant 5 : i32
        %swap3A_765 = arith.constant 0 : i32
        %swap3A_766 = arith.index_cast %swap3A : i32 to index
        %swap3A_767 = arith.index_cast %swap3A_765 : i32 to index
        %swap3A_768 = arith.index_cast %multiple_of3A : i32 to index
        %swap3A_769 = tpu.vector_load %arg8[%swap3A_766, %swap3A_767, %swap3A_768] {strides = array<i32>} : memref<8x8x1024xf32, #tpu.memory_space<vmem>>, vector<1x1x16xf32>,
        %swap3A_770 = vector.shape_cast %swap3A_769 : vector<1x1x16xf32> to vector<16xf32>
        %swap3A_771 = vector.shape_cast %select_n3A : vector<16xf32> to vector<1x1x16xf32>
        tpu.vector_store %arg8[%swap3A_766, %swap3A_767, %swap3A_768], %swap3A_771 {strides = array<i32>} : memref<8x8x1024xf32, #tpu.memory_space<vmem>>, vector<1x1x16xf32>,
        %get3A_772 = arith.constant 5 : i32
        %get3A_773 = arith.constant 1 : i32
        %get3A_774 = arith.index_cast %get3A_772 : i32 to index
        %get3A_775 = arith.index_cast %get3A_773 : i32 to index
        %get3A_776 = arith.index_cast %multiple_of3A : i32 to index
        %get3A_777 = tpu.vector_load %arg8[%get3A_774, %get3A_775, %get3A_776] {strides = array<i32>} : memref<8x8x1024xf32, #tpu.memory_space<vmem>>, vector<1x1x16xf32>,
        %get3A_778 = vector.shape_cast %get3A_777 : vector<1x1x16xf32> to vector<16xf32>
        %get3A_779 = arith.constant 1 : i32
        %get3A_780 = arith.constant 1 : i32
        %get3A_781 = arith.index_cast %get3A_779 : i32 to index
        %get3A_782 = arith.index_cast %get3A_780 : i32 to index
        %get3A_783 = arith.index_cast %multiple_of3A : i32 to index
        %get3A_784 = tpu.vector_load %arg7[%get3A_781, %get3A_782, %get3A_783] {strides = array<i32>} : memref<4x8x1024xf32, #tpu.memory_space<vmem>>, vector<1x1x16xf32>,
        %get3A_785 = vector.shape_cast %get3A_784 : vector<1x1x16xf32> to vector<16xf32>
        %select_n3A_786 = arith.select %ne3A_750, %get3A_785, %get3A_778 : vector<16xi1>, vector<16xf32>
        %swap3A_787 = arith.constant 5 : i32
        %swap3A_788 = arith.constant 1 : i32
        %swap3A_789 = arith.index_cast %swap3A_787 : i32 to index
        %swap3A_790 = arith.index_cast %swap3A_788 : i32 to index
        %swap3A_791 = arith.index_cast %multiple_of3A : i32 to index
        %swap3A_792 = tpu.vector_load %arg8[%swap3A_789, %swap3A_790, %swap3A_791] {strides = array<i32>} : memref<8x8x1024xf32, #tpu.memory_space<vmem>>, vector<1x1x16xf32>,
        %swap3A_793 = vector.shape_cast %swap3A_792 : vector<1x1x16xf32> to vector<16xf32>
        %swap3A_794 = vector.shape_cast %select_n3A_786 : vector<16xf32> to vector<1x1x16xf32>
        tpu.vector_store %arg8[%swap3A_789, %swap3A_790, %swap3A_791], %swap3A_794 {strides = array<i32>} : memref<8x8x1024xf32, #tpu.memory_space<vmem>>, vector<1x1x16xf32>,
        %get3A_795 = arith.constant 5 : i32
        %get3A_796 = arith.constant 2 : i32
        %get3A_797 = arith.index_cast %get3A_795 : i32 to index
        %get3A_798 = arith.index_cast %get3A_796 : i32 to index
        %get3A_799 = arith.index_cast %multiple_of3A : i32 to index
        %get3A_800 = tpu.vector_load %arg8[%get3A_797, %get3A_798, %get3A_799] {strides = array<i32>} : memref<8x8x1024xf32, #tpu.memory_space<vmem>>, vector<1x1x16xf32>,
        %get3A_801 = vector.shape_cast %get3A_800 : vector<1x1x16xf32> to vector<16xf32>
        %get3A_802 = arith.constant 1 : i32
        %get3A_803 = arith.constant 2 : i32
        %get3A_804 = arith.index_cast %get3A_802 : i32 to index
        %get3A_805 = arith.index_cast %get3A_803 : i32 to index
        %get3A_806 = arith.index_cast %multiple_of3A : i32 to index
        %get3A_807 = tpu.vector_load %arg7[%get3A_804, %get3A_805, %get3A_806] {strides = array<i32>} : memref<4x8x1024xf32, #tpu.memory_space<vmem>>, vector<1x1x16xf32>,
        %get3A_808 = vector.shape_cast %get3A_807 : vector<1x1x16xf32> to vector<16xf32>
        %select_n3A_809 = arith.select %ne3A_750, %get3A_808, %get3A_801 : vector<16xi1>, vector<16xf32>
        %swap3A_810 = arith.constant 5 : i32
        %swap3A_811 = arith.constant 2 : i32
        %swap3A_812 = arith.index_cast %swap3A_810 : i32 to index
        %swap3A_813 = arith.index_cast %swap3A_811 : i32 to index
        %swap3A_814 = arith.index_cast %multiple_of3A : i32 to index
        %swap3A_815 = tpu.vector_load %arg8[%swap3A_812, %swap3A_813, %swap3A_814] {strides = array<i32>} : memref<8x8x1024xf32, #tpu.memory_space<vmem>>, vector<1x1x16xf32>,
        %swap3A_816 = vector.shape_cast %swap3A_815 : vector<1x1x16xf32> to vector<16xf32>
        %swap3A_817 = vector.shape_cast %select_n3A_809 : vector<16xf32> to vector<1x1x16xf32>
        tpu.vector_store %arg8[%swap3A_812, %swap3A_813, %swap3A_814], %swap3A_817 {strides = array<i32>} : memref<8x8x1024xf32, #tpu.memory_space<vmem>>, vector<1x1x16xf32>,
        %get3A_818 = arith.constant 5 : i32
        %get3A_819 = arith.constant 3 : i32
        %get3A_820 = arith.index_cast %get3A_818 : i32 to index
        %get3A_821 = arith.index_cast %get3A_819 : i32 to index
        %get3A_822 = arith.index_cast %multiple_of3A : i32 to index
        %get3A_823 = tpu.vector_load %arg8[%get3A_820, %get3A_821, %get3A_822] {strides = array<i32>} : memref<8x8x1024xf32, #tpu.memory_space<vmem>>, vector<1x1x16xf32>,
        %get3A_824 = vector.shape_cast %get3A_823 : vector<1x1x16xf32> to vector<16xf32>
        %get3A_825 = arith.constant 1 : i32
        %get3A_826 = arith.constant 3 : i32
        %get3A_827 = arith.index_cast %get3A_825 : i32 to index
        %get3A_828 = arith.index_cast %get3A_826 : i32 to index
        %get3A_829 = arith.index_cast %multiple_of3A : i32 to index
        %get3A_830 = tpu.vector_load %arg7[%get3A_827, %get3A_828, %get3A_829] {strides = array<i32>} : memref<4x8x1024xf32, #tpu.memory_space<vmem>>, vector<1x1x16xf32>,
        %get3A_831 = vector.shape_cast %get3A_830 : vector<1x1x16xf32> to vector<16xf32>
        %select_n3A_832 = arith.select %ne3A_750, %get3A_831, %get3A_824 : vector<16xi1>, vector<16xf32>
        %swap3A_833 = arith.constant 5 : i32
        %swap3A_834 = arith.constant 3 : i32
        %swap3A_835 = arith.index_cast %swap3A_833 : i32 to index
        %swap3A_836 = arith.index_cast %swap3A_834 : i32 to index
        %swap3A_837 = arith.index_cast %multiple_of3A : i32 to index
        %swap3A_838 = tpu.vector_load %arg8[%swap3A_835, %swap3A_836, %swap3A_837] {strides = array<i32>} : memref<8x8x1024xf32, #tpu.memory_space<vmem>>, vector<1x1x16xf32>,
        %swap3A_839 = vector.shape_cast %swap3A_838 : vector<1x1x16xf32> to vector<16xf32>
        %swap3A_840 = vector.shape_cast %select_n3A_832 : vector<16xf32> to vector<1x1x16xf32>
        tpu.vector_store %arg8[%swap3A_835, %swap3A_836, %swap3A_837], %swap3A_840 {strides = array<i32>} : memref<8x8x1024xf32, #tpu.memory_space<vmem>>, vector<1x1x16xf32>,
        %get3A_841 = arith.constant 5 : i32
        %get3A_842 = arith.constant 4 : i32
        %get3A_843 = arith.index_cast %get3A_841 : i32 to index
        %get3A_844 = arith.index_cast %get3A_842 : i32 to index
        %get3A_845 = arith.index_cast %multiple_of3A : i32 to index
        %get3A_846 = tpu.vector_load %arg8[%get3A_843, %get3A_844, %get3A_845] {strides = array<i32>} : memref<8x8x1024xf32, #tpu.memory_space<vmem>>, vector<1x1x16xf32>,
        %get3A_847 = vector.shape_cast %get3A_846 : vector<1x1x16xf32> to vector<16xf32>
        %get3A_848 = arith.constant 1 : i32
        %get3A_849 = arith.constant 4 : i32
        %get3A_850 = arith.index_cast %get3A_848 : i32 to index
        %get3A_851 = arith.index_cast %get3A_849 : i32 to index
        %get3A_852 = arith.index_cast %multiple_of3A : i32 to index
        %get3A_853 = tpu.vector_load %arg7[%get3A_850, %get3A_851, %get3A_852] {strides = array<i32>} : memref<4x8x1024xf32, #tpu.memory_space<vmem>>, vector<1x1x16xf32>,
        %get3A_854 = vector.shape_cast %get3A_853 : vector<1x1x16xf32> to vector<16xf32>
        %select_n3A_855 = arith.select %ne3A_750, %get3A_854, %get3A_847 : vector<16xi1>, vector<16xf32>
        %swap3A_856 = arith.constant 5 : i32
        %swap3A_857 = arith.constant 4 : i32
        %swap3A_858 = arith.index_cast %swap3A_856 : i32 to index
        %swap3A_859 = arith.index_cast %swap3A_857 : i32 to index
        %swap3A_860 = arith.index_cast %multiple_of3A : i32 to index
        %swap3A_861 = tpu.vector_load %arg8[%swap3A_858, %swap3A_859, %swap3A_860] {strides = array<i32>} : memref<8x8x1024xf32, #tpu.memory_space<vmem>>, vector<1x1x16xf32>,
        %swap3A_862 = vector.shape_cast %swap3A_861 : vector<1x1x16xf32> to vector<16xf32>
        %swap3A_863 = vector.shape_cast %select_n3A_855 : vector<16xf32> to vector<1x1x16xf32>
        tpu.vector_store %arg8[%swap3A_858, %swap3A_859, %swap3A_860], %swap3A_863 {strides = array<i32>} : memref<8x8x1024xf32, #tpu.memory_space<vmem>>, vector<1x1x16xf32>,
        %get3A_864 = arith.constant 5 : i32
        %get3A_865 = arith.constant 5 : i32
        %get3A_866 = arith.index_cast %get3A_864 : i32 to index
        %get3A_867 = arith.index_cast %get3A_865 : i32 to index
        %get3A_868 = arith.index_cast %multiple_of3A : i32 to index
        %get3A_869 = tpu.vector_load %arg8[%get3A_866, %get3A_867, %get3A_868] {strides = array<i32>} : memref<8x8x1024xf32, #tpu.memory_space<vmem>>, vector<1x1x16xf32>,
        %get3A_870 = vector.shape_cast %get3A_869 : vector<1x1x16xf32> to vector<16xf32>
        %get3A_871 = arith.constant 1 : i32
        %get3A_872 = arith.constant 5 : i32
        %get3A_873 = arith.index_cast %get3A_871 : i32 to index
        %get3A_874 = arith.index_cast %get3A_872 : i32 to index
        %get3A_875 = arith.index_cast %multiple_of3A : i32 to index
        %get3A_876 = tpu.vector_load %arg7[%get3A_873, %get3A_874, %get3A_875] {strides = array<i32>} : memref<4x8x1024xf32, #tpu.memory_space<vmem>>, vector<1x1x16xf32>,
        %get3A_877 = vector.shape_cast %get3A_876 : vector<1x1x16xf32> to vector<16xf32>
        %select_n3A_878 = arith.select %ne3A_750, %get3A_877, %get3A_870 : vector<16xi1>, vector<16xf32>
        %swap3A_879 = arith.constant 5 : i32
        %swap3A_880 = arith.constant 5 : i32
        %swap3A_881 = arith.index_cast %swap3A_879 : i32 to index
        %swap3A_882 = arith.index_cast %swap3A_880 : i32 to index
        %swap3A_883 = arith.index_cast %multiple_of3A : i32 to index
        %swap3A_884 = tpu.vector_load %arg8[%swap3A_881, %swap3A_882, %swap3A_883] {strides = array<i32>} : memref<8x8x1024xf32, #tpu.memory_space<vmem>>, vector<1x1x16xf32>,
        %swap3A_885 = vector.shape_cast %swap3A_884 : vector<1x1x16xf32> to vector<16xf32>
        %swap3A_886 = vector.shape_cast %select_n3A_878 : vector<16xf32> to vector<1x1x16xf32>
        tpu.vector_store %arg8[%swap3A_881, %swap3A_882, %swap3A_883], %swap3A_886 {strides = array<i32>} : memref<8x8x1024xf32, #tpu.memory_space<vmem>>, vector<1x1x16xf32>,
        %get3A_887 = arith.constant 5 : i32
        %get3A_888 = arith.constant 6 : i32
        %get3A_889 = arith.index_cast %get3A_887 : i32 to index
        %get3A_890 = arith.index_cast %get3A_888 : i32 to index
        %get3A_891 = arith.index_cast %multiple_of3A : i32 to index
        %get3A_892 = tpu.vector_load %arg8[%get3A_889, %get3A_890, %get3A_891] {strides = array<i32>} : memref<8x8x1024xf32, #tpu.memory_space<vmem>>, vector<1x1x16xf32>,
        %get3A_893 = vector.shape_cast %get3A_892 : vector<1x1x16xf32> to vector<16xf32>
        %get3A_894 = arith.constant 1 : i32
        %get3A_895 = arith.constant 6 : i32
        %get3A_896 = arith.index_cast %get3A_894 : i32 to index
        %get3A_897 = arith.index_cast %get3A_895 : i32 to index
        %get3A_898 = arith.index_cast %multiple_of3A : i32 to index
        %get3A_899 = tpu.vector_load %arg7[%get3A_896, %get3A_897, %get3A_898] {strides = array<i32>} : memref<4x8x1024xf32, #tpu.memory_space<vmem>>, vector<1x1x16xf32>,
        %get3A_900 = vector.shape_cast %get3A_899 : vector<1x1x16xf32> to vector<16xf32>
        %select_n3A_901 = arith.select %ne3A_750, %get3A_900, %get3A_893 : vector<16xi1>, vector<16xf32>
        %swap3A_902 = arith.constant 5 : i32
        %swap3A_903 = arith.constant 6 : i32
        %swap3A_904 = arith.index_cast %swap3A_902 : i32 to index
        %swap3A_905 = arith.index_cast %swap3A_903 : i32 to index
        %swap3A_906 = arith.index_cast %multiple_of3A : i32 to index
        %swap3A_907 = tpu.vector_load %arg8[%swap3A_904, %swap3A_905, %swap3A_906] {strides = array<i32>} : memref<8x8x1024xf32, #tpu.memory_space<vmem>>, vector<1x1x16xf32>,
        %swap3A_908 = vector.shape_cast %swap3A_907 : vector<1x1x16xf32> to vector<16xf32>
        %swap3A_909 = vector.shape_cast %select_n3A_901 : vector<16xf32> to vector<1x1x16xf32>
        tpu.vector_store %arg8[%swap3A_904, %swap3A_905, %swap3A_906], %swap3A_909 {strides = array<i32>} : memref<8x8x1024xf32, #tpu.memory_space<vmem>>, vector<1x1x16xf32>,
        %get3A_910 = arith.constant 5 : i32
        %get3A_911 = arith.constant 7 : i32
        %get3A_912 = arith.index_cast %get3A_910 : i32 to index
        %get3A_913 = arith.index_cast %get3A_911 : i32 to index
        %get3A_914 = arith.index_cast %multiple_of3A : i32 to index
        %get3A_915 = tpu.vector_load %arg8[%get3A_912, %get3A_913, %get3A_914] {strides = array<i32>} : memref<8x8x1024xf32, #tpu.memory_space<vmem>>, vector<1x1x16xf32>,
        %get3A_916 = vector.shape_cast %get3A_915 : vector<1x1x16xf32> to vector<16xf32>
        %get3A_917 = arith.constant 1 : i32
        %get3A_918 = arith.constant 7 : i32
        %get3A_919 = arith.index_cast %get3A_917 : i32 to index
        %get3A_920 = arith.index_cast %get3A_918 : i32 to index
        %get3A_921 = arith.index_cast %multiple_of3A : i32 to index
        %get3A_922 = tpu.vector_load %arg7[%get3A_919, %get3A_920, %get3A_921] {strides = array<i32>} : memref<4x8x1024xf32, #tpu.memory_space<vmem>>, vector<1x1x16xf32>,
        %get3A_923 = vector.shape_cast %get3A_922 : vector<1x1x16xf32> to vector<16xf32>
        %select_n3A_924 = arith.select %ne3A_750, %get3A_923, %get3A_916 : vector<16xi1>, vector<16xf32>
        %swap3A_925 = arith.constant 5 : i32
        %swap3A_926 = arith.constant 7 : i32
        %swap3A_927 = arith.index_cast %swap3A_925 : i32 to index
        %swap3A_928 = arith.index_cast %swap3A_926 : i32 to index
        %swap3A_929 = arith.index_cast %multiple_of3A : i32 to index
        %swap3A_930 = tpu.vector_load %arg8[%swap3A_927, %swap3A_928, %swap3A_929] {strides = array<i32>} : memref<8x8x1024xf32, #tpu.memory_space<vmem>>, vector<1x1x16xf32>,
        %swap3A_931 = vector.shape_cast %swap3A_930 : vector<1x1x16xf32> to vector<16xf32>
        %swap3A_932 = vector.shape_cast %select_n3A_924 : vector<16xf32> to vector<1x1x16xf32>
        tpu.vector_store %arg8[%swap3A_927, %swap3A_928, %swap3A_929], %swap3A_932 {strides = array<i32>} : memref<8x8x1024xf32, #tpu.memory_space<vmem>>, vector<1x1x16xf32>,
      }
      %scan3A_588 = arith.constant 64 : i32
      %mul3A_589 = arith.constant 8 : i32
      %mul3A_590 = arith.muli %add3A_543, %mul3A_589 : i32
      %add3A_591 = arith.addi %mul3A_2, %mul3A_590 : i32
      %dma_start3A_592 = arith.constant 5 : i32
      %dma_start3A_593 = arith.constant 5 : i32
      %dma_start3A_594 = arith.constant 0 : i32
      %dma_start3A_595 = arith.constant 0 : i32
      %dma_start3A_596 = tpu.memref_slice %arg8[%dma_start3A_592, %dma_start3A_594, %dma_start3A_595] : memref<8x8x1024xf32, #tpu.memory_space<vmem>> -> memref<1x8x1024xf32, #tpu.memory_space<vmem>>
      %dma_start3A_597 = tpu.memref_squeeze %dma_start3A_596 : memref<1x8x1024xf32, #tpu.memory_space<vmem>> -> memref<8x1024xf32, #tpu.memory_space<vmem>>
      %dma_start3A_598 = arith.constant 0 : i32
      %dma_start3A_599 = tpu.memref_slice %arg5[%add3A_591, %dma_start3A_598] : memref<16384x1024xf32, #tpu.memory_space<hbm>> -> memref<8x1024xf32, #tpu.memory_space<hbm>>
      %dma_start3A_600 = tpu.memref_slice %arg11[%dma_start3A_593] : memref<8x!tpu.dma_semaphore, #tpu.memory_space<semaphore_mem>> -> memref<1x!tpu.dma_semaphore, #tpu.memory_space<semaphore_mem>>
      %dma_start3A_601 = tpu.memref_squeeze %dma_start3A_600 : memref<1x!tpu.dma_semaphore, #tpu.memory_space<semaphore_mem>> -> memref<!tpu.dma_semaphore, #tpu.memory_space<semaphore_mem>>
      %dma_start3A_602 = arith.constant 0 : i32
      %dma_start3A_603 = tpu.memref_slice %arg5[%add3A_591, %dma_start3A_602] : memref<16384x1024xf32, #tpu.memory_space<hbm>> -> memref<8x1024xf32, #tpu.memory_space<hbm>>
      %dma_start3A_604 = arith.constant 0 : i32
      %dma_start3A_605 = arith.constant 0 : i32
      %dma_start3A_606 = tpu.memref_slice %arg8[%dma_start3A_592, %dma_start3A_604, %dma_start3A_605] : memref<8x8x1024xf32, #tpu.memory_space<vmem>> -> memref<1x8x1024xf32, #tpu.memory_space<vmem>>
      %dma_start3A_607 = tpu.memref_squeeze %dma_start3A_606 : memref<1x8x1024xf32, #tpu.memory_space<vmem>> -> memref<8x1024xf32, #tpu.memory_space<vmem>>
      tpu.enqueue_dma source(%dma_start3A_607 : memref<8x1024xf32, #tpu.memory_space<vmem>>) target(%dma_start3A_603 : memref<8x1024xf32, #tpu.memory_space<hbm>>) target_semaphore(%dma_start3A_601 : memref<!tpu.dma_semaphore, #tpu.memory_space<semaphore_mem>>)
      %mul3A_608 = arith.constant 8 : i32
      %mul3A_609 = arith.muli %scan3A_202, %mul3A_608 : i32
      %add3A_610 = arith.constant 6 : i32
      %add3A_611 = arith.addi %mul3A_609, %add3A_610 : i32
      %add3A_612 = arith.constant 2 : i32
      %add3A_613 = arith.addi %add3A_611, %add3A_612 : i32
      %lt3A_614 = arith.constant 64 : i32
      %lt3A_615 = arith.cmpi slt, %add3A_613, %lt3A_614 : i32
      %convert_element_type3A_616 = arith.extui %lt3A_615 : i1 to i32
      %cond3A_617 = arith.constant 0 : i32
      %cond3A_618 = arith.cmpi ne, %convert_element_type3A_616, %cond3A_617 : i32
      scf.if %cond3A_618 {
        %ge3A = arith.constant 8 : i32
        %ge3A_744 = arith.cmpi sge, %add3A_613, %ge3A : i32
        %convert_element_type3A_745 = arith.extui %ge3A_744 : i1 to i32
        %cond3A_746 = arith.constant 0 : i32
        %cond3A_747 = arith.cmpi ne, %convert_element_type3A_745, %cond3A_746 : i32
        scf.if %cond3A_747 {
          %dma_wait3A_783 = arith.constant 0 : i32
          %dma_wait3A_784 = arith.constant 0 : i32
          %dma_wait3A_785 = arith.constant 0 : i32
          %dma_wait3A_786 = arith.constant 0 : i32
          %dma_wait3A_787 = tpu.memref_slice %arg8[%dma_wait3A_783, %dma_wait3A_785, %dma_wait3A_786] : memref<8x8x1024xf32, #tpu.memory_space<vmem>> -> memref<1x8x1024xf32, #tpu.memory_space<vmem>>
          %dma_wait3A_788 = tpu.memref_squeeze %dma_wait3A_787 : memref<1x8x1024xf32, #tpu.memory_space<vmem>> -> memref<8x1024xf32, #tpu.memory_space<vmem>>
          %dma_wait3A_789 = arith.constant 0 : i32
          %dma_wait3A_790 = tpu.memref_slice %arg5[%mul3A_2, %dma_wait3A_789] : memref<16384x1024xf32, #tpu.memory_space<hbm>> -> memref<8x1024xf32, #tpu.memory_space<hbm>>
          %dma_wait3A_791 = tpu.memref_slice %arg11[%dma_wait3A_784] : memref<8x!tpu.dma_semaphore, #tpu.memory_space<semaphore_mem>> -> memref<1x!tpu.dma_semaphore, #tpu.memory_space<semaphore_mem>>
          %dma_wait3A_792 = tpu.memref_squeeze %dma_wait3A_791 : memref<1x!tpu.dma_semaphore, #tpu.memory_space<semaphore_mem>> -> memref<!tpu.dma_semaphore, #tpu.memory_space<semaphore_mem>>
          %dma_wait3A_793 = arith.constant 0 : i32
          %dma_wait3A_794 = tpu.memref_slice %arg5[%mul3A_2, %dma_wait3A_793] : memref<16384x1024xf32, #tpu.memory_space<hbm>> -> memref<8x1024xf32, #tpu.memory_space<hbm>>
          %dma_wait3A_795 = arith.constant 0 : i32
          %dma_wait3A_796 = arith.constant 0 : i32
          %dma_wait3A_797 = tpu.memref_slice %arg8[%dma_wait3A_783, %dma_wait3A_795, %dma_wait3A_796] : memref<8x8x1024xf32, #tpu.memory_space<vmem>> -> memref<1x8x1024xf32, #tpu.memory_space<vmem>>
          %dma_wait3A_798 = tpu.memref_squeeze %dma_wait3A_797 : memref<1x8x1024xf32, #tpu.memory_space<vmem>> -> memref<8x1024xf32, #tpu.memory_space<vmem>>
          tpu.wait_dma2 semaphore(%dma_wait3A_792 : memref<!tpu.dma_semaphore, #tpu.memory_space<semaphore_mem>>) src(%dma_wait3A_798 : memref<8x1024xf32, #tpu.memory_space<vmem>>) dst(%dma_wait3A_794 : memref<8x1024xf32, #tpu.memory_space<hbm>>)
        } else {
        }
        %mul3A_748 = arith.constant 8 : i32
        %mul3A_749 = arith.muli %add3A_613, %mul3A_748 : i32
        %add3A_750 = arith.addi %mul3A_2, %mul3A_749 : i32
        %dma_start3A_751 = arith.constant 0 : i32
        %dma_start3A_752 = arith.constant 0 : i32
        %dma_start3A_753 = arith.constant 0 : i32
        %dma_start3A_754 = arith.constant 0 : i32
        %dma_start3A_755 = tpu.memref_slice %arg8[%dma_start3A_751, %dma_start3A_753, %dma_start3A_754] : memref<8x8x1024xf32, #tpu.memory_space<vmem>> -> memref<1x8x1024xf32, #tpu.memory_space<vmem>>
        %dma_start3A_756 = tpu.memref_squeeze %dma_start3A_755 : memref<1x8x1024xf32, #tpu.memory_space<vmem>> -> memref<8x1024xf32, #tpu.memory_space<vmem>>
        %dma_start3A_757 = arith.constant 0 : i32
        %dma_start3A_758 = tpu.memref_slice %arg3[%add3A_750, %dma_start3A_757] : memref<16384x1024xf32, #tpu.memory_space<hbm>> -> memref<8x1024xf32, #tpu.memory_space<hbm>>
        %dma_start3A_759 = tpu.memref_slice %arg9[%dma_start3A_752] : memref<8x!tpu.dma_semaphore, #tpu.memory_space<semaphore_mem>> -> memref<1x!tpu.dma_semaphore, #tpu.memory_space<semaphore_mem>>
        %dma_start3A_760 = tpu.memref_squeeze %dma_start3A_759 : memref<1x!tpu.dma_semaphore, #tpu.memory_space<semaphore_mem>> -> memref<!tpu.dma_semaphore, #tpu.memory_space<semaphore_mem>>
        %dma_start3A_761 = arith.constant 0 : i32
        %dma_start3A_762 = arith.constant 0 : i32
        %dma_start3A_763 = tpu.memref_slice %arg8[%dma_start3A_751, %dma_start3A_761, %dma_start3A_762] : memref<8x8x1024xf32, #tpu.memory_space<vmem>> -> memref<1x8x1024xf32, #tpu.memory_space<vmem>>
        %dma_start3A_764 = tpu.memref_squeeze %dma_start3A_763 : memref<1x8x1024xf32, #tpu.memory_space<vmem>> -> memref<8x1024xf32, #tpu.memory_space<vmem>>
        %dma_start3A_765 = arith.constant 0 : i32
        %dma_start3A_766 = tpu.memref_slice %arg3[%add3A_750, %dma_start3A_765] : memref<16384x1024xf32, #tpu.memory_space<hbm>> -> memref<8x1024xf32, #tpu.memory_space<hbm>>
        tpu.enqueue_dma source(%dma_start3A_766 : memref<8x1024xf32, #tpu.memory_space<hbm>>) target(%dma_start3A_764 : memref<8x1024xf32, #tpu.memory_space<vmem>>) target_semaphore(%dma_start3A_760 : memref<!tpu.dma_semaphore, #tpu.memory_space<semaphore_mem>>)
        %dma_start3A_767 = arith.constant 0 : i32
        %dma_start3A_768 = arith.constant 0 : i32
        %dma_start3A_769 = arith.constant 0 : i32
        %dma_start3A_770 = arith.constant 0 : i32
        %dma_start3A_771 = tpu.memref_slice %arg7[%dma_start3A_767, %dma_start3A_769, %dma_start3A_770] : memref<4x8x1024xf32, #tpu.memory_space<vmem>> -> memref<1x8x1024xf32, #tpu.memory_space<vmem>>
        %dma_start3A_772 = tpu.memref_squeeze %dma_start3A_771 : memref<1x8x1024xf32, #tpu.memory_space<vmem>> -> memref<8x1024xf32, #tpu.memory_space<vmem>>
        %dma_start3A_773 = arith.constant 0 : i32
        %dma_start3A_774 = tpu.memref_slice %arg4[%add3A_750, %dma_start3A_773] : memref<16384x1024xf32, #tpu.memory_space<hbm>> -> memref<8x1024xf32, #tpu.memory_space<hbm>>
        %dma_start3A_775 = tpu.memref_slice %arg10[%dma_start3A_768] : memref<4x!tpu.dma_semaphore, #tpu.memory_space<semaphore_mem>> -> memref<1x!tpu.dma_semaphore, #tpu.memory_space<semaphore_mem>>
        %dma_start3A_776 = tpu.memref_squeeze %dma_start3A_775 : memref<1x!tpu.dma_semaphore, #tpu.memory_space<semaphore_mem>> -> memref<!tpu.dma_semaphore, #tpu.memory_space<semaphore_mem>>
        %dma_start3A_777 = arith.constant 0 : i32
        %dma_start3A_778 = arith.constant 0 : i32
        %dma_start3A_779 = tpu.memref_slice %arg7[%dma_start3A_767, %dma_start3A_777, %dma_start3A_778] : memref<4x8x1024xf32, #tpu.memory_space<vmem>> -> memref<1x8x1024xf32, #tpu.memory_space<vmem>>
        %dma_start3A_780 = tpu.memref_squeeze %dma_start3A_779 : memref<1x8x1024xf32, #tpu.memory_space<vmem>> -> memref<8x1024xf32, #tpu.memory_space<vmem>>
        %dma_start3A_781 = arith.constant 0 : i32
        %dma_start3A_782 = tpu.memref_slice %arg4[%add3A_750, %dma_start3A_781] : memref<16384x1024xf32, #tpu.memory_space<hbm>> -> memref<8x1024xf32, #tpu.memory_space<hbm>>
        tpu.enqueue_dma source(%dma_start3A_782 : memref<8x1024xf32, #tpu.memory_space<hbm>>) target(%dma_start3A_780 : memref<8x1024xf32, #tpu.memory_space<vmem>>) target_semaphore(%dma_start3A_776 : memref<!tpu.dma_semaphore, #tpu.memory_space<semaphore_mem>>)
      } else {
      }
      %dma_wait3A_619 = arith.constant 6 : i32
      %dma_wait3A_620 = arith.constant 6 : i32
      %dma_wait3A_621 = arith.constant 0 : i32
      %dma_wait3A_622 = arith.constant 0 : i32
      %dma_wait3A_623 = tpu.memref_slice %arg8[%dma_wait3A_619, %dma_wait3A_621, %dma_wait3A_622] : memref<8x8x1024xf32, #tpu.memory_space<vmem>> -> memref<1x8x1024xf32, #tpu.memory_space<vmem>>
      %dma_wait3A_624 = tpu.memref_squeeze %dma_wait3A_623 : memref<1x8x1024xf32, #tpu.memory_space<vmem>> -> memref<8x1024xf32, #tpu.memory_space<vmem>>
      %dma_wait3A_625 = arith.constant 0 : i32
      %dma_wait3A_626 = tpu.memref_slice %arg3[%mul3A_2, %dma_wait3A_625] : memref<16384x1024xf32, #tpu.memory_space<hbm>> -> memref<8x1024xf32, #tpu.memory_space<hbm>>
      %dma_wait3A_627 = tpu.memref_slice %arg9[%dma_wait3A_620] : memref<8x!tpu.dma_semaphore, #tpu.memory_space<semaphore_mem>> -> memref<1x!tpu.dma_semaphore, #tpu.memory_space<semaphore_mem>>
      %dma_wait3A_628 = tpu.memref_squeeze %dma_wait3A_627 : memref<1x!tpu.dma_semaphore, #tpu.memory_space<semaphore_mem>> -> memref<!tpu.dma_semaphore, #tpu.memory_space<semaphore_mem>>
      %dma_wait3A_629 = arith.constant 0 : i32
      %dma_wait3A_630 = arith.constant 0 : i32
      %dma_wait3A_631 = tpu.memref_slice %arg8[%dma_wait3A_619, %dma_wait3A_629, %dma_wait3A_630] : memref<8x8x1024xf32, #tpu.memory_space<vmem>> -> memref<1x8x1024xf32, #tpu.memory_space<vmem>>
      %dma_wait3A_632 = tpu.memref_squeeze %dma_wait3A_631 : memref<1x8x1024xf32, #tpu.memory_space<vmem>> -> memref<8x1024xf32, #tpu.memory_space<vmem>>
      %dma_wait3A_633 = arith.constant 0 : i32
      %dma_wait3A_634 = tpu.memref_slice %arg3[%mul3A_2, %dma_wait3A_633] : memref<16384x1024xf32, #tpu.memory_space<hbm>> -> memref<8x1024xf32, #tpu.memory_space<hbm>>
      tpu.wait_dma2 semaphore(%dma_wait3A_628 : memref<!tpu.dma_semaphore, #tpu.memory_space<semaphore_mem>>) src(%dma_wait3A_634 : memref<8x1024xf32, #tpu.memory_space<hbm>>) dst(%dma_wait3A_632 : memref<8x1024xf32, #tpu.memory_space<vmem>>)
      %dma_wait3A_635 = arith.constant 2 : i32
      %dma_wait3A_636 = arith.constant 2 : i32
      %dma_wait3A_637 = arith.constant 0 : i32
      %dma_wait3A_638 = arith.constant 0 : i32
      %dma_wait3A_639 = tpu.memref_slice %arg7[%dma_wait3A_635, %dma_wait3A_637, %dma_wait3A_638] : memref<4x8x1024xf32, #tpu.memory_space<vmem>> -> memref<1x8x1024xf32, #tpu.memory_space<vmem>>
      %dma_wait3A_640 = tpu.memref_squeeze %dma_wait3A_639 : memref<1x8x1024xf32, #tpu.memory_space<vmem>> -> memref<8x1024xf32, #tpu.memory_space<vmem>>
      %dma_wait3A_641 = arith.constant 0 : i32
      %dma_wait3A_642 = tpu.memref_slice %arg4[%mul3A_2, %dma_wait3A_641] : memref<16384x1024xf32, #tpu.memory_space<hbm>> -> memref<8x1024xf32, #tpu.memory_space<hbm>>
      %dma_wait3A_643 = tpu.memref_slice %arg10[%dma_wait3A_636] : memref<4x!tpu.dma_semaphore, #tpu.memory_space<semaphore_mem>> -> memref<1x!tpu.dma_semaphore, #tpu.memory_space<semaphore_mem>>
      %dma_wait3A_644 = tpu.memref_squeeze %dma_wait3A_643 : memref<1x!tpu.dma_semaphore, #tpu.memory_space<semaphore_mem>> -> memref<!tpu.dma_semaphore, #tpu.memory_space<semaphore_mem>>
      %dma_wait3A_645 = arith.constant 0 : i32
      %dma_wait3A_646 = arith.constant 0 : i32
      %dma_wait3A_647 = tpu.memref_slice %arg7[%dma_wait3A_635, %dma_wait3A_645, %dma_wait3A_646] : memref<4x8x1024xf32, #tpu.memory_space<vmem>> -> memref<1x8x1024xf32, #tpu.memory_space<vmem>>
      %dma_wait3A_648 = tpu.memref_squeeze %dma_wait3A_647 : memref<1x8x1024xf32, #tpu.memory_space<vmem>> -> memref<8x1024xf32, #tpu.memory_space<vmem>>
      %dma_wait3A_649 = arith.constant 0 : i32
      %dma_wait3A_650 = tpu.memref_slice %arg4[%mul3A_2, %dma_wait3A_649] : memref<16384x1024xf32, #tpu.memory_space<hbm>> -> memref<8x1024xf32, #tpu.memory_space<hbm>>
      tpu.wait_dma2 semaphore(%dma_wait3A_644 : memref<!tpu.dma_semaphore, #tpu.memory_space<semaphore_mem>>) src(%dma_wait3A_650 : memref<8x1024xf32, #tpu.memory_space<hbm>>) dst(%dma_wait3A_648 : memref<8x1024xf32, #tpu.memory_space<vmem>>)
      %scan3A_651 = arith.constant 0 : i32
      %scan3A_652 = arith.constant 0 : i32
      %scan3A_653 = arith.constant 64 : i32
      %scan3A_654 = arith.addi %scan3A_652, %scan3A_653 : i32
      %scan3A_655 = arith.constant 1 : i32
      scf.for %scan3A_744 = %scan3A_652 to %scan3A_654 step %scan3A_655  : i32 {
        %mul3A_745 = arith.constant 16 : i32
        %mul3A_746 = arith.muli %scan3A_744, %mul3A_745 : i32
        %multiple_of3A = tpu.assume_multiple %mul3A_746, 16 : i32
        %get3A = arith.index_cast %multiple_of3A : i32 to index
        %get3A_747 = tpu.vector_load %arg6[%get3A] {strides = array<i32>} : memref<1024xf32, #tpu.memory_space<vmem>>, vector<16xf32>,
        %get3A_748 = vector.shape_cast %get3A_747 : vector<16xf32> to vector<16xf32>
        %ne3A = arith.constant 0.000000e+00 : f32
        %ne3A_749 = vector.broadcast %ne3A : f32 to vector<16xf32>
        %ne3A_750 = arith.cmpf one, %get3A_748, %ne3A_749 : vector<16xf32>
        %get3A_751 = arith.constant 6 : i32
        %get3A_752 = arith.constant 0 : i32
        %get3A_753 = arith.index_cast %get3A_751 : i32 to index
        %get3A_754 = arith.index_cast %get3A_752 : i32 to index
        %get3A_755 = arith.index_cast %multiple_of3A : i32 to index
        %get3A_756 = tpu.vector_load %arg8[%get3A_753, %get3A_754, %get3A_755] {strides = array<i32>} : memref<8x8x1024xf32, #tpu.memory_space<vmem>>, vector<1x1x16xf32>,
        %get3A_757 = vector.shape_cast %get3A_756 : vector<1x1x16xf32> to vector<16xf32>
        %get3A_758 = arith.constant 2 : i32
        %get3A_759 = arith.constant 0 : i32
        %get3A_760 = arith.index_cast %get3A_758 : i32 to index
        %get3A_761 = arith.index_cast %get3A_759 : i32 to index
        %get3A_762 = arith.index_cast %multiple_of3A : i32 to index
        %get3A_763 = tpu.vector_load %arg7[%get3A_760, %get3A_761, %get3A_762] {strides = array<i32>} : memref<4x8x1024xf32, #tpu.memory_space<vmem>>, vector<1x1x16xf32>,
        %get3A_764 = vector.shape_cast %get3A_763 : vector<1x1x16xf32> to vector<16xf32>
        %select_n3A = arith.select %ne3A_750, %get3A_764, %get3A_757 : vector<16xi1>, vector<16xf32>
        %swap3A = arith.constant 6 : i32
        %swap3A_765 = arith.constant 0 : i32
        %swap3A_766 = arith.index_cast %swap3A : i32 to index
        %swap3A_767 = arith.index_cast %swap3A_765 : i32 to index
        %swap3A_768 = arith.index_cast %multiple_of3A : i32 to index
        %swap3A_769 = tpu.vector_load %arg8[%swap3A_766, %swap3A_767, %swap3A_768] {strides = array<i32>} : memref<8x8x1024xf32, #tpu.memory_space<vmem>>, vector<1x1x16xf32>,
        %swap3A_770 = vector.shape_cast %swap3A_769 : vector<1x1x16xf32> to vector<16xf32>
        %swap3A_771 = vector.shape_cast %select_n3A : vector<16xf32> to vector<1x1x16xf32>
        tpu.vector_store %arg8[%swap3A_766, %swap3A_767, %swap3A_768], %swap3A_771 {strides = array<i32>} : memref<8x8x1024xf32, #tpu.memory_space<vmem>>, vector<1x1x16xf32>,
        %get3A_772 = arith.constant 6 : i32
        %get3A_773 = arith.constant 1 : i32
        %get3A_774 = arith.index_cast %get3A_772 : i32 to index
        %get3A_775 = arith.index_cast %get3A_773 : i32 to index
        %get3A_776 = arith.index_cast %multiple_of3A : i32 to index
        %get3A_777 = tpu.vector_load %arg8[%get3A_774, %get3A_775, %get3A_776] {strides = array<i32>} : memref<8x8x1024xf32, #tpu.memory_space<vmem>>, vector<1x1x16xf32>,
        %get3A_778 = vector.shape_cast %get3A_777 : vector<1x1x16xf32> to vector<16xf32>
        %get3A_779 = arith.constant 2 : i32
        %get3A_780 = arith.constant 1 : i32
        %get3A_781 = arith.index_cast %get3A_779 : i32 to index
        %get3A_782 = arith.index_cast %get3A_780 : i32 to index
        %get3A_783 = arith.index_cast %multiple_of3A : i32 to index
        %get3A_784 = tpu.vector_load %arg7[%get3A_781, %get3A_782, %get3A_783] {strides = array<i32>} : memref<4x8x1024xf32, #tpu.memory_space<vmem>>, vector<1x1x16xf32>,
        %get3A_785 = vector.shape_cast %get3A_784 : vector<1x1x16xf32> to vector<16xf32>
        %select_n3A_786 = arith.select %ne3A_750, %get3A_785, %get3A_778 : vector<16xi1>, vector<16xf32>
        %swap3A_787 = arith.constant 6 : i32
        %swap3A_788 = arith.constant 1 : i32
        %swap3A_789 = arith.index_cast %swap3A_787 : i32 to index
        %swap3A_790 = arith.index_cast %swap3A_788 : i32 to index
        %swap3A_791 = arith.index_cast %multiple_of3A : i32 to index
        %swap3A_792 = tpu.vector_load %arg8[%swap3A_789, %swap3A_790, %swap3A_791] {strides = array<i32>} : memref<8x8x1024xf32, #tpu.memory_space<vmem>>, vector<1x1x16xf32>,
        %swap3A_793 = vector.shape_cast %swap3A_792 : vector<1x1x16xf32> to vector<16xf32>
        %swap3A_794 = vector.shape_cast %select_n3A_786 : vector<16xf32> to vector<1x1x16xf32>
        tpu.vector_store %arg8[%swap3A_789, %swap3A_790, %swap3A_791], %swap3A_794 {strides = array<i32>} : memref<8x8x1024xf32, #tpu.memory_space<vmem>>, vector<1x1x16xf32>,
        %get3A_795 = arith.constant 6 : i32
        %get3A_796 = arith.constant 2 : i32
        %get3A_797 = arith.index_cast %get3A_795 : i32 to index
        %get3A_798 = arith.index_cast %get3A_796 : i32 to index
        %get3A_799 = arith.index_cast %multiple_of3A : i32 to index
        %get3A_800 = tpu.vector_load %arg8[%get3A_797, %get3A_798, %get3A_799] {strides = array<i32>} : memref<8x8x1024xf32, #tpu.memory_space<vmem>>, vector<1x1x16xf32>,
        %get3A_801 = vector.shape_cast %get3A_800 : vector<1x1x16xf32> to vector<16xf32>
        %get3A_802 = arith.constant 2 : i32
        %get3A_803 = arith.constant 2 : i32
        %get3A_804 = arith.index_cast %get3A_802 : i32 to index
        %get3A_805 = arith.index_cast %get3A_803 : i32 to index
        %get3A_806 = arith.index_cast %multiple_of3A : i32 to index
        %get3A_807 = tpu.vector_load %arg7[%get3A_804, %get3A_805, %get3A_806] {strides = array<i32>} : memref<4x8x1024xf32, #tpu.memory_space<vmem>>, vector<1x1x16xf32>,
        %get3A_808 = vector.shape_cast %get3A_807 : vector<1x1x16xf32> to vector<16xf32>
        %select_n3A_809 = arith.select %ne3A_750, %get3A_808, %get3A_801 : vector<16xi1>, vector<16xf32>
        %swap3A_810 = arith.constant 6 : i32
        %swap3A_811 = arith.constant 2 : i32
        %swap3A_812 = arith.index_cast %swap3A_810 : i32 to index
        %swap3A_813 = arith.index_cast %swap3A_811 : i32 to index
        %swap3A_814 = arith.index_cast %multiple_of3A : i32 to index
        %swap3A_815 = tpu.vector_load %arg8[%swap3A_812, %swap3A_813, %swap3A_814] {strides = array<i32>} : memref<8x8x1024xf32, #tpu.memory_space<vmem>>, vector<1x1x16xf32>,
        %swap3A_816 = vector.shape_cast %swap3A_815 : vector<1x1x16xf32> to vector<16xf32>
        %swap3A_817 = vector.shape_cast %select_n3A_809 : vector<16xf32> to vector<1x1x16xf32>
        tpu.vector_store %arg8[%swap3A_812, %swap3A_813, %swap3A_814], %swap3A_817 {strides = array<i32>} : memref<8x8x1024xf32, #tpu.memory_space<vmem>>, vector<1x1x16xf32>,
        %get3A_818 = arith.constant 6 : i32
        %get3A_819 = arith.constant 3 : i32
        %get3A_820 = arith.index_cast %get3A_818 : i32 to index
        %get3A_821 = arith.index_cast %get3A_819 : i32 to index
        %get3A_822 = arith.index_cast %multiple_of3A : i32 to index
        %get3A_823 = tpu.vector_load %arg8[%get3A_820, %get3A_821, %get3A_822] {strides = array<i32>} : memref<8x8x1024xf32, #tpu.memory_space<vmem>>, vector<1x1x16xf32>,
        %get3A_824 = vector.shape_cast %get3A_823 : vector<1x1x16xf32> to vector<16xf32>
        %get3A_825 = arith.constant 2 : i32
        %get3A_826 = arith.constant 3 : i32
        %get3A_827 = arith.index_cast %get3A_825 : i32 to index
        %get3A_828 = arith.index_cast %get3A_826 : i32 to index
        %get3A_829 = arith.index_cast %multiple_of3A : i32 to index
        %get3A_830 = tpu.vector_load %arg7[%get3A_827, %get3A_828, %get3A_829] {strides = array<i32>} : memref<4x8x1024xf32, #tpu.memory_space<vmem>>, vector<1x1x16xf32>,
        %get3A_831 = vector.shape_cast %get3A_830 : vector<1x1x16xf32> to vector<16xf32>
        %select_n3A_832 = arith.select %ne3A_750, %get3A_831, %get3A_824 : vector<16xi1>, vector<16xf32>
        %swap3A_833 = arith.constant 6 : i32
        %swap3A_834 = arith.constant 3 : i32
        %swap3A_835 = arith.index_cast %swap3A_833 : i32 to index
        %swap3A_836 = arith.index_cast %swap3A_834 : i32 to index
        %swap3A_837 = arith.index_cast %multiple_of3A : i32 to index
        %swap3A_838 = tpu.vector_load %arg8[%swap3A_835, %swap3A_836, %swap3A_837] {strides = array<i32>} : memref<8x8x1024xf32, #tpu.memory_space<vmem>>, vector<1x1x16xf32>,
        %swap3A_839 = vector.shape_cast %swap3A_838 : vector<1x1x16xf32> to vector<16xf32>
        %swap3A_840 = vector.shape_cast %select_n3A_832 : vector<16xf32> to vector<1x1x16xf32>
        tpu.vector_store %arg8[%swap3A_835, %swap3A_836, %swap3A_837], %swap3A_840 {strides = array<i32>} : memref<8x8x1024xf32, #tpu.memory_space<vmem>>, vector<1x1x16xf32>,
        %get3A_841 = arith.constant 6 : i32
        %get3A_842 = arith.constant 4 : i32
        %get3A_843 = arith.index_cast %get3A_841 : i32 to index
        %get3A_844 = arith.index_cast %get3A_842 : i32 to index
        %get3A_845 = arith.index_cast %multiple_of3A : i32 to index
        %get3A_846 = tpu.vector_load %arg8[%get3A_843, %get3A_844, %get3A_845] {strides = array<i32>} : memref<8x8x1024xf32, #tpu.memory_space<vmem>>, vector<1x1x16xf32>,
        %get3A_847 = vector.shape_cast %get3A_846 : vector<1x1x16xf32> to vector<16xf32>
        %get3A_848 = arith.constant 2 : i32
        %get3A_849 = arith.constant 4 : i32
        %get3A_850 = arith.index_cast %get3A_848 : i32 to index
        %get3A_851 = arith.index_cast %get3A_849 : i32 to index
        %get3A_852 = arith.index_cast %multiple_of3A : i32 to index
        %get3A_853 = tpu.vector_load %arg7[%get3A_850, %get3A_851, %get3A_852] {strides = array<i32>} : memref<4x8x1024xf32, #tpu.memory_space<vmem>>, vector<1x1x16xf32>,
        %get3A_854 = vector.shape_cast %get3A_853 : vector<1x1x16xf32> to vector<16xf32>
        %select_n3A_855 = arith.select %ne3A_750, %get3A_854, %get3A_847 : vector<16xi1>, vector<16xf32>
        %swap3A_856 = arith.constant 6 : i32
        %swap3A_857 = arith.constant 4 : i32
        %swap3A_858 = arith.index_cast %swap3A_856 : i32 to index
        %swap3A_859 = arith.index_cast %swap3A_857 : i32 to index
        %swap3A_860 = arith.index_cast %multiple_of3A : i32 to index
        %swap3A_861 = tpu.vector_load %arg8[%swap3A_858, %swap3A_859, %swap3A_860] {strides = array<i32>} : memref<8x8x1024xf32, #tpu.memory_space<vmem>>, vector<1x1x16xf32>,
        %swap3A_862 = vector.shape_cast %swap3A_861 : vector<1x1x16xf32> to vector<16xf32>
        %swap3A_863 = vector.shape_cast %select_n3A_855 : vector<16xf32> to vector<1x1x16xf32>
        tpu.vector_store %arg8[%swap3A_858, %swap3A_859, %swap3A_860], %swap3A_863 {strides = array<i32>} : memref<8x8x1024xf32, #tpu.memory_space<vmem>>, vector<1x1x16xf32>,
        %get3A_864 = arith.constant 6 : i32
        %get3A_865 = arith.constant 5 : i32
        %get3A_866 = arith.index_cast %get3A_864 : i32 to index
        %get3A_867 = arith.index_cast %get3A_865 : i32 to index
        %get3A_868 = arith.index_cast %multiple_of3A : i32 to index
        %get3A_869 = tpu.vector_load %arg8[%get3A_866, %get3A_867, %get3A_868] {strides = array<i32>} : memref<8x8x1024xf32, #tpu.memory_space<vmem>>, vector<1x1x16xf32>,
        %get3A_870 = vector.shape_cast %get3A_869 : vector<1x1x16xf32> to vector<16xf32>
        %get3A_871 = arith.constant 2 : i32
        %get3A_872 = arith.constant 5 : i32
        %get3A_873 = arith.index_cast %get3A_871 : i32 to index
        %get3A_874 = arith.index_cast %get3A_872 : i32 to index
        %get3A_875 = arith.index_cast %multiple_of3A : i32 to index
        %get3A_876 = tpu.vector_load %arg7[%get3A_873, %get3A_874, %get3A_875] {strides = array<i32>} : memref<4x8x1024xf32, #tpu.memory_space<vmem>>, vector<1x1x16xf32>,
        %get3A_877 = vector.shape_cast %get3A_876 : vector<1x1x16xf32> to vector<16xf32>
        %select_n3A_878 = arith.select %ne3A_750, %get3A_877, %get3A_870 : vector<16xi1>, vector<16xf32>
        %swap3A_879 = arith.constant 6 : i32
        %swap3A_880 = arith.constant 5 : i32
        %swap3A_881 = arith.index_cast %swap3A_879 : i32 to index
        %swap3A_882 = arith.index_cast %swap3A_880 : i32 to index
        %swap3A_883 = arith.index_cast %multiple_of3A : i32 to index
        %swap3A_884 = tpu.vector_load %arg8[%swap3A_881, %swap3A_882, %swap3A_883] {strides = array<i32>} : memref<8x8x1024xf32, #tpu.memory_space<vmem>>, vector<1x1x16xf32>,
        %swap3A_885 = vector.shape_cast %swap3A_884 : vector<1x1x16xf32> to vector<16xf32>
        %swap3A_886 = vector.shape_cast %select_n3A_878 : vector<16xf32> to vector<1x1x16xf32>
        tpu.vector_store %arg8[%swap3A_881, %swap3A_882, %swap3A_883], %swap3A_886 {strides = array<i32>} : memref<8x8x1024xf32, #tpu.memory_space<vmem>>, vector<1x1x16xf32>,
        %get3A_887 = arith.constant 6 : i32
        %get3A_888 = arith.constant 6 : i32
        %get3A_889 = arith.index_cast %get3A_887 : i32 to index
        %get3A_890 = arith.index_cast %get3A_888 : i32 to index
        %get3A_891 = arith.index_cast %multiple_of3A : i32 to index
        %get3A_892 = tpu.vector_load %arg8[%get3A_889, %get3A_890, %get3A_891] {strides = array<i32>} : memref<8x8x1024xf32, #tpu.memory_space<vmem>>, vector<1x1x16xf32>,
        %get3A_893 = vector.shape_cast %get3A_892 : vector<1x1x16xf32> to vector<16xf32>
        %get3A_894 = arith.constant 2 : i32
        %get3A_895 = arith.constant 6 : i32
        %get3A_896 = arith.index_cast %get3A_894 : i32 to index
        %get3A_897 = arith.index_cast %get3A_895 : i32 to index
        %get3A_898 = arith.index_cast %multiple_of3A : i32 to index
        %get3A_899 = tpu.vector_load %arg7[%get3A_896, %get3A_897, %get3A_898] {strides = array<i32>} : memref<4x8x1024xf32, #tpu.memory_space<vmem>>, vector<1x1x16xf32>,
        %get3A_900 = vector.shape_cast %get3A_899 : vector<1x1x16xf32> to vector<16xf32>
        %select_n3A_901 = arith.select %ne3A_750, %get3A_900, %get3A_893 : vector<16xi1>, vector<16xf32>
        %swap3A_902 = arith.constant 6 : i32
        %swap3A_903 = arith.constant 6 : i32
        %swap3A_904 = arith.index_cast %swap3A_902 : i32 to index
        %swap3A_905 = arith.index_cast %swap3A_903 : i32 to index
        %swap3A_906 = arith.index_cast %multiple_of3A : i32 to index
        %swap3A_907 = tpu.vector_load %arg8[%swap3A_904, %swap3A_905, %swap3A_906] {strides = array<i32>} : memref<8x8x1024xf32, #tpu.memory_space<vmem>>, vector<1x1x16xf32>,
        %swap3A_908 = vector.shape_cast %swap3A_907 : vector<1x1x16xf32> to vector<16xf32>
        %swap3A_909 = vector.shape_cast %select_n3A_901 : vector<16xf32> to vector<1x1x16xf32>
        tpu.vector_store %arg8[%swap3A_904, %swap3A_905, %swap3A_906], %swap3A_909 {strides = array<i32>} : memref<8x8x1024xf32, #tpu.memory_space<vmem>>, vector<1x1x16xf32>,
        %get3A_910 = arith.constant 6 : i32
        %get3A_911 = arith.constant 7 : i32
        %get3A_912 = arith.index_cast %get3A_910 : i32 to index
        %get3A_913 = arith.index_cast %get3A_911 : i32 to index
        %get3A_914 = arith.index_cast %multiple_of3A : i32 to index
        %get3A_915 = tpu.vector_load %arg8[%get3A_912, %get3A_913, %get3A_914] {strides = array<i32>} : memref<8x8x1024xf32, #tpu.memory_space<vmem>>, vector<1x1x16xf32>,
        %get3A_916 = vector.shape_cast %get3A_915 : vector<1x1x16xf32> to vector<16xf32>
        %get3A_917 = arith.constant 2 : i32
        %get3A_918 = arith.constant 7 : i32
        %get3A_919 = arith.index_cast %get3A_917 : i32 to index
        %get3A_920 = arith.index_cast %get3A_918 : i32 to index
        %get3A_921 = arith.index_cast %multiple_of3A : i32 to index
        %get3A_922 = tpu.vector_load %arg7[%get3A_919, %get3A_920, %get3A_921] {strides = array<i32>} : memref<4x8x1024xf32, #tpu.memory_space<vmem>>, vector<1x1x16xf32>,
        %get3A_923 = vector.shape_cast %get3A_922 : vector<1x1x16xf32> to vector<16xf32>
        %select_n3A_924 = arith.select %ne3A_750, %get3A_923, %get3A_916 : vector<16xi1>, vector<16xf32>
        %swap3A_925 = arith.constant 6 : i32
        %swap3A_926 = arith.constant 7 : i32
        %swap3A_927 = arith.index_cast %swap3A_925 : i32 to index
        %swap3A_928 = arith.index_cast %swap3A_926 : i32 to index
        %swap3A_929 = arith.index_cast %multiple_of3A : i32 to index
        %swap3A_930 = tpu.vector_load %arg8[%swap3A_927, %swap3A_928, %swap3A_929] {strides = array<i32>} : memref<8x8x1024xf32, #tpu.memory_space<vmem>>, vector<1x1x16xf32>,
        %swap3A_931 = vector.shape_cast %swap3A_930 : vector<1x1x16xf32> to vector<16xf32>
        %swap3A_932 = vector.shape_cast %select_n3A_924 : vector<16xf32> to vector<1x1x16xf32>
        tpu.vector_store %arg8[%swap3A_927, %swap3A_928, %swap3A_929], %swap3A_932 {strides = array<i32>} : memref<8x8x1024xf32, #tpu.memory_space<vmem>>, vector<1x1x16xf32>,
      }
      %scan3A_656 = arith.constant 64 : i32
      %mul3A_657 = arith.constant 8 : i32
      %mul3A_658 = arith.muli %add3A_611, %mul3A_657 : i32
      %add3A_659 = arith.addi %mul3A_2, %mul3A_658 : i32
      %dma_start3A_660 = arith.constant 6 : i32
      %dma_start3A_661 = arith.constant 6 : i32
      %dma_start3A_662 = arith.constant 0 : i32
      %dma_start3A_663 = arith.constant 0 : i32
      %dma_start3A_664 = tpu.memref_slice %arg8[%dma_start3A_660, %dma_start3A_662, %dma_start3A_663] : memref<8x8x1024xf32, #tpu.memory_space<vmem>> -> memref<1x8x1024xf32, #tpu.memory_space<vmem>>
      %dma_start3A_665 = tpu.memref_squeeze %dma_start3A_664 : memref<1x8x1024xf32, #tpu.memory_space<vmem>> -> memref<8x1024xf32, #tpu.memory_space<vmem>>
      %dma_start3A_666 = arith.constant 0 : i32
      %dma_start3A_667 = tpu.memref_slice %arg5[%add3A_659, %dma_start3A_666] : memref<16384x1024xf32, #tpu.memory_space<hbm>> -> memref<8x1024xf32, #tpu.memory_space<hbm>>
      %dma_start3A_668 = tpu.memref_slice %arg11[%dma_start3A_661] : memref<8x!tpu.dma_semaphore, #tpu.memory_space<semaphore_mem>> -> memref<1x!tpu.dma_semaphore, #tpu.memory_space<semaphore_mem>>
      %dma_start3A_669 = tpu.memref_squeeze %dma_start3A_668 : memref<1x!tpu.dma_semaphore, #tpu.memory_space<semaphore_mem>> -> memref<!tpu.dma_semaphore, #tpu.memory_space<semaphore_mem>>
      %dma_start3A_670 = arith.constant 0 : i32
      %dma_start3A_671 = tpu.memref_slice %arg5[%add3A_659, %dma_start3A_670] : memref<16384x1024xf32, #tpu.memory_space<hbm>> -> memref<8x1024xf32, #tpu.memory_space<hbm>>
      %dma_start3A_672 = arith.constant 0 : i32
      %dma_start3A_673 = arith.constant 0 : i32
      %dma_start3A_674 = tpu.memref_slice %arg8[%dma_start3A_660, %dma_start3A_672, %dma_start3A_673] : memref<8x8x1024xf32, #tpu.memory_space<vmem>> -> memref<1x8x1024xf32, #tpu.memory_space<vmem>>
      %dma_start3A_675 = tpu.memref_squeeze %dma_start3A_674 : memref<1x8x1024xf32, #tpu.memory_space<vmem>> -> memref<8x1024xf32, #tpu.memory_space<vmem>>
      tpu.enqueue_dma source(%dma_start3A_675 : memref<8x1024xf32, #tpu.memory_space<vmem>>) target(%dma_start3A_671 : memref<8x1024xf32, #tpu.memory_space<hbm>>) target_semaphore(%dma_start3A_669 : memref<!tpu.dma_semaphore, #tpu.memory_space<semaphore_mem>>)
      %mul3A_676 = arith.constant 8 : i32
      %mul3A_677 = arith.muli %scan3A_202, %mul3A_676 : i32
      %add3A_678 = arith.constant 7 : i32
      %add3A_679 = arith.addi %mul3A_677, %add3A_678 : i32
      %add3A_680 = arith.constant 2 : i32
      %add3A_681 = arith.addi %add3A_679, %add3A_680 : i32
      %lt3A_682 = arith.constant 64 : i32
      %lt3A_683 = arith.cmpi slt, %add3A_681, %lt3A_682 : i32
      %convert_element_type3A_684 = arith.extui %lt3A_683 : i1 to i32
      %cond3A_685 = arith.constant 0 : i32
      %cond3A_686 = arith.cmpi ne, %convert_element_type3A_684, %cond3A_685 : i32
      scf.if %cond3A_686 {
        %ge3A = arith.constant 8 : i32
        %ge3A_744 = arith.cmpi sge, %add3A_681, %ge3A : i32
        %convert_element_type3A_745 = arith.extui %ge3A_744 : i1 to i32
        %cond3A_746 = arith.constant 0 : i32
        %cond3A_747 = arith.cmpi ne, %convert_element_type3A_745, %cond3A_746 : i32
        scf.if %cond3A_747 {
          %dma_wait3A_783 = arith.constant 1 : i32
          %dma_wait3A_784 = arith.constant 1 : i32
          %dma_wait3A_785 = arith.constant 0 : i32
          %dma_wait3A_786 = arith.constant 0 : i32
          %dma_wait3A_787 = tpu.memref_slice %arg8[%dma_wait3A_783, %dma_wait3A_785, %dma_wait3A_786] : memref<8x8x1024xf32, #tpu.memory_space<vmem>> -> memref<1x8x1024xf32, #tpu.memory_space<vmem>>
          %dma_wait3A_788 = tpu.memref_squeeze %dma_wait3A_787 : memref<1x8x1024xf32, #tpu.memory_space<vmem>> -> memref<8x1024xf32, #tpu.memory_space<vmem>>
          %dma_wait3A_789 = arith.constant 0 : i32
          %dma_wait3A_790 = tpu.memref_slice %arg5[%mul3A_2, %dma_wait3A_789] : memref<16384x1024xf32, #tpu.memory_space<hbm>> -> memref<8x1024xf32, #tpu.memory_space<hbm>>
          %dma_wait3A_791 = tpu.memref_slice %arg11[%dma_wait3A_784] : memref<8x!tpu.dma_semaphore, #tpu.memory_space<semaphore_mem>> -> memref<1x!tpu.dma_semaphore, #tpu.memory_space<semaphore_mem>>
          %dma_wait3A_792 = tpu.memref_squeeze %dma_wait3A_791 : memref<1x!tpu.dma_semaphore, #tpu.memory_space<semaphore_mem>> -> memref<!tpu.dma_semaphore, #tpu.memory_space<semaphore_mem>>
          %dma_wait3A_793 = arith.constant 0 : i32
          %dma_wait3A_794 = tpu.memref_slice %arg5[%mul3A_2, %dma_wait3A_793] : memref<16384x1024xf32, #tpu.memory_space<hbm>> -> memref<8x1024xf32, #tpu.memory_space<hbm>>
          %dma_wait3A_795 = arith.constant 0 : i32
          %dma_wait3A_796 = arith.constant 0 : i32
          %dma_wait3A_797 = tpu.memref_slice %arg8[%dma_wait3A_783, %dma_wait3A_795, %dma_wait3A_796] : memref<8x8x1024xf32, #tpu.memory_space<vmem>> -> memref<1x8x1024xf32, #tpu.memory_space<vmem>>
          %dma_wait3A_798 = tpu.memref_squeeze %dma_wait3A_797 : memref<1x8x1024xf32, #tpu.memory_space<vmem>> -> memref<8x1024xf32, #tpu.memory_space<vmem>>
          tpu.wait_dma2 semaphore(%dma_wait3A_792 : memref<!tpu.dma_semaphore, #tpu.memory_space<semaphore_mem>>) src(%dma_wait3A_798 : memref<8x1024xf32, #tpu.memory_space<vmem>>) dst(%dma_wait3A_794 : memref<8x1024xf32, #tpu.memory_space<hbm>>)
        } else {
        }
        %mul3A_748 = arith.constant 8 : i32
        %mul3A_749 = arith.muli %add3A_681, %mul3A_748 : i32
        %add3A_750 = arith.addi %mul3A_2, %mul3A_749 : i32
        %dma_start3A_751 = arith.constant 1 : i32
        %dma_start3A_752 = arith.constant 1 : i32
        %dma_start3A_753 = arith.constant 0 : i32
        %dma_start3A_754 = arith.constant 0 : i32
        %dma_start3A_755 = tpu.memref_slice %arg8[%dma_start3A_751, %dma_start3A_753, %dma_start3A_754] : memref<8x8x1024xf32, #tpu.memory_space<vmem>> -> memref<1x8x1024xf32, #tpu.memory_space<vmem>>
        %dma_start3A_756 = tpu.memref_squeeze %dma_start3A_755 : memref<1x8x1024xf32, #tpu.memory_space<vmem>> -> memref<8x1024xf32, #tpu.memory_space<vmem>>
        %dma_start3A_757 = arith.constant 0 : i32
        %dma_start3A_758 = tpu.memref_slice %arg3[%add3A_750, %dma_start3A_757] : memref<16384x1024xf32, #tpu.memory_space<hbm>> -> memref<8x1024xf32, #tpu.memory_space<hbm>>
        %dma_start3A_759 = tpu.memref_slice %arg9[%dma_start3A_752] : memref<8x!tpu.dma_semaphore, #tpu.memory_space<semaphore_mem>> -> memref<1x!tpu.dma_semaphore, #tpu.memory_space<semaphore_mem>>
        %dma_start3A_760 = tpu.memref_squeeze %dma_start3A_759 : memref<1x!tpu.dma_semaphore, #tpu.memory_space<semaphore_mem>> -> memref<!tpu.dma_semaphore, #tpu.memory_space<semaphore_mem>>
        %dma_start3A_761 = arith.constant 0 : i32
        %dma_start3A_762 = arith.constant 0 : i32
        %dma_start3A_763 = tpu.memref_slice %arg8[%dma_start3A_751, %dma_start3A_761, %dma_start3A_762] : memref<8x8x1024xf32, #tpu.memory_space<vmem>> -> memref<1x8x1024xf32, #tpu.memory_space<vmem>>
        %dma_start3A_764 = tpu.memref_squeeze %dma_start3A_763 : memref<1x8x1024xf32, #tpu.memory_space<vmem>> -> memref<8x1024xf32, #tpu.memory_space<vmem>>
        %dma_start3A_765 = arith.constant 0 : i32
        %dma_start3A_766 = tpu.memref_slice %arg3[%add3A_750, %dma_start3A_765] : memref<16384x1024xf32, #tpu.memory_space<hbm>> -> memref<8x1024xf32, #tpu.memory_space<hbm>>
        tpu.enqueue_dma source(%dma_start3A_766 : memref<8x1024xf32, #tpu.memory_space<hbm>>) target(%dma_start3A_764 : memref<8x1024xf32, #tpu.memory_space<vmem>>) target_semaphore(%dma_start3A_760 : memref<!tpu.dma_semaphore, #tpu.memory_space<semaphore_mem>>)
        %dma_start3A_767 = arith.constant 1 : i32
        %dma_start3A_768 = arith.constant 1 : i32
        %dma_start3A_769 = arith.constant 0 : i32
        %dma_start3A_770 = arith.constant 0 : i32
        %dma_start3A_771 = tpu.memref_slice %arg7[%dma_start3A_767, %dma_start3A_769, %dma_start3A_770] : memref<4x8x1024xf32, #tpu.memory_space<vmem>> -> memref<1x8x1024xf32, #tpu.memory_space<vmem>>
        %dma_start3A_772 = tpu.memref_squeeze %dma_start3A_771 : memref<1x8x1024xf32, #tpu.memory_space<vmem>> -> memref<8x1024xf32, #tpu.memory_space<vmem>>
        %dma_start3A_773 = arith.constant 0 : i32
        %dma_start3A_774 = tpu.memref_slice %arg4[%add3A_750, %dma_start3A_773] : memref<16384x1024xf32, #tpu.memory_space<hbm>> -> memref<8x1024xf32, #tpu.memory_space<hbm>>
        %dma_start3A_775 = tpu.memref_slice %arg10[%dma_start3A_768] : memref<4x!tpu.dma_semaphore, #tpu.memory_space<semaphore_mem>> -> memref<1x!tpu.dma_semaphore, #tpu.memory_space<semaphore_mem>>
        %dma_start3A_776 = tpu.memref_squeeze %dma_start3A_775 : memref<1x!tpu.dma_semaphore, #tpu.memory_space<semaphore_mem>> -> memref<!tpu.dma_semaphore, #tpu.memory_space<semaphore_mem>>
        %dma_start3A_777 = arith.constant 0 : i32
        %dma_start3A_778 = arith.constant 0 : i32
        %dma_start3A_779 = tpu.memref_slice %arg7[%dma_start3A_767, %dma_start3A_777, %dma_start3A_778] : memref<4x8x1024xf32, #tpu.memory_space<vmem>> -> memref<1x8x1024xf32, #tpu.memory_space<vmem>>
        %dma_start3A_780 = tpu.memref_squeeze %dma_start3A_779 : memref<1x8x1024xf32, #tpu.memory_space<vmem>> -> memref<8x1024xf32, #tpu.memory_space<vmem>>
        %dma_start3A_781 = arith.constant 0 : i32
        %dma_start3A_782 = tpu.memref_slice %arg4[%add3A_750, %dma_start3A_781] : memref<16384x1024xf32, #tpu.memory_space<hbm>> -> memref<8x1024xf32, #tpu.memory_space<hbm>>
        tpu.enqueue_dma source(%dma_start3A_782 : memref<8x1024xf32, #tpu.memory_space<hbm>>) target(%dma_start3A_780 : memref<8x1024xf32, #tpu.memory_space<vmem>>) target_semaphore(%dma_start3A_776 : memref<!tpu.dma_semaphore, #tpu.memory_space<semaphore_mem>>)
      } else {
      }
      %dma_wait3A_687 = arith.constant 7 : i32
      %dma_wait3A_688 = arith.constant 7 : i32
      %dma_wait3A_689 = arith.constant 0 : i32
      %dma_wait3A_690 = arith.constant 0 : i32
      %dma_wait3A_691 = tpu.memref_slice %arg8[%dma_wait3A_687, %dma_wait3A_689, %dma_wait3A_690] : memref<8x8x1024xf32, #tpu.memory_space<vmem>> -> memref<1x8x1024xf32, #tpu.memory_space<vmem>>
      %dma_wait3A_692 = tpu.memref_squeeze %dma_wait3A_691 : memref<1x8x1024xf32, #tpu.memory_space<vmem>> -> memref<8x1024xf32, #tpu.memory_space<vmem>>
      %dma_wait3A_693 = arith.constant 0 : i32
      %dma_wait3A_694 = tpu.memref_slice %arg3[%mul3A_2, %dma_wait3A_693] : memref<16384x1024xf32, #tpu.memory_space<hbm>> -> memref<8x1024xf32, #tpu.memory_space<hbm>>
      %dma_wait3A_695 = tpu.memref_slice %arg9[%dma_wait3A_688] : memref<8x!tpu.dma_semaphore, #tpu.memory_space<semaphore_mem>> -> memref<1x!tpu.dma_semaphore, #tpu.memory_space<semaphore_mem>>
      %dma_wait3A_696 = tpu.memref_squeeze %dma_wait3A_695 : memref<1x!tpu.dma_semaphore, #tpu.memory_space<semaphore_mem>> -> memref<!tpu.dma_semaphore, #tpu.memory_space<semaphore_mem>>
      %dma_wait3A_697 = arith.constant 0 : i32
      %dma_wait3A_698 = arith.constant 0 : i32
      %dma_wait3A_699 = tpu.memref_slice %arg8[%dma_wait3A_687, %dma_wait3A_697, %dma_wait3A_698] : memref<8x8x1024xf32, #tpu.memory_space<vmem>> -> memref<1x8x1024xf32, #tpu.memory_space<vmem>>
      %dma_wait3A_700 = tpu.memref_squeeze %dma_wait3A_699 : memref<1x8x1024xf32, #tpu.memory_space<vmem>> -> memref<8x1024xf32, #tpu.memory_space<vmem>>
      %dma_wait3A_701 = arith.constant 0 : i32
      %dma_wait3A_702 = tpu.memref_slice %arg3[%mul3A_2, %dma_wait3A_701] : memref<16384x1024xf32, #tpu.memory_space<hbm>> -> memref<8x1024xf32, #tpu.memory_space<hbm>>
      tpu.wait_dma2 semaphore(%dma_wait3A_696 : memref<!tpu.dma_semaphore, #tpu.memory_space<semaphore_mem>>) src(%dma_wait3A_702 : memref<8x1024xf32, #tpu.memory_space<hbm>>) dst(%dma_wait3A_700 : memref<8x1024xf32, #tpu.memory_space<vmem>>)
      %dma_wait3A_703 = arith.constant 3 : i32
      %dma_wait3A_704 = arith.constant 3 : i32
      %dma_wait3A_705 = arith.constant 0 : i32
      %dma_wait3A_706 = arith.constant 0 : i32
      %dma_wait3A_707 = tpu.memref_slice %arg7[%dma_wait3A_703, %dma_wait3A_705, %dma_wait3A_706] : memref<4x8x1024xf32, #tpu.memory_space<vmem>> -> memref<1x8x1024xf32, #tpu.memory_space<vmem>>
      %dma_wait3A_708 = tpu.memref_squeeze %dma_wait3A_707 : memref<1x8x1024xf32, #tpu.memory_space<vmem>> -> memref<8x1024xf32, #tpu.memory_space<vmem>>
      %dma_wait3A_709 = arith.constant 0 : i32
      %dma_wait3A_710 = tpu.memref_slice %arg4[%mul3A_2, %dma_wait3A_709] : memref<16384x1024xf32, #tpu.memory_space<hbm>> -> memref<8x1024xf32, #tpu.memory_space<hbm>>
      %dma_wait3A_711 = tpu.memref_slice %arg10[%dma_wait3A_704] : memref<4x!tpu.dma_semaphore, #tpu.memory_space<semaphore_mem>> -> memref<1x!tpu.dma_semaphore, #tpu.memory_space<semaphore_mem>>
      %dma_wait3A_712 = tpu.memref_squeeze %dma_wait3A_711 : memref<1x!tpu.dma_semaphore, #tpu.memory_space<semaphore_mem>> -> memref<!tpu.dma_semaphore, #tpu.memory_space<semaphore_mem>>
      %dma_wait3A_713 = arith.constant 0 : i32
      %dma_wait3A_714 = arith.constant 0 : i32
      %dma_wait3A_715 = tpu.memref_slice %arg7[%dma_wait3A_703, %dma_wait3A_713, %dma_wait3A_714] : memref<4x8x1024xf32, #tpu.memory_space<vmem>> -> memref<1x8x1024xf32, #tpu.memory_space<vmem>>
      %dma_wait3A_716 = tpu.memref_squeeze %dma_wait3A_715 : memref<1x8x1024xf32, #tpu.memory_space<vmem>> -> memref<8x1024xf32, #tpu.memory_space<vmem>>
      %dma_wait3A_717 = arith.constant 0 : i32
      %dma_wait3A_718 = tpu.memref_slice %arg4[%mul3A_2, %dma_wait3A_717] : memref<16384x1024xf32, #tpu.memory_space<hbm>> -> memref<8x1024xf32, #tpu.memory_space<hbm>>
      tpu.wait_dma2 semaphore(%dma_wait3A_712 : memref<!tpu.dma_semaphore, #tpu.memory_space<semaphore_mem>>) src(%dma_wait3A_718 : memref<8x1024xf32, #tpu.memory_space<hbm>>) dst(%dma_wait3A_716 : memref<8x1024xf32, #tpu.memory_space<vmem>>)
      %scan3A_719 = arith.constant 0 : i32
      %scan3A_720 = arith.constant 0 : i32
      %scan3A_721 = arith.constant 64 : i32
      %scan3A_722 = arith.addi %scan3A_720, %scan3A_721 : i32
      %scan3A_723 = arith.constant 1 : i32
      scf.for %scan3A_744 = %scan3A_720 to %scan3A_722 step %scan3A_723  : i32 {
        %mul3A_745 = arith.constant 16 : i32
        %mul3A_746 = arith.muli %scan3A_744, %mul3A_745 : i32
        %multiple_of3A = tpu.assume_multiple %mul3A_746, 16 : i32
        %get3A = arith.index_cast %multiple_of3A : i32 to index
        %get3A_747 = tpu.vector_load %arg6[%get3A] {strides = array<i32>} : memref<1024xf32, #tpu.memory_space<vmem>>, vector<16xf32>,
        %get3A_748 = vector.shape_cast %get3A_747 : vector<16xf32> to vector<16xf32>
        %ne3A = arith.constant 0.000000e+00 : f32
        %ne3A_749 = vector.broadcast %ne3A : f32 to vector<16xf32>
        %ne3A_750 = arith.cmpf one, %get3A_748, %ne3A_749 : vector<16xf32>
        %get3A_751 = arith.constant 7 : i32
        %get3A_752 = arith.constant 0 : i32
        %get3A_753 = arith.index_cast %get3A_751 : i32 to index
        %get3A_754 = arith.index_cast %get3A_752 : i32 to index
        %get3A_755 = arith.index_cast %multiple_of3A : i32 to index
        %get3A_756 = tpu.vector_load %arg8[%get3A_753, %get3A_754, %get3A_755] {strides = array<i32>} : memref<8x8x1024xf32, #tpu.memory_space<vmem>>, vector<1x1x16xf32>,
        %get3A_757 = vector.shape_cast %get3A_756 : vector<1x1x16xf32> to vector<16xf32>
        %get3A_758 = arith.constant 3 : i32
        %get3A_759 = arith.constant 0 : i32
        %get3A_760 = arith.index_cast %get3A_758 : i32 to index
        %get3A_761 = arith.index_cast %get3A_759 : i32 to index
        %get3A_762 = arith.index_cast %multiple_of3A : i32 to index
        %get3A_763 = tpu.vector_load %arg7[%get3A_760, %get3A_761, %get3A_762] {strides = array<i32>} : memref<4x8x1024xf32, #tpu.memory_space<vmem>>, vector<1x1x16xf32>,
        %get3A_764 = vector.shape_cast %get3A_763 : vector<1x1x16xf32> to vector<16xf32>
        %select_n3A = arith.select %ne3A_750, %get3A_764, %get3A_757 : vector<16xi1>, vector<16xf32>
        %swap3A = arith.constant 7 : i32
        %swap3A_765 = arith.constant 0 : i32
        %swap3A_766 = arith.index_cast %swap3A : i32 to index
        %swap3A_767 = arith.index_cast %swap3A_765 : i32 to index
        %swap3A_768 = arith.index_cast %multiple_of3A : i32 to index
        %swap3A_769 = tpu.vector_load %arg8[%swap3A_766, %swap3A_767, %swap3A_768] {strides = array<i32>} : memref<8x8x1024xf32, #tpu.memory_space<vmem>>, vector<1x1x16xf32>,
        %swap3A_770 = vector.shape_cast %swap3A_769 : vector<1x1x16xf32> to vector<16xf32>
        %swap3A_771 = vector.shape_cast %select_n3A : vector<16xf32> to vector<1x1x16xf32>
        tpu.vector_store %arg8[%swap3A_766, %swap3A_767, %swap3A_768], %swap3A_771 {strides = array<i32>} : memref<8x8x1024xf32, #tpu.memory_space<vmem>>, vector<1x1x16xf32>,
        %get3A_772 = arith.constant 7 : i32
        %get3A_773 = arith.constant 1 : i32
        %get3A_774 = arith.index_cast %get3A_772 : i32 to index
        %get3A_775 = arith.index_cast %get3A_773 : i32 to index
        %get3A_776 = arith.index_cast %multiple_of3A : i32 to index
        %get3A_777 = tpu.vector_load %arg8[%get3A_774, %get3A_775, %get3A_776] {strides = array<i32>} : memref<8x8x1024xf32, #tpu.memory_space<vmem>>, vector<1x1x16xf32>,
        %get3A_778 = vector.shape_cast %get3A_777 : vector<1x1x16xf32> to vector<16xf32>
        %get3A_779 = arith.constant 3 : i32
        %get3A_780 = arith.constant 1 : i32
        %get3A_781 = arith.index_cast %get3A_779 : i32 to index
        %get3A_782 = arith.index_cast %get3A_780 : i32 to index
        %get3A_783 = arith.index_cast %multiple_of3A : i32 to index
        %get3A_784 = tpu.vector_load %arg7[%get3A_781, %get3A_782, %get3A_783] {strides = array<i32>} : memref<4x8x1024xf32, #tpu.memory_space<vmem>>, vector<1x1x16xf32>,
        %get3A_785 = vector.shape_cast %get3A_784 : vector<1x1x16xf32> to vector<16xf32>
        %select_n3A_786 = arith.select %ne3A_750, %get3A_785, %get3A_778 : vector<16xi1>, vector<16xf32>
        %swap3A_787 = arith.constant 7 : i32
        %swap3A_788 = arith.constant 1 : i32
        %swap3A_789 = arith.index_cast %swap3A_787 : i32 to index
        %swap3A_790 = arith.index_cast %swap3A_788 : i32 to index
        %swap3A_791 = arith.index_cast %multiple_of3A : i32 to index
        %swap3A_792 = tpu.vector_load %arg8[%swap3A_789, %swap3A_790, %swap3A_791] {strides = array<i32>} : memref<8x8x1024xf32, #tpu.memory_space<vmem>>, vector<1x1x16xf32>,
        %swap3A_793 = vector.shape_cast %swap3A_792 : vector<1x1x16xf32> to vector<16xf32>
        %swap3A_794 = vector.shape_cast %select_n3A_786 : vector<16xf32> to vector<1x1x16xf32>
        tpu.vector_store %arg8[%swap3A_789, %swap3A_790, %swap3A_791], %swap3A_794 {strides = array<i32>} : memref<8x8x1024xf32, #tpu.memory_space<vmem>>, vector<1x1x16xf32>,
        %get3A_795 = arith.constant 7 : i32
        %get3A_796 = arith.constant 2 : i32
        %get3A_797 = arith.index_cast %get3A_795 : i32 to index
        %get3A_798 = arith.index_cast %get3A_796 : i32 to index
        %get3A_799 = arith.index_cast %multiple_of3A : i32 to index
        %get3A_800 = tpu.vector_load %arg8[%get3A_797, %get3A_798, %get3A_799] {strides = array<i32>} : memref<8x8x1024xf32, #tpu.memory_space<vmem>>, vector<1x1x16xf32>,
        %get3A_801 = vector.shape_cast %get3A_800 : vector<1x1x16xf32> to vector<16xf32>
        %get3A_802 = arith.constant 3 : i32
        %get3A_803 = arith.constant 2 : i32
        %get3A_804 = arith.index_cast %get3A_802 : i32 to index
        %get3A_805 = arith.index_cast %get3A_803 : i32 to index
        %get3A_806 = arith.index_cast %multiple_of3A : i32 to index
        %get3A_807 = tpu.vector_load %arg7[%get3A_804, %get3A_805, %get3A_806] {strides = array<i32>} : memref<4x8x1024xf32, #tpu.memory_space<vmem>>, vector<1x1x16xf32>,
        %get3A_808 = vector.shape_cast %get3A_807 : vector<1x1x16xf32> to vector<16xf32>
        %select_n3A_809 = arith.select %ne3A_750, %get3A_808, %get3A_801 : vector<16xi1>, vector<16xf32>
        %swap3A_810 = arith.constant 7 : i32
        %swap3A_811 = arith.constant 2 : i32
        %swap3A_812 = arith.index_cast %swap3A_810 : i32 to index
        %swap3A_813 = arith.index_cast %swap3A_811 : i32 to index
        %swap3A_814 = arith.index_cast %multiple_of3A : i32 to index
        %swap3A_815 = tpu.vector_load %arg8[%swap3A_812, %swap3A_813, %swap3A_814] {strides = array<i32>} : memref<8x8x1024xf32, #tpu.memory_space<vmem>>, vector<1x1x16xf32>,
        %swap3A_816 = vector.shape_cast %swap3A_815 : vector<1x1x16xf32> to vector<16xf32>
        %swap3A_817 = vector.shape_cast %select_n3A_809 : vector<16xf32> to vector<1x1x16xf32>
        tpu.vector_store %arg8[%swap3A_812, %swap3A_813, %swap3A_814], %swap3A_817 {strides = array<i32>} : memref<8x8x1024xf32, #tpu.memory_space<vmem>>, vector<1x1x16xf32>,
        %get3A_818 = arith.constant 7 : i32
        %get3A_819 = arith.constant 3 : i32
        %get3A_820 = arith.index_cast %get3A_818 : i32 to index
        %get3A_821 = arith.index_cast %get3A_819 : i32 to index
        %get3A_822 = arith.index_cast %multiple_of3A : i32 to index
        %get3A_823 = tpu.vector_load %arg8[%get3A_820, %get3A_821, %get3A_822] {strides = array<i32>} : memref<8x8x1024xf32, #tpu.memory_space<vmem>>, vector<1x1x16xf32>,
        %get3A_824 = vector.shape_cast %get3A_823 : vector<1x1x16xf32> to vector<16xf32>
        %get3A_825 = arith.constant 3 : i32
        %get3A_826 = arith.constant 3 : i32
        %get3A_827 = arith.index_cast %get3A_825 : i32 to index
        %get3A_828 = arith.index_cast %get3A_826 : i32 to index
        %get3A_829 = arith.index_cast %multiple_of3A : i32 to index
        %get3A_830 = tpu.vector_load %arg7[%get3A_827, %get3A_828, %get3A_829] {strides = array<i32>} : memref<4x8x1024xf32, #tpu.memory_space<vmem>>, vector<1x1x16xf32>,
        %get3A_831 = vector.shape_cast %get3A_830 : vector<1x1x16xf32> to vector<16xf32>
        %select_n3A_832 = arith.select %ne3A_750, %get3A_831, %get3A_824 : vector<16xi1>, vector<16xf32>
        %swap3A_833 = arith.constant 7 : i32
        %swap3A_834 = arith.constant 3 : i32
        %swap3A_835 = arith.index_cast %swap3A_833 : i32 to index
        %swap3A_836 = arith.index_cast %swap3A_834 : i32 to index
        %swap3A_837 = arith.index_cast %multiple_of3A : i32 to index
        %swap3A_838 = tpu.vector_load %arg8[%swap3A_835, %swap3A_836, %swap3A_837] {strides = array<i32>} : memref<8x8x1024xf32, #tpu.memory_space<vmem>>, vector<1x1x16xf32>,
        %swap3A_839 = vector.shape_cast %swap3A_838 : vector<1x1x16xf32> to vector<16xf32>
        %swap3A_840 = vector.shape_cast %select_n3A_832 : vector<16xf32> to vector<1x1x16xf32>
        tpu.vector_store %arg8[%swap3A_835, %swap3A_836, %swap3A_837], %swap3A_840 {strides = array<i32>} : memref<8x8x1024xf32, #tpu.memory_space<vmem>>, vector<1x1x16xf32>,
        %get3A_841 = arith.constant 7 : i32
        %get3A_842 = arith.constant 4 : i32
        %get3A_843 = arith.index_cast %get3A_841 : i32 to index
        %get3A_844 = arith.index_cast %get3A_842 : i32 to index
        %get3A_845 = arith.index_cast %multiple_of3A : i32 to index
        %get3A_846 = tpu.vector_load %arg8[%get3A_843, %get3A_844, %get3A_845] {strides = array<i32>} : memref<8x8x1024xf32, #tpu.memory_space<vmem>>, vector<1x1x16xf32>,
        %get3A_847 = vector.shape_cast %get3A_846 : vector<1x1x16xf32> to vector<16xf32>
        %get3A_848 = arith.constant 3 : i32
        %get3A_849 = arith.constant 4 : i32
        %get3A_850 = arith.index_cast %get3A_848 : i32 to index
        %get3A_851 = arith.index_cast %get3A_849 : i32 to index
        %get3A_852 = arith.index_cast %multiple_of3A : i32 to index
        %get3A_853 = tpu.vector_load %arg7[%get3A_850, %get3A_851, %get3A_852] {strides = array<i32>} : memref<4x8x1024xf32, #tpu.memory_space<vmem>>, vector<1x1x16xf32>,
        %get3A_854 = vector.shape_cast %get3A_853 : vector<1x1x16xf32> to vector<16xf32>
        %select_n3A_855 = arith.select %ne3A_750, %get3A_854, %get3A_847 : vector<16xi1>, vector<16xf32>
        %swap3A_856 = arith.constant 7 : i32
        %swap3A_857 = arith.constant 4 : i32
        %swap3A_858 = arith.index_cast %swap3A_856 : i32 to index
        %swap3A_859 = arith.index_cast %swap3A_857 : i32 to index
        %swap3A_860 = arith.index_cast %multiple_of3A : i32 to index
        %swap3A_861 = tpu.vector_load %arg8[%swap3A_858, %swap3A_859, %swap3A_860] {strides = array<i32>} : memref<8x8x1024xf32, #tpu.memory_space<vmem>>, vector<1x1x16xf32>,
        %swap3A_862 = vector.shape_cast %swap3A_861 : vector<1x1x16xf32> to vector<16xf32>
        %swap3A_863 = vector.shape_cast %select_n3A_855 : vector<16xf32> to vector<1x1x16xf32>
        tpu.vector_store %arg8[%swap3A_858, %swap3A_859, %swap3A_860], %swap3A_863 {strides = array<i32>} : memref<8x8x1024xf32, #tpu.memory_space<vmem>>, vector<1x1x16xf32>,
        %get3A_864 = arith.constant 7 : i32
        %get3A_865 = arith.constant 5 : i32
        %get3A_866 = arith.index_cast %get3A_864 : i32 to index
        %get3A_867 = arith.index_cast %get3A_865 : i32 to index
        %get3A_868 = arith.index_cast %multiple_of3A : i32 to index
        %get3A_869 = tpu.vector_load %arg8[%get3A_866, %get3A_867, %get3A_868] {strides = array<i32>} : memref<8x8x1024xf32, #tpu.memory_space<vmem>>, vector<1x1x16xf32>,
        %get3A_870 = vector.shape_cast %get3A_869 : vector<1x1x16xf32> to vector<16xf32>
        %get3A_871 = arith.constant 3 : i32
        %get3A_872 = arith.constant 5 : i32
        %get3A_873 = arith.index_cast %get3A_871 : i32 to index
        %get3A_874 = arith.index_cast %get3A_872 : i32 to index
        %get3A_875 = arith.index_cast %multiple_of3A : i32 to index
        %get3A_876 = tpu.vector_load %arg7[%get3A_873, %get3A_874, %get3A_875] {strides = array<i32>} : memref<4x8x1024xf32, #tpu.memory_space<vmem>>, vector<1x1x16xf32>,
        %get3A_877 = vector.shape_cast %get3A_876 : vector<1x1x16xf32> to vector<16xf32>
        %select_n3A_878 = arith.select %ne3A_750, %get3A_877, %get3A_870 : vector<16xi1>, vector<16xf32>
        %swap3A_879 = arith.constant 7 : i32
        %swap3A_880 = arith.constant 5 : i32
        %swap3A_881 = arith.index_cast %swap3A_879 : i32 to index
        %swap3A_882 = arith.index_cast %swap3A_880 : i32 to index
        %swap3A_883 = arith.index_cast %multiple_of3A : i32 to index
        %swap3A_884 = tpu.vector_load %arg8[%swap3A_881, %swap3A_882, %swap3A_883] {strides = array<i32>} : memref<8x8x1024xf32, #tpu.memory_space<vmem>>, vector<1x1x16xf32>,
        %swap3A_885 = vector.shape_cast %swap3A_884 : vector<1x1x16xf32> to vector<16xf32>
        %swap3A_886 = vector.shape_cast %select_n3A_878 : vector<16xf32> to vector<1x1x16xf32>
        tpu.vector_store %arg8[%swap3A_881, %swap3A_882, %swap3A_883], %swap3A_886 {strides = array<i32>} : memref<8x8x1024xf32, #tpu.memory_space<vmem>>, vector<1x1x16xf32>,
        %get3A_887 = arith.constant 7 : i32
        %get3A_888 = arith.constant 6 : i32
        %get3A_889 = arith.index_cast %get3A_887 : i32 to index
        %get3A_890 = arith.index_cast %get3A_888 : i32 to index
        %get3A_891 = arith.index_cast %multiple_of3A : i32 to index
        %get3A_892 = tpu.vector_load %arg8[%get3A_889, %get3A_890, %get3A_891] {strides = array<i32>} : memref<8x8x1024xf32, #tpu.memory_space<vmem>>, vector<1x1x16xf32>,
        %get3A_893 = vector.shape_cast %get3A_892 : vector<1x1x16xf32> to vector<16xf32>
        %get3A_894 = arith.constant 3 : i32
        %get3A_895 = arith.constant 6 : i32
        %get3A_896 = arith.index_cast %get3A_894 : i32 to index
        %get3A_897 = arith.index_cast %get3A_895 : i32 to index
        %get3A_898 = arith.index_cast %multiple_of3A : i32 to index
        %get3A_899 = tpu.vector_load %arg7[%get3A_896, %get3A_897, %get3A_898] {strides = array<i32>} : memref<4x8x1024xf32, #tpu.memory_space<vmem>>, vector<1x1x16xf32>,
        %get3A_900 = vector.shape_cast %get3A_899 : vector<1x1x16xf32> to vector<16xf32>
        %select_n3A_901 = arith.select %ne3A_750, %get3A_900, %get3A_893 : vector<16xi1>, vector<16xf32>
        %swap3A_902 = arith.constant 7 : i32
        %swap3A_903 = arith.constant 6 : i32
        %swap3A_904 = arith.index_cast %swap3A_902 : i32 to index
        %swap3A_905 = arith.index_cast %swap3A_903 : i32 to index
        %swap3A_906 = arith.index_cast %multiple_of3A : i32 to index
        %swap3A_907 = tpu.vector_load %arg8[%swap3A_904, %swap3A_905, %swap3A_906] {strides = array<i32>} : memref<8x8x1024xf32, #tpu.memory_space<vmem>>, vector<1x1x16xf32>,
        %swap3A_908 = vector.shape_cast %swap3A_907 : vector<1x1x16xf32> to vector<16xf32>
        %swap3A_909 = vector.shape_cast %select_n3A_901 : vector<16xf32> to vector<1x1x16xf32>
        tpu.vector_store %arg8[%swap3A_904, %swap3A_905, %swap3A_906], %swap3A_909 {strides = array<i32>} : memref<8x8x1024xf32, #tpu.memory_space<vmem>>, vector<1x1x16xf32>,
        %get3A_910 = arith.constant 7 : i32
        %get3A_911 = arith.constant 7 : i32
        %get3A_912 = arith.index_cast %get3A_910 : i32 to index
        %get3A_913 = arith.index_cast %get3A_911 : i32 to index
        %get3A_914 = arith.index_cast %multiple_of3A : i32 to index
        %get3A_915 = tpu.vector_load %arg8[%get3A_912, %get3A_913, %get3A_914] {strides = array<i32>} : memref<8x8x1024xf32, #tpu.memory_space<vmem>>, vector<1x1x16xf32>,
        %get3A_916 = vector.shape_cast %get3A_915 : vector<1x1x16xf32> to vector<16xf32>
        %get3A_917 = arith.constant 3 : i32
        %get3A_918 = arith.constant 7 : i32
        %get3A_919 = arith.index_cast %get3A_917 : i32 to index
        %get3A_920 = arith.index_cast %get3A_918 : i32 to index
        %get3A_921 = arith.index_cast %multiple_of3A : i32 to index
        %get3A_922 = tpu.vector_load %arg7[%get3A_919, %get3A_920, %get3A_921] {strides = array<i32>} : memref<4x8x1024xf32, #tpu.memory_space<vmem>>, vector<1x1x16xf32>,
        %get3A_923 = vector.shape_cast %get3A_922 : vector<1x1x16xf32> to vector<16xf32>
        %select_n3A_924 = arith.select %ne3A_750, %get3A_923, %get3A_916 : vector<16xi1>, vector<16xf32>
        %swap3A_925 = arith.constant 7 : i32
        %swap3A_926 = arith.constant 7 : i32
        %swap3A_927 = arith.index_cast %swap3A_925 : i32 to index
        %swap3A_928 = arith.index_cast %swap3A_926 : i32 to index
        %swap3A_929 = arith.index_cast %multiple_of3A : i32 to index
        %swap3A_930 = tpu.vector_load %arg8[%swap3A_927, %swap3A_928, %swap3A_929] {strides = array<i32>} : memref<8x8x1024xf32, #tpu.memory_space<vmem>>, vector<1x1x16xf32>,
        %swap3A_931 = vector.shape_cast %swap3A_930 : vector<1x1x16xf32> to vector<16xf32>
        %swap3A_932 = vector.shape_cast %select_n3A_924 : vector<16xf32> to vector<1x1x16xf32>
        tpu.vector_store %arg8[%swap3A_927, %swap3A_928, %swap3A_929], %swap3A_932 {strides = array<i32>} : memref<8x8x1024xf32, #tpu.memory_space<vmem>>, vector<1x1x16xf32>,
      }
      %scan3A_724 = arith.constant 64 : i32
      %mul3A_725 = arith.constant 8 : i32
      %mul3A_726 = arith.muli %add3A_679, %mul3A_725 : i32
      %add3A_727 = arith.addi %mul3A_2, %mul3A_726 : i32
      %dma_start3A_728 = arith.constant 7 : i32
      %dma_start3A_729 = arith.constant 7 : i32
      %dma_start3A_730 = arith.constant 0 : i32
      %dma_start3A_731 = arith.constant 0 : i32
      %dma_start3A_732 = tpu.memref_slice %arg8[%dma_start3A_728, %dma_start3A_730, %dma_start3A_731] : memref<8x8x1024xf32, #tpu.memory_space<vmem>> -> memref<1x8x1024xf32, #tpu.memory_space<vmem>>
      %dma_start3A_733 = tpu.memref_squeeze %dma_start3A_732 : memref<1x8x1024xf32, #tpu.memory_space<vmem>> -> memref<8x1024xf32, #tpu.memory_space<vmem>>
      %dma_start3A_734 = arith.constant 0 : i32
      %dma_start3A_735 = tpu.memref_slice %arg5[%add3A_727, %dma_start3A_734] : memref<16384x1024xf32, #tpu.memory_space<hbm>> -> memref<8x1024xf32, #tpu.memory_space<hbm>>
      %dma_start3A_736 = tpu.memref_slice %arg11[%dma_start3A_729] : memref<8x!tpu.dma_semaphore, #tpu.memory_space<semaphore_mem>> -> memref<1x!tpu.dma_semaphore, #tpu.memory_space<semaphore_mem>>
      %dma_start3A_737 = tpu.memref_squeeze %dma_start3A_736 : memref<1x!tpu.dma_semaphore, #tpu.memory_space<semaphore_mem>> -> memref<!tpu.dma_semaphore, #tpu.memory_space<semaphore_mem>>
      %dma_start3A_738 = arith.constant 0 : i32
      %dma_start3A_739 = tpu.memref_slice %arg5[%add3A_727, %dma_start3A_738] : memref<16384x1024xf32, #tpu.memory_space<hbm>> -> memref<8x1024xf32, #tpu.memory_space<hbm>>
      %dma_start3A_740 = arith.constant 0 : i32
      %dma_start3A_741 = arith.constant 0 : i32
      %dma_start3A_742 = tpu.memref_slice %arg8[%dma_start3A_728, %dma_start3A_740, %dma_start3A_741] : memref<8x8x1024xf32, #tpu.memory_space<vmem>> -> memref<1x8x1024xf32, #tpu.memory_space<vmem>>
      %dma_start3A_743 = tpu.memref_squeeze %dma_start3A_742 : memref<1x8x1024xf32, #tpu.memory_space<vmem>> -> memref<8x1024xf32, #tpu.memory_space<vmem>>
      tpu.enqueue_dma source(%dma_start3A_743 : memref<8x1024xf32, #tpu.memory_space<vmem>>) target(%dma_start3A_739 : memref<8x1024xf32, #tpu.memory_space<hbm>>) target_semaphore(%dma_start3A_737 : memref<!tpu.dma_semaphore, #tpu.memory_space<semaphore_mem>>)
    }
    %scan3A_74 = arith.constant 8 : i32
    %dma_wait3A = arith.constant 0 : i32
    %dma_wait3A_75 = arith.constant 0 : i32
    %dma_wait3A_76 = arith.constant 0 : i32
    %dma_wait3A_77 = arith.constant 0 : i32
    %dma_wait3A_78 = tpu.memref_slice %arg8[%dma_wait3A, %dma_wait3A_76, %dma_wait3A_77] : memref<8x8x1024xf32, #tpu.memory_space<vmem>> -> memref<1x8x1024xf32, #tpu.memory_space<vmem>>
    %dma_wait3A_79 = tpu.memref_squeeze %dma_wait3A_78 : memref<1x8x1024xf32, #tpu.memory_space<vmem>> -> memref<8x1024xf32, #tpu.memory_space<vmem>>
    %dma_wait3A_80 = arith.constant 0 : i32
    %dma_wait3A_81 = tpu.memref_slice %arg5[%mul3A_2, %dma_wait3A_80] : memref<16384x1024xf32, #tpu.memory_space<hbm>> -> memref<8x1024xf32, #tpu.memory_space<hbm>>
    %dma_wait3A_82 = tpu.memref_slice %arg11[%dma_wait3A_75] : memref<8x!tpu.dma_semaphore, #tpu.memory_space<semaphore_mem>> -> memref<1x!tpu.dma_semaphore, #tpu.memory_space<semaphore_mem>>
    %dma_wait3A_83 = tpu.memref_squeeze %dma_wait3A_82 : memref<1x!tpu.dma_semaphore, #tpu.memory_space<semaphore_mem>> -> memref<!tpu.dma_semaphore, #tpu.memory_space<semaphore_mem>>
    %dma_wait3A_84 = arith.constant 0 : i32
    %dma_wait3A_85 = tpu.memref_slice %arg5[%mul3A_2, %dma_wait3A_84] : memref<16384x1024xf32, #tpu.memory_space<hbm>> -> memref<8x1024xf32, #tpu.memory_space<hbm>>
    %dma_wait3A_86 = arith.constant 0 : i32
    %dma_wait3A_87 = arith.constant 0 : i32
    %dma_wait3A_88 = tpu.memref_slice %arg8[%dma_wait3A, %dma_wait3A_86, %dma_wait3A_87] : memref<8x8x1024xf32, #tpu.memory_space<vmem>> -> memref<1x8x1024xf32, #tpu.memory_space<vmem>>
    %dma_wait3A_89 = tpu.memref_squeeze %dma_wait3A_88 : memref<1x8x1024xf32, #tpu.memory_space<vmem>> -> memref<8x1024xf32, #tpu.memory_space<vmem>>
    tpu.wait_dma2 semaphore(%dma_wait3A_83 : memref<!tpu.dma_semaphore, #tpu.memory_space<semaphore_mem>>) src(%dma_wait3A_89 : memref<8x1024xf32, #tpu.memory_space<vmem>>) dst(%dma_wait3A_85 : memref<8x1024xf32, #tpu.memory_space<hbm>>)
    %dma_wait3A_90 = arith.constant 1 : i32
    %dma_wait3A_91 = arith.constant 1 : i32
    %dma_wait3A_92 = arith.constant 0 : i32
    %dma_wait3A_93 = arith.constant 0 : i32
    %dma_wait3A_94 = tpu.memref_slice %arg8[%dma_wait3A_90, %dma_wait3A_92, %dma_wait3A_93] : memref<8x8x1024xf32, #tpu.memory_space<vmem>> -> memref<1x8x1024xf32, #tpu.memory_space<vmem>>
    %dma_wait3A_95 = tpu.memref_squeeze %dma_wait3A_94 : memref<1x8x1024xf32, #tpu.memory_space<vmem>> -> memref<8x1024xf32, #tpu.memory_space<vmem>>
    %dma_wait3A_96 = arith.constant 0 : i32
    %dma_wait3A_97 = tpu.memref_slice %arg5[%mul3A_2, %dma_wait3A_96] : memref<16384x1024xf32, #tpu.memory_space<hbm>> -> memref<8x1024xf32, #tpu.memory_space<hbm>>
    %dma_wait3A_98 = tpu.memref_slice %arg11[%dma_wait3A_91] : memref<8x!tpu.dma_semaphore, #tpu.memory_space<semaphore_mem>> -> memref<1x!tpu.dma_semaphore, #tpu.memory_space<semaphore_mem>>
    %dma_wait3A_99 = tpu.memref_squeeze %dma_wait3A_98 : memref<1x!tpu.dma_semaphore, #tpu.memory_space<semaphore_mem>> -> memref<!tpu.dma_semaphore, #tpu.memory_space<semaphore_mem>>
    %dma_wait3A_100 = arith.constant 0 : i32
    %dma_wait3A_101 = tpu.memref_slice %arg5[%mul3A_2, %dma_wait3A_100] : memref<16384x1024xf32, #tpu.memory_space<hbm>> -> memref<8x1024xf32, #tpu.memory_space<hbm>>
    %dma_wait3A_102 = arith.constant 0 : i32
    %dma_wait3A_103 = arith.constant 0 : i32
    %dma_wait3A_104 = tpu.memref_slice %arg8[%dma_wait3A_90, %dma_wait3A_102, %dma_wait3A_103] : memref<8x8x1024xf32, #tpu.memory_space<vmem>> -> memref<1x8x1024xf32, #tpu.memory_space<vmem>>
    %dma_wait3A_105 = tpu.memref_squeeze %dma_wait3A_104 : memref<1x8x1024xf32, #tpu.memory_space<vmem>> -> memref<8x1024xf32, #tpu.memory_space<vmem>>
    tpu.wait_dma2 semaphore(%dma_wait3A_99 : memref<!tpu.dma_semaphore, #tpu.memory_space<semaphore_mem>>) src(%dma_wait3A_105 : memref<8x1024xf32, #tpu.memory_space<vmem>>) dst(%dma_wait3A_101 : memref<8x1024xf32, #tpu.memory_space<hbm>>)
    %dma_wait3A_106 = arith.constant 2 : i32
    %dma_wait3A_107 = arith.constant 2 : i32
    %dma_wait3A_108 = arith.constant 0 : i32
    %dma_wait3A_109 = arith.constant 0 : i32
    %dma_wait3A_110 = tpu.memref_slice %arg8[%dma_wait3A_106, %dma_wait3A_108, %dma_wait3A_109] : memref<8x8x1024xf32, #tpu.memory_space<vmem>> -> memref<1x8x1024xf32, #tpu.memory_space<vmem>>
    %dma_wait3A_111 = tpu.memref_squeeze %dma_wait3A_110 : memref<1x8x1024xf32, #tpu.memory_space<vmem>> -> memref<8x1024xf32, #tpu.memory_space<vmem>>
    %dma_wait3A_112 = arith.constant 0 : i32
    %dma_wait3A_113 = tpu.memref_slice %arg5[%mul3A_2, %dma_wait3A_112] : memref<16384x1024xf32, #tpu.memory_space<hbm>> -> memref<8x1024xf32, #tpu.memory_space<hbm>>
    %dma_wait3A_114 = tpu.memref_slice %arg11[%dma_wait3A_107] : memref<8x!tpu.dma_semaphore, #tpu.memory_space<semaphore_mem>> -> memref<1x!tpu.dma_semaphore, #tpu.memory_space<semaphore_mem>>
    %dma_wait3A_115 = tpu.memref_squeeze %dma_wait3A_114 : memref<1x!tpu.dma_semaphore, #tpu.memory_space<semaphore_mem>> -> memref<!tpu.dma_semaphore, #tpu.memory_space<semaphore_mem>>
    %dma_wait3A_116 = arith.constant 0 : i32
    %dma_wait3A_117 = tpu.memref_slice %arg5[%mul3A_2, %dma_wait3A_116] : memref<16384x1024xf32, #tpu.memory_space<hbm>> -> memref<8x1024xf32, #tpu.memory_space<hbm>>
    %dma_wait3A_118 = arith.constant 0 : i32
    %dma_wait3A_119 = arith.constant 0 : i32
    %dma_wait3A_120 = tpu.memref_slice %arg8[%dma_wait3A_106, %dma_wait3A_118, %dma_wait3A_119] : memref<8x8x1024xf32, #tpu.memory_space<vmem>> -> memref<1x8x1024xf32, #tpu.memory_space<vmem>>
    %dma_wait3A_121 = tpu.memref_squeeze %dma_wait3A_120 : memref<1x8x1024xf32, #tpu.memory_space<vmem>> -> memref<8x1024xf32, #tpu.memory_space<vmem>>
    tpu.wait_dma2 semaphore(%dma_wait3A_115 : memref<!tpu.dma_semaphore, #tpu.memory_space<semaphore_mem>>) src(%dma_wait3A_121 : memref<8x1024xf32, #tpu.memory_space<vmem>>) dst(%dma_wait3A_117 : memref<8x1024xf32, #tpu.memory_space<hbm>>)
    %dma_wait3A_122 = arith.constant 3 : i32
    %dma_wait3A_123 = arith.constant 3 : i32
    %dma_wait3A_124 = arith.constant 0 : i32
    %dma_wait3A_125 = arith.constant 0 : i32
    %dma_wait3A_126 = tpu.memref_slice %arg8[%dma_wait3A_122, %dma_wait3A_124, %dma_wait3A_125] : memref<8x8x1024xf32, #tpu.memory_space<vmem>> -> memref<1x8x1024xf32, #tpu.memory_space<vmem>>
    %dma_wait3A_127 = tpu.memref_squeeze %dma_wait3A_126 : memref<1x8x1024xf32, #tpu.memory_space<vmem>> -> memref<8x1024xf32, #tpu.memory_space<vmem>>
    %dma_wait3A_128 = arith.constant 0 : i32
    %dma_wait3A_129 = tpu.memref_slice %arg5[%mul3A_2, %dma_wait3A_128] : memref<16384x1024xf32, #tpu.memory_space<hbm>> -> memref<8x1024xf32, #tpu.memory_space<hbm>>
    %dma_wait3A_130 = tpu.memref_slice %arg11[%dma_wait3A_123] : memref<8x!tpu.dma_semaphore, #tpu.memory_space<semaphore_mem>> -> memref<1x!tpu.dma_semaphore, #tpu.memory_space<semaphore_mem>>
    %dma_wait3A_131 = tpu.memref_squeeze %dma_wait3A_130 : memref<1x!tpu.dma_semaphore, #tpu.memory_space<semaphore_mem>> -> memref<!tpu.dma_semaphore, #tpu.memory_space<semaphore_mem>>
    %dma_wait3A_132 = arith.constant 0 : i32
    %dma_wait3A_133 = tpu.memref_slice %arg5[%mul3A_2, %dma_wait3A_132] : memref<16384x1024xf32, #tpu.memory_space<hbm>> -> memref<8x1024xf32, #tpu.memory_space<hbm>>
    %dma_wait3A_134 = arith.constant 0 : i32
    %dma_wait3A_135 = arith.constant 0 : i32
    %dma_wait3A_136 = tpu.memref_slice %arg8[%dma_wait3A_122, %dma_wait3A_134, %dma_wait3A_135] : memref<8x8x1024xf32, #tpu.memory_space<vmem>> -> memref<1x8x1024xf32, #tpu.memory_space<vmem>>
    %dma_wait3A_137 = tpu.memref_squeeze %dma_wait3A_136 : memref<1x8x1024xf32, #tpu.memory_space<vmem>> -> memref<8x1024xf32, #tpu.memory_space<vmem>>
    tpu.wait_dma2 semaphore(%dma_wait3A_131 : memref<!tpu.dma_semaphore, #tpu.memory_space<semaphore_mem>>) src(%dma_wait3A_137 : memref<8x1024xf32, #tpu.memory_space<vmem>>) dst(%dma_wait3A_133 : memref<8x1024xf32, #tpu.memory_space<hbm>>)
    %dma_wait3A_138 = arith.constant 4 : i32
    %dma_wait3A_139 = arith.constant 4 : i32
    %dma_wait3A_140 = arith.constant 0 : i32
    %dma_wait3A_141 = arith.constant 0 : i32
    %dma_wait3A_142 = tpu.memref_slice %arg8[%dma_wait3A_138, %dma_wait3A_140, %dma_wait3A_141] : memref<8x8x1024xf32, #tpu.memory_space<vmem>> -> memref<1x8x1024xf32, #tpu.memory_space<vmem>>
    %dma_wait3A_143 = tpu.memref_squeeze %dma_wait3A_142 : memref<1x8x1024xf32, #tpu.memory_space<vmem>> -> memref<8x1024xf32, #tpu.memory_space<vmem>>
    %dma_wait3A_144 = arith.constant 0 : i32
    %dma_wait3A_145 = tpu.memref_slice %arg5[%mul3A_2, %dma_wait3A_144] : memref<16384x1024xf32, #tpu.memory_space<hbm>> -> memref<8x1024xf32, #tpu.memory_space<hbm>>
    %dma_wait3A_146 = tpu.memref_slice %arg11[%dma_wait3A_139] : memref<8x!tpu.dma_semaphore, #tpu.memory_space<semaphore_mem>> -> memref<1x!tpu.dma_semaphore, #tpu.memory_space<semaphore_mem>>
    %dma_wait3A_147 = tpu.memref_squeeze %dma_wait3A_146 : memref<1x!tpu.dma_semaphore, #tpu.memory_space<semaphore_mem>> -> memref<!tpu.dma_semaphore, #tpu.memory_space<semaphore_mem>>
    %dma_wait3A_148 = arith.constant 0 : i32
    %dma_wait3A_149 = tpu.memref_slice %arg5[%mul3A_2, %dma_wait3A_148] : memref<16384x1024xf32, #tpu.memory_space<hbm>> -> memref<8x1024xf32, #tpu.memory_space<hbm>>
    %dma_wait3A_150 = arith.constant 0 : i32
    %dma_wait3A_151 = arith.constant 0 : i32
    %dma_wait3A_152 = tpu.memref_slice %arg8[%dma_wait3A_138, %dma_wait3A_150, %dma_wait3A_151] : memref<8x8x1024xf32, #tpu.memory_space<vmem>> -> memref<1x8x1024xf32, #tpu.memory_space<vmem>>
    %dma_wait3A_153 = tpu.memref_squeeze %dma_wait3A_152 : memref<1x8x1024xf32, #tpu.memory_space<vmem>> -> memref<8x1024xf32, #tpu.memory_space<vmem>>
    tpu.wait_dma2 semaphore(%dma_wait3A_147 : memref<!tpu.dma_semaphore, #tpu.memory_space<semaphore_mem>>) src(%dma_wait3A_153 : memref<8x1024xf32, #tpu.memory_space<vmem>>) dst(%dma_wait3A_149 : memref<8x1024xf32, #tpu.memory_space<hbm>>)
    %dma_wait3A_154 = arith.constant 5 : i32
    %dma_wait3A_155 = arith.constant 5 : i32
    %dma_wait3A_156 = arith.constant 0 : i32
    %dma_wait3A_157 = arith.constant 0 : i32
    %dma_wait3A_158 = tpu.memref_slice %arg8[%dma_wait3A_154, %dma_wait3A_156, %dma_wait3A_157] : memref<8x8x1024xf32, #tpu.memory_space<vmem>> -> memref<1x8x1024xf32, #tpu.memory_space<vmem>>
    %dma_wait3A_159 = tpu.memref_squeeze %dma_wait3A_158 : memref<1x8x1024xf32, #tpu.memory_space<vmem>> -> memref<8x1024xf32, #tpu.memory_space<vmem>>
    %dma_wait3A_160 = arith.constant 0 : i32
    %dma_wait3A_161 = tpu.memref_slice %arg5[%mul3A_2, %dma_wait3A_160] : memref<16384x1024xf32, #tpu.memory_space<hbm>> -> memref<8x1024xf32, #tpu.memory_space<hbm>>
    %dma_wait3A_162 = tpu.memref_slice %arg11[%dma_wait3A_155] : memref<8x!tpu.dma_semaphore, #tpu.memory_space<semaphore_mem>> -> memref<1x!tpu.dma_semaphore, #tpu.memory_space<semaphore_mem>>
    %dma_wait3A_163 = tpu.memref_squeeze %dma_wait3A_162 : memref<1x!tpu.dma_semaphore, #tpu.memory_space<semaphore_mem>> -> memref<!tpu.dma_semaphore, #tpu.memory_space<semaphore_mem>>
    %dma_wait3A_164 = arith.constant 0 : i32
    %dma_wait3A_165 = tpu.memref_slice %arg5[%mul3A_2, %dma_wait3A_164] : memref<16384x1024xf32, #tpu.memory_space<hbm>> -> memref<8x1024xf32, #tpu.memory_space<hbm>>
    %dma_wait3A_166 = arith.constant 0 : i32
    %dma_wait3A_167 = arith.constant 0 : i32
    %dma_wait3A_168 = tpu.memref_slice %arg8[%dma_wait3A_154, %dma_wait3A_166, %dma_wait3A_167] : memref<8x8x1024xf32, #tpu.memory_space<vmem>> -> memref<1x8x1024xf32, #tpu.memory_space<vmem>>
    %dma_wait3A_169 = tpu.memref_squeeze %dma_wait3A_168 : memref<1x8x1024xf32, #tpu.memory_space<vmem>> -> memref<8x1024xf32, #tpu.memory_space<vmem>>
    tpu.wait_dma2 semaphore(%dma_wait3A_163 : memref<!tpu.dma_semaphore, #tpu.memory_space<semaphore_mem>>) src(%dma_wait3A_169 : memref<8x1024xf32, #tpu.memory_space<vmem>>) dst(%dma_wait3A_165 : memref<8x1024xf32, #tpu.memory_space<hbm>>)
    %dma_wait3A_170 = arith.constant 6 : i32
    %dma_wait3A_171 = arith.constant 6 : i32
    %dma_wait3A_172 = arith.constant 0 : i32
    %dma_wait3A_173 = arith.constant 0 : i32
    %dma_wait3A_174 = tpu.memref_slice %arg8[%dma_wait3A_170, %dma_wait3A_172, %dma_wait3A_173] : memref<8x8x1024xf32, #tpu.memory_space<vmem>> -> memref<1x8x1024xf32, #tpu.memory_space<vmem>>
    %dma_wait3A_175 = tpu.memref_squeeze %dma_wait3A_174 : memref<1x8x1024xf32, #tpu.memory_space<vmem>> -> memref<8x1024xf32, #tpu.memory_space<vmem>>
    %dma_wait3A_176 = arith.constant 0 : i32
    %dma_wait3A_177 = tpu.memref_slice %arg5[%mul3A_2, %dma_wait3A_176] : memref<16384x1024xf32, #tpu.memory_space<hbm>> -> memref<8x1024xf32, #tpu.memory_space<hbm>>
    %dma_wait3A_178 = tpu.memref_slice %arg11[%dma_wait3A_171] : memref<8x!tpu.dma_semaphore, #tpu.memory_space<semaphore_mem>> -> memref<1x!tpu.dma_semaphore, #tpu.memory_space<semaphore_mem>>
    %dma_wait3A_179 = tpu.memref_squeeze %dma_wait3A_178 : memref<1x!tpu.dma_semaphore, #tpu.memory_space<semaphore_mem>> -> memref<!tpu.dma_semaphore, #tpu.memory_space<semaphore_mem>>
    %dma_wait3A_180 = arith.constant 0 : i32
    %dma_wait3A_181 = tpu.memref_slice %arg5[%mul3A_2, %dma_wait3A_180] : memref<16384x1024xf32, #tpu.memory_space<hbm>> -> memref<8x1024xf32, #tpu.memory_space<hbm>>
    %dma_wait3A_182 = arith.constant 0 : i32
    %dma_wait3A_183 = arith.constant 0 : i32
    %dma_wait3A_184 = tpu.memref_slice %arg8[%dma_wait3A_170, %dma_wait3A_182, %dma_wait3A_183] : memref<8x8x1024xf32, #tpu.memory_space<vmem>> -> memref<1x8x1024xf32, #tpu.memory_space<vmem>>
    %dma_wait3A_185 = tpu.memref_squeeze %dma_wait3A_184 : memref<1x8x1024xf32, #tpu.memory_space<vmem>> -> memref<8x1024xf32, #tpu.memory_space<vmem>>
    tpu.wait_dma2 semaphore(%dma_wait3A_179 : memref<!tpu.dma_semaphore, #tpu.memory_space<semaphore_mem>>) src(%dma_wait3A_185 : memref<8x1024xf32, #tpu.memory_space<vmem>>) dst(%dma_wait3A_181 : memref<8x1024xf32, #tpu.memory_space<hbm>>)
    %dma_wait3A_186 = arith.constant 7 : i32
    %dma_wait3A_187 = arith.constant 7 : i32
    %dma_wait3A_188 = arith.constant 0 : i32
    %dma_wait3A_189 = arith.constant 0 : i32
    %dma_wait3A_190 = tpu.memref_slice %arg8[%dma_wait3A_186, %dma_wait3A_188, %dma_wait3A_189] : memref<8x8x1024xf32, #tpu.memory_space<vmem>> -> memref<1x8x1024xf32, #tpu.memory_space<vmem>>
    %dma_wait3A_191 = tpu.memref_squeeze %dma_wait3A_190 : memref<1x8x1024xf32, #tpu.memory_space<vmem>> -> memref<8x1024xf32, #tpu.memory_space<vmem>>
    %dma_wait3A_192 = arith.constant 0 : i32
    %dma_wait3A_193 = tpu.memref_slice %arg5[%mul3A_2, %dma_wait3A_192] : memref<16384x1024xf32, #tpu.memory_space<hbm>> -> memref<8x1024xf32, #tpu.memory_space<hbm>>
    %dma_wait3A_194 = tpu.memref_slice %arg11[%dma_wait3A_187] : memref<8x!tpu.dma_semaphore, #tpu.memory_space<semaphore_mem>> -> memref<1x!tpu.dma_semaphore, #tpu.memory_space<semaphore_mem>>
    %dma_wait3A_195 = tpu.memref_squeeze %dma_wait3A_194 : memref<1x!tpu.dma_semaphore, #tpu.memory_space<semaphore_mem>> -> memref<!tpu.dma_semaphore, #tpu.memory_space<semaphore_mem>>
    %dma_wait3A_196 = arith.constant 0 : i32
    %dma_wait3A_197 = tpu.memref_slice %arg5[%mul3A_2, %dma_wait3A_196] : memref<16384x1024xf32, #tpu.memory_space<hbm>> -> memref<8x1024xf32, #tpu.memory_space<hbm>>
    %dma_wait3A_198 = arith.constant 0 : i32
    %dma_wait3A_199 = arith.constant 0 : i32
    %dma_wait3A_200 = tpu.memref_slice %arg8[%dma_wait3A_186, %dma_wait3A_198, %dma_wait3A_199] : memref<8x8x1024xf32, #tpu.memory_space<vmem>> -> memref<1x8x1024xf32, #tpu.memory_space<vmem>>
    %dma_wait3A_201 = tpu.memref_squeeze %dma_wait3A_200 : memref<1x8x1024xf32, #tpu.memory_space<vmem>> -> memref<8x1024xf32, #tpu.memory_space<vmem>>
    tpu.wait_dma2 semaphore(%dma_wait3A_195 : memref<!tpu.dma_semaphore, #tpu.memory_space<semaphore_mem>>) src(%dma_wait3A_201 : memref<8x1024xf32, #tpu.memory_space<vmem>>) dst(%dma_wait3A_197 : memref<8x1024xf32, #tpu.memory_space<hbm>>)
    return
  }
}

</mosaic_0001>

<sc_bundles>
// kernel: kernel.3.cloned.1.call-start
scs
__scs_entry_jumppad:
0x0: {  	(pc) =	sbr.rel $0x88, $3  }
0x1: {  	(tag) =	ssettag $0x0;
	lr =	simm.s32 $0x1  }
0x2: {  	[smem:$0x3F9F] =	sst lr;
	_ =	strace $0xD0000000  }
0x3: {  	_ = 	snop  }
0x4: {  	_ = 	snop  }
0x5: {  	_ = 	snop  }
0x6: {  	_ = 	snop  }
0x7: {  	_ = 	snop  }
__scs_overlays_trampoline_lowered:
0x8: {  	[smem:$0x3FAE] =	sst s0  }
0x9: {  	[smem:$0x3FAF] =	sst s1  }
0xa: {  	[smem:$0x3FB0] =	sst s2  }
0xb: {  	[smem:$0x3FB1] =	sst s3  }
0xc: {  	[smem:$0x3FB2] =	sst s4  }
0xd: {  	[smem:$0x3FB3] =	sst s5  }
0xe: {  	[smem:$0x3FB4] =	sst s6  }
0xf: {  	[smem:$0x3FB5] =	sst s7  }
0x10: {  	[smem:$0x3FB6] =	sst s8  }
0x11: {  	[smem:$0x3FB7] =	sst s9;
	s0 =	simm.s32 @!p0 $0x0  }
0x12: {  	s1 =	sld [smem:$0x3F9D];
	s0 =	simm.s32 @p0 $0x1  }
0x13: {  	[smem:$0x3FB8] =	sst s0;
	s0 =	simm.s32 @!p1 $0x0  }
0x14: {  	s2 =	sld [smem:$0x3F9C];
	s0 =	simm.s32 @p1 $0x1  }
0x15: {  	[smem:$0x3FB9] =	sst s0;
	s0 =	simm.s32 @!p2 $0x0  }
0x16: {  	s3 =	sld [smem:$0x3FDB];
	s0 =	simm.s32 @p2 $0x1  }
0x17: {  	s4 =	simm.s32 $0x1BF5;
	[smem:$0x3FBB] =	sst s0  }
0x18: {  	s0 =	sld [smem:$0x3F9E];
	_ =	swait.ge [sflag:s4], $0x0  }
0x19: {  	s7 =	sld [smem:$0x3F9F]  }
0x1a: {  	s8 =	sadd.s32 $0xFFFFE003, lr  }
0x1b: {  	s9 =	sadd.s32 $0xFFFFFEF7, lr;
	s5 =	simm.s32 $0xFFFFFFFF;
	p2 =	slt.u32 s8, $0xFFFFF086  }
0x1c: {  	p1 =	slt.u32 s9, $0xF7A;
	s5 =	simm.s32 @!p2 $0x0  }
0x1d: {  	s5 =	simm.s32 @p1 $0x1;
	p0 =	seq.s32 s7, s2  }
0x1e: {  	s7 =	smul.u32 @!p0 $0xF7A, s2;
	p2 =	seq.s32 @!p0 s5, $0x0  }
0x1f: {  	s9 =	smul.u32 $0xF7A, s1;
	s8 =	simm.s32 @!p0 $0x1BF5;
	p2 =	por !p2, p0  }
0x20: {  	[sflag:s8] =	ssyncset.s32 @!p0 $0xFFFFF086;
	s6 =	sadd.s32 @!p0 s3, s7;
	s7 =	simm.s32 @!p0 $0x108  }
0x21: {  	s3 =	sadd.s32 s3, s9;
	s6 =	sadd.s32 @!p0 $0x88, s6;
	s7 =	simm.s32 @p2 $0x1082  }
0x22: {  	[simem:s7], [sflag:s8] =	dma.local @!p0 [hbm:s6], $0xF7A  }
0x23: {  	s9 =	sor.u32 $0xD0000000, s2;
	s6 =	simm.s32 $0x108;
	_ =	swait.ge @!p0 [sflag:s8], $0x0  }
0x24: {  	s3 =	sadd.s32 $0x88, s3;
	s6 =	simm.s32 @!p1 $0x1082;
	[sflag:s4] =	ssyncset.s32 $0xFFFFF086  }
0x25: {  	[simem:s6], [sflag:s4] =	dma.local [hbm:s3], $0xF7A  }
0x26: {  	[smem:$0x3F9F] =	sst s1;
	(tag) =	ssettag s2;
	_ =	strace s9  }
0x27: {  	s1 =	sld [smem:$0x3FAF]  }
0x28: {  	s2 =	sld [smem:$0x3FB0]  }
0x29: {  	s4 =	sld [smem:$0x3FB2]  }
0x2a: {  	p0 =	seq.s32 s5, $0x0;
	s5 =	sld [smem:$0x3FB3]  }
0x2b: {  	s6 =	sld [smem:$0x3FB4]  }
0x2c: {  	s7 =	sld [smem:$0x3FB5]  }
0x2d: {  	s3 =	simm.s32 $0x108;
	s8 =	sld [smem:$0x3FB6]  }
0x2e: {  	s3 =	simm.s32 @!p0 $0x1082;
	s9 =	sld [smem:$0x3FB7]  }
0x2f: {  	lr =	sadd.s32 s0, s3;
	s0 =	sld [smem:$0x3FAE]  }
0x30: {  	s3 =	sld [smem:$0x3FB1]  }
0x31: {  	[smem:$0x3FBA] =	sst s10  }
0x32: {  	s10 =	sld [smem:$0x3FB8];
	_ =	sdelay $0x3  }
0x33: {  	p0 =	seq.s32 s10, $0x1;
	s10 =	sld [smem:$0x3FBA];
	_ =	sdelay $0x3  }
0x34: {  	[smem:$0x3FBA] =	sst s10  }
0x35: {  	s10 =	sld [smem:$0x3FB9];
	_ =	sdelay $0x3  }
0x36: {  	p1 =	seq.s32 s10, $0x1;
	s10 =	sld [smem:$0x3FBA];
	_ =	sdelay $0x3  }
0x37: {  	[smem:$0x3FBA] =	sst s10  }
0x38: {  	s10 =	sld [smem:$0x3FBB]  }
0x39: {  	_ = 	snop;
	(pc) =	sbr.ind lr, $3  }
0x3a: {  	_ = 	snop  }
0x3b: {  	_ = 	snop  }
0x3c: {  	p2 =	seq.s32 s10, $0x1;
	s10 =	sld [smem:$0x3FBA]  }
0x3d: {  	_ =	shalt  }
0x3e: {  	_ =	shalt  }
0x3f: {  	_ =	shalt  }
0x40: {  	_ =	shalt  }
0x41: {  	_ =	shalt  }
0x42: {  	_ =	shalt  }
0x43: {  	_ =	shalt  }
0x44: {  	_ =	shalt  }
0x45: {  	_ =	shalt  }
0x46: {  	_ =	shalt  }
0x47: {  	_ =	shalt  }
0x48: {  	_ =	shalt  }
0x49: {  	_ =	shalt  }
0x4a: {  	_ =	shalt  }
0x4b: {  	_ =	shalt  }
0x4c: {  	_ =	shalt  }
0x4d: {  	_ =	shalt  }
0x4e: {  	_ =	shalt  }
0x4f: {  	_ =	shalt  }
0x50: {  	_ =	shalt  }
0x51: {  	_ =	shalt  }
0x52: {  	_ =	shalt  }
0x53: {  	_ =	shalt  }
0x54: {  	_ =	shalt  }
0x55: {  	_ =	shalt  }
0x56: {  	_ =	shalt  }
0x57: {  	_ =	shalt  }
0x58: {  	_ =	shalt  }
0x59: {  	_ =	shalt  }
0x5a: {  	_ =	shalt  }
0x5b: {  	_ =	shalt  }
0x5c: {  	_ =	shalt  }
0x5d: {  	_ =	shalt  }
0x5e: {  	_ =	shalt  }
0x5f: {  	_ =	shalt  }
0x60: {  	_ =	shalt  }
0x61: {  	_ =	shalt  }
0x62: {  	_ =	shalt  }
0x63: {  	_ =	shalt  }
0x64: {  	_ =	shalt  }
0x65: {  	_ =	shalt  }
0x66: {  	_ =	shalt  }
0x67: {  	_ =	shalt  }
0x68: {  	_ =	shalt  }
0x69: {  	_ =	shalt  }
0x6a: {  	_ =	shalt  }
0x6b: {  	_ =	shalt  }
0x6c: {  	_ =	shalt  }
0x6d: {  	_ =	shalt  }
0x6e: {  	_ =	shalt  }
0x6f: {  	_ =	shalt  }
0x70: {  	_ =	shalt  }
0x71: {  	_ =	shalt  }
0x72: {  	_ =	shalt  }
0x73: {  	_ =	shalt  }
0x74: {  	_ =	shalt  }
0x75: {  	_ =	shalt  }
0x76: {  	_ =	shalt  }
0x77: {  	_ =	shalt  }
0x78: {  	_ =	shalt  }
0x79: {  	_ =	shalt  }
0x7a: {  	_ =	shalt  }
0x7b: {  	_ =	shalt  }
0x7c: {  	_ =	shalt  }
0x7d: {  	_ =	shalt  }
0x7e: {  	_ =	shalt  }
0x7f: {  	_ =	shalt  }
0x80: {  	_ =	shalt  }
0x81: {  	_ =	shalt  }
0x82: {  	_ =	shalt  }
0x83: {  	_ =	shalt  }
0x84: {  	_ =	shalt  }
0x85: {  	_ =	shalt  }
0x86: {  	_ =	shalt  }
0x87: {  	_ =	shalt  }
.Lfunc_end0:
.L_simem_size_0:
called_computation_lowered:
.L_overlay_start_0:
0x88: {  	s2 =	sld [smem:$0x3FD9]  }
0x89: {  	s3 =	sld [smem:$0x3FFE];
	_ =	sdelay $0x1  }
0x8a: {  	s1 =	srdreg.scid  }
0x8b: {  	s0 =	sand.u32 $0x1, s1  }
0x8c: {  	s17 =	sshll.u32 s0, $0xA;
	s2 =	sadd.s32 s3, s2  }
0x8d: {  	s2 =	sadd.s32 s2, s17  }
0x8e: {  	[smem:$0x3FC6] =	sst s2  }
0x8f: {  	_ = 	snop  }
0x90: {  	s2 =	sld [smem:$0x3FC9]  }
0x91: {  	s18 =	sld [smem:$0x3FC8]  }
0x92: {  	s4 =	sld [smem:$0x3FD0];
	(tm) =	ssettm $0x1  }
0x93: {  	s5 =	sld [smem:$0x3FFB];
	_ =	sdelay $0x3  }
0x94: {  	_ =	strace s5  }
0x95: {  	s5 =	sld [smem:$0x3FFC];
	_ =	sdelay $0x3  }
0x96: {  	_ =	strace s5  }
0x97: {  	s5 =	sld [smem:$0x3FFD];
	_ =	sdelay $0x3  }
0x98: {  	_ =	strace s5  }
0x99: {  	_ =	strace $0x8FFFFFFF  }
0x9a: {  	s19 =	sld [smem:$0x3FDB];
	_ =	sdelay $0x1  }
0x9b: {  	s6 =	simm.s32 $_scs_section_size  }
0x9c: {  	s7 =	simm.s32 $_size__tile_overlayer_lowered;
	s8 =	simm.s32 $_tile_overlayer_lowered  }
0x9d: {  	s22 =	simm.s32 $0x1BFF;
	s21 =	sshll.u32 s8, $0x1;
	s5 =	sadd.s32 s6, s19  }
0x9e: {  	s9 =	simm.s32 $0x0;
	s20 =	sshll.u32 s7, $0x1;
	s7 =	sadd.s32 s21, s5  }
0x9f: {  	[timem:s9], [sflag:s22] =	dma.local [hbm:s7], s20  }
0xa0: {  	_ =	swait.ge [sflag:s22], s20  }
0xa1: {  	s6 =	ssub.s32 $0x0, s20;
	[sflag:s22] =	ssyncset.done $0x0  }
0xa2: {  	[sflag:s22] =	ssyncadd.s32 s6;
	_ =	sdelay $0x1  }
0xa3: {  	s23 =	simm.s32 $0x1B8B  }
0xa4: {  	_ =	swait.ge [sflag:s23], $0x1  }
0xa5: {  	[sflag:s23] =	ssyncset.done $0x0  }
0xa6: {  	s25 =	simm.s32 $0x1B8E;
	s24 =	sld [smem:$0x3FFE];
	[sflag:s23] =	ssyncadd.s32 $0xFFFFFFFF  }
0xa7: {  	s26 =	simm.s32 $execute0_lowered;
	[smem:$0x3FD2] =	sst s25  }
0xa8: {  	s7 =	sshll.u32 s26, $0x1;
	_ =	strace $0x80000046;
	[dreg:$0x1] =	wrdreg $0xFFFFFFFF  }
0xa9: {  	s28 =	simm.s32 $_size_execute0_lowered;
	s5 =	sadd.s32 s5, s7;
	[dreg:$0x0] =	wrdreg $0x0  }
0xaa: {  	s7 =	sshll.u32 s28, $0x1;
	[dreg:$0x2] =	wrdreg s5  }
0xab: {  	[dreg:$0x3] =	wrdreg s7  }
0xac: {  	[dreg:$0x4] =	wrdreg $0xC0  }
0xad: {  	_ =	task [dreg:s9], $0x5FFFF  }
0xae: {  	[dreg:$0x1] =	wrdreg $0xFFFFFFFF  }
0xaf: {  	[dreg:$0x0] =	wrdreg $0x60  }
0xb0: {  	[dreg:$0x2] =	wrdreg s24  }
0xb1: {  	[dreg:$0x3] =	wrdreg s2  }
0xb2: {  	[dreg:$0x4] =	wrdreg s18  }
0xb3: {  	[dreg:$0x5] =	wrdreg s4  }
0xb4: {  	[dreg:$0x6] =	wrdreg $0x9  }
0xb5: {  	_ =	task.clear_ibuf [dreg:s9], $0x7FFFF;
	_ =	strace $0x90000046  }
0xb6: {  	s29 =	simm.s32 $0x9;
	_ =	strace $0x80000048  }
0xb7: {  	_ =	swait.ge [sflag:s29], $0x1  }
0xb8: {  	[sflag:s29] =	ssyncadd.s32 $0xFFFFFFFF  }
0xb9: {  	_ =	strace $0x90000048  }
0xba: {  	_ =	sfence  }
0xbb: {  	s30 =	sld [smem:$0x0];
	_ =	sdelay $0x2  }
0xbc: {  	s31 =	sshll.u32 s1, $0xD;
	s1 =	sshrl.u32 s1, $0x2  }
0xbd: {  	s3 =	sand.u32 $0x4000, s31;
	s1 =	sadd.s32 s1, s30  }
0xbe: {  	s0 =	sor.u32 s3, s0;
	s1 =	sshll.u32 s1, $0x11  }
0xbf: {  	s0 =	sor.u32 s1, s0  }
0xc0: {  	s0 =	sadd.s32 $0x8F2B, s0  }
0xc1: {  	[sflag:s0] =	ssyncadd.remote.s32 $0x1  }
0xc2: {  	_ =	sfence.sel $0xFFFF  }
0xc3: {  	[dreg:$0x0] =	wrdreg $0xFFFFFFFF;
	(pc) =	sbr.abs _section_cstart, $3  }
0xc4: {  	[dreg:$0x1] =	wrdreg $0xFFFFFFFF  }
0xc5: {  	_ =	task.clear_ibuf [dreg:s9], $0x2FFFF;
	_ =	strace $0x9FFFFFFF  }
0xc6: {  	(tm) =	ssettm $0x7FFFFFFF  }
0xc7: {  	_ =	shalt  }
tec
execute0_lowered:
.L_overlay_start_1:
0x0: {  	(tag) =	ssettag $0x1  }
0x1: {  	s0 =	rddreg [dreg:$0x0]  }
0x2: {  	s1 =	rddreg [dreg:$0x1]  }
0x3: {  	s2 =	rddreg [dreg:$0x2]  }
0x4: {  	s3 =	rddreg [dreg:$0x3];
	s5 =	simm.s32 $0x0  }
0x5: {  	s4 =	srdreg.scid;
	s7 =	stileid.u32;
	s29 =	simm.s32 $0x2  }
0x6: {  	s30 =	simm.s32 $0xA;
	s10 =	simm.s32 $0x5;
	s15 =	simm.s32 $0x16400  }
0x7: {  	s17 =	simm.s32 $0x6;
	s12 =	simm.s32 $0x0;
	s4 =	sand.u32 $0x1, s4  }
0x8: {  	s7 =	sshll.u32 s7, $0xA;
	s6 =	ssub.s32 $0x2, s4;
	s4 =	sshll.u32 s4, $0x9  }
0x9: {  	[smem:$0x7FF] =	sst s5;
	s0 =	sadd.s32 $0x400, s0;
	s4 =	sor.u32 s4, s7  }
0xa: {  	_ =	strace $0x80000047;
	[dreg:$0x5] =	wrdreg s0;
	s19 =	sshll.u32 s4, $0x7  }
0xb: {  	s8 =	sshrl.u32 s6, $0x1;
	s7 =	simm.s32 $0x4;
	s20 =	sadd.s32 s1, s19  }
0xc: {  	s18 =	ssub.s32 s6, s8;
	s21 =	sadd.s32 s2, s19;
	[dreg:$0x6] =	wrdreg s20  }
0xd: {  	s11 =	sshrl.u32 s4, $0x3;
	s25 =	sadd.s32 s3, s19;
	[dreg:$0x7] =	wrdreg s21  }
0xe: {  	s4 =	simm.s32 $0xB;
	s26 =	sor.u32 $0x8, s11;
	[dreg:$0xa] =	wrdreg s25  }
0xf: {  	s8 =	simm.s32 $0xC;
	s28 =	sor.u32 $0x9, s11;
	[dreg:$0xb] =	wrdreg s26  }
0x10: {  	s22 =	sor.u32 $0x400, s19;
	s0 =	smax.u32 s18, $0x1;
	[dreg:$0xc] =	wrdreg s28  }
0x11: {  	s18 =	simm.s32 $0x7;
	s23 =	sadd.s32 s1, s22;
	[dreg:$0xd] =	wrdreg s0  }
0x12: {  	s19 =	simm.s32 $0x8;
	s24 =	sadd.s32 s2, s22;
	[dreg:$0x8] =	wrdreg s23  }
0x13: {  	s31 =	sadd.s32 s3, s22;
	s25 =	simm.s32 $0x9;
	[dreg:$0x9] =	wrdreg s24  }
0x14: {  	s0 =	simm.s32 $0x3;
	[dreg:$0xe] =	wrdreg s31;
	s24 =	simm.s32 $0x1  }
.LBB2_1:
0x15: {  	[dreg:$0xf] =	wrdreg s12  }
0x16: {  	s6 =	rddreg [dreg:$0x5];
	s16 =	simm.s32 $0x15  }
0x17: {  	[tilespmem:s5], [sflag:$0x15] =	stream.linear.gather [hbm4b:s6+s5], $0x400, $0x38;
	[tilespmem:$0x18400] =	vst v63  }
0x18: {  	_ =	swait.ge [sflag:s16], $0x400  }
0x19: {  	[sflag:s16] =	ssyncset.done $0x0  }
0x1a: {  	s9 =	simm.s32 $0x8400;
	s20 =	rddreg [dreg:$0x6];
	[sflag:s16] =	ssyncadd.s32 $0xFFFFFC00  }
0x1b: {  	[tilespmem:s9], [sflag:$0x1] =	stream.linear.gather [hbm4b:s20+s5], $0x2000, $0x38;
	[tilespmem:$0x18400] =	vst v63  }
0x1c: {  	s22 =	simm.s32 $0x400;
	s21 =	rddreg [dreg:$0x7]  }
0x1d: {  	[tilespmem:s22], [sflag:$0x9] =	stream.linear.gather [hbm4b:s21+s5], $0x2000, $0x38;
	[tilespmem:$0x18400] =	vst v63  }
0x1e: {  	s26 =	simm.s32 $0xA400;
	s23 =	rddreg [dreg:$0x8]  }
0x1f: {  	[tilespmem:s26], [sflag:$0x2] =	stream.linear.gather [hbm4b:s23+s5], $0x2000, $0x38;
	[tilespmem:$0x18400] =	vst v63  }
0x20: {  	s31 =	simm.s32 $0x2400;
	s28 =	rddreg [dreg:$0x9];
	s20 =	simm.s32 $0x0  }
0x21: {  	[tilespmem:s31], [sflag:$0xA] =	stream.linear.gather [hbm4b:s28+s5], $0x2000, $0x38;
	[tilespmem:$0x18400] =	vst v63  }
.LBB2_2:
0x22: {  	s21 =	sshll.u32 s20, $0x3  }
0x23: {  	p0 =	seq.s32 s20, $0x0;
	s12 =	sor.u32 $0x2, s21  }
0x24: {  	s13 =	simm.s32 @!p0 $0xF;
	s12 =	sadd.s32 s11, s12  }
0x25: {  	_ =	swait.ge @!p0 [sflag:s13], $0x2000;
	s12 =	sshll.u32 s12, $0xA  }
0x26: {  	s6 =	simm.s32 $0xC400;
	[sflag:s13] =	ssyncset.done @!p0 $0x0;
	s12 =	sand.u32 $0x1FFFE800, s12  }
0x27: {  	[sflag:s13] =	ssyncadd.s32 @!p0 $0xFFFFE000;
	s13 =	simm.s32 $0x0;
	s14 =	sadd.s32 s1, s12  }
0x28: {  	[tilespmem:s6], [sflag:$0x3] =	stream.linear.gather [hbm4b:s14+s13], $0x2000, $0x38;
	[tilespmem:$0x18400] =	vst v63  }
0x29: {  	s28 =	simm.s32 $0x4400;
	s26 =	sadd.s32 s2, s12  }
0x2a: {  	[tilespmem:s28], [sflag:$0xB] =	stream.linear.gather [hbm4b:s26+s13], $0x2000, $0x38;
	[tilespmem:$0x18400] =	vst v63  }
0x2b: {  	_ =	swait.ge [sflag:s24], $0x2000  }
0x2c: {  	[sflag:s24] =	ssyncset.done $0x0  }
0x2d: {  	[sflag:s24] =	ssyncadd.s32 $0xFFFFE000  }
0x2e: {  	_ =	swait.ge [sflag:s25], $0x2000  }
0x2f: {  	[sflag:s25] =	ssyncset.done $0x0  }
0x30: {  	s31 =	sand.u32 $0x70, s13;
	s16 =	sand.u32 $0x1C00, s13;
	[sflag:s25] =	ssyncadd.s32 $0xFFFFE000  }
0x31: {  	s16 =	sor.u32 s31, s16;
	v9 =	vld [tilespmem:s13+$0x0]  }
0x32: {  	v0 =	vld [tilespmem:s16+$0x8600]  }
0x33: {  	v1 =	vld [tilespmem:s16+$0x600]  }
0x34: {  	v2 =	vld [tilespmem:s16+$0x700]  }
0x35: {  	v3 =	vld [tilespmem:s16+$0x8580]  }
0x36: {  	v6 =	vld [tilespmem:s16+$0x580]  }
0x37: {  	v8 =	vld [tilespmem:s16+$0x500]  }
0x38: {  	v10 =	vld [tilespmem:s16+$0x8500]  }
0x39: {  	v4 =	vld [tilespmem:s16+$0x680]  }
0x3a: {  	v5 =	vld [tilespmem:s16+$0x8700]  }
0x3b: {  	v7 =	vld [tilespmem:s16+$0x400]  }
0x3c: {  	v11 =	vld [tilespmem:s16+$0x8400];
	vm0 =	vlt.f32 v9, $0.0e+00;
	vm1 =	vgt.f32 v9, $0.0e+00  }
0x3d: {  	s22 =	simm.s32 $0x10;
	s23 =	simm.s32 $0x0;
	s14 =	sor.u32 s13, s13;
	v9 =	vld [tilespmem:s16+$0x8680];
	vm0 =	vmor vm1, vm0  }
.LBB2_3:
0x3e: {  	p1 =	sne.s32 s22, $0x3F0;
	v12 =	vld [tilespmem:s16+$0x480];
	v8 =	vsel vm0, v8, v10;
	s13 =	sadd.s32 $0x80, s13;
	s23 =	sadd.s32 $0x10, s23  }
0x3f: {  	s28 =	smov.u32 s22;
	s26 =	sor.u32 s13, s22;
	v10 =	vld [tilespmem:s16+$0x8480];
	[tilespmem:s16+$0x8500] =	vst v8;
	s22 =	sadd.s32 $0x10, s22  }
0x40: {  	v3 =	vsel vm0, v6, v3  }
0x41: {  	v2 =	vsel vm0, v2, v5;
	v6 =	vsel vm0, v7, v11;
	[tilespmem:s16+$0x8580] =	vst v3  }
0x42: {  	v0 =	vsel vm0, v1, v0;
	[tilespmem:s16+$0x8400] =	vst v6;
	v1 =	vsel vm0, v4, v9  }
0x43: {  	[tilespmem:s16+$0x8680] =	vst v1  }
0x44: {  	v1 =	vsel vm0, v12, v10;
	[tilespmem:s16+$0x8600] =	vst v0  }
0x45: {  	[tilespmem:s16+$0x8480] =	vst v1  }
0x46: {  	s31 =	sor.u32 $0x380, s14;
	s14 =	smov.u32 s26;
	[tilespmem:s16+$0x8700] =	vst v2  }
0x47: {  	v0 =	vld [tilespmem:s31+$0x8400]  }
0x48: {  	v1 =	vld [tilespmem:s31+$0x400];
	_ =	sdelay $0x4  }
0x49: {  	s26 =	sand.u32 $0x1C00, s13;
	s16 =	sand.u32 $0x70, s28;
	v0 =	vsel vm0, v1, v0  }
0x4a: {  	s16 =	sor.u32 s16, s26;
	[tilespmem:s31+$0x8400] =	vst v0  }
0x4b: {  	v7 =	vld [tilespmem:s23+$0x0]  }
0x4c: {  	v0 =	vld [tilespmem:s16+$0x8600]  }
0x4d: {  	v1 =	vld [tilespmem:s16+$0x600]  }
0x4e: {  	v2 =	vld [tilespmem:s16+$0x700]  }
0x4f: {  	v3 =	vld [tilespmem:s16+$0x8580]  }
0x50: {  	v6 =	vld [tilespmem:s16+$0x580]  }
0x51: {  	v8 =	vld [tilespmem:s16+$0x500]  }
0x52: {  	v10 =	vld [tilespmem:s16+$0x8500]  }
.Ltmp0:
0x53: {  	v4 =	vld [tilespmem:s16+$0x680];
	(pc) =	sbr.rel @p1 .LBB2_3-.Ltmp0, $4  }
0x54: {  	v5 =	vld [tilespmem:s16+$0x8700]  }
0x55: {  	vm0 =	vlt.f32 v7, $0.0e+00;
	vm1 =	vgt.f32 v7, $0.0e+00;
	v7 =	vld [tilespmem:s16+$0x400]  }
0x56: {  	vm0 =	vmor vm1, vm0;
	v11 =	vld [tilespmem:s16+$0x8400]  }
0x57: {  	v9 =	vld [tilespmem:s16+$0x8680]  }
0x58: {  	v12 =	vld [tilespmem:s16+$0x480];
	v8 =	vsel vm0, v8, v10  }
0x59: {  	v10 =	vld [tilespmem:s16+$0x8480];
	v3 =	vsel vm0, v6, v3;
	[tilespmem:s16+$0x8500] =	vst v8  }
0x5a: {  	v0 =	vsel vm0, v1, v0;
	[tilespmem:s16+$0x8580] =	vst v3  }
0x5b: {  	[tilespmem:s16+$0x8600] =	vst v0;
	v0 =	vsel vm0, v2, v5  }
0x5c: {  	[tilespmem:s16+$0x8700] =	vst v0;
	v6 =	vsel vm0, v7, v11  }
0x5d: {  	[tilespmem:s16+$0x8400] =	vst v6;
	v3 =	vsel vm0, v4, v9  }
0x5e: {  	[tilespmem:s16+$0x8680] =	vst v3;
	v1 =	vsel vm0, v12, v10  }
0x5f: {  	s13 =	sor.u32 $0x380, s14;
	[tilespmem:s16+$0x8480] =	vst v1  }
0x60: {  	v0 =	vld [tilespmem:s13+$0x8400]  }
0x61: {  	v1 =	vld [tilespmem:s13+$0x400];
	_ =	sdelay $0x4  }
0x62: {  	s14 =	sshll.u32 s20, $0xD;
	s6 =	rddreg [dreg:$0xa];
	s31 =	simm.s32 $0x8400;
	v0 =	vsel vm0, v1, v0  }
0x63: {  	s26 =	sadd.s32 s14, s6;
	s6 =	sor.u32 $0x3, s21;
	s16 =	simm.s32 @!p0 $0x10;
	[tilespmem:s13+$0x8400] =	vst v0  }
0x64: {  	[hbm4b:s26+s5] =	stream.linear.scatter [tilespmem:s31], [sflag:$0xD], $0x2000, $0x38;
	[tilespmem:$0x18400] =	vst v63  }
0x65: {  	s13 =	sadd.s32 s11, s6;
	_ =	swait.ge @!p0 [sflag:s16], $0x2000  }
0x66: {  	s9 =	simm.s32 $0xE400;
	s13 =	sshll.u32 s13, $0xA;
	[sflag:s16] =	ssyncset.done @!p0 $0x0  }
0x67: {  	s22 =	sadd.s32 s1, s13;
	[sflag:s16] =	ssyncadd.s32 @!p0 $0xFFFFE000;
	s16 =	simm.s32 $0x0  }
0x68: {  	[tilespmem:s9], [sflag:$0x4] =	stream.linear.gather [hbm4b:s22+s16], $0x2000, $0x38;
	[tilespmem:$0x18400] =	vst v63  }
0x69: {  	s26 =	simm.s32 $0x6400;
	s23 =	sadd.s32 s2, s13  }
0x6a: {  	[tilespmem:s26], [sflag:$0xC] =	stream.linear.gather [hbm4b:s23+s16], $0x2000, $0x38;
	[tilespmem:$0x18400] =	vst v63  }
0x6b: {  	_ =	swait.ge [sflag:s29], $0x2000  }
0x6c: {  	[sflag:s29] =	ssyncset.done $0x0  }
0x6d: {  	[sflag:s29] =	ssyncadd.s32 $0xFFFFE000  }
0x6e: {  	_ =	swait.ge [sflag:s30], $0x2000  }
0x6f: {  	[sflag:s30] =	ssyncset.done $0x0  }
0x70: {  	s31 =	sand.u32 $0x70, s16;
	s23 =	sand.u32 $0x1C00, s16;
	[sflag:s30] =	ssyncadd.s32 $0xFFFFE000  }
0x71: {  	s23 =	sor.u32 s31, s23;
	v9 =	vld [tilespmem:s16+$0x0]  }
0x72: {  	v0 =	vld [tilespmem:s23+$0xA600]  }
0x73: {  	v1 =	vld [tilespmem:s23+$0x2600]  }
0x74: {  	v2 =	vld [tilespmem:s23+$0x2700]  }
0x75: {  	v3 =	vld [tilespmem:s23+$0xA580]  }
0x76: {  	v6 =	vld [tilespmem:s23+$0x2580]  }
0x77: {  	v8 =	vld [tilespmem:s23+$0x2500]  }
0x78: {  	v10 =	vld [tilespmem:s23+$0xA500]  }
0x79: {  	v4 =	vld [tilespmem:s23+$0x2680]  }
0x7a: {  	v5 =	vld [tilespmem:s23+$0xA700]  }
0x7b: {  	v7 =	vld [tilespmem:s23+$0x2400]  }
0x7c: {  	v11 =	vld [tilespmem:s23+$0xA400];
	vm0 =	vlt.f32 v9, $0.0e+00;
	vm1 =	vgt.f32 v9, $0.0e+00  }
0x7d: {  	s28 =	simm.s32 $0x0;
	s22 =	sor.u32 s16, s16;
	s26 =	simm.s32 $0x10;
	v9 =	vld [tilespmem:s23+$0xA680];
	vm0 =	vmor vm1, vm0  }
.LBB2_5:
0x7e: {  	p1 =	sne.s32 s26, $0x3F0;
	v12 =	vld [tilespmem:s23+$0x2480];
	v8 =	vsel vm0, v8, v10;
	s16 =	sadd.s32 $0x80, s16;
	s28 =	sadd.s32 $0x10, s28  }
0x7f: {  	s6 =	smov.u32 s26;
	s31 =	sor.u32 s16, s26;
	v10 =	vld [tilespmem:s23+$0xA480];
	[tilespmem:s23+$0xA500] =	vst v8;
	s26 =	sadd.s32 $0x10, s26  }
0x80: {  	v3 =	vsel vm0, v6, v3  }
0x81: {  	v2 =	vsel vm0, v2, v5;
	v6 =	vsel vm0, v7, v11;
	[tilespmem:s23+$0xA580] =	vst v3  }
0x82: {  	v0 =	vsel vm0, v1, v0;
	[tilespmem:s23+$0xA400] =	vst v6;
	v1 =	vsel vm0, v4, v9  }
0x83: {  	[tilespmem:s23+$0xA680] =	vst v1  }
0x84: {  	v1 =	vsel vm0, v12, v10;
	[tilespmem:s23+$0xA600] =	vst v0  }
0x85: {  	[tilespmem:s23+$0xA480] =	vst v1  }
0x86: {  	s9 =	sor.u32 $0x2380, s22;
	s22 =	smov.u32 s31;
	[tilespmem:s23+$0xA700] =	vst v2  }
0x87: {  	v0 =	vld [tilespmem:s9+$0x8400]  }
0x88: {  	v1 =	vld [tilespmem:s9+$0x400];
	_ =	sdelay $0x4  }
0x89: {  	s6 =	sand.u32 $0x70, s6;
	s23 =	sand.u32 $0x1C00, s16;
	v0 =	vsel vm0, v1, v0  }
0x8a: {  	s23 =	sor.u32 s6, s23;
	[tilespmem:s9+$0x8400] =	vst v0  }
0x8b: {  	v7 =	vld [tilespmem:s28+$0x0]  }
0x8c: {  	v0 =	vld [tilespmem:s23+$0xA600]  }
0x8d: {  	v1 =	vld [tilespmem:s23+$0x2600]  }
0x8e: {  	v2 =	vld [tilespmem:s23+$0x2700]  }
0x8f: {  	v3 =	vld [tilespmem:s23+$0xA580]  }
0x90: {  	v6 =	vld [tilespmem:s23+$0x2580]  }
0x91: {  	v8 =	vld [tilespmem:s23+$0x2500]  }
0x92: {  	v10 =	vld [tilespmem:s23+$0xA500]  }
.Ltmp1:
0x93: {  	v4 =	vld [tilespmem:s23+$0x2680];
	(pc) =	sbr.rel @p1 .LBB2_5-.Ltmp1, $4  }
0x94: {  	v5 =	vld [tilespmem:s23+$0xA700]  }
0x95: {  	vm0 =	vlt.f32 v7, $0.0e+00;
	vm1 =	vgt.f32 v7, $0.0e+00;
	v7 =	vld [tilespmem:s23+$0x2400]  }
0x96: {  	vm0 =	vmor vm1, vm0;
	v11 =	vld [tilespmem:s23+$0xA400]  }
0x97: {  	v9 =	vld [tilespmem:s23+$0xA680]  }
0x98: {  	v12 =	vld [tilespmem:s23+$0x2480];
	v8 =	vsel vm0, v8, v10  }
0x99: {  	v10 =	vld [tilespmem:s23+$0xA480];
	v3 =	vsel vm0, v6, v3;
	[tilespmem:s23+$0xA500] =	vst v8  }
0x9a: {  	v0 =	vsel vm0, v1, v0;
	[tilespmem:s23+$0xA580] =	vst v3  }
0x9b: {  	[tilespmem:s23+$0xA600] =	vst v0;
	v0 =	vsel vm0, v2, v5  }
0x9c: {  	[tilespmem:s23+$0xA700] =	vst v0;
	v6 =	vsel vm0, v7, v11  }
0x9d: {  	[tilespmem:s23+$0xA400] =	vst v6;
	v3 =	vsel vm0, v4, v9  }
0x9e: {  	[tilespmem:s23+$0xA680] =	vst v3;
	v1 =	vsel vm0, v12, v10  }
0x9f: {  	s6 =	sor.u32 $0x2380, s22;
	[tilespmem:s23+$0xA480] =	vst v1  }
0xa0: {  	v0 =	vld [tilespmem:s6+$0x8400]  }
0xa1: {  	v1 =	vld [tilespmem:s6+$0x400];
	_ =	sdelay $0x4  }
0xa2: {  	s23 =	rddreg [dreg:$0xe];
	v0 =	vsel vm0, v1, v0  }
0xa3: {  	s9 =	simm.s32 $0xA400;
	s26 =	sor.u32 $0x4, s21;
	[tilespmem:s6+$0x8400] =	vst v0;
	s6 =	sadd.s32 s23, s14  }
0xa4: {  	[hbm4b:s6+s5] =	stream.linear.scatter [tilespmem:s9], [sflag:$0xE], $0x2000, $0x38;
	[tilespmem:$0x18400] =	vst v63  }
0xa5: {  	s9 =	simm.s32 @!p0 $0x11;
	s6 =	sadd.s32 s11, s26  }
0xa6: {  	_ =	swait.ge @!p0 [sflag:s9], $0x2000;
	s6 =	sshll.u32 s6, $0xA  }
0xa7: {  	s16 =	simm.s32 $0x0;
	[sflag:s9] =	ssyncset.done @!p0 $0x0;
	s14 =	sand.u32 $0x1FFFF000, s6  }
0xa8: {  	s31 =	simm.s32 $0x10400;
	[sflag:s9] =	ssyncadd.s32 @!p0 $0xFFFFE000;
	s6 =	sadd.s32 s1, s14  }
0xa9: {  	[tilespmem:s31], [sflag:$0x5] =	stream.linear.gather [hbm4b:s6+s16], $0x2000, $0x38;
	[tilespmem:$0x18400] =	vst v63  }
0xaa: {  	s23 =	simm.s32 $0x400;
	s22 =	sadd.s32 s2, s14  }
0xab: {  	[tilespmem:s23], [sflag:$0x9] =	stream.linear.gather [hbm4b:s22+s16], $0x2000, $0x38;
	[tilespmem:$0x18400] =	vst v63  }
0xac: {  	_ =	swait.ge [sflag:s0], $0x2000  }
0xad: {  	[sflag:s0] =	ssyncset.done $0x0  }
0xae: {  	[sflag:s0] =	ssyncadd.s32 $0xFFFFE000  }
0xaf: {  	_ =	swait.ge [sflag:s4], $0x2000  }
0xb0: {  	[sflag:s4] =	ssyncset.done $0x0  }
0xb1: {  	s26 =	sand.u32 $0x70, s16;
	s31 =	sand.u32 $0x1C00, s16;
	[sflag:s4] =	ssyncadd.s32 $0xFFFFE000  }
0xb2: {  	s23 =	sor.u32 s26, s31;
	v9 =	vld [tilespmem:s16+$0x0]  }
0xb3: {  	v0 =	vld [tilespmem:s23+$0xC600]  }
0xb4: {  	v1 =	vld [tilespmem:s23+$0x4600]  }
0xb5: {  	v2 =	vld [tilespmem:s23+$0x4700]  }
0xb6: {  	v3 =	vld [tilespmem:s23+$0xC580]  }
0xb7: {  	v6 =	vld [tilespmem:s23+$0x4580]  }
0xb8: {  	v8 =	vld [tilespmem:s23+$0x4500]  }
0xb9: {  	v10 =	vld [tilespmem:s23+$0xC500]  }
0xba: {  	v4 =	vld [tilespmem:s23+$0x4680]  }
0xbb: {  	v5 =	vld [tilespmem:s23+$0xC700]  }
0xbc: {  	v7 =	vld [tilespmem:s23+$0x4400]  }
0xbd: {  	v11 =	vld [tilespmem:s23+$0xC400];
	vm0 =	vlt.f32 v9, $0.0e+00;
	vm1 =	vgt.f32 v9, $0.0e+00  }
0xbe: {  	s28 =	simm.s32 $0x0;
	s22 =	sor.u32 s16, s16;
	s26 =	simm.s32 $0x10;
	v9 =	vld [tilespmem:s23+$0xC680];
	vm0 =	vmor vm1, vm0  }
.LBB2_7:
0xbf: {  	p1 =	sne.s32 s26, $0x3F0;
	v12 =	vld [tilespmem:s23+$0x4480];
	v8 =	vsel vm0, v8, v10;
	s16 =	sadd.s32 $0x80, s16;
	s28 =	sadd.s32 $0x10, s28  }
0xc0: {  	s9 =	smov.u32 s26;
	s6 =	sor.u32 s16, s26;
	v10 =	vld [tilespmem:s23+$0xC480];
	[tilespmem:s23+$0xC500] =	vst v8;
	s26 =	sadd.s32 $0x10, s26  }
0xc1: {  	v3 =	vsel vm0, v6, v3  }
0xc2: {  	v2 =	vsel vm0, v2, v5;
	v6 =	vsel vm0, v7, v11;
	[tilespmem:s23+$0xC580] =	vst v3  }
0xc3: {  	v0 =	vsel vm0, v1, v0;
	[tilespmem:s23+$0xC400] =	vst v6;
	v1 =	vsel vm0, v4, v9  }
0xc4: {  	[tilespmem:s23+$0xC680] =	vst v1  }
0xc5: {  	v1 =	vsel vm0, v12, v10;
	[tilespmem:s23+$0xC600] =	vst v0  }
0xc6: {  	[tilespmem:s23+$0xC480] =	vst v1  }
0xc7: {  	s31 =	sor.u32 $0x4380, s22;
	s22 =	smov.u32 s6;
	[tilespmem:s23+$0xC700] =	vst v2  }
0xc8: {  	v0 =	vld [tilespmem:s31+$0x8400]  }
0xc9: {  	v1 =	vld [tilespmem:s31+$0x400];
	_ =	sdelay $0x4  }
0xca: {  	s6 =	sand.u32 $0x70, s9;
	s9 =	sand.u32 $0x1C00, s16;
	v0 =	vsel vm0, v1, v0  }
0xcb: {  	s23 =	sor.u32 s6, s9;
	[tilespmem:s31+$0x8400] =	vst v0  }
0xcc: {  	v7 =	vld [tilespmem:s28+$0x0]  }
0xcd: {  	v0 =	vld [tilespmem:s23+$0xC600]  }
0xce: {  	v1 =	vld [tilespmem:s23+$0x4600]  }
0xcf: {  	v2 =	vld [tilespmem:s23+$0x4700]  }
0xd0: {  	v3 =	vld [tilespmem:s23+$0xC580]  }
0xd1: {  	v6 =	vld [tilespmem:s23+$0x4580]  }
0xd2: {  	v8 =	vld [tilespmem:s23+$0x4500]  }
0xd3: {  	v10 =	vld [tilespmem:s23+$0xC500]  }
.Ltmp2:
0xd4: {  	v4 =	vld [tilespmem:s23+$0x4680];
	(pc) =	sbr.rel @p1 .LBB2_7-.Ltmp2, $4  }
0xd5: {  	v5 =	vld [tilespmem:s23+$0xC700]  }
0xd6: {  	vm0 =	vlt.f32 v7, $0.0e+00;
	vm1 =	vgt.f32 v7, $0.0e+00;
	v7 =	vld [tilespmem:s23+$0x4400]  }
0xd7: {  	vm0 =	vmor vm1, vm0;
	v11 =	vld [tilespmem:s23+$0xC400]  }
0xd8: {  	v9 =	vld [tilespmem:s23+$0xC680]  }
0xd9: {  	v12 =	vld [tilespmem:s23+$0x4480];
	v8 =	vsel vm0, v8, v10  }
0xda: {  	v10 =	vld [tilespmem:s23+$0xC480];
	v3 =	vsel vm0, v6, v3;
	[tilespmem:s23+$0xC500] =	vst v8  }
0xdb: {  	v0 =	vsel vm0, v1, v0;
	[tilespmem:s23+$0xC580] =	vst v3  }
0xdc: {  	[tilespmem:s23+$0xC600] =	vst v0;
	v0 =	vsel vm0, v2, v5  }
0xdd: {  	[tilespmem:s23+$0xC700] =	vst v0;
	v6 =	vsel vm0, v7, v11  }
0xde: {  	[tilespmem:s23+$0xC400] =	vst v6;
	v3 =	vsel vm0, v4, v9  }
0xdf: {  	[tilespmem:s23+$0xC680] =	vst v3;
	v1 =	vsel vm0, v12, v10  }
0xe0: {  	s6 =	sor.u32 $0x4380, s22;
	[tilespmem:s23+$0xC480] =	vst v1  }
0xe1: {  	v0 =	vld [tilespmem:s6+$0x8400]  }
0xe2: {  	v1 =	vld [tilespmem:s6+$0x400];
	_ =	sdelay $0x4  }
0xe3: {  	v0 =	vsel vm0, v1, v0  }
0xe4: {  	s9 =	simm.s32 $0xC400;
	s23 =	sadd.s32 s3, s12;
	[tilespmem:s6+$0x8400] =	vst v0  }
0xe5: {  	[hbm4b:s23+s5] =	stream.linear.scatter [tilespmem:s9], [sflag:$0xF], $0x2000, $0x38;
	[tilespmem:$0x18400] =	vst v63  }
0xe6: {  	s26 =	sor.u32 $0x5, s21;
	s9 =	simm.s32 @!p0 $0x12  }
0xe7: {  	s6 =	sadd.s32 s11, s26;
	_ =	swait.ge @!p0 [sflag:s9], $0x2000  }
0xe8: {  	s16 =	simm.s32 $0x0;
	s12 =	sshll.u32 s6, $0xA;
	[sflag:s9] =	ssyncset.done @!p0 $0x0  }
0xe9: {  	s31 =	simm.s32 $0x12400;
	s6 =	sadd.s32 s1, s12;
	[sflag:s9] =	ssyncadd.s32 @!p0 $0xFFFFE000  }
0xea: {  	[tilespmem:s31], [sflag:$0x6] =	stream.linear.gather [hbm4b:s6+s16], $0x2000, $0x38;
	[tilespmem:$0x18400] =	vst v63  }
0xeb: {  	s23 =	simm.s32 $0x2400;
	s22 =	sadd.s32 s2, s12  }
0xec: {  	[tilespmem:s23], [sflag:$0xA] =	stream.linear.gather [hbm4b:s22+s16], $0x2000, $0x38;
	[tilespmem:$0x18400] =	vst v63  }
0xed: {  	_ =	swait.ge [sflag:s7], $0x2000  }
0xee: {  	[sflag:s7] =	ssyncset.done $0x0  }
0xef: {  	[sflag:s7] =	ssyncadd.s32 $0xFFFFE000  }
0xf0: {  	_ =	swait.ge [sflag:s8], $0x2000  }
0xf1: {  	[sflag:s8] =	ssyncset.done $0x0  }
0xf2: {  	s26 =	sand.u32 $0x70, s16;
	s31 =	sand.u32 $0x1C00, s16;
	[sflag:s8] =	ssyncadd.s32 $0xFFFFE000  }
0xf3: {  	s23 =	sor.u32 s26, s31;
	v9 =	vld [tilespmem:s16+$0x0]  }
0xf4: {  	v0 =	vld [tilespmem:s23+$0xE600]  }
0xf5: {  	v1 =	vld [tilespmem:s23+$0x6600]  }
0xf6: {  	v2 =	vld [tilespmem:s23+$0x6700]  }
0xf7: {  	v3 =	vld [tilespmem:s23+$0xE580]  }
0xf8: {  	v6 =	vld [tilespmem:s23+$0x6580]  }
0xf9: {  	v8 =	vld [tilespmem:s23+$0x6500]  }
0xfa: {  	v10 =	vld [tilespmem:s23+$0xE500]  }
0xfb: {  	v4 =	vld [tilespmem:s23+$0x6680]  }
0xfc: {  	v5 =	vld [tilespmem:s23+$0xE700]  }
0xfd: {  	v7 =	vld [tilespmem:s23+$0x6400]  }
0xfe: {  	v11 =	vld [tilespmem:s23+$0xE400];
	vm0 =	vlt.f32 v9, $0.0e+00;
	vm1 =	vgt.f32 v9, $0.0e+00  }
0xff: {  	s28 =	simm.s32 $0x0;
	s22 =	sor.u32 s16, s16;
	s26 =	simm.s32 $0x10;
	v9 =	vld [tilespmem:s23+$0xE680];
	vm0 =	vmor vm1, vm0  }
.LBB2_9:
0x100: {  	p1 =	sne.s32 s26, $0x3F0;
	v12 =	vld [tilespmem:s23+$0x6480];
	v8 =	vsel vm0, v8, v10;
	s16 =	sadd.s32 $0x80, s16;
	s28 =	sadd.s32 $0x10, s28  }
0x101: {  	s9 =	smov.u32 s26;
	s6 =	sor.u32 s16, s26;
	v10 =	vld [tilespmem:s23+$0xE480];
	[tilespmem:s23+$0xE500] =	vst v8;
	s26 =	sadd.s32 $0x10, s26  }
0x102: {  	v3 =	vsel vm0, v6, v3  }
0x103: {  	v2 =	vsel vm0, v2, v5;
	v6 =	vsel vm0, v7, v11;
	[tilespmem:s23+$0xE580] =	vst v3  }
0x104: {  	v0 =	vsel vm0, v1, v0;
	[tilespmem:s23+$0xE400] =	vst v6;
	v1 =	vsel vm0, v4, v9  }
0x105: {  	[tilespmem:s23+$0xE680] =	vst v1  }
0x106: {  	v1 =	vsel vm0, v12, v10;
	[tilespmem:s23+$0xE600] =	vst v0  }
0x107: {  	[tilespmem:s23+$0xE480] =	vst v1  }
0x108: {  	s31 =	sor.u32 $0x6380, s22;
	s22 =	smov.u32 s6;
	[tilespmem:s23+$0xE700] =	vst v2  }
0x109: {  	v0 =	vld [tilespmem:s31+$0x8400]  }
0x10a: {  	v1 =	vld [tilespmem:s31+$0x400];
	_ =	sdelay $0x4  }
0x10b: {  	s6 =	sand.u32 $0x70, s9;
	s9 =	sand.u32 $0x1C00, s16;
	v0 =	vsel vm0, v1, v0  }
0x10c: {  	s23 =	sor.u32 s6, s9;
	[tilespmem:s31+$0x8400] =	vst v0  }
0x10d: {  	v7 =	vld [tilespmem:s28+$0x0]  }
0x10e: {  	v0 =	vld [tilespmem:s23+$0xE600]  }
0x10f: {  	v1 =	vld [tilespmem:s23+$0x6600]  }
0x110: {  	v2 =	vld [tilespmem:s23+$0x6700]  }
0x111: {  	v3 =	vld [tilespmem:s23+$0xE580]  }
0x112: {  	v6 =	vld [tilespmem:s23+$0x6580]  }
0x113: {  	v8 =	vld [tilespmem:s23+$0x6500]  }
0x114: {  	v10 =	vld [tilespmem:s23+$0xE500]  }
.Ltmp3:
0x115: {  	v4 =	vld [tilespmem:s23+$0x6680];
	(pc) =	sbr.rel @p1 .LBB2_9-.Ltmp3, $4  }
0x116: {  	v5 =	vld [tilespmem:s23+$0xE700]  }
0x117: {  	vm0 =	vlt.f32 v7, $0.0e+00;
	vm1 =	vgt.f32 v7, $0.0e+00;
	v7 =	vld [tilespmem:s23+$0x6400]  }
0x118: {  	vm0 =	vmor vm1, vm0;
	v11 =	vld [tilespmem:s23+$0xE400]  }
0x119: {  	v9 =	vld [tilespmem:s23+$0xE680]  }
0x11a: {  	v12 =	vld [tilespmem:s23+$0x6480];
	v8 =	vsel vm0, v8, v10  }
0x11b: {  	v10 =	vld [tilespmem:s23+$0xE480];
	v3 =	vsel vm0, v6, v3;
	[tilespmem:s23+$0xE500] =	vst v8  }
0x11c: {  	v0 =	vsel vm0, v1, v0;
	[tilespmem:s23+$0xE580] =	vst v3  }
0x11d: {  	[tilespmem:s23+$0xE600] =	vst v0;
	v0 =	vsel vm0, v2, v5  }
0x11e: {  	[tilespmem:s23+$0xE700] =	vst v0;
	v6 =	vsel vm0, v7, v11  }
0x11f: {  	[tilespmem:s23+$0xE400] =	vst v6;
	v3 =	vsel vm0, v4, v9  }
0x120: {  	[tilespmem:s23+$0xE680] =	vst v3;
	v1 =	vsel vm0, v12, v10  }
0x121: {  	s6 =	sor.u32 $0x6380, s22;
	[tilespmem:s23+$0xE480] =	vst v1  }
0x122: {  	v0 =	vld [tilespmem:s6+$0x8400]  }
0x123: {  	v1 =	vld [tilespmem:s6+$0x400];
	_ =	sdelay $0x4  }
0x124: {  	v0 =	vsel vm0, v1, v0  }
0x125: {  	s9 =	simm.s32 $0xE400;
	s26 =	sor.u32 $0x6, s21;
	s23 =	sadd.s32 s3, s13;
	[tilespmem:s6+$0x8400] =	vst v0  }
0x126: {  	[hbm4b:s23+s5] =	stream.linear.scatter [tilespmem:s9], [sflag:$0x10], $0x2000, $0x38;
	[tilespmem:$0x18400] =	vst v63  }
0x127: {  	s6 =	sadd.s32 s11, s26;
	s9 =	simm.s32 @!p0 $0x13  }
0x128: {  	s6 =	sshll.u32 s6, $0xA;
	_ =	swait.ge @!p0 [sflag:s9], $0x2000  }
0x129: {  	s22 =	simm.s32 $0x0;
	s13 =	sand.u32 $0x1FFFF800, s6;
	[sflag:s9] =	ssyncset.done @!p0 $0x0  }
0x12a: {  	s31 =	simm.s32 $0x14400;
	s6 =	sadd.s32 s1, s13;
	[sflag:s9] =	ssyncadd.s32 @!p0 $0xFFFFE000  }
0x12b: {  	[tilespmem:s31], [sflag:$0x7] =	stream.linear.gather [hbm4b:s6+s22], $0x2000, $0x38;
	[tilespmem:$0x18400] =	vst v63  }
0x12c: {  	s23 =	simm.s32 $0x4400;
	s16 =	sadd.s32 s2, s13  }
0x12d: {  	[tilespmem:s23], [sflag:$0xB] =	stream.linear.gather [hbm4b:s16+s22], $0x2000, $0x38;
	[tilespmem:$0x18400] =	vst v63  }
0x12e: {  	_ =	swait.ge [sflag:s10], $0x2000  }
0x12f: {  	[sflag:s10] =	ssyncset.done $0x0  }
0x130: {  	[sflag:s10] =	ssyncadd.s32 $0xFFFFE000  }
0x131: {  	_ =	swait.ge [sflag:s25], $0x2000  }
0x132: {  	s26 =	sand.u32 $0x70, s22;
	s31 =	sand.u32 $0x1C00, s22;
	[sflag:s25] =	ssyncset.done $0x0  }
0x133: {  	s16 =	sor.u32 s26, s31;
	[sflag:s25] =	ssyncadd.s32 $0xFFFFE000  }
0x134: {  	v0 =	vld [tilespmem:s16+$0x680]  }
0x135: {  	v1 =	vld [tilespmem:s16+$0x700]  }
0x136: {  	v2 =	vld [tilespmem:s16+$0x580]  }
0x137: {  	v3 =	vld [tilespmem:s16+$0x10500]  }
0x138: {  	v4 =	vld [tilespmem:s16+$0x10480]  }
0x139: {  	v7 =	vld [tilespmem:s16+$0x400]  }
0x13a: {  	v5 =	vld [tilespmem:s16+$0x480]  }
0x13b: {  	v6 =	vld [tilespmem:s16+$0x10600]  }
0x13c: {  	v8 =	vld [tilespmem:s16+$0x600]  }
0x13d: {  	v9 =	vld [tilespmem:s16+$0x10400]  }
0x13e: {  	v11 =	vld [tilespmem:s22+$0x0]  }
0x13f: {  	s28 =	simm.s32 $0x0;
	s23 =	sor.u32 s22, s22;
	s26 =	simm.s32 $0x10;
	v10 =	vld [tilespmem:s16+$0x10580]  }
.LBB2_11:
0x140: {  	p1 =	sne.s32 s26, $0x3F0;
	v12 =	vld [tilespmem:s16+$0x500];
	s22 =	sadd.s32 $0x80, s22;
	s28 =	sadd.s32 $0x10, s28  }
0x141: {  	s9 =	smov.u32 s26;
	s6 =	sor.u32 s22, s26;
	v13 =	vld [tilespmem:s16+$0x10700];
	s26 =	sadd.s32 $0x10, s26  }
0x142: {  	v14 =	vld [tilespmem:s16+$0x10680]  }
0x143: {  	vm0 =	vlt.f32 v11, $0.0e+00;
	vm1 =	vgt.f32 v11, $0.0e+00  }
0x144: {  	vm0 =	vmor vm1, vm0  }
0x145: {  	v7 =	vsel vm0, v7, v9;
	v3 =	vsel vm0, v12, v3;
	v2 =	vsel vm0, v2, v10  }
0x146: {  	v4 =	vsel vm0, v5, v4;
	v5 =	vsel vm0, v8, v6;
	[tilespmem:s16+$0x10400] =	vst v7;
	v1 =	vsel vm0, v1, v13  }
0x147: {  	s9 =	sand.u32 $0x70, s9;
	s31 =	sand.u32 $0x1C00, s22;
	[tilespmem:s16+$0x10600] =	vst v5;
	v5 =	vsel vm0, v0, v14  }
0x148: {  	s9 =	sor.u32 s9, s31;
	[tilespmem:s16+$0x10700] =	vst v1;
	v9 =	vld [tilespmem:s16+$0x10780]  }
0x149: {  	v0 =	vld [tilespmem:s9+$0x680];
	[tilespmem:s16+$0x10680] =	vst v5  }
0x14a: {  	v1 =	vld [tilespmem:s9+$0x700];
	[tilespmem:s16+$0x10580] =	vst v2  }
0x14b: {  	s31 =	sor.u32 $0x380, s23;
	s23 =	smov.u32 s6;
	v2 =	vld [tilespmem:s9+$0x580];
	[tilespmem:s16+$0x10500] =	vst v3  }
0x14c: {  	v3 =	vld [tilespmem:s9+$0x10500];
	[tilespmem:s16+$0x10480] =	vst v4  }
0x14d: {  	v10 =	vld [tilespmem:s31+$0x400]  }
0x14e: {  	v4 =	vld [tilespmem:s9+$0x10480]  }
0x14f: {  	v7 =	vld [tilespmem:s9+$0x400]  }
0x150: {  	v5 =	vld [tilespmem:s9+$0x480]  }
.Ltmp4:
0x151: {  	v6 =	vld [tilespmem:s9+$0x10600];
	(pc) =	sbr.rel @p1 .LBB2_11-.Ltmp4, $4  }
0x152: {  	v8 =	vld [tilespmem:s9+$0x600];
	v10 =	vsel vm0, v10, v9  }
0x153: {  	v9 =	vld [tilespmem:s9+$0x10400];
	[tilespmem:s16+$0x10780] =	vst v10;
	s16 =	smov.u32 s9  }
0x154: {  	v11 =	vld [tilespmem:s28+$0x0]  }
0x155: {  	v10 =	vld [tilespmem:s16+$0x10580]  }
0x156: {  	_ =	sdelay $0x1  }
0x157: {  	v12 =	vld [tilespmem:s16+$0x10700]  }
0x158: {  	vm0 =	vlt.f32 v11, $0.0e+00;
	vm1 =	vgt.f32 v11, $0.0e+00  }
0x159: {  	vm0 =	vmor vm1, vm0  }
0x15a: {  	v11 =	vld [tilespmem:s16+$0x10680];
	v7 =	vsel vm0, v7, v9  }
0x15b: {  	v13 =	vld [tilespmem:s16+$0x500];
	v6 =	vsel vm0, v8, v6;
	[tilespmem:s16+$0x10400] =	vst v7  }
0x15c: {  	v1 =	vsel vm0, v1, v12;
	[tilespmem:s16+$0x10600] =	vst v6  }
0x15d: {  	v2 =	vsel vm0, v2, v10;
	[tilespmem:s16+$0x10700] =	vst v1  }
0x15e: {  	[tilespmem:s16+$0x10580] =	vst v2;
	v2 =	vsel vm0, v5, v4  }
0x15f: {  	[tilespmem:s16+$0x10480] =	vst v2;
	v0 =	vsel vm0, v0, v11  }
0x160: {  	[tilespmem:s16+$0x10680] =	vst v0;
	v0 =	vsel vm0, v13, v3  }
0x161: {  	s6 =	sor.u32 $0x380, s23;
	v1 =	vld [tilespmem:s16+$0x10780];
	[tilespmem:s16+$0x10500] =	vst v0  }
0x162: {  	v0 =	vld [tilespmem:s6+$0x400];
	_ =	sdelay $0x4  }
0x163: {  	v0 =	vsel vm0, v0, v1  }
0x164: {  	s14 =	sadd.s32 s3, s14;
	s9 =	simm.s32 $0x10400;
	[tilespmem:s16+$0x10780] =	vst v0  }
0x165: {  	[hbm4b:s14+s5] =	stream.linear.scatter [tilespmem:s9], [sflag:$0x11], $0x2000, $0x38;
	[tilespmem:$0x18400] =	vst v63  }
0x166: {  	s16 =	sor.u32 $0x7, s21;
	s9 =	simm.s32 @!p0 $0x14  }
0x167: {  	s6 =	sadd.s32 s11, s16;
	_ =	swait.ge @!p0 [sflag:s9], $0x2000  }
0x168: {  	s14 =	sshll.u32 s6, $0xA;
	[sflag:s9] =	ssyncset.done @!p0 $0x0  }
0x169: {  	s22 =	simm.s32 $0x0;
	s6 =	sadd.s32 s1, s14;
	[sflag:s9] =	ssyncadd.s32 @!p0 $0xFFFFE000  }
0x16a: {  	[tilespmem:s15], [sflag:$0x8] =	stream.linear.gather [hbm4b:s6+s22], $0x2000, $0x38;
	[tilespmem:$0x18400] =	vst v63  }
0x16b: {  	s26 =	simm.s32 $0x6400;
	s23 =	sadd.s32 s2, s14  }
0x16c: {  	[tilespmem:s26], [sflag:$0xC] =	stream.linear.gather [hbm4b:s23+s22], $0x2000, $0x38;
	[tilespmem:$0x18400] =	vst v63  }
0x16d: {  	_ =	swait.ge [sflag:s17], $0x2000  }
0x16e: {  	[sflag:s17] =	ssyncset.done $0x0  }
0x16f: {  	[sflag:s17] =	ssyncadd.s32 $0xFFFFE000  }
0x170: {  	_ =	swait.ge [sflag:s30], $0x2000  }
0x171: {  	s28 =	sand.u32 $0x70, s22;
	s31 =	sand.u32 $0x1C00, s22;
	[sflag:s30] =	ssyncset.done $0x0  }
0x172: {  	s16 =	sor.u32 s28, s31;
	[sflag:s30] =	ssyncadd.s32 $0xFFFFE000  }
0x173: {  	v1 =	vld [tilespmem:s16+$0x2480]  }
0x174: {  	v3 =	vld [tilespmem:s16+$0x12500]  }
0x175: {  	v5 =	vld [tilespmem:s16+$0x2500]  }
0x176: {  	v2 =	vld [tilespmem:s16+$0x12600]  }
0x177: {  	v0 =	vld [tilespmem:s16+$0x2400]  }
0x178: {  	v4 =	vld [tilespmem:s16+$0x12780]  }
0x179: {  	v10 =	vld [tilespmem:s16+$0x2580]  }
0x17a: {  	v6 =	vld [tilespmem:s16+$0x2780]  }
0x17b: {  	v8 =	vld [tilespmem:s16+$0x12480]  }
0x17c: {  	v11 =	vld [tilespmem:s22+$0x0]  }
0x17d: {  	v7 =	vld [tilespmem:s16+$0x12680]  }
0x17e: {  	v13 =	vld [tilespmem:s16+$0x12580]  }
0x17f: {  	v12 =	vld [tilespmem:s16+$0x2600]  }
0x180: {  	v9 =	vld [tilespmem:s16+$0x2700]  }
0x181: {  	s26 =	simm.s32 $0x10;
	s23 =	simm.s32 $0x10;
	s22 =	simm.s32 $0x80;
	vm0 =	vlt.f32 v11, $0.0e+00;
	vm1 =	vgt.f32 v11, $0.0e+00;
	v11 =	vld [tilespmem:s16+$0x2680]  }
.LBB2_13:
0x182: {  	s28 =	smov.u32 s26  }
0x183: {  	s6 =	sand.u32 $0x70, s26;
	s9 =	sand.u32 $0x1C00, s22;
	vm0 =	vmor vm1, vm0;
	v14 =	vld [tilespmem:s16+$0x12700];
	s28 =	sadd.s32 $0x10, s26  }
0x184: {  	p0 =	sne.s32 s26, $0x3F0;
	s6 =	sor.u32 s6, s9;
	v3 =	vsel vm0, v5, v3;
	v5 =	vsel vm0, v10, v13;
	v15 =	vld [tilespmem:s16+$0x12400]  }
0x185: {  	v10 =	vld [tilespmem:s6+$0x2480];
	[tilespmem:s16+$0x12500] =	vst v3  }
0x186: {  	v2 =	vsel vm0, v12, v2;
	v3 =	vld [tilespmem:s6+$0x12500];
	[tilespmem:s16+$0x12580] =	vst v5  }
0x187: {  	v5 =	vld [tilespmem:s6+$0x2500];
	[tilespmem:s16+$0x12600] =	vst v2  }
0x188: {  	v8 =	vsel vm0, v1, v8;
	v4 =	vsel vm0, v6, v4;
	v2 =	vld [tilespmem:s6+$0x12600]  }
0x189: {  	v7 =	vsel vm0, v11, v7;
	v6 =	vsel vm0, v9, v14;
	v12 =	vsel vm0, v0, v15;
	v0 =	vld [tilespmem:s6+$0x2400];
	[tilespmem:s16+$0x12780] =	vst v4  }
0x18a: {  	v4 =	vld [tilespmem:s6+$0x12780];
	[tilespmem:s16+$0x12480] =	vst v8;
	v1 =	vmov v10  }
0x18b: {  	v10 =	vld [tilespmem:s6+$0x2580];
	[tilespmem:s16+$0x12700] =	vst v6  }
0x18c: {  	v6 =	vld [tilespmem:s6+$0x2780];
	[tilespmem:s16+$0x12680] =	vst v7  }
0x18d: {  	v8 =	vld [tilespmem:s6+$0x12480];
	[tilespmem:s16+$0x12400] =	vst v12;
	s16 =	smov.u32 s6  }
0x18e: {  	v11 =	vld [tilespmem:s23+$0x0]  }
.Ltmp5:
0x18f: {  	v7 =	vld [tilespmem:s16+$0x12680];
	(pc) =	sbr.rel @p0 .LBB2_13-.Ltmp5, $4  }
0x190: {  	v13 =	vld [tilespmem:s16+$0x12580]  }
0x191: {  	v12 =	vld [tilespmem:s16+$0x2600]  }
0x192: {  	v9 =	vld [tilespmem:s16+$0x2700]  }
0x193: {  	s22 =	sadd.s32 $0x80, s22;
	s26 =	smov.u32 s28;
	s23 =	sadd.s32 $0x10, s23;
	vm0 =	vlt.f32 v11, $0.0e+00;
	vm1 =	vgt.f32 v11, $0.0e+00;
	v11 =	vld [tilespmem:s16+$0x2680]  }
0x194: {  	vm0 =	vmor vm1, vm0  }
0x195: {  	v3 =	vsel vm0, v5, v3  }
0x196: {  	v14 =	vld [tilespmem:s16+$0x12700];
	v5 =	vsel vm0, v10, v13;
	[tilespmem:s16+$0x12500] =	vst v3  }
0x197: {  	v15 =	vld [tilespmem:s16+$0x12400];
	v1 =	vsel vm0, v1, v8;
	[tilespmem:s16+$0x12580] =	vst v5  }
0x198: {  	v2 =	vsel vm0, v12, v2;
	[tilespmem:s16+$0x12480] =	vst v1  }
0x199: {  	[tilespmem:s16+$0x12600] =	vst v2;
	v2 =	vsel vm0, v6, v4  }
0x19a: {  	[tilespmem:s16+$0x12780] =	vst v2;
	v1 =	vsel vm0, v11, v7  }
0x19b: {  	v2 =	vsel vm0, v9, v14;
	[tilespmem:s16+$0x12680] =	vst v1  }
0x19c: {  	v0 =	vsel vm0, v0, v15;
	[tilespmem:s16+$0x12700] =	vst v2  }
0x19d: {  	s6 =	sadd.s32 s3, s12;
	s9 =	simm.s32 $0x12400;
	p0 =	seq.s32 s20, $0x7;
	[tilespmem:s16+$0x12400] =	vst v0  }
0x19e: {  	[hbm4b:s6+s5] =	stream.linear.scatter [tilespmem:s9], [sflag:$0x12], $0x2000, $0x38;
	[tilespmem:$0x18400] =	vst v63  }
0x19f: {  	s6 =	simm.s32 @!p0 $0xD  }
0x1a0: {  	_ =	swait.ge @!p0 [sflag:s6], $0x2000  }
0x1a1: {  	s9 =	rddreg [dreg:$0xb]  }
0x1a2: {  	s9 =	sadd.s32 @!p0 s21, s9  }
0x1a3: {  	[sflag:s6] =	ssyncset.done @!p0 $0x0;
	s9 =	sshll.u32 @!p0 s9, $0xA  }
0x1a4: {  	[sflag:s6] =	ssyncadd.s32 @!p0 $0xFFFFE000;
	s6 =	sand.u32 @!p0 $0x1FFFE000, s9  }
0x1a5: {  	s12 =	simm.s32 @!p0 $0x0;
	s16 =	simm.s32 @!p0 $0x8400;
	s9 =	sadd.s32 @!p0 s1, s6  }
0x1a6: {  	[tilespmem:s16], [sflag:$0x1] =	stream.linear.gather @!p0 [hbm4b:s9+s12], $0x2000, $0x38;
	[tilespmem:$0x18400] =	vst v63  }
0x1a7: {  	s6 =	sadd.s32 @!p0 s2, s6;
	s9 =	simm.s32 @!p0 $0x400  }
0x1a8: {  	[tilespmem:s9], [sflag:$0x9] =	stream.linear.gather @!p0 [hbm4b:s6+s12], $0x2000, $0x38;
	[tilespmem:$0x18400] =	vst v63  }
0x1a9: {  	_ =	swait.ge [sflag:s18], $0x2000  }
0x1aa: {  	[sflag:s18] =	ssyncset.done $0x0  }
0x1ab: {  	[sflag:s18] =	ssyncadd.s32 $0xFFFFE000  }
0x1ac: {  	s26 =	simm.s32 $0x0;
	_ =	swait.ge [sflag:s4], $0x2000  }
0x1ad: {  	s28 =	sand.u32 $0x70, s26;
	s31 =	sand.u32 $0x1C00, s26;
	[sflag:s4] =	ssyncset.done $0x0  }
0x1ae: {  	s12 =	sor.u32 s28, s31;
	[sflag:s4] =	ssyncadd.s32 $0xFFFFE000  }
0x1af: {  	v1 =	vld [tilespmem:s12+$0x4480]  }
0x1b0: {  	v3 =	vld [tilespmem:s12+$0x14500]  }
0x1b1: {  	v5 =	vld [tilespmem:s12+$0x4500]  }
0x1b2: {  	v2 =	vld [tilespmem:s12+$0x14600]  }
0x1b3: {  	v0 =	vld [tilespmem:s12+$0x4400]  }
0x1b4: {  	v4 =	vld [tilespmem:s12+$0x14780]  }
0x1b5: {  	v10 =	vld [tilespmem:s12+$0x4580]  }
0x1b6: {  	v6 =	vld [tilespmem:s12+$0x4780]  }
0x1b7: {  	v8 =	vld [tilespmem:s12+$0x14480]  }
0x1b8: {  	v11 =	vld [tilespmem:s26+$0x0]  }
0x1b9: {  	v7 =	vld [tilespmem:s12+$0x14680]  }
0x1ba: {  	v13 =	vld [tilespmem:s12+$0x14580]  }
0x1bb: {  	v12 =	vld [tilespmem:s12+$0x4600]  }
0x1bc: {  	v9 =	vld [tilespmem:s12+$0x4700]  }
0x1bd: {  	s23 =	simm.s32 $0x10;
	s22 =	simm.s32 $0x10;
	s16 =	simm.s32 $0x80;
	vm0 =	vlt.f32 v11, $0.0e+00;
	vm1 =	vgt.f32 v11, $0.0e+00;
	v11 =	vld [tilespmem:s12+$0x4680]  }
.LBB2_15:
0x1be: {  	s26 =	smov.u32 s23  }
0x1bf: {  	s6 =	sand.u32 $0x70, s23;
	s9 =	sand.u32 $0x1C00, s16;
	vm0 =	vmor vm1, vm0;
	v14 =	vld [tilespmem:s12+$0x14700];
	s26 =	sadd.s32 $0x10, s23  }
0x1c0: {  	p1 =	sne.s32 s23, $0x3F0;
	s6 =	sor.u32 s6, s9;
	v3 =	vsel vm0, v5, v3;
	v5 =	vsel vm0, v10, v13;
	v15 =	vld [tilespmem:s12+$0x14400]  }
0x1c1: {  	v10 =	vld [tilespmem:s6+$0x4480];
	[tilespmem:s12+$0x14500] =	vst v3  }
0x1c2: {  	v2 =	vsel vm0, v12, v2;
	v3 =	vld [tilespmem:s6+$0x14500];
	[tilespmem:s12+$0x14580] =	vst v5  }
0x1c3: {  	v5 =	vld [tilespmem:s6+$0x4500];
	[tilespmem:s12+$0x14600] =	vst v2  }
0x1c4: {  	v8 =	vsel vm0, v1, v8;
	v4 =	vsel vm0, v6, v4;
	v2 =	vld [tilespmem:s6+$0x14600]  }
0x1c5: {  	v7 =	vsel vm0, v11, v7;
	v6 =	vsel vm0, v9, v14;
	v12 =	vsel vm0, v0, v15;
	v0 =	vld [tilespmem:s6+$0x4400];
	[tilespmem:s12+$0x14780] =	vst v4  }
0x1c6: {  	v4 =	vld [tilespmem:s6+$0x14780];
	[tilespmem:s12+$0x14480] =	vst v8;
	v1 =	vmov v10  }
0x1c7: {  	v10 =	vld [tilespmem:s6+$0x4580];
	[tilespmem:s12+$0x14700] =	vst v6  }
0x1c8: {  	v6 =	vld [tilespmem:s6+$0x4780];
	[tilespmem:s12+$0x14680] =	vst v7  }
0x1c9: {  	v8 =	vld [tilespmem:s6+$0x14480];
	[tilespmem:s12+$0x14400] =	vst v12;
	s12 =	smov.u32 s6  }
0x1ca: {  	v11 =	vld [tilespmem:s22+$0x0]  }
.Ltmp6:
0x1cb: {  	v7 =	vld [tilespmem:s12+$0x14680];
	(pc) =	sbr.rel @p1 .LBB2_15-.Ltmp6, $4  }
0x1cc: {  	v13 =	vld [tilespmem:s12+$0x14580]  }
0x1cd: {  	v12 =	vld [tilespmem:s12+$0x4600]  }
0x1ce: {  	v9 =	vld [tilespmem:s12+$0x4700]  }
0x1cf: {  	s16 =	sadd.s32 $0x80, s16;
	s23 =	smov.u32 s26;
	s22 =	sadd.s32 $0x10, s22;
	vm0 =	vlt.f32 v11, $0.0e+00;
	vm1 =	vgt.f32 v11, $0.0e+00;
	v11 =	vld [tilespmem:s12+$0x4680]  }
0x1d0: {  	vm0 =	vmor vm1, vm0  }
0x1d1: {  	v3 =	vsel vm0, v5, v3  }
0x1d2: {  	v14 =	vld [tilespmem:s12+$0x14700];
	v5 =	vsel vm0, v10, v13;
	[tilespmem:s12+$0x14500] =	vst v3  }
0x1d3: {  	v15 =	vld [tilespmem:s12+$0x14400];
	v1 =	vsel vm0, v1, v8;
	[tilespmem:s12+$0x14580] =	vst v5  }
0x1d4: {  	v2 =	vsel vm0, v12, v2;
	[tilespmem:s12+$0x14480] =	vst v1  }
0x1d5: {  	[tilespmem:s12+$0x14600] =	vst v2;
	v2 =	vsel vm0, v6, v4  }
0x1d6: {  	[tilespmem:s12+$0x14780] =	vst v2;
	v1 =	vsel vm0, v11, v7  }
0x1d7: {  	v2 =	vsel vm0, v9, v14;
	[tilespmem:s12+$0x14680] =	vst v1  }
0x1d8: {  	v0 =	vsel vm0, v0, v15;
	[tilespmem:s12+$0x14700] =	vst v2  }
0x1d9: {  	s6 =	sadd.s32 s3, s13;
	s9 =	simm.s32 $0x14400;
	[tilespmem:s12+$0x14400] =	vst v0  }
0x1da: {  	[hbm4b:s6+s5] =	stream.linear.scatter [tilespmem:s9], [sflag:$0x13], $0x2000, $0x38;
	[tilespmem:$0x18400] =	vst v63  }
0x1db: {  	s6 =	simm.s32 @!p0 $0xE  }
0x1dc: {  	_ =	swait.ge @!p0 [sflag:s6], $0x2000  }
0x1dd: {  	s9 =	rddreg [dreg:$0xc]  }
0x1de: {  	[sflag:s6] =	ssyncset.done @!p0 $0x0;
	s9 =	sadd.s32 @!p0 s21, s9  }
0x1df: {  	[sflag:s6] =	ssyncadd.s32 @!p0 $0xFFFFE000;
	s6 =	sshll.u32 @!p0 s9, $0xA  }
0x1e0: {  	s13 =	simm.s32 @!p0 $0xA400;
	s12 =	simm.s32 @!p0 $0x0;
	s9 =	sadd.s32 @!p0 s1, s6  }
0x1e1: {  	[tilespmem:s13], [sflag:$0x2] =	stream.linear.gather @!p0 [hbm4b:s9+s12], $0x2000, $0x38;
	[tilespmem:$0x18400] =	vst v63  }
0x1e2: {  	s6 =	sadd.s32 @!p0 s2, s6;
	s9 =	simm.s32 @!p0 $0x2400  }
0x1e3: {  	[tilespmem:s9], [sflag:$0xA] =	stream.linear.gather @!p0 [hbm4b:s6+s12], $0x2000, $0x38;
	[tilespmem:$0x18400] =	vst v63  }
0x1e4: {  	_ =	swait.ge [sflag:s19], $0x2000  }
0x1e5: {  	[sflag:s19] =	ssyncset.done $0x0  }
0x1e6: {  	[sflag:s19] =	ssyncadd.s32 $0xFFFFE000  }
0x1e7: {  	s26 =	simm.s32 $0x0;
	_ =	swait.ge [sflag:s8], $0x2000  }
0x1e8: {  	s28 =	sand.u32 $0x70, s26;
	s31 =	sand.u32 $0x1C00, s26;
	[sflag:s8] =	ssyncset.done $0x0  }
0x1e9: {  	s12 =	sor.u32 s28, s31;
	[sflag:s8] =	ssyncadd.s32 $0xFFFFE000  }
0x1ea: {  	v1 =	vld [tilespmem:s12+$0x6480]  }
0x1eb: {  	v3 =	vld [tilespmem:s12+$0x16500]  }
0x1ec: {  	v5 =	vld [tilespmem:s12+$0x6500]  }
0x1ed: {  	v2 =	vld [tilespmem:s12+$0x16600]  }
0x1ee: {  	v0 =	vld [tilespmem:s12+$0x6400]  }
0x1ef: {  	v4 =	vld [tilespmem:s12+$0x16780]  }
0x1f0: {  	v10 =	vld [tilespmem:s12+$0x6580]  }
0x1f1: {  	v6 =	vld [tilespmem:s12+$0x6780]  }
0x1f2: {  	v8 =	vld [tilespmem:s12+$0x16480]  }
0x1f3: {  	v11 =	vld [tilespmem:s26+$0x0]  }
0x1f4: {  	v7 =	vld [tilespmem:s12+$0x16680]  }
0x1f5: {  	v13 =	vld [tilespmem:s12+$0x16580]  }
0x1f6: {  	v12 =	vld [tilespmem:s12+$0x6600]  }
0x1f7: {  	v9 =	vld [tilespmem:s12+$0x6700]  }
0x1f8: {  	s16 =	simm.s32 $0x10;
	s21 =	simm.s32 $0x10;
	s13 =	simm.s32 $0x80;
	vm0 =	vlt.f32 v11, $0.0e+00;
	vm1 =	vgt.f32 v11, $0.0e+00;
	v11 =	vld [tilespmem:s12+$0x6680]  }
.LBB2_17:
0x1f9: {  	s22 =	smov.u32 s21  }
0x1fa: {  	s6 =	sand.u32 $0x70, s21;
	s9 =	sand.u32 $0x1C00, s13;
	vm0 =	vmor vm1, vm0;
	v14 =	vld [tilespmem:s12+$0x16700];
	s22 =	sadd.s32 $0x10, s21  }
0x1fb: {  	p0 =	sne.s32 s21, $0x3F0;
	s6 =	sor.u32 s6, s9;
	v3 =	vsel vm0, v5, v3;
	v5 =	vsel vm0, v10, v13;
	v15 =	vld [tilespmem:s12+$0x16400]  }
0x1fc: {  	v10 =	vld [tilespmem:s6+$0x6480];
	[tilespmem:s12+$0x16500] =	vst v3  }
0x1fd: {  	v2 =	vsel vm0, v12, v2;
	v3 =	vld [tilespmem:s6+$0x16500];
	[tilespmem:s12+$0x16580] =	vst v5  }
0x1fe: {  	v5 =	vld [tilespmem:s6+$0x6500];
	[tilespmem:s12+$0x16600] =	vst v2  }
0x1ff: {  	v8 =	vsel vm0, v1, v8;
	v4 =	vsel vm0, v6, v4;
	v2 =	vld [tilespmem:s6+$0x16600]  }
0x200: {  	v7 =	vsel vm0, v11, v7;
	v6 =	vsel vm0, v9, v14;
	v12 =	vsel vm0, v0, v15;
	v0 =	vld [tilespmem:s6+$0x6400];
	[tilespmem:s12+$0x16780] =	vst v4  }
0x201: {  	v4 =	vld [tilespmem:s6+$0x16780];
	[tilespmem:s12+$0x16480] =	vst v8;
	v1 =	vmov v10  }
0x202: {  	v10 =	vld [tilespmem:s6+$0x6580];
	[tilespmem:s12+$0x16700] =	vst v6  }
0x203: {  	v6 =	vld [tilespmem:s6+$0x6780];
	[tilespmem:s12+$0x16680] =	vst v7  }
0x204: {  	v8 =	vld [tilespmem:s6+$0x16480];
	[tilespmem:s12+$0x16400] =	vst v12;
	s12 =	smov.u32 s6  }
0x205: {  	v11 =	vld [tilespmem:s16+$0x0]  }
.Ltmp7:
0x206: {  	v7 =	vld [tilespmem:s12+$0x16680];
	(pc) =	sbr.rel @p0 .LBB2_17-.Ltmp7, $4  }
0x207: {  	v13 =	vld [tilespmem:s12+$0x16580]  }
0x208: {  	v12 =	vld [tilespmem:s12+$0x6600]  }
0x209: {  	v9 =	vld [tilespmem:s12+$0x6700]  }
0x20a: {  	s13 =	sadd.s32 $0x80, s13;
	s21 =	smov.u32 s22;
	s16 =	sadd.s32 $0x10, s16;
	vm0 =	vlt.f32 v11, $0.0e+00;
	vm1 =	vgt.f32 v11, $0.0e+00;
	v11 =	vld [tilespmem:s12+$0x6680]  }
0x20b: {  	vm0 =	vmor vm1, vm0  }
0x20c: {  	v3 =	vsel vm0, v5, v3  }
0x20d: {  	v14 =	vld [tilespmem:s12+$0x16700];
	v60 =	vsel vm0, v10, v13;
	[tilespmem:s12+$0x16500] =	vst v3  }
0x20e: {  	v15 =	vld [tilespmem:s12+$0x16400];
	v61 =	vsel vm0, v6, v4;
	[tilespmem:s12+$0x16580] =	vst v60  }
0x20f: {  	s20 =	sadd.s32 $0x1, s20;
	v1 =	vsel vm0, v1, v8;
	[tilespmem:s12+$0x16780] =	vst v61  }
0x210: {  	p0 =	sne.s32 s20, $0x8;
	v2 =	vsel vm0, v12, v2;
	[tilespmem:s12+$0x16480] =	vst v1  }
.Ltmp8:
0x211: {  	[tilespmem:s12+$0x16600] =	vst v2;
	v63 =	vsel vm0, v11, v7;
	(pc) =	sbr.rel @p0 .LBB2_2-.Ltmp8, $4  }
0x212: {  	v62 =	vsel vm0, v9, v14;
	[tilespmem:s12+$0x16680] =	vst v63  }
0x213: {  	v0 =	vsel vm0, v0, v15;
	[tilespmem:s12+$0x16700] =	vst v62  }
0x214: {  	s6 =	sadd.s32 s3, s14;
	[tilespmem:s12+$0x16400] =	vst v0  }
0x215: {  	[hbm4b:s6+s5] =	stream.linear.scatter [tilespmem:s15], [sflag:$0x14], $0x2000, $0x38;
	[tilespmem:$0x18400] =	vst v63  }
0x216: {  	s6 =	simm.s32 $0xD  }
0x217: {  	_ =	swait.ge [sflag:s6], $0x2000  }
0x218: {  	[sflag:s6] =	ssyncset.done $0x0  }
0x219: {  	s20 =	simm.s32 $0xE;
	[sflag:s6] =	ssyncadd.s32 $0xFFFFE000  }
0x21a: {  	_ =	swait.ge [sflag:s20], $0x2000  }
0x21b: {  	[sflag:s20] =	ssyncset.done $0x0  }
0x21c: {  	s21 =	simm.s32 $0xF;
	[sflag:s20] =	ssyncadd.s32 $0xFFFFE000  }
0x21d: {  	_ =	swait.ge [sflag:s21], $0x2000  }
0x21e: {  	[sflag:s21] =	ssyncset.done $0x0  }
0x21f: {  	s22 =	simm.s32 $0x10;
	[sflag:s21] =	ssyncadd.s32 $0xFFFFE000  }
0x220: {  	_ =	swait.ge [sflag:s22], $0x2000  }
0x221: {  	[sflag:s22] =	ssyncset.done $0x0  }
0x222: {  	s23 =	simm.s32 $0x11;
	[sflag:s22] =	ssyncadd.s32 $0xFFFFE000  }
0x223: {  	_ =	swait.ge [sflag:s23], $0x2000  }
0x224: {  	[sflag:s23] =	ssyncset.done $0x0  }
0x225: {  	s26 =	simm.s32 $0x12;
	[sflag:s23] =	ssyncadd.s32 $0xFFFFE000  }
0x226: {  	_ =	swait.ge [sflag:s26], $0x2000  }
0x227: {  	[sflag:s26] =	ssyncset.done $0x0  }
0x228: {  	s28 =	simm.s32 $0x13;
	[sflag:s26] =	ssyncadd.s32 $0xFFFFE000  }
0x229: {  	_ =	swait.ge [sflag:s28], $0x2000  }
0x22a: {  	[sflag:s28] =	ssyncset.done $0x0  }
0x22b: {  	s9 =	simm.s32 $0x14;
	[sflag:s28] =	ssyncadd.s32 $0xFFFFE000  }
0x22c: {  	_ =	swait.ge [sflag:s9], $0x2000  }
0x22d: {  	s12 =	rddreg [dreg:$0xf]  }
0x22e: {  	s31 =	rddreg [dreg:$0xd];
	s12 =	sadd.s32 $0x1, s12  }
0x22f: {  	p0 =	sne.s32 s12, s31  }
.Ltmp9:
0x230: {  	_ = 	snop;
	(pc) =	sbr.rel @p0 .LBB2_1-.Ltmp9, $3  }
0x231: {  	_ =	sdelay $0x1  }
0x232: {  	[sflag:s9] =	ssyncset.done $0x0  }
0x233: {  	[sflag:s9] =	ssyncadd.s32 $0xFFFFE000  }
0x234: {  	_ =	sfence.sel $0x180000  }
0x235: {  	[bflag:$0x0] =	sbarrier.arrive $0xFFFF  }
0x236: {  	_ =	strace $0x90000047  }
0x237: {  	s0 =	stileid.u32;
	[bflag:$0x2] =	sbarrier.arrive $0xFFFF  }
0x238: {  	p0 =	sne.s32 s0, $0x0;
	s0 =	rddreg [dreg:$0x4]  }
0x239: {  	s0 =	sadd.s32 @!p0 $0x100000, s0  }
0x23a: {  	[sflag:s0] =	ssyncadd.tile.s32 @!p0 $0x1;
	_ =	shalt  }
.Lfunc_end2:
_tile_overlayer_lowered:
.L_overlay_start_2:
0x23b: {  	(tag) =	ssettag $0x2  }
0x23c: {  	s0 =	rddreg [dreg:$0x0];
	s2 =	stileid.u32  }
0x23d: {  	s1 =	rddreg [dreg:$0x1];
	p0 =	sne.s32 s2, $0x0  }
0x23e: {  	s3 =	rddreg [dreg:$0x2];
	[bflag:$0x3] =	sbarrier.arrive $0xFFFF;
	s2 =	simm.s32 @!p0 $0x1C15  }
0x23f: {  	[timem:s3], [sflag:s2] =	dma.local @!p0 [hbm:s0], s1  }
0x240: {  	s0 =	simm.s32 @!p0 $0x15  }
0x241: {  	_ =	swait.ge @!p0 [sflag:s0], s1  }
0x242: {  	s1 =	ssub.s32 @!p0 $0x0, s1;
	[sflag:s0] =	ssyncset.done @!p0 $0x0  }
0x243: {  	[sflag:s0] =	ssyncadd.s32 @!p0 s1  }
0x244: {  	[bflag:$0x3] =	sbarrier.arrive $0xFFFF  }
0x245: {  	_ =	shalt  }

</sc_bundles>
